<compile_context>
chip_gen: v7x
topology: tpu7x:2x2x1
jax: 0.10.2.dev20260603
libtpu: 0.0.44.dev20260713+nightly
codegen_flags: <defaults>
</compile_context>

<pallas_src>
import functools

import jax
import jax.numpy as jnp
from jax import lax
from jax.experimental import pallas as pl
from jax.experimental.pallas import tpu as pltpu
from jax.experimental.pallas import tpu_sc as plsc

B, H, W = 128, 512, 512
OUT_H, OUT_W = 480, 480
NC, NS = 2, 16
NW = NC * NS
IMGS_PER_W = B // NW
CHUNKS = 10
CHUNK_ROWS = OUT_H // CHUNKS
L = 16
ROW_UNROLL = 4


def kernel(x):
    mesh = plsc.VectorSubcoreMesh(core_axis_name="c", subcore_axis_name="s")

    @functools.partial(
        pl.kernel,
        mesh=mesh,
        out_type=jax.ShapeDtypeStruct((B, OUT_H, OUT_W), jnp.float32),
        scratch_types=[
            pltpu.VMEM((CHUNK_ROWS, W), jnp.float32),
            pltpu.VMEM((CHUNK_ROWS, W), jnp.float32),
            pltpu.VMEM((CHUNK_ROWS, OUT_W), jnp.float32),
            pltpu.VMEM((CHUNK_ROWS, OUT_W), jnp.float32),
            pltpu.VMEM((CHUNK_ROWS,), jnp.int32),
            pltpu.VMEM((CHUNK_ROWS,), jnp.int32),
            pltpu.SemaphoreType.DMA,
            pltpu.SemaphoreType.DMA,
            pltpu.SemaphoreType.DMA,
            pltpu.SemaphoreType.DMA,
        ],
        compiler_params=pltpu.CompilerParams(needs_layout_passes=False),
    )
    def body(x_hbm, out_hbm, buf0, buf1, obuf0, obuf1, idx0, idx1,
             isem0, isem1, osem0, osem1):
        wid = lax.axis_index("s") * NC + lax.axis_index("c")
        base = wid * IMGS_PER_W
        bufs = (buf0, buf1)
        obufs = (obuf0, obuf1)
        idxs = (idx0, idx1)
        isems = (isem0, isem1)
        osems = (osem0, osem1)
        lane = lax.iota(jnp.int32, L)
        n_items = IMGS_PER_W * CHUNKS

        def item(t):
            img = base + (t // CHUNKS)
            off = 2 - lax.rem(img, 3)
            row0 = (t % CHUNKS) * CHUNK_ROWS
            return img, off, row0

        def start_in(t, b):
            img, off, row0 = item(t)
            r0 = img * H + off + row0
            for v in range(CHUNK_ROWS // L):
                idxs[b][pl.ds(v * L, L)] = lane + (r0 + v * L)
            pltpu.async_copy(x_hbm.at[idxs[b]], bufs[b], isems[b])

        def wait_in(b):
            pltpu.make_async_copy(
                x_hbm.at[pl.ds(0, CHUNK_ROWS), :], bufs[b], isems[b]).wait()

        def start_out(t, b):
            img, off, row0 = item(t)
            pltpu.async_copy(obufs[b],
                             out_hbm.at[img, pl.ds(row0, CHUNK_ROWS), :],
                             osems[b])

        def wait_out(b):
            pltpu.make_async_copy(
                obufs[b], out_hbm.at[0, pl.ds(0, CHUNK_ROWS), :],
                osems[b]).wait()

        def shift(buf, obuf, off):
            @plsc.parallel_loop(0, CHUNK_ROWS, 1, unroll=ROW_UNROLL)
            def row_body(r):
                row_idx = jnp.full((L,), r, jnp.int32)
                for c in range(OUT_W // L):
                    col_idx = lane + (off + c * L)
                    v = plsc.load_gather(buf, [row_idx, col_idx])
                    obuf[r, pl.ds(c * L, L)] = v

        start_in(0, 0)
        start_in(1, 1)

        def outer_body(t2, _):
            for b in range(2):
                t = t2 * 2 + b
                wait_in(b)
                pl.when(t2 >= 1)(lambda: wait_out(b))
                img, off, row0 = item(t)
                shift(bufs[b], obufs[b], off)
                start_out(t, b)
                pl.when(t2 < n_items // 2 - 1)(lambda: start_in(t + 2, b))
            return 0

        lax.fori_loop(0, n_items // 2, outer_body, 0)
        wait_out(0)
        wait_out(1)

    return body(x.reshape(B * H, W))

# --- scband reference (transcript-rebuilt; emitter-appended) ---
"""Pipeline reference for scband-random-image-slice-layer-50070728737489 (READ-ONLY COPY).

The authoritative reference and input builder live on the scoring server;
editing this copy changes nothing except your own understanding.
"""

import jax, jax.numpy as jnp
import numpy as np

OUT_H, OUT_W = 480, 480

def _make_offsets(batch):
    # Original layer hard-codes a repeating offset pattern [[2,2],[1,1],[0,0]]
    base = np.array([[2, 2], [1, 1], [0, 0]], dtype=np.int32)
    reps = batch // 3 + 1
    return jnp.asarray(np.tile(base, (reps, 1))[:batch])

def setup_inputs(seed: int = 0) -> dict:
    key = jax.random.key(seed)
    x = jax.random.normal(key, (128, 512, 512), dtype=jnp.float32)
    return {"x": x}

def reference(x):
    # Faithful translation of the theano.scan over (x, sizes, offsets):
    # per-batch-element crop of a fixed output_img_size window at the given offset.
    batch = x.shape[0]
    offsets = _make_offsets(batch)

    def crop_img(img, loc):
        # img: [H, W]; loc: [2] int32; static crop size = output_img_size
        return jax.lax.dynamic_slice(img, (loc[0], loc[1]), (OUT_H, OUT_W))

    return jax.vmap(crop_img)(x, offsets)

if __name__ == "__main__":
    import jax
    _d = setup_inputs()
    print(jax.jit(kernel)(*tuple(_d.values())))

</pallas_src>

<mosaic_0001>
#map = affine_map<(d0, d1) -> (0, 0)>
#map1 = affine_map<(d0, d1) -> (0, 0, 0)>
module attributes {stable_mosaic.version = 14 : i64} {
  func.func @body(%arg0: i32, %arg1: i32, %arg2: memref<65536x512xf32, #tpu.memory_space<hbm>>, %arg3: memref<128x480x480xf32, #tpu.memory_space<hbm>>, %arg4: memref<48x512xf32, #tpu.memory_space<vmem>>, %arg5: memref<48x512xf32, #tpu.memory_space<vmem>>, %arg6: memref<48x480xf32, #tpu.memory_space<vmem>>, %arg7: memref<48x480xf32, #tpu.memory_space<vmem>>, %arg8: memref<48xi32, #tpu.memory_space<vmem>>, %arg9: memref<48xi32, #tpu.memory_space<vmem>>, %arg10: memref<!tpu.dma_semaphore, #tpu.memory_space<semaphore_mem>>, %arg11: memref<!tpu.dma_semaphore, #tpu.memory_space<semaphore_mem>>, %arg12: memref<!tpu.dma_semaphore, #tpu.memory_space<semaphore_mem>>, %arg13: memref<!tpu.dma_semaphore, #tpu.memory_space<semaphore_mem>>) attributes {dimension_semantics = [#tpu.dimension_semantics<core_parallel>, #tpu.dimension_semantics<subcore_parallel>], iteration_bounds = array<i64: 2, 16>, scalar_prefetch = 0 : i64, scratch_operands = 10 : i64, tpu.core_type = #tpu.core_type<sc_vector_subcore>, window_params = [{transform_indices = #map}, {transform_indices = #map1}]} {
    %mul3A = arith.constant 2 : i32
    %mul3A_0 = arith.muli %arg1, %mul3A : i32
    %add3A = arith.addi %mul3A_0, %arg0 : i32
    %mul3A_1 = arith.constant 4 : i32
    %mul3A_2 = arith.muli %add3A, %mul3A_1 : i32
    %iota3A = tpu.iota {dimensions = array<i32: 0>} : vector<16xi32>
    %add3A_3 = arith.constant 0 : i32
    %add3A_4 = arith.addi %mul3A_2, %add3A_3 : i32
    %rem3A = arith.constant 3 : i32
    %rem3A_5 = arith.remsi %add3A_4, %rem3A : i32
    %sub3A = arith.constant 2 : i32
    %sub3A_6 = arith.subi %sub3A, %rem3A_5 : i32
    %mul3A_7 = arith.constant 512 : i32
    %mul3A_8 = arith.muli %add3A_4, %mul3A_7 : i32
    %add3A_9 = arith.addi %mul3A_8, %sub3A_6 : i32
    %add3A_10 = arith.constant 0 : i32
    %add3A_11 = arith.addi %add3A_9, %add3A_10 : i32
    %add3A_12 = arith.constant 0 : i32
    %add3A_13 = arith.addi %add3A_11, %add3A_12 : i32
    %add3A_14 = vector.broadcast %add3A_13 : i32 to vector<16xi32>
    %add3A_15 = arith.addi %iota3A, %add3A_14 : vector<16xi32>
    %swap3A = arith.constant 0 : index
    %swap3A_16 = tpu.vector_load %arg8[%swap3A] {strides = array<i32>} : memref<48xi32, #tpu.memory_space<vmem>>, vector<16xi32>,
    tpu.vector_store %arg8[%swap3A], %add3A_15 {strides = array<i32>} : memref<48xi32, #tpu.memory_space<vmem>>, vector<16xi32>,
    %add3A_17 = arith.constant 16 : i32
    %add3A_18 = arith.addi %add3A_11, %add3A_17 : i32
    %add3A_19 = vector.broadcast %add3A_18 : i32 to vector<16xi32>
    %add3A_20 = arith.addi %iota3A, %add3A_19 : vector<16xi32>
    %swap3A_21 = arith.constant 16 : index
    %swap3A_22 = tpu.vector_load %arg8[%swap3A_21] {strides = array<i32>} : memref<48xi32, #tpu.memory_space<vmem>>, vector<16xi32>,
    tpu.vector_store %arg8[%swap3A_21], %add3A_20 {strides = array<i32>} : memref<48xi32, #tpu.memory_space<vmem>>, vector<16xi32>,
    %add3A_23 = arith.constant 32 : i32
    %add3A_24 = arith.addi %add3A_11, %add3A_23 : i32
    %add3A_25 = vector.broadcast %add3A_24 : i32 to vector<16xi32>
    %add3A_26 = arith.addi %iota3A, %add3A_25 : vector<16xi32>
    %swap3A_27 = arith.constant 32 : index
    %swap3A_28 = tpu.vector_load %arg8[%swap3A_27] {strides = array<i32>} : memref<48xi32, #tpu.memory_space<vmem>>, vector<16xi32>,
    tpu.vector_store %arg8[%swap3A_27], %add3A_26 {strides = array<i32>} : memref<48xi32, #tpu.memory_space<vmem>>, vector<16xi32>,
    %dma_start3A = arith.constant 0 : i32
    %dma_start3A_29 = arith.constant 0 : i32
    %dma_start3A_30 = tpu.memref_slice %arg2[%dma_start3A, %dma_start3A_29] : memref<65536x512xf32, #tpu.memory_space<hbm>> -> memref<65536x512xf32, #tpu.memory_space<hbm>>
    tpu.enqueue_indirect_dma source(%dma_start3A_30 : memref<65536x512xf32, #tpu.memory_space<hbm>>) target(%arg4 : memref<48x512xf32, #tpu.memory_space<vmem>>) offsets(%arg8 : memref<48xi32, #tpu.memory_space<vmem>>) semaphore(%arg10 : memref<!tpu.dma_semaphore, #tpu.memory_space<semaphore_mem>>)
    %add3A_31 = arith.constant 0 : i32
    %add3A_32 = arith.addi %mul3A_2, %add3A_31 : i32
    %rem3A_33 = arith.constant 3 : i32
    %rem3A_34 = arith.remsi %add3A_32, %rem3A_33 : i32
    %sub3A_35 = arith.constant 2 : i32
    %sub3A_36 = arith.subi %sub3A_35, %rem3A_34 : i32
    %mul3A_37 = arith.constant 512 : i32
    %mul3A_38 = arith.muli %add3A_32, %mul3A_37 : i32
    %add3A_39 = arith.addi %mul3A_38, %sub3A_36 : i32
    %add3A_40 = arith.constant 48 : i32
    %add3A_41 = arith.addi %add3A_39, %add3A_40 : i32
    %add3A_42 = arith.constant 0 : i32
    %add3A_43 = arith.addi %add3A_41, %add3A_42 : i32
    %add3A_44 = vector.broadcast %add3A_43 : i32 to vector<16xi32>
    %add3A_45 = arith.addi %iota3A, %add3A_44 : vector<16xi32>
    %swap3A_46 = arith.constant 0 : index
    %swap3A_47 = tpu.vector_load %arg9[%swap3A_46] {strides = array<i32>} : memref<48xi32, #tpu.memory_space<vmem>>, vector<16xi32>,
    tpu.vector_store %arg9[%swap3A_46], %add3A_45 {strides = array<i32>} : memref<48xi32, #tpu.memory_space<vmem>>, vector<16xi32>,
    %add3A_48 = arith.constant 16 : i32
    %add3A_49 = arith.addi %add3A_41, %add3A_48 : i32
    %add3A_50 = vector.broadcast %add3A_49 : i32 to vector<16xi32>
    %add3A_51 = arith.addi %iota3A, %add3A_50 : vector<16xi32>
    %swap3A_52 = arith.constant 16 : index
    %swap3A_53 = tpu.vector_load %arg9[%swap3A_52] {strides = array<i32>} : memref<48xi32, #tpu.memory_space<vmem>>, vector<16xi32>,
    tpu.vector_store %arg9[%swap3A_52], %add3A_51 {strides = array<i32>} : memref<48xi32, #tpu.memory_space<vmem>>, vector<16xi32>,
    %add3A_54 = arith.constant 32 : i32
    %add3A_55 = arith.addi %add3A_41, %add3A_54 : i32
    %add3A_56 = vector.broadcast %add3A_55 : i32 to vector<16xi32>
    %add3A_57 = arith.addi %iota3A, %add3A_56 : vector<16xi32>
    %swap3A_58 = arith.constant 32 : index
    %swap3A_59 = tpu.vector_load %arg9[%swap3A_58] {strides = array<i32>} : memref<48xi32, #tpu.memory_space<vmem>>, vector<16xi32>,
    tpu.vector_store %arg9[%swap3A_58], %add3A_57 {strides = array<i32>} : memref<48xi32, #tpu.memory_space<vmem>>, vector<16xi32>,
    %dma_start3A_60 = arith.constant 0 : i32
    %dma_start3A_61 = arith.constant 0 : i32
    %dma_start3A_62 = tpu.memref_slice %arg2[%dma_start3A_60, %dma_start3A_61] : memref<65536x512xf32, #tpu.memory_space<hbm>> -> memref<65536x512xf32, #tpu.memory_space<hbm>>
    tpu.enqueue_indirect_dma source(%dma_start3A_62 : memref<65536x512xf32, #tpu.memory_space<hbm>>) target(%arg5 : memref<48x512xf32, #tpu.memory_space<vmem>>) offsets(%arg9 : memref<48xi32, #tpu.memory_space<vmem>>) semaphore(%arg11 : memref<!tpu.dma_semaphore, #tpu.memory_space<semaphore_mem>>)
    %scan3A = arith.constant 0 : i32
    %scan3A_63 = arith.constant 0 : i32
    %scan3A_64 = arith.constant 20 : i32
    %scan3A_65 = arith.addi %scan3A_63, %scan3A_64 : i32
    %scan3A_66 = arith.constant 1 : i32
    %scan3A_67 = scf.for %scan3A_86 = %scan3A_63 to %scan3A_65 step %scan3A_66 iter_args(%scan3A_87 = %scan3A) -> (i32)  : i32 {
      %mul3A_88 = arith.constant 2 : i32
      %mul3A_89 = arith.muli %scan3A_86, %mul3A_88 : i32
      %add3A_90 = arith.constant 0 : i32
      %add3A_91 = arith.addi %mul3A_89, %add3A_90 : i32
      %dma_wait3A_92 = arith.constant 0 : i32
      %dma_wait3A_93 = arith.constant 0 : i32
      %dma_wait3A_94 = tpu.memref_slice %arg2[%dma_wait3A_92, %dma_wait3A_93] : memref<65536x512xf32, #tpu.memory_space<hbm>> -> memref<48x512xf32, #tpu.memory_space<hbm>>
      %dma_wait3A_95 = arith.constant 0 : i32
      %dma_wait3A_96 = arith.constant 0 : i32
      %dma_wait3A_97 = tpu.memref_slice %arg2[%dma_wait3A_95, %dma_wait3A_96] : memref<65536x512xf32, #tpu.memory_space<hbm>> -> memref<48x512xf32, #tpu.memory_space<hbm>>
      tpu.wait_dma2 semaphore(%arg10 : memref<!tpu.dma_semaphore, #tpu.memory_space<semaphore_mem>>) src(%dma_wait3A_97 : memref<48x512xf32, #tpu.memory_space<hbm>>) dst(%arg4 : memref<48x512xf32, #tpu.memory_space<vmem>>)
      %ge3A = arith.constant 1 : i32
      %ge3A_98 = arith.cmpi sge, %scan3A_86, %ge3A : i32
      %convert_element_type3A = arith.extui %ge3A_98 : i1 to i32
      %cond3A = arith.constant 0 : i32
      %cond3A_99 = arith.cmpi ne, %convert_element_type3A, %cond3A : i32
      scf.if %cond3A_99 {
        %dma_wait3A_323 = arith.constant 0 : i32
        %dma_wait3A_324 = arith.constant 0 : i32
        %dma_wait3A_325 = arith.constant 0 : i32
        %dma_wait3A_326 = tpu.memref_slice %arg3[%dma_wait3A_323, %dma_wait3A_324, %dma_wait3A_325] : memref<128x480x480xf32, #tpu.memory_space<hbm>> -> memref<1x48x480xf32, #tpu.memory_space<hbm>>
        %dma_wait3A_327 = tpu.memref_squeeze %dma_wait3A_326 : memref<1x48x480xf32, #tpu.memory_space<hbm>> -> memref<48x480xf32, #tpu.memory_space<hbm>>
        %dma_wait3A_328 = arith.constant 0 : i32
        %dma_wait3A_329 = arith.constant 0 : i32
        %dma_wait3A_330 = tpu.memref_slice %arg3[%dma_wait3A_323, %dma_wait3A_328, %dma_wait3A_329] : memref<128x480x480xf32, #tpu.memory_space<hbm>> -> memref<1x48x480xf32, #tpu.memory_space<hbm>>
        %dma_wait3A_331 = tpu.memref_squeeze %dma_wait3A_330 : memref<1x48x480xf32, #tpu.memory_space<hbm>> -> memref<48x480xf32, #tpu.memory_space<hbm>>
        tpu.wait_dma2 semaphore(%arg12 : memref<!tpu.dma_semaphore, #tpu.memory_space<semaphore_mem>>) src(%arg6 : memref<48x480xf32, #tpu.memory_space<vmem>>) dst(%dma_wait3A_331 : memref<48x480xf32, #tpu.memory_space<hbm>>)
      } else {
      }
      %jit3A = arith.constant 10 : i32
      %div3A = arith.divsi %add3A_91, %jit3A : i32
      %sign3A = arith.constant 0 : i32
      %sign3A_100 = arith.cmpi sgt, %add3A_91, %sign3A : i32
      %sign3A_101 = arith.extui %sign3A_100 : i1 to i32
      %sign3A_102 = arith.constant 0 : i32
      %sign3A_103 = arith.cmpi slt, %add3A_91, %sign3A_102 : i32
      %sign3A_104 = arith.extui %sign3A_103 : i1 to i32
      %sign3A_105 = arith.subi %sign3A_101, %sign3A_104 : i32
      %sign3A_106 = arith.constant 0 : i32
      %sign3A_107 = arith.cmpi sgt, %jit3A, %sign3A_106 : i32
      %sign3A_108 = arith.extui %sign3A_107 : i1 to i32
      %sign3A_109 = arith.constant 0 : i32
      %sign3A_110 = arith.cmpi slt, %jit3A, %sign3A_109 : i32
      %sign3A_111 = arith.extui %sign3A_110 : i1 to i32
      %sign3A_112 = arith.subi %sign3A_108, %sign3A_111 : i32
      %ne3A = arith.cmpi ne, %sign3A_105, %sign3A_112 : i32
      %rem3A_113 = arith.remsi %add3A_91, %jit3A : i32
      %ne3A_114 = arith.constant 0 : i32
      %ne3A_115 = arith.cmpi ne, %rem3A_113, %ne3A_114 : i32
      %and3A = arith.andi %ne3A, %ne3A_115 : i1
      %sub3A_116 = arith.constant 1 : i32
      %sub3A_117 = arith.subi %div3A, %sub3A_116 : i32
      %select_n3A = arith.select %and3A, %sub3A_117, %div3A : i32
      %add3A_118 = arith.addi %mul3A_2, %select_n3A : i32
      %rem3A_119 = arith.constant 3 : i32
      %rem3A_120 = arith.remsi %add3A_118, %rem3A_119 : i32
      %sub3A_121 = arith.constant 2 : i32
      %sub3A_122 = arith.subi %sub3A_121, %rem3A_120 : i32
      %jit3A_123 = arith.constant 10 : i32
      %eq3A = arith.constant 0 : i32
      %eq3A_124 = arith.cmpi eq, %jit3A_123, %eq3A : i32
      %jit3A_125 = arith.constant 1 : i32
      %select_n3A_126 = arith.select %eq3A_124, %jit3A_125, %jit3A_123 : i32
      %rem3A_127 = arith.remsi %add3A_91, %select_n3A_126 : i32
      %ne3A_128 = arith.constant 0 : i32
      %ne3A_129 = arith.cmpi ne, %rem3A_127, %ne3A_128 : i32
      %lt3A = arith.constant 0 : i32
      %lt3A_130 = arith.cmpi slt, %rem3A_127, %lt3A : i32
      %lt3A_131 = arith.constant 0 : i32
      %lt3A_132 = arith.cmpi slt, %select_n3A_126, %lt3A_131 : i32
      %ne3A_133 = arith.xori %lt3A_130, %lt3A_132 : i1
      %and3A_134 = arith.andi %ne3A_133, %ne3A_129 : i1
      %add3A_135 = arith.addi %rem3A_127, %select_n3A_126 : i32
      %select_n3A_136 = arith.select %and3A_134, %add3A_135, %rem3A_127 : i32
      %mul3A_137 = arith.constant 48 : i32
      %mul3A_138 = arith.muli %select_n3A_136, %mul3A_137 : i32
      %parallel_loop3A = arith.constant 0 : i32
      %parallel_loop3A_139 = arith.constant 48 : i32
      %parallel_loop3A_140 = arith.constant 1 : i32
      scf.for %parallel_loop3A_323 = %parallel_loop3A to %parallel_loop3A_139 step %parallel_loop3A_140  : i32 {
        %parallel_loop3A_324 = vector.broadcast %parallel_loop3A_323 : i32 to vector<16xi32>
        %parallel_loop3A_325 = arith.constant 0 : i32
        %parallel_loop3A_326 = arith.addi %sub3A_122, %parallel_loop3A_325 : i32
        %parallel_loop3A_327 = vector.broadcast %parallel_loop3A_326 : i32 to vector<16xi32>
        %parallel_loop3A_328 = arith.addi %iota3A, %parallel_loop3A_327 : vector<16xi32>
        %parallel_loop3A_329 = tpu.vector_load_idx %arg4[%parallel_loop3A_324, %parallel_loop3A_328] : memref<48x512xf32, #tpu.memory_space<vmem>>[vector<16xi32>, vector<16xi32>], vector<16xf32>,
        %parallel_loop3A_330 = arith.index_cast %parallel_loop3A_323 : i32 to index
        %parallel_loop3A_331 = arith.constant 0 : index
        %parallel_loop3A_332 = tpu.vector_load %arg6[%parallel_loop3A_330, %parallel_loop3A_331] {strides = array<i32>} : memref<48x480xf32, #tpu.memory_space<vmem>>, vector<16xf32>,
        tpu.vector_store %arg6[%parallel_loop3A_330, %parallel_loop3A_331], %parallel_loop3A_329 {strides = array<i32>} : memref<48x480xf32, #tpu.memory_space<vmem>>, vector<16xf32>,
        %parallel_loop3A_333 = arith.constant 16 : i32
        %parallel_loop3A_334 = arith.addi %sub3A_122, %parallel_loop3A_333 : i32
        %parallel_loop3A_335 = vector.broadcast %parallel_loop3A_334 : i32 to vector<16xi32>
        %parallel_loop3A_336 = arith.addi %iota3A, %parallel_loop3A_335 : vector<16xi32>
        %parallel_loop3A_337 = tpu.vector_load_idx %arg4[%parallel_loop3A_324, %parallel_loop3A_336] : memref<48x512xf32, #tpu.memory_space<vmem>>[vector<16xi32>, vector<16xi32>], vector<16xf32>,
        %parallel_loop3A_338 = arith.index_cast %parallel_loop3A_323 : i32 to index
        %parallel_loop3A_339 = arith.constant 16 : index
        %parallel_loop3A_340 = tpu.vector_load %arg6[%parallel_loop3A_338, %parallel_loop3A_339] {strides = array<i32>} : memref<48x480xf32, #tpu.memory_space<vmem>>, vector<16xf32>,
        tpu.vector_store %arg6[%parallel_loop3A_338, %parallel_loop3A_339], %parallel_loop3A_337 {strides = array<i32>} : memref<48x480xf32, #tpu.memory_space<vmem>>, vector<16xf32>,
        %parallel_loop3A_341 = arith.constant 32 : i32
        %parallel_loop3A_342 = arith.addi %sub3A_122, %parallel_loop3A_341 : i32
        %parallel_loop3A_343 = vector.broadcast %parallel_loop3A_342 : i32 to vector<16xi32>
        %parallel_loop3A_344 = arith.addi %iota3A, %parallel_loop3A_343 : vector<16xi32>
        %parallel_loop3A_345 = tpu.vector_load_idx %arg4[%parallel_loop3A_324, %parallel_loop3A_344] : memref<48x512xf32, #tpu.memory_space<vmem>>[vector<16xi32>, vector<16xi32>], vector<16xf32>,
        %parallel_loop3A_346 = arith.index_cast %parallel_loop3A_323 : i32 to index
        %parallel_loop3A_347 = arith.constant 32 : index
        %parallel_loop3A_348 = tpu.vector_load %arg6[%parallel_loop3A_346, %parallel_loop3A_347] {strides = array<i32>} : memref<48x480xf32, #tpu.memory_space<vmem>>, vector<16xf32>,
        tpu.vector_store %arg6[%parallel_loop3A_346, %parallel_loop3A_347], %parallel_loop3A_345 {strides = array<i32>} : memref<48x480xf32, #tpu.memory_space<vmem>>, vector<16xf32>,
        %parallel_loop3A_349 = arith.constant 48 : i32
        %parallel_loop3A_350 = arith.addi %sub3A_122, %parallel_loop3A_349 : i32
        %parallel_loop3A_351 = vector.broadcast %parallel_loop3A_350 : i32 to vector<16xi32>
        %parallel_loop3A_352 = arith.addi %iota3A, %parallel_loop3A_351 : vector<16xi32>
        %parallel_loop3A_353 = tpu.vector_load_idx %arg4[%parallel_loop3A_324, %parallel_loop3A_352] : memref<48x512xf32, #tpu.memory_space<vmem>>[vector<16xi32>, vector<16xi32>], vector<16xf32>,
        %parallel_loop3A_354 = arith.index_cast %parallel_loop3A_323 : i32 to index
        %parallel_loop3A_355 = arith.constant 48 : index
        %parallel_loop3A_356 = tpu.vector_load %arg6[%parallel_loop3A_354, %parallel_loop3A_355] {strides = array<i32>} : memref<48x480xf32, #tpu.memory_space<vmem>>, vector<16xf32>,
        tpu.vector_store %arg6[%parallel_loop3A_354, %parallel_loop3A_355], %parallel_loop3A_353 {strides = array<i32>} : memref<48x480xf32, #tpu.memory_space<vmem>>, vector<16xf32>,
        %parallel_loop3A_357 = arith.constant 64 : i32
        %parallel_loop3A_358 = arith.addi %sub3A_122, %parallel_loop3A_357 : i32
        %parallel_loop3A_359 = vector.broadcast %parallel_loop3A_358 : i32 to vector<16xi32>
        %parallel_loop3A_360 = arith.addi %iota3A, %parallel_loop3A_359 : vector<16xi32>
        %parallel_loop3A_361 = tpu.vector_load_idx %arg4[%parallel_loop3A_324, %parallel_loop3A_360] : memref<48x512xf32, #tpu.memory_space<vmem>>[vector<16xi32>, vector<16xi32>], vector<16xf32>,
        %parallel_loop3A_362 = arith.index_cast %parallel_loop3A_323 : i32 to index
        %parallel_loop3A_363 = arith.constant 64 : index
        %parallel_loop3A_364 = tpu.vector_load %arg6[%parallel_loop3A_362, %parallel_loop3A_363] {strides = array<i32>} : memref<48x480xf32, #tpu.memory_space<vmem>>, vector<16xf32>,
        tpu.vector_store %arg6[%parallel_loop3A_362, %parallel_loop3A_363], %parallel_loop3A_361 {strides = array<i32>} : memref<48x480xf32, #tpu.memory_space<vmem>>, vector<16xf32>,
        %parallel_loop3A_365 = arith.constant 80 : i32
        %parallel_loop3A_366 = arith.addi %sub3A_122, %parallel_loop3A_365 : i32
        %parallel_loop3A_367 = vector.broadcast %parallel_loop3A_366 : i32 to vector<16xi32>
        %parallel_loop3A_368 = arith.addi %iota3A, %parallel_loop3A_367 : vector<16xi32>
        %parallel_loop3A_369 = tpu.vector_load_idx %arg4[%parallel_loop3A_324, %parallel_loop3A_368] : memref<48x512xf32, #tpu.memory_space<vmem>>[vector<16xi32>, vector<16xi32>], vector<16xf32>,
        %parallel_loop3A_370 = arith.index_cast %parallel_loop3A_323 : i32 to index
        %parallel_loop3A_371 = arith.constant 80 : index
        %parallel_loop3A_372 = tpu.vector_load %arg6[%parallel_loop3A_370, %parallel_loop3A_371] {strides = array<i32>} : memref<48x480xf32, #tpu.memory_space<vmem>>, vector<16xf32>,
        tpu.vector_store %arg6[%parallel_loop3A_370, %parallel_loop3A_371], %parallel_loop3A_369 {strides = array<i32>} : memref<48x480xf32, #tpu.memory_space<vmem>>, vector<16xf32>,
        %parallel_loop3A_373 = arith.constant 96 : i32
        %parallel_loop3A_374 = arith.addi %sub3A_122, %parallel_loop3A_373 : i32
        %parallel_loop3A_375 = vector.broadcast %parallel_loop3A_374 : i32 to vector<16xi32>
        %parallel_loop3A_376 = arith.addi %iota3A, %parallel_loop3A_375 : vector<16xi32>
        %parallel_loop3A_377 = tpu.vector_load_idx %arg4[%parallel_loop3A_324, %parallel_loop3A_376] : memref<48x512xf32, #tpu.memory_space<vmem>>[vector<16xi32>, vector<16xi32>], vector<16xf32>,
        %parallel_loop3A_378 = arith.index_cast %parallel_loop3A_323 : i32 to index
        %parallel_loop3A_379 = arith.constant 96 : index
        %parallel_loop3A_380 = tpu.vector_load %arg6[%parallel_loop3A_378, %parallel_loop3A_379] {strides = array<i32>} : memref<48x480xf32, #tpu.memory_space<vmem>>, vector<16xf32>,
        tpu.vector_store %arg6[%parallel_loop3A_378, %parallel_loop3A_379], %parallel_loop3A_377 {strides = array<i32>} : memref<48x480xf32, #tpu.memory_space<vmem>>, vector<16xf32>,
        %parallel_loop3A_381 = arith.constant 112 : i32
        %parallel_loop3A_382 = arith.addi %sub3A_122, %parallel_loop3A_381 : i32
        %parallel_loop3A_383 = vector.broadcast %parallel_loop3A_382 : i32 to vector<16xi32>
        %parallel_loop3A_384 = arith.addi %iota3A, %parallel_loop3A_383 : vector<16xi32>
        %parallel_loop3A_385 = tpu.vector_load_idx %arg4[%parallel_loop3A_324, %parallel_loop3A_384] : memref<48x512xf32, #tpu.memory_space<vmem>>[vector<16xi32>, vector<16xi32>], vector<16xf32>,
        %parallel_loop3A_386 = arith.index_cast %parallel_loop3A_323 : i32 to index
        %parallel_loop3A_387 = arith.constant 112 : index
        %parallel_loop3A_388 = tpu.vector_load %arg6[%parallel_loop3A_386, %parallel_loop3A_387] {strides = array<i32>} : memref<48x480xf32, #tpu.memory_space<vmem>>, vector<16xf32>,
        tpu.vector_store %arg6[%parallel_loop3A_386, %parallel_loop3A_387], %parallel_loop3A_385 {strides = array<i32>} : memref<48x480xf32, #tpu.memory_space<vmem>>, vector<16xf32>,
        %parallel_loop3A_389 = arith.constant 128 : i32
        %parallel_loop3A_390 = arith.addi %sub3A_122, %parallel_loop3A_389 : i32
        %parallel_loop3A_391 = vector.broadcast %parallel_loop3A_390 : i32 to vector<16xi32>
        %parallel_loop3A_392 = arith.addi %iota3A, %parallel_loop3A_391 : vector<16xi32>
        %parallel_loop3A_393 = tpu.vector_load_idx %arg4[%parallel_loop3A_324, %parallel_loop3A_392] : memref<48x512xf32, #tpu.memory_space<vmem>>[vector<16xi32>, vector<16xi32>], vector<16xf32>,
        %parallel_loop3A_394 = arith.index_cast %parallel_loop3A_323 : i32 to index
        %parallel_loop3A_395 = arith.constant 128 : index
        %parallel_loop3A_396 = tpu.vector_load %arg6[%parallel_loop3A_394, %parallel_loop3A_395] {strides = array<i32>} : memref<48x480xf32, #tpu.memory_space<vmem>>, vector<16xf32>,
        tpu.vector_store %arg6[%parallel_loop3A_394, %parallel_loop3A_395], %parallel_loop3A_393 {strides = array<i32>} : memref<48x480xf32, #tpu.memory_space<vmem>>, vector<16xf32>,
        %parallel_loop3A_397 = arith.constant 144 : i32
        %parallel_loop3A_398 = arith.addi %sub3A_122, %parallel_loop3A_397 : i32
        %parallel_loop3A_399 = vector.broadcast %parallel_loop3A_398 : i32 to vector<16xi32>
        %parallel_loop3A_400 = arith.addi %iota3A, %parallel_loop3A_399 : vector<16xi32>
        %parallel_loop3A_401 = tpu.vector_load_idx %arg4[%parallel_loop3A_324, %parallel_loop3A_400] : memref<48x512xf32, #tpu.memory_space<vmem>>[vector<16xi32>, vector<16xi32>], vector<16xf32>,
        %parallel_loop3A_402 = arith.index_cast %parallel_loop3A_323 : i32 to index
        %parallel_loop3A_403 = arith.constant 144 : index
        %parallel_loop3A_404 = tpu.vector_load %arg6[%parallel_loop3A_402, %parallel_loop3A_403] {strides = array<i32>} : memref<48x480xf32, #tpu.memory_space<vmem>>, vector<16xf32>,
        tpu.vector_store %arg6[%parallel_loop3A_402, %parallel_loop3A_403], %parallel_loop3A_401 {strides = array<i32>} : memref<48x480xf32, #tpu.memory_space<vmem>>, vector<16xf32>,
        %parallel_loop3A_405 = arith.constant 160 : i32
        %parallel_loop3A_406 = arith.addi %sub3A_122, %parallel_loop3A_405 : i32
        %parallel_loop3A_407 = vector.broadcast %parallel_loop3A_406 : i32 to vector<16xi32>
        %parallel_loop3A_408 = arith.addi %iota3A, %parallel_loop3A_407 : vector<16xi32>
        %parallel_loop3A_409 = tpu.vector_load_idx %arg4[%parallel_loop3A_324, %parallel_loop3A_408] : memref<48x512xf32, #tpu.memory_space<vmem>>[vector<16xi32>, vector<16xi32>], vector<16xf32>,
        %parallel_loop3A_410 = arith.index_cast %parallel_loop3A_323 : i32 to index
        %parallel_loop3A_411 = arith.constant 160 : index
        %parallel_loop3A_412 = tpu.vector_load %arg6[%parallel_loop3A_410, %parallel_loop3A_411] {strides = array<i32>} : memref<48x480xf32, #tpu.memory_space<vmem>>, vector<16xf32>,
        tpu.vector_store %arg6[%parallel_loop3A_410, %parallel_loop3A_411], %parallel_loop3A_409 {strides = array<i32>} : memref<48x480xf32, #tpu.memory_space<vmem>>, vector<16xf32>,
        %parallel_loop3A_413 = arith.constant 176 : i32
        %parallel_loop3A_414 = arith.addi %sub3A_122, %parallel_loop3A_413 : i32
        %parallel_loop3A_415 = vector.broadcast %parallel_loop3A_414 : i32 to vector<16xi32>
        %parallel_loop3A_416 = arith.addi %iota3A, %parallel_loop3A_415 : vector<16xi32>
        %parallel_loop3A_417 = tpu.vector_load_idx %arg4[%parallel_loop3A_324, %parallel_loop3A_416] : memref<48x512xf32, #tpu.memory_space<vmem>>[vector<16xi32>, vector<16xi32>], vector<16xf32>,
        %parallel_loop3A_418 = arith.index_cast %parallel_loop3A_323 : i32 to index
        %parallel_loop3A_419 = arith.constant 176 : index
        %parallel_loop3A_420 = tpu.vector_load %arg6[%parallel_loop3A_418, %parallel_loop3A_419] {strides = array<i32>} : memref<48x480xf32, #tpu.memory_space<vmem>>, vector<16xf32>,
        tpu.vector_store %arg6[%parallel_loop3A_418, %parallel_loop3A_419], %parallel_loop3A_417 {strides = array<i32>} : memref<48x480xf32, #tpu.memory_space<vmem>>, vector<16xf32>,
        %parallel_loop3A_421 = arith.constant 192 : i32
        %parallel_loop3A_422 = arith.addi %sub3A_122, %parallel_loop3A_421 : i32
        %parallel_loop3A_423 = vector.broadcast %parallel_loop3A_422 : i32 to vector<16xi32>
        %parallel_loop3A_424 = arith.addi %iota3A, %parallel_loop3A_423 : vector<16xi32>
        %parallel_loop3A_425 = tpu.vector_load_idx %arg4[%parallel_loop3A_324, %parallel_loop3A_424] : memref<48x512xf32, #tpu.memory_space<vmem>>[vector<16xi32>, vector<16xi32>], vector<16xf32>,
        %parallel_loop3A_426 = arith.index_cast %parallel_loop3A_323 : i32 to index
        %parallel_loop3A_427 = arith.constant 192 : index
        %parallel_loop3A_428 = tpu.vector_load %arg6[%parallel_loop3A_426, %parallel_loop3A_427] {strides = array<i32>} : memref<48x480xf32, #tpu.memory_space<vmem>>, vector<16xf32>,
        tpu.vector_store %arg6[%parallel_loop3A_426, %parallel_loop3A_427], %parallel_loop3A_425 {strides = array<i32>} : memref<48x480xf32, #tpu.memory_space<vmem>>, vector<16xf32>,
        %parallel_loop3A_429 = arith.constant 208 : i32
        %parallel_loop3A_430 = arith.addi %sub3A_122, %parallel_loop3A_429 : i32
        %parallel_loop3A_431 = vector.broadcast %parallel_loop3A_430 : i32 to vector<16xi32>
        %parallel_loop3A_432 = arith.addi %iota3A, %parallel_loop3A_431 : vector<16xi32>
        %parallel_loop3A_433 = tpu.vector_load_idx %arg4[%parallel_loop3A_324, %parallel_loop3A_432] : memref<48x512xf32, #tpu.memory_space<vmem>>[vector<16xi32>, vector<16xi32>], vector<16xf32>,
        %parallel_loop3A_434 = arith.index_cast %parallel_loop3A_323 : i32 to index
        %parallel_loop3A_435 = arith.constant 208 : index
        %parallel_loop3A_436 = tpu.vector_load %arg6[%parallel_loop3A_434, %parallel_loop3A_435] {strides = array<i32>} : memref<48x480xf32, #tpu.memory_space<vmem>>, vector<16xf32>,
        tpu.vector_store %arg6[%parallel_loop3A_434, %parallel_loop3A_435], %parallel_loop3A_433 {strides = array<i32>} : memref<48x480xf32, #tpu.memory_space<vmem>>, vector<16xf32>,
        %parallel_loop3A_437 = arith.constant 224 : i32
        %parallel_loop3A_438 = arith.addi %sub3A_122, %parallel_loop3A_437 : i32
        %parallel_loop3A_439 = vector.broadcast %parallel_loop3A_438 : i32 to vector<16xi32>
        %parallel_loop3A_440 = arith.addi %iota3A, %parallel_loop3A_439 : vector<16xi32>
        %parallel_loop3A_441 = tpu.vector_load_idx %arg4[%parallel_loop3A_324, %parallel_loop3A_440] : memref<48x512xf32, #tpu.memory_space<vmem>>[vector<16xi32>, vector<16xi32>], vector<16xf32>,
        %parallel_loop3A_442 = arith.index_cast %parallel_loop3A_323 : i32 to index
        %parallel_loop3A_443 = arith.constant 224 : index
        %parallel_loop3A_444 = tpu.vector_load %arg6[%parallel_loop3A_442, %parallel_loop3A_443] {strides = array<i32>} : memref<48x480xf32, #tpu.memory_space<vmem>>, vector<16xf32>,
        tpu.vector_store %arg6[%parallel_loop3A_442, %parallel_loop3A_443], %parallel_loop3A_441 {strides = array<i32>} : memref<48x480xf32, #tpu.memory_space<vmem>>, vector<16xf32>,
        %parallel_loop3A_445 = arith.constant 240 : i32
        %parallel_loop3A_446 = arith.addi %sub3A_122, %parallel_loop3A_445 : i32
        %parallel_loop3A_447 = vector.broadcast %parallel_loop3A_446 : i32 to vector<16xi32>
        %parallel_loop3A_448 = arith.addi %iota3A, %parallel_loop3A_447 : vector<16xi32>
        %parallel_loop3A_449 = tpu.vector_load_idx %arg4[%parallel_loop3A_324, %parallel_loop3A_448] : memref<48x512xf32, #tpu.memory_space<vmem>>[vector<16xi32>, vector<16xi32>], vector<16xf32>,
        %parallel_loop3A_450 = arith.index_cast %parallel_loop3A_323 : i32 to index
        %parallel_loop3A_451 = arith.constant 240 : index
        %parallel_loop3A_452 = tpu.vector_load %arg6[%parallel_loop3A_450, %parallel_loop3A_451] {strides = array<i32>} : memref<48x480xf32, #tpu.memory_space<vmem>>, vector<16xf32>,
        tpu.vector_store %arg6[%parallel_loop3A_450, %parallel_loop3A_451], %parallel_loop3A_449 {strides = array<i32>} : memref<48x480xf32, #tpu.memory_space<vmem>>, vector<16xf32>,
        %parallel_loop3A_453 = arith.constant 256 : i32
        %parallel_loop3A_454 = arith.addi %sub3A_122, %parallel_loop3A_453 : i32
        %parallel_loop3A_455 = vector.broadcast %parallel_loop3A_454 : i32 to vector<16xi32>
        %parallel_loop3A_456 = arith.addi %iota3A, %parallel_loop3A_455 : vector<16xi32>
        %parallel_loop3A_457 = tpu.vector_load_idx %arg4[%parallel_loop3A_324, %parallel_loop3A_456] : memref<48x512xf32, #tpu.memory_space<vmem>>[vector<16xi32>, vector<16xi32>], vector<16xf32>,
        %parallel_loop3A_458 = arith.index_cast %parallel_loop3A_323 : i32 to index
        %parallel_loop3A_459 = arith.constant 256 : index
        %parallel_loop3A_460 = tpu.vector_load %arg6[%parallel_loop3A_458, %parallel_loop3A_459] {strides = array<i32>} : memref<48x480xf32, #tpu.memory_space<vmem>>, vector<16xf32>,
        tpu.vector_store %arg6[%parallel_loop3A_458, %parallel_loop3A_459], %parallel_loop3A_457 {strides = array<i32>} : memref<48x480xf32, #tpu.memory_space<vmem>>, vector<16xf32>,
        %parallel_loop3A_461 = arith.constant 272 : i32
        %parallel_loop3A_462 = arith.addi %sub3A_122, %parallel_loop3A_461 : i32
        %parallel_loop3A_463 = vector.broadcast %parallel_loop3A_462 : i32 to vector<16xi32>
        %parallel_loop3A_464 = arith.addi %iota3A, %parallel_loop3A_463 : vector<16xi32>
        %parallel_loop3A_465 = tpu.vector_load_idx %arg4[%parallel_loop3A_324, %parallel_loop3A_464] : memref<48x512xf32, #tpu.memory_space<vmem>>[vector<16xi32>, vector<16xi32>], vector<16xf32>,
        %parallel_loop3A_466 = arith.index_cast %parallel_loop3A_323 : i32 to index
        %parallel_loop3A_467 = arith.constant 272 : index
        %parallel_loop3A_468 = tpu.vector_load %arg6[%parallel_loop3A_466, %parallel_loop3A_467] {strides = array<i32>} : memref<48x480xf32, #tpu.memory_space<vmem>>, vector<16xf32>,
        tpu.vector_store %arg6[%parallel_loop3A_466, %parallel_loop3A_467], %parallel_loop3A_465 {strides = array<i32>} : memref<48x480xf32, #tpu.memory_space<vmem>>, vector<16xf32>,
        %parallel_loop3A_469 = arith.constant 288 : i32
        %parallel_loop3A_470 = arith.addi %sub3A_122, %parallel_loop3A_469 : i32
        %parallel_loop3A_471 = vector.broadcast %parallel_loop3A_470 : i32 to vector<16xi32>
        %parallel_loop3A_472 = arith.addi %iota3A, %parallel_loop3A_471 : vector<16xi32>
        %parallel_loop3A_473 = tpu.vector_load_idx %arg4[%parallel_loop3A_324, %parallel_loop3A_472] : memref<48x512xf32, #tpu.memory_space<vmem>>[vector<16xi32>, vector<16xi32>], vector<16xf32>,
        %parallel_loop3A_474 = arith.index_cast %parallel_loop3A_323 : i32 to index
        %parallel_loop3A_475 = arith.constant 288 : index
        %parallel_loop3A_476 = tpu.vector_load %arg6[%parallel_loop3A_474, %parallel_loop3A_475] {strides = array<i32>} : memref<48x480xf32, #tpu.memory_space<vmem>>, vector<16xf32>,
        tpu.vector_store %arg6[%parallel_loop3A_474, %parallel_loop3A_475], %parallel_loop3A_473 {strides = array<i32>} : memref<48x480xf32, #tpu.memory_space<vmem>>, vector<16xf32>,
        %parallel_loop3A_477 = arith.constant 304 : i32
        %parallel_loop3A_478 = arith.addi %sub3A_122, %parallel_loop3A_477 : i32
        %parallel_loop3A_479 = vector.broadcast %parallel_loop3A_478 : i32 to vector<16xi32>
        %parallel_loop3A_480 = arith.addi %iota3A, %parallel_loop3A_479 : vector<16xi32>
        %parallel_loop3A_481 = tpu.vector_load_idx %arg4[%parallel_loop3A_324, %parallel_loop3A_480] : memref<48x512xf32, #tpu.memory_space<vmem>>[vector<16xi32>, vector<16xi32>], vector<16xf32>,
        %parallel_loop3A_482 = arith.index_cast %parallel_loop3A_323 : i32 to index
        %parallel_loop3A_483 = arith.constant 304 : index
        %parallel_loop3A_484 = tpu.vector_load %arg6[%parallel_loop3A_482, %parallel_loop3A_483] {strides = array<i32>} : memref<48x480xf32, #tpu.memory_space<vmem>>, vector<16xf32>,
        tpu.vector_store %arg6[%parallel_loop3A_482, %parallel_loop3A_483], %parallel_loop3A_481 {strides = array<i32>} : memref<48x480xf32, #tpu.memory_space<vmem>>, vector<16xf32>,
        %parallel_loop3A_485 = arith.constant 320 : i32
        %parallel_loop3A_486 = arith.addi %sub3A_122, %parallel_loop3A_485 : i32
        %parallel_loop3A_487 = vector.broadcast %parallel_loop3A_486 : i32 to vector<16xi32>
        %parallel_loop3A_488 = arith.addi %iota3A, %parallel_loop3A_487 : vector<16xi32>
        %parallel_loop3A_489 = tpu.vector_load_idx %arg4[%parallel_loop3A_324, %parallel_loop3A_488] : memref<48x512xf32, #tpu.memory_space<vmem>>[vector<16xi32>, vector<16xi32>], vector<16xf32>,
        %parallel_loop3A_490 = arith.index_cast %parallel_loop3A_323 : i32 to index
        %parallel_loop3A_491 = arith.constant 320 : index
        %parallel_loop3A_492 = tpu.vector_load %arg6[%parallel_loop3A_490, %parallel_loop3A_491] {strides = array<i32>} : memref<48x480xf32, #tpu.memory_space<vmem>>, vector<16xf32>,
        tpu.vector_store %arg6[%parallel_loop3A_490, %parallel_loop3A_491], %parallel_loop3A_489 {strides = array<i32>} : memref<48x480xf32, #tpu.memory_space<vmem>>, vector<16xf32>,
        %parallel_loop3A_493 = arith.constant 336 : i32
        %parallel_loop3A_494 = arith.addi %sub3A_122, %parallel_loop3A_493 : i32
        %parallel_loop3A_495 = vector.broadcast %parallel_loop3A_494 : i32 to vector<16xi32>
        %parallel_loop3A_496 = arith.addi %iota3A, %parallel_loop3A_495 : vector<16xi32>
        %parallel_loop3A_497 = tpu.vector_load_idx %arg4[%parallel_loop3A_324, %parallel_loop3A_496] : memref<48x512xf32, #tpu.memory_space<vmem>>[vector<16xi32>, vector<16xi32>], vector<16xf32>,
        %parallel_loop3A_498 = arith.index_cast %parallel_loop3A_323 : i32 to index
        %parallel_loop3A_499 = arith.constant 336 : index
        %parallel_loop3A_500 = tpu.vector_load %arg6[%parallel_loop3A_498, %parallel_loop3A_499] {strides = array<i32>} : memref<48x480xf32, #tpu.memory_space<vmem>>, vector<16xf32>,
        tpu.vector_store %arg6[%parallel_loop3A_498, %parallel_loop3A_499], %parallel_loop3A_497 {strides = array<i32>} : memref<48x480xf32, #tpu.memory_space<vmem>>, vector<16xf32>,
        %parallel_loop3A_501 = arith.constant 352 : i32
        %parallel_loop3A_502 = arith.addi %sub3A_122, %parallel_loop3A_501 : i32
        %parallel_loop3A_503 = vector.broadcast %parallel_loop3A_502 : i32 to vector<16xi32>
        %parallel_loop3A_504 = arith.addi %iota3A, %parallel_loop3A_503 : vector<16xi32>
        %parallel_loop3A_505 = tpu.vector_load_idx %arg4[%parallel_loop3A_324, %parallel_loop3A_504] : memref<48x512xf32, #tpu.memory_space<vmem>>[vector<16xi32>, vector<16xi32>], vector<16xf32>,
        %parallel_loop3A_506 = arith.index_cast %parallel_loop3A_323 : i32 to index
        %parallel_loop3A_507 = arith.constant 352 : index
        %parallel_loop3A_508 = tpu.vector_load %arg6[%parallel_loop3A_506, %parallel_loop3A_507] {strides = array<i32>} : memref<48x480xf32, #tpu.memory_space<vmem>>, vector<16xf32>,
        tpu.vector_store %arg6[%parallel_loop3A_506, %parallel_loop3A_507], %parallel_loop3A_505 {strides = array<i32>} : memref<48x480xf32, #tpu.memory_space<vmem>>, vector<16xf32>,
        %parallel_loop3A_509 = arith.constant 368 : i32
        %parallel_loop3A_510 = arith.addi %sub3A_122, %parallel_loop3A_509 : i32
        %parallel_loop3A_511 = vector.broadcast %parallel_loop3A_510 : i32 to vector<16xi32>
        %parallel_loop3A_512 = arith.addi %iota3A, %parallel_loop3A_511 : vector<16xi32>
        %parallel_loop3A_513 = tpu.vector_load_idx %arg4[%parallel_loop3A_324, %parallel_loop3A_512] : memref<48x512xf32, #tpu.memory_space<vmem>>[vector<16xi32>, vector<16xi32>], vector<16xf32>,
        %parallel_loop3A_514 = arith.index_cast %parallel_loop3A_323 : i32 to index
        %parallel_loop3A_515 = arith.constant 368 : index
        %parallel_loop3A_516 = tpu.vector_load %arg6[%parallel_loop3A_514, %parallel_loop3A_515] {strides = array<i32>} : memref<48x480xf32, #tpu.memory_space<vmem>>, vector<16xf32>,
        tpu.vector_store %arg6[%parallel_loop3A_514, %parallel_loop3A_515], %parallel_loop3A_513 {strides = array<i32>} : memref<48x480xf32, #tpu.memory_space<vmem>>, vector<16xf32>,
        %parallel_loop3A_517 = arith.constant 384 : i32
        %parallel_loop3A_518 = arith.addi %sub3A_122, %parallel_loop3A_517 : i32
        %parallel_loop3A_519 = vector.broadcast %parallel_loop3A_518 : i32 to vector<16xi32>
        %parallel_loop3A_520 = arith.addi %iota3A, %parallel_loop3A_519 : vector<16xi32>
        %parallel_loop3A_521 = tpu.vector_load_idx %arg4[%parallel_loop3A_324, %parallel_loop3A_520] : memref<48x512xf32, #tpu.memory_space<vmem>>[vector<16xi32>, vector<16xi32>], vector<16xf32>,
        %parallel_loop3A_522 = arith.index_cast %parallel_loop3A_323 : i32 to index
        %parallel_loop3A_523 = arith.constant 384 : index
        %parallel_loop3A_524 = tpu.vector_load %arg6[%parallel_loop3A_522, %parallel_loop3A_523] {strides = array<i32>} : memref<48x480xf32, #tpu.memory_space<vmem>>, vector<16xf32>,
        tpu.vector_store %arg6[%parallel_loop3A_522, %parallel_loop3A_523], %parallel_loop3A_521 {strides = array<i32>} : memref<48x480xf32, #tpu.memory_space<vmem>>, vector<16xf32>,
        %parallel_loop3A_525 = arith.constant 400 : i32
        %parallel_loop3A_526 = arith.addi %sub3A_122, %parallel_loop3A_525 : i32
        %parallel_loop3A_527 = vector.broadcast %parallel_loop3A_526 : i32 to vector<16xi32>
        %parallel_loop3A_528 = arith.addi %iota3A, %parallel_loop3A_527 : vector<16xi32>
        %parallel_loop3A_529 = tpu.vector_load_idx %arg4[%parallel_loop3A_324, %parallel_loop3A_528] : memref<48x512xf32, #tpu.memory_space<vmem>>[vector<16xi32>, vector<16xi32>], vector<16xf32>,
        %parallel_loop3A_530 = arith.index_cast %parallel_loop3A_323 : i32 to index
        %parallel_loop3A_531 = arith.constant 400 : index
        %parallel_loop3A_532 = tpu.vector_load %arg6[%parallel_loop3A_530, %parallel_loop3A_531] {strides = array<i32>} : memref<48x480xf32, #tpu.memory_space<vmem>>, vector<16xf32>,
        tpu.vector_store %arg6[%parallel_loop3A_530, %parallel_loop3A_531], %parallel_loop3A_529 {strides = array<i32>} : memref<48x480xf32, #tpu.memory_space<vmem>>, vector<16xf32>,
        %parallel_loop3A_533 = arith.constant 416 : i32
        %parallel_loop3A_534 = arith.addi %sub3A_122, %parallel_loop3A_533 : i32
        %parallel_loop3A_535 = vector.broadcast %parallel_loop3A_534 : i32 to vector<16xi32>
        %parallel_loop3A_536 = arith.addi %iota3A, %parallel_loop3A_535 : vector<16xi32>
        %parallel_loop3A_537 = tpu.vector_load_idx %arg4[%parallel_loop3A_324, %parallel_loop3A_536] : memref<48x512xf32, #tpu.memory_space<vmem>>[vector<16xi32>, vector<16xi32>], vector<16xf32>,
        %parallel_loop3A_538 = arith.index_cast %parallel_loop3A_323 : i32 to index
        %parallel_loop3A_539 = arith.constant 416 : index
        %parallel_loop3A_540 = tpu.vector_load %arg6[%parallel_loop3A_538, %parallel_loop3A_539] {strides = array<i32>} : memref<48x480xf32, #tpu.memory_space<vmem>>, vector<16xf32>,
        tpu.vector_store %arg6[%parallel_loop3A_538, %parallel_loop3A_539], %parallel_loop3A_537 {strides = array<i32>} : memref<48x480xf32, #tpu.memory_space<vmem>>, vector<16xf32>,
        %parallel_loop3A_541 = arith.constant 432 : i32
        %parallel_loop3A_542 = arith.addi %sub3A_122, %parallel_loop3A_541 : i32
        %parallel_loop3A_543 = vector.broadcast %parallel_loop3A_542 : i32 to vector<16xi32>
        %parallel_loop3A_544 = arith.addi %iota3A, %parallel_loop3A_543 : vector<16xi32>
        %parallel_loop3A_545 = tpu.vector_load_idx %arg4[%parallel_loop3A_324, %parallel_loop3A_544] : memref<48x512xf32, #tpu.memory_space<vmem>>[vector<16xi32>, vector<16xi32>], vector<16xf32>,
        %parallel_loop3A_546 = arith.index_cast %parallel_loop3A_323 : i32 to index
        %parallel_loop3A_547 = arith.constant 432 : index
        %parallel_loop3A_548 = tpu.vector_load %arg6[%parallel_loop3A_546, %parallel_loop3A_547] {strides = array<i32>} : memref<48x480xf32, #tpu.memory_space<vmem>>, vector<16xf32>,
        tpu.vector_store %arg6[%parallel_loop3A_546, %parallel_loop3A_547], %parallel_loop3A_545 {strides = array<i32>} : memref<48x480xf32, #tpu.memory_space<vmem>>, vector<16xf32>,
        %parallel_loop3A_549 = arith.constant 448 : i32
        %parallel_loop3A_550 = arith.addi %sub3A_122, %parallel_loop3A_549 : i32
        %parallel_loop3A_551 = vector.broadcast %parallel_loop3A_550 : i32 to vector<16xi32>
        %parallel_loop3A_552 = arith.addi %iota3A, %parallel_loop3A_551 : vector<16xi32>
        %parallel_loop3A_553 = tpu.vector_load_idx %arg4[%parallel_loop3A_324, %parallel_loop3A_552] : memref<48x512xf32, #tpu.memory_space<vmem>>[vector<16xi32>, vector<16xi32>], vector<16xf32>,
        %parallel_loop3A_554 = arith.index_cast %parallel_loop3A_323 : i32 to index
        %parallel_loop3A_555 = arith.constant 448 : index
        %parallel_loop3A_556 = tpu.vector_load %arg6[%parallel_loop3A_554, %parallel_loop3A_555] {strides = array<i32>} : memref<48x480xf32, #tpu.memory_space<vmem>>, vector<16xf32>,
        tpu.vector_store %arg6[%parallel_loop3A_554, %parallel_loop3A_555], %parallel_loop3A_553 {strides = array<i32>} : memref<48x480xf32, #tpu.memory_space<vmem>>, vector<16xf32>,
        %parallel_loop3A_557 = arith.constant 464 : i32
        %parallel_loop3A_558 = arith.addi %sub3A_122, %parallel_loop3A_557 : i32
        %parallel_loop3A_559 = vector.broadcast %parallel_loop3A_558 : i32 to vector<16xi32>
        %parallel_loop3A_560 = arith.addi %iota3A, %parallel_loop3A_559 : vector<16xi32>
        %parallel_loop3A_561 = tpu.vector_load_idx %arg4[%parallel_loop3A_324, %parallel_loop3A_560] : memref<48x512xf32, #tpu.memory_space<vmem>>[vector<16xi32>, vector<16xi32>], vector<16xf32>,
        %parallel_loop3A_562 = arith.index_cast %parallel_loop3A_323 : i32 to index
        %parallel_loop3A_563 = arith.constant 464 : index
        %parallel_loop3A_564 = tpu.vector_load %arg6[%parallel_loop3A_562, %parallel_loop3A_563] {strides = array<i32>} : memref<48x480xf32, #tpu.memory_space<vmem>>, vector<16xf32>,
        tpu.vector_store %arg6[%parallel_loop3A_562, %parallel_loop3A_563], %parallel_loop3A_561 {strides = array<i32>} : memref<48x480xf32, #tpu.memory_space<vmem>>, vector<16xf32>,
      } {sc.loop_unroll_factor = 4 : i64, sc.parallel_access}
      %jit3A_141 = arith.constant 10 : i32
      %div3A_142 = arith.divsi %add3A_91, %jit3A_141 : i32
      %sign3A_143 = arith.constant 0 : i32
      %sign3A_144 = arith.cmpi sgt, %add3A_91, %sign3A_143 : i32
      %sign3A_145 = arith.extui %sign3A_144 : i1 to i32
      %sign3A_146 = arith.constant 0 : i32
      %sign3A_147 = arith.cmpi slt, %add3A_91, %sign3A_146 : i32
      %sign3A_148 = arith.extui %sign3A_147 : i1 to i32
      %sign3A_149 = arith.subi %sign3A_145, %sign3A_148 : i32
      %sign3A_150 = arith.constant 0 : i32
      %sign3A_151 = arith.cmpi sgt, %jit3A_141, %sign3A_150 : i32
      %sign3A_152 = arith.extui %sign3A_151 : i1 to i32
      %sign3A_153 = arith.constant 0 : i32
      %sign3A_154 = arith.cmpi slt, %jit3A_141, %sign3A_153 : i32
      %sign3A_155 = arith.extui %sign3A_154 : i1 to i32
      %sign3A_156 = arith.subi %sign3A_152, %sign3A_155 : i32
      %ne3A_157 = arith.cmpi ne, %sign3A_149, %sign3A_156 : i32
      %rem3A_158 = arith.remsi %add3A_91, %jit3A_141 : i32
      %ne3A_159 = arith.constant 0 : i32
      %ne3A_160 = arith.cmpi ne, %rem3A_158, %ne3A_159 : i32
      %and3A_161 = arith.andi %ne3A_157, %ne3A_160 : i1
      %sub3A_162 = arith.constant 1 : i32
      %sub3A_163 = arith.subi %div3A_142, %sub3A_162 : i32
      %select_n3A_164 = arith.select %and3A_161, %sub3A_163, %div3A_142 : i32
      %add3A_165 = arith.addi %mul3A_2, %select_n3A_164 : i32
      %rem3A_166 = arith.constant 3 : i32
      %rem3A_167 = arith.remsi %add3A_165, %rem3A_166 : i32
      %sub3A_168 = arith.constant 2 : i32
      %sub3A_169 = arith.subi %sub3A_168, %rem3A_167 : i32
      %jit3A_170 = arith.constant 10 : i32
      %eq3A_171 = arith.constant 0 : i32
      %eq3A_172 = arith.cmpi eq, %jit3A_170, %eq3A_171 : i32
      %jit3A_173 = arith.constant 1 : i32
      %select_n3A_174 = arith.select %eq3A_172, %jit3A_173, %jit3A_170 : i32
      %rem3A_175 = arith.remsi %add3A_91, %select_n3A_174 : i32
      %ne3A_176 = arith.constant 0 : i32
      %ne3A_177 = arith.cmpi ne, %rem3A_175, %ne3A_176 : i32
      %lt3A_178 = arith.constant 0 : i32
      %lt3A_179 = arith.cmpi slt, %rem3A_175, %lt3A_178 : i32
      %lt3A_180 = arith.constant 0 : i32
      %lt3A_181 = arith.cmpi slt, %select_n3A_174, %lt3A_180 : i32
      %ne3A_182 = arith.xori %lt3A_179, %lt3A_181 : i1
      %and3A_183 = arith.andi %ne3A_182, %ne3A_177 : i1
      %add3A_184 = arith.addi %rem3A_175, %select_n3A_174 : i32
      %select_n3A_185 = arith.select %and3A_183, %add3A_184, %rem3A_175 : i32
      %mul3A_186 = arith.constant 48 : i32
      %mul3A_187 = arith.muli %select_n3A_185, %mul3A_186 : i32
      %dma_start3A_188 = arith.constant 0 : i32
      %dma_start3A_189 = tpu.memref_slice %arg3[%add3A_165, %mul3A_187, %dma_start3A_188] : memref<128x480x480xf32, #tpu.memory_space<hbm>> -> memref<1x48x480xf32, #tpu.memory_space<hbm>>
      %dma_start3A_190 = tpu.memref_squeeze %dma_start3A_189 : memref<1x48x480xf32, #tpu.memory_space<hbm>> -> memref<48x480xf32, #tpu.memory_space<hbm>>
      %dma_start3A_191 = arith.constant 0 : i32
      %dma_start3A_192 = tpu.memref_slice %arg3[%add3A_165, %mul3A_187, %dma_start3A_191] : memref<128x480x480xf32, #tpu.memory_space<hbm>> -> memref<1x48x480xf32, #tpu.memory_space<hbm>>
      %dma_start3A_193 = tpu.memref_squeeze %dma_start3A_192 : memref<1x48x480xf32, #tpu.memory_space<hbm>> -> memref<48x480xf32, #tpu.memory_space<hbm>>
      tpu.enqueue_dma source(%arg6 : memref<48x480xf32, #tpu.memory_space<vmem>>) target(%dma_start3A_193 : memref<48x480xf32, #tpu.memory_space<hbm>>) target_semaphore(%arg12 : memref<!tpu.dma_semaphore, #tpu.memory_space<semaphore_mem>>)
      %lt3A_194 = arith.constant 19 : i32
      %lt3A_195 = arith.cmpi slt, %scan3A_86, %lt3A_194 : i32
      %convert_element_type3A_196 = arith.extui %lt3A_195 : i1 to i32
      %cond3A_197 = arith.constant 0 : i32
      %cond3A_198 = arith.cmpi ne, %convert_element_type3A_196, %cond3A_197 : i32
      scf.if %cond3A_198 {
        %add3A_323 = arith.constant 2 : i32
        %add3A_324 = arith.addi %add3A_91, %add3A_323 : i32
        %jit3A_325 = arith.constant 10 : i32
        %div3A_326 = arith.divsi %add3A_324, %jit3A_325 : i32
        %sign3A_327 = arith.constant 0 : i32
        %sign3A_328 = arith.cmpi sgt, %add3A_324, %sign3A_327 : i32
        %sign3A_329 = arith.extui %sign3A_328 : i1 to i32
        %sign3A_330 = arith.constant 0 : i32
        %sign3A_331 = arith.cmpi slt, %add3A_324, %sign3A_330 : i32
        %sign3A_332 = arith.extui %sign3A_331 : i1 to i32
        %sign3A_333 = arith.subi %sign3A_329, %sign3A_332 : i32
        %sign3A_334 = arith.constant 0 : i32
        %sign3A_335 = arith.cmpi sgt, %jit3A_325, %sign3A_334 : i32
        %sign3A_336 = arith.extui %sign3A_335 : i1 to i32
        %sign3A_337 = arith.constant 0 : i32
        %sign3A_338 = arith.cmpi slt, %jit3A_325, %sign3A_337 : i32
        %sign3A_339 = arith.extui %sign3A_338 : i1 to i32
        %sign3A_340 = arith.subi %sign3A_336, %sign3A_339 : i32
        %ne3A_341 = arith.cmpi ne, %sign3A_333, %sign3A_340 : i32
        %rem3A_342 = arith.remsi %add3A_324, %jit3A_325 : i32
        %ne3A_343 = arith.constant 0 : i32
        %ne3A_344 = arith.cmpi ne, %rem3A_342, %ne3A_343 : i32
        %and3A_345 = arith.andi %ne3A_341, %ne3A_344 : i1
        %sub3A_346 = arith.constant 1 : i32
        %sub3A_347 = arith.subi %div3A_326, %sub3A_346 : i32
        %select_n3A_348 = arith.select %and3A_345, %sub3A_347, %div3A_326 : i32
        %add3A_349 = arith.addi %mul3A_2, %select_n3A_348 : i32
        %rem3A_350 = arith.constant 3 : i32
        %rem3A_351 = arith.remsi %add3A_349, %rem3A_350 : i32
        %sub3A_352 = arith.constant 2 : i32
        %sub3A_353 = arith.subi %sub3A_352, %rem3A_351 : i32
        %jit3A_354 = arith.constant 10 : i32
        %eq3A_355 = arith.constant 0 : i32
        %eq3A_356 = arith.cmpi eq, %jit3A_354, %eq3A_355 : i32
        %jit3A_357 = arith.constant 1 : i32
        %select_n3A_358 = arith.select %eq3A_356, %jit3A_357, %jit3A_354 : i32
        %rem3A_359 = arith.remsi %add3A_324, %select_n3A_358 : i32
        %ne3A_360 = arith.constant 0 : i32
        %ne3A_361 = arith.cmpi ne, %rem3A_359, %ne3A_360 : i32
        %lt3A_362 = arith.constant 0 : i32
        %lt3A_363 = arith.cmpi slt, %rem3A_359, %lt3A_362 : i32
        %lt3A_364 = arith.constant 0 : i32
        %lt3A_365 = arith.cmpi slt, %select_n3A_358, %lt3A_364 : i32
        %ne3A_366 = arith.xori %lt3A_363, %lt3A_365 : i1
        %and3A_367 = arith.andi %ne3A_366, %ne3A_361 : i1
        %add3A_368 = arith.addi %rem3A_359, %select_n3A_358 : i32
        %select_n3A_369 = arith.select %and3A_367, %add3A_368, %rem3A_359 : i32
        %mul3A_370 = arith.constant 48 : i32
        %mul3A_371 = arith.muli %select_n3A_369, %mul3A_370 : i32
        %mul3A_372 = arith.constant 512 : i32
        %mul3A_373 = arith.muli %add3A_349, %mul3A_372 : i32
        %add3A_374 = arith.addi %mul3A_373, %sub3A_353 : i32
        %add3A_375 = arith.addi %add3A_374, %mul3A_371 : i32
        %add3A_376 = arith.constant 0 : i32
        %add3A_377 = arith.addi %add3A_375, %add3A_376 : i32
        %add3A_378 = vector.broadcast %add3A_377 : i32 to vector<16xi32>
        %add3A_379 = arith.addi %iota3A, %add3A_378 : vector<16xi32>
        %swap3A_380 = arith.constant 0 : index
        %swap3A_381 = tpu.vector_load %arg8[%swap3A_380] {strides = array<i32>} : memref<48xi32, #tpu.memory_space<vmem>>, vector<16xi32>,
        tpu.vector_store %arg8[%swap3A_380], %add3A_379 {strides = array<i32>} : memref<48xi32, #tpu.memory_space<vmem>>, vector<16xi32>,
        %add3A_382 = arith.constant 16 : i32
        %add3A_383 = arith.addi %add3A_375, %add3A_382 : i32
        %add3A_384 = vector.broadcast %add3A_383 : i32 to vector<16xi32>
        %add3A_385 = arith.addi %iota3A, %add3A_384 : vector<16xi32>
        %swap3A_386 = arith.constant 16 : index
        %swap3A_387 = tpu.vector_load %arg8[%swap3A_386] {strides = array<i32>} : memref<48xi32, #tpu.memory_space<vmem>>, vector<16xi32>,
        tpu.vector_store %arg8[%swap3A_386], %add3A_385 {strides = array<i32>} : memref<48xi32, #tpu.memory_space<vmem>>, vector<16xi32>,
        %add3A_388 = arith.constant 32 : i32
        %add3A_389 = arith.addi %add3A_375, %add3A_388 : i32
        %add3A_390 = vector.broadcast %add3A_389 : i32 to vector<16xi32>
        %add3A_391 = arith.addi %iota3A, %add3A_390 : vector<16xi32>
        %swap3A_392 = arith.constant 32 : index
        %swap3A_393 = tpu.vector_load %arg8[%swap3A_392] {strides = array<i32>} : memref<48xi32, #tpu.memory_space<vmem>>, vector<16xi32>,
        tpu.vector_store %arg8[%swap3A_392], %add3A_391 {strides = array<i32>} : memref<48xi32, #tpu.memory_space<vmem>>, vector<16xi32>,
        %dma_start3A_394 = arith.constant 0 : i32
        %dma_start3A_395 = arith.constant 0 : i32
        %dma_start3A_396 = tpu.memref_slice %arg2[%dma_start3A_394, %dma_start3A_395] : memref<65536x512xf32, #tpu.memory_space<hbm>> -> memref<65536x512xf32, #tpu.memory_space<hbm>>
        tpu.enqueue_indirect_dma source(%dma_start3A_396 : memref<65536x512xf32, #tpu.memory_space<hbm>>) target(%arg4 : memref<48x512xf32, #tpu.memory_space<vmem>>) offsets(%arg8 : memref<48xi32, #tpu.memory_space<vmem>>) semaphore(%arg10 : memref<!tpu.dma_semaphore, #tpu.memory_space<semaphore_mem>>)
      } else {
      }
      %mul3A_199 = arith.constant 2 : i32
      %mul3A_200 = arith.muli %scan3A_86, %mul3A_199 : i32
      %add3A_201 = arith.constant 1 : i32
      %add3A_202 = arith.addi %mul3A_200, %add3A_201 : i32
      %dma_wait3A_203 = arith.constant 0 : i32
      %dma_wait3A_204 = arith.constant 0 : i32
      %dma_wait3A_205 = tpu.memref_slice %arg2[%dma_wait3A_203, %dma_wait3A_204] : memref<65536x512xf32, #tpu.memory_space<hbm>> -> memref<48x512xf32, #tpu.memory_space<hbm>>
      %dma_wait3A_206 = arith.constant 0 : i32
      %dma_wait3A_207 = arith.constant 0 : i32
      %dma_wait3A_208 = tpu.memref_slice %arg2[%dma_wait3A_206, %dma_wait3A_207] : memref<65536x512xf32, #tpu.memory_space<hbm>> -> memref<48x512xf32, #tpu.memory_space<hbm>>
      tpu.wait_dma2 semaphore(%arg11 : memref<!tpu.dma_semaphore, #tpu.memory_space<semaphore_mem>>) src(%dma_wait3A_208 : memref<48x512xf32, #tpu.memory_space<hbm>>) dst(%arg5 : memref<48x512xf32, #tpu.memory_space<vmem>>)
      %ge3A_209 = arith.constant 1 : i32
      %ge3A_210 = arith.cmpi sge, %scan3A_86, %ge3A_209 : i32
      %convert_element_type3A_211 = arith.extui %ge3A_210 : i1 to i32
      %cond3A_212 = arith.constant 0 : i32
      %cond3A_213 = arith.cmpi ne, %convert_element_type3A_211, %cond3A_212 : i32
      scf.if %cond3A_213 {
        %dma_wait3A_323 = arith.constant 0 : i32
        %dma_wait3A_324 = arith.constant 0 : i32
        %dma_wait3A_325 = arith.constant 0 : i32
        %dma_wait3A_326 = tpu.memref_slice %arg3[%dma_wait3A_323, %dma_wait3A_324, %dma_wait3A_325] : memref<128x480x480xf32, #tpu.memory_space<hbm>> -> memref<1x48x480xf32, #tpu.memory_space<hbm>>
        %dma_wait3A_327 = tpu.memref_squeeze %dma_wait3A_326 : memref<1x48x480xf32, #tpu.memory_space<hbm>> -> memref<48x480xf32, #tpu.memory_space<hbm>>
        %dma_wait3A_328 = arith.constant 0 : i32
        %dma_wait3A_329 = arith.constant 0 : i32
        %dma_wait3A_330 = tpu.memref_slice %arg3[%dma_wait3A_323, %dma_wait3A_328, %dma_wait3A_329] : memref<128x480x480xf32, #tpu.memory_space<hbm>> -> memref<1x48x480xf32, #tpu.memory_space<hbm>>
        %dma_wait3A_331 = tpu.memref_squeeze %dma_wait3A_330 : memref<1x48x480xf32, #tpu.memory_space<hbm>> -> memref<48x480xf32, #tpu.memory_space<hbm>>
        tpu.wait_dma2 semaphore(%arg13 : memref<!tpu.dma_semaphore, #tpu.memory_space<semaphore_mem>>) src(%arg7 : memref<48x480xf32, #tpu.memory_space<vmem>>) dst(%dma_wait3A_331 : memref<48x480xf32, #tpu.memory_space<hbm>>)
      } else {
      }
      %jit3A_214 = arith.constant 10 : i32
      %div3A_215 = arith.divsi %add3A_202, %jit3A_214 : i32
      %sign3A_216 = arith.constant 0 : i32
      %sign3A_217 = arith.cmpi sgt, %add3A_202, %sign3A_216 : i32
      %sign3A_218 = arith.extui %sign3A_217 : i1 to i32
      %sign3A_219 = arith.constant 0 : i32
      %sign3A_220 = arith.cmpi slt, %add3A_202, %sign3A_219 : i32
      %sign3A_221 = arith.extui %sign3A_220 : i1 to i32
      %sign3A_222 = arith.subi %sign3A_218, %sign3A_221 : i32
      %sign3A_223 = arith.constant 0 : i32
      %sign3A_224 = arith.cmpi sgt, %jit3A_214, %sign3A_223 : i32
      %sign3A_225 = arith.extui %sign3A_224 : i1 to i32
      %sign3A_226 = arith.constant 0 : i32
      %sign3A_227 = arith.cmpi slt, %jit3A_214, %sign3A_226 : i32
      %sign3A_228 = arith.extui %sign3A_227 : i1 to i32
      %sign3A_229 = arith.subi %sign3A_225, %sign3A_228 : i32
      %ne3A_230 = arith.cmpi ne, %sign3A_222, %sign3A_229 : i32
      %rem3A_231 = arith.remsi %add3A_202, %jit3A_214 : i32
      %ne3A_232 = arith.constant 0 : i32
      %ne3A_233 = arith.cmpi ne, %rem3A_231, %ne3A_232 : i32
      %and3A_234 = arith.andi %ne3A_230, %ne3A_233 : i1
      %sub3A_235 = arith.constant 1 : i32
      %sub3A_236 = arith.subi %div3A_215, %sub3A_235 : i32
      %select_n3A_237 = arith.select %and3A_234, %sub3A_236, %div3A_215 : i32
      %add3A_238 = arith.addi %mul3A_2, %select_n3A_237 : i32
      %rem3A_239 = arith.constant 3 : i32
      %rem3A_240 = arith.remsi %add3A_238, %rem3A_239 : i32
      %sub3A_241 = arith.constant 2 : i32
      %sub3A_242 = arith.subi %sub3A_241, %rem3A_240 : i32
      %jit3A_243 = arith.constant 10 : i32
      %eq3A_244 = arith.constant 0 : i32
      %eq3A_245 = arith.cmpi eq, %jit3A_243, %eq3A_244 : i32
      %jit3A_246 = arith.constant 1 : i32
      %select_n3A_247 = arith.select %eq3A_245, %jit3A_246, %jit3A_243 : i32
      %rem3A_248 = arith.remsi %add3A_202, %select_n3A_247 : i32
      %ne3A_249 = arith.constant 0 : i32
      %ne3A_250 = arith.cmpi ne, %rem3A_248, %ne3A_249 : i32
      %lt3A_251 = arith.constant 0 : i32
      %lt3A_252 = arith.cmpi slt, %rem3A_248, %lt3A_251 : i32
      %lt3A_253 = arith.constant 0 : i32
      %lt3A_254 = arith.cmpi slt, %select_n3A_247, %lt3A_253 : i32
      %ne3A_255 = arith.xori %lt3A_252, %lt3A_254 : i1
      %and3A_256 = arith.andi %ne3A_255, %ne3A_250 : i1
      %add3A_257 = arith.addi %rem3A_248, %select_n3A_247 : i32
      %select_n3A_258 = arith.select %and3A_256, %add3A_257, %rem3A_248 : i32
      %mul3A_259 = arith.constant 48 : i32
      %mul3A_260 = arith.muli %select_n3A_258, %mul3A_259 : i32
      %parallel_loop3A_261 = arith.constant 0 : i32
      %parallel_loop3A_262 = arith.constant 48 : i32
      %parallel_loop3A_263 = arith.constant 1 : i32
      scf.for %parallel_loop3A_323 = %parallel_loop3A_261 to %parallel_loop3A_262 step %parallel_loop3A_263  : i32 {
        %parallel_loop3A_324 = vector.broadcast %parallel_loop3A_323 : i32 to vector<16xi32>
        %parallel_loop3A_325 = arith.constant 0 : i32
        %parallel_loop3A_326 = arith.addi %sub3A_242, %parallel_loop3A_325 : i32
        %parallel_loop3A_327 = vector.broadcast %parallel_loop3A_326 : i32 to vector<16xi32>
        %parallel_loop3A_328 = arith.addi %iota3A, %parallel_loop3A_327 : vector<16xi32>
        %parallel_loop3A_329 = tpu.vector_load_idx %arg5[%parallel_loop3A_324, %parallel_loop3A_328] : memref<48x512xf32, #tpu.memory_space<vmem>>[vector<16xi32>, vector<16xi32>], vector<16xf32>,
        %parallel_loop3A_330 = arith.index_cast %parallel_loop3A_323 : i32 to index
        %parallel_loop3A_331 = arith.constant 0 : index
        %parallel_loop3A_332 = tpu.vector_load %arg7[%parallel_loop3A_330, %parallel_loop3A_331] {strides = array<i32>} : memref<48x480xf32, #tpu.memory_space<vmem>>, vector<16xf32>,
        tpu.vector_store %arg7[%parallel_loop3A_330, %parallel_loop3A_331], %parallel_loop3A_329 {strides = array<i32>} : memref<48x480xf32, #tpu.memory_space<vmem>>, vector<16xf32>,
        %parallel_loop3A_333 = arith.constant 16 : i32
        %parallel_loop3A_334 = arith.addi %sub3A_242, %parallel_loop3A_333 : i32
        %parallel_loop3A_335 = vector.broadcast %parallel_loop3A_334 : i32 to vector<16xi32>
        %parallel_loop3A_336 = arith.addi %iota3A, %parallel_loop3A_335 : vector<16xi32>
        %parallel_loop3A_337 = tpu.vector_load_idx %arg5[%parallel_loop3A_324, %parallel_loop3A_336] : memref<48x512xf32, #tpu.memory_space<vmem>>[vector<16xi32>, vector<16xi32>], vector<16xf32>,
        %parallel_loop3A_338 = arith.index_cast %parallel_loop3A_323 : i32 to index
        %parallel_loop3A_339 = arith.constant 16 : index
        %parallel_loop3A_340 = tpu.vector_load %arg7[%parallel_loop3A_338, %parallel_loop3A_339] {strides = array<i32>} : memref<48x480xf32, #tpu.memory_space<vmem>>, vector<16xf32>,
        tpu.vector_store %arg7[%parallel_loop3A_338, %parallel_loop3A_339], %parallel_loop3A_337 {strides = array<i32>} : memref<48x480xf32, #tpu.memory_space<vmem>>, vector<16xf32>,
        %parallel_loop3A_341 = arith.constant 32 : i32
        %parallel_loop3A_342 = arith.addi %sub3A_242, %parallel_loop3A_341 : i32
        %parallel_loop3A_343 = vector.broadcast %parallel_loop3A_342 : i32 to vector<16xi32>
        %parallel_loop3A_344 = arith.addi %iota3A, %parallel_loop3A_343 : vector<16xi32>
        %parallel_loop3A_345 = tpu.vector_load_idx %arg5[%parallel_loop3A_324, %parallel_loop3A_344] : memref<48x512xf32, #tpu.memory_space<vmem>>[vector<16xi32>, vector<16xi32>], vector<16xf32>,
        %parallel_loop3A_346 = arith.index_cast %parallel_loop3A_323 : i32 to index
        %parallel_loop3A_347 = arith.constant 32 : index
        %parallel_loop3A_348 = tpu.vector_load %arg7[%parallel_loop3A_346, %parallel_loop3A_347] {strides = array<i32>} : memref<48x480xf32, #tpu.memory_space<vmem>>, vector<16xf32>,
        tpu.vector_store %arg7[%parallel_loop3A_346, %parallel_loop3A_347], %parallel_loop3A_345 {strides = array<i32>} : memref<48x480xf32, #tpu.memory_space<vmem>>, vector<16xf32>,
        %parallel_loop3A_349 = arith.constant 48 : i32
        %parallel_loop3A_350 = arith.addi %sub3A_242, %parallel_loop3A_349 : i32
        %parallel_loop3A_351 = vector.broadcast %parallel_loop3A_350 : i32 to vector<16xi32>
        %parallel_loop3A_352 = arith.addi %iota3A, %parallel_loop3A_351 : vector<16xi32>
        %parallel_loop3A_353 = tpu.vector_load_idx %arg5[%parallel_loop3A_324, %parallel_loop3A_352] : memref<48x512xf32, #tpu.memory_space<vmem>>[vector<16xi32>, vector<16xi32>], vector<16xf32>,
        %parallel_loop3A_354 = arith.index_cast %parallel_loop3A_323 : i32 to index
        %parallel_loop3A_355 = arith.constant 48 : index
        %parallel_loop3A_356 = tpu.vector_load %arg7[%parallel_loop3A_354, %parallel_loop3A_355] {strides = array<i32>} : memref<48x480xf32, #tpu.memory_space<vmem>>, vector<16xf32>,
        tpu.vector_store %arg7[%parallel_loop3A_354, %parallel_loop3A_355], %parallel_loop3A_353 {strides = array<i32>} : memref<48x480xf32, #tpu.memory_space<vmem>>, vector<16xf32>,
        %parallel_loop3A_357 = arith.constant 64 : i32
        %parallel_loop3A_358 = arith.addi %sub3A_242, %parallel_loop3A_357 : i32
        %parallel_loop3A_359 = vector.broadcast %parallel_loop3A_358 : i32 to vector<16xi32>
        %parallel_loop3A_360 = arith.addi %iota3A, %parallel_loop3A_359 : vector<16xi32>
        %parallel_loop3A_361 = tpu.vector_load_idx %arg5[%parallel_loop3A_324, %parallel_loop3A_360] : memref<48x512xf32, #tpu.memory_space<vmem>>[vector<16xi32>, vector<16xi32>], vector<16xf32>,
        %parallel_loop3A_362 = arith.index_cast %parallel_loop3A_323 : i32 to index
        %parallel_loop3A_363 = arith.constant 64 : index
        %parallel_loop3A_364 = tpu.vector_load %arg7[%parallel_loop3A_362, %parallel_loop3A_363] {strides = array<i32>} : memref<48x480xf32, #tpu.memory_space<vmem>>, vector<16xf32>,
        tpu.vector_store %arg7[%parallel_loop3A_362, %parallel_loop3A_363], %parallel_loop3A_361 {strides = array<i32>} : memref<48x480xf32, #tpu.memory_space<vmem>>, vector<16xf32>,
        %parallel_loop3A_365 = arith.constant 80 : i32
        %parallel_loop3A_366 = arith.addi %sub3A_242, %parallel_loop3A_365 : i32
        %parallel_loop3A_367 = vector.broadcast %parallel_loop3A_366 : i32 to vector<16xi32>
        %parallel_loop3A_368 = arith.addi %iota3A, %parallel_loop3A_367 : vector<16xi32>
        %parallel_loop3A_369 = tpu.vector_load_idx %arg5[%parallel_loop3A_324, %parallel_loop3A_368] : memref<48x512xf32, #tpu.memory_space<vmem>>[vector<16xi32>, vector<16xi32>], vector<16xf32>,
        %parallel_loop3A_370 = arith.index_cast %parallel_loop3A_323 : i32 to index
        %parallel_loop3A_371 = arith.constant 80 : index
        %parallel_loop3A_372 = tpu.vector_load %arg7[%parallel_loop3A_370, %parallel_loop3A_371] {strides = array<i32>} : memref<48x480xf32, #tpu.memory_space<vmem>>, vector<16xf32>,
        tpu.vector_store %arg7[%parallel_loop3A_370, %parallel_loop3A_371], %parallel_loop3A_369 {strides = array<i32>} : memref<48x480xf32, #tpu.memory_space<vmem>>, vector<16xf32>,
        %parallel_loop3A_373 = arith.constant 96 : i32
        %parallel_loop3A_374 = arith.addi %sub3A_242, %parallel_loop3A_373 : i32
        %parallel_loop3A_375 = vector.broadcast %parallel_loop3A_374 : i32 to vector<16xi32>
        %parallel_loop3A_376 = arith.addi %iota3A, %parallel_loop3A_375 : vector<16xi32>
        %parallel_loop3A_377 = tpu.vector_load_idx %arg5[%parallel_loop3A_324, %parallel_loop3A_376] : memref<48x512xf32, #tpu.memory_space<vmem>>[vector<16xi32>, vector<16xi32>], vector<16xf32>,
        %parallel_loop3A_378 = arith.index_cast %parallel_loop3A_323 : i32 to index
        %parallel_loop3A_379 = arith.constant 96 : index
        %parallel_loop3A_380 = tpu.vector_load %arg7[%parallel_loop3A_378, %parallel_loop3A_379] {strides = array<i32>} : memref<48x480xf32, #tpu.memory_space<vmem>>, vector<16xf32>,
        tpu.vector_store %arg7[%parallel_loop3A_378, %parallel_loop3A_379], %parallel_loop3A_377 {strides = array<i32>} : memref<48x480xf32, #tpu.memory_space<vmem>>, vector<16xf32>,
        %parallel_loop3A_381 = arith.constant 112 : i32
        %parallel_loop3A_382 = arith.addi %sub3A_242, %parallel_loop3A_381 : i32
        %parallel_loop3A_383 = vector.broadcast %parallel_loop3A_382 : i32 to vector<16xi32>
        %parallel_loop3A_384 = arith.addi %iota3A, %parallel_loop3A_383 : vector<16xi32>
        %parallel_loop3A_385 = tpu.vector_load_idx %arg5[%parallel_loop3A_324, %parallel_loop3A_384] : memref<48x512xf32, #tpu.memory_space<vmem>>[vector<16xi32>, vector<16xi32>], vector<16xf32>,
        %parallel_loop3A_386 = arith.index_cast %parallel_loop3A_323 : i32 to index
        %parallel_loop3A_387 = arith.constant 112 : index
        %parallel_loop3A_388 = tpu.vector_load %arg7[%parallel_loop3A_386, %parallel_loop3A_387] {strides = array<i32>} : memref<48x480xf32, #tpu.memory_space<vmem>>, vector<16xf32>,
        tpu.vector_store %arg7[%parallel_loop3A_386, %parallel_loop3A_387], %parallel_loop3A_385 {strides = array<i32>} : memref<48x480xf32, #tpu.memory_space<vmem>>, vector<16xf32>,
        %parallel_loop3A_389 = arith.constant 128 : i32
        %parallel_loop3A_390 = arith.addi %sub3A_242, %parallel_loop3A_389 : i32
        %parallel_loop3A_391 = vector.broadcast %parallel_loop3A_390 : i32 to vector<16xi32>
        %parallel_loop3A_392 = arith.addi %iota3A, %parallel_loop3A_391 : vector<16xi32>
        %parallel_loop3A_393 = tpu.vector_load_idx %arg5[%parallel_loop3A_324, %parallel_loop3A_392] : memref<48x512xf32, #tpu.memory_space<vmem>>[vector<16xi32>, vector<16xi32>], vector<16xf32>,
        %parallel_loop3A_394 = arith.index_cast %parallel_loop3A_323 : i32 to index
        %parallel_loop3A_395 = arith.constant 128 : index
        %parallel_loop3A_396 = tpu.vector_load %arg7[%parallel_loop3A_394, %parallel_loop3A_395] {strides = array<i32>} : memref<48x480xf32, #tpu.memory_space<vmem>>, vector<16xf32>,
        tpu.vector_store %arg7[%parallel_loop3A_394, %parallel_loop3A_395], %parallel_loop3A_393 {strides = array<i32>} : memref<48x480xf32, #tpu.memory_space<vmem>>, vector<16xf32>,
        %parallel_loop3A_397 = arith.constant 144 : i32
        %parallel_loop3A_398 = arith.addi %sub3A_242, %parallel_loop3A_397 : i32
        %parallel_loop3A_399 = vector.broadcast %parallel_loop3A_398 : i32 to vector<16xi32>
        %parallel_loop3A_400 = arith.addi %iota3A, %parallel_loop3A_399 : vector<16xi32>
        %parallel_loop3A_401 = tpu.vector_load_idx %arg5[%parallel_loop3A_324, %parallel_loop3A_400] : memref<48x512xf32, #tpu.memory_space<vmem>>[vector<16xi32>, vector<16xi32>], vector<16xf32>,
        %parallel_loop3A_402 = arith.index_cast %parallel_loop3A_323 : i32 to index
        %parallel_loop3A_403 = arith.constant 144 : index
        %parallel_loop3A_404 = tpu.vector_load %arg7[%parallel_loop3A_402, %parallel_loop3A_403] {strides = array<i32>} : memref<48x480xf32, #tpu.memory_space<vmem>>, vector<16xf32>,
        tpu.vector_store %arg7[%parallel_loop3A_402, %parallel_loop3A_403], %parallel_loop3A_401 {strides = array<i32>} : memref<48x480xf32, #tpu.memory_space<vmem>>, vector<16xf32>,
        %parallel_loop3A_405 = arith.constant 160 : i32
        %parallel_loop3A_406 = arith.addi %sub3A_242, %parallel_loop3A_405 : i32
        %parallel_loop3A_407 = vector.broadcast %parallel_loop3A_406 : i32 to vector<16xi32>
        %parallel_loop3A_408 = arith.addi %iota3A, %parallel_loop3A_407 : vector<16xi32>
        %parallel_loop3A_409 = tpu.vector_load_idx %arg5[%parallel_loop3A_324, %parallel_loop3A_408] : memref<48x512xf32, #tpu.memory_space<vmem>>[vector<16xi32>, vector<16xi32>], vector<16xf32>,
        %parallel_loop3A_410 = arith.index_cast %parallel_loop3A_323 : i32 to index
        %parallel_loop3A_411 = arith.constant 160 : index
        %parallel_loop3A_412 = tpu.vector_load %arg7[%parallel_loop3A_410, %parallel_loop3A_411] {strides = array<i32>} : memref<48x480xf32, #tpu.memory_space<vmem>>, vector<16xf32>,
        tpu.vector_store %arg7[%parallel_loop3A_410, %parallel_loop3A_411], %parallel_loop3A_409 {strides = array<i32>} : memref<48x480xf32, #tpu.memory_space<vmem>>, vector<16xf32>,
        %parallel_loop3A_413 = arith.constant 176 : i32
        %parallel_loop3A_414 = arith.addi %sub3A_242, %parallel_loop3A_413 : i32
        %parallel_loop3A_415 = vector.broadcast %parallel_loop3A_414 : i32 to vector<16xi32>
        %parallel_loop3A_416 = arith.addi %iota3A, %parallel_loop3A_415 : vector<16xi32>
        %parallel_loop3A_417 = tpu.vector_load_idx %arg5[%parallel_loop3A_324, %parallel_loop3A_416] : memref<48x512xf32, #tpu.memory_space<vmem>>[vector<16xi32>, vector<16xi32>], vector<16xf32>,
        %parallel_loop3A_418 = arith.index_cast %parallel_loop3A_323 : i32 to index
        %parallel_loop3A_419 = arith.constant 176 : index
        %parallel_loop3A_420 = tpu.vector_load %arg7[%parallel_loop3A_418, %parallel_loop3A_419] {strides = array<i32>} : memref<48x480xf32, #tpu.memory_space<vmem>>, vector<16xf32>,
        tpu.vector_store %arg7[%parallel_loop3A_418, %parallel_loop3A_419], %parallel_loop3A_417 {strides = array<i32>} : memref<48x480xf32, #tpu.memory_space<vmem>>, vector<16xf32>,
        %parallel_loop3A_421 = arith.constant 192 : i32
        %parallel_loop3A_422 = arith.addi %sub3A_242, %parallel_loop3A_421 : i32
        %parallel_loop3A_423 = vector.broadcast %parallel_loop3A_422 : i32 to vector<16xi32>
        %parallel_loop3A_424 = arith.addi %iota3A, %parallel_loop3A_423 : vector<16xi32>
        %parallel_loop3A_425 = tpu.vector_load_idx %arg5[%parallel_loop3A_324, %parallel_loop3A_424] : memref<48x512xf32, #tpu.memory_space<vmem>>[vector<16xi32>, vector<16xi32>], vector<16xf32>,
        %parallel_loop3A_426 = arith.index_cast %parallel_loop3A_323 : i32 to index
        %parallel_loop3A_427 = arith.constant 192 : index
        %parallel_loop3A_428 = tpu.vector_load %arg7[%parallel_loop3A_426, %parallel_loop3A_427] {strides = array<i32>} : memref<48x480xf32, #tpu.memory_space<vmem>>, vector<16xf32>,
        tpu.vector_store %arg7[%parallel_loop3A_426, %parallel_loop3A_427], %parallel_loop3A_425 {strides = array<i32>} : memref<48x480xf32, #tpu.memory_space<vmem>>, vector<16xf32>,
        %parallel_loop3A_429 = arith.constant 208 : i32
        %parallel_loop3A_430 = arith.addi %sub3A_242, %parallel_loop3A_429 : i32
        %parallel_loop3A_431 = vector.broadcast %parallel_loop3A_430 : i32 to vector<16xi32>
        %parallel_loop3A_432 = arith.addi %iota3A, %parallel_loop3A_431 : vector<16xi32>
        %parallel_loop3A_433 = tpu.vector_load_idx %arg5[%parallel_loop3A_324, %parallel_loop3A_432] : memref<48x512xf32, #tpu.memory_space<vmem>>[vector<16xi32>, vector<16xi32>], vector<16xf32>,
        %parallel_loop3A_434 = arith.index_cast %parallel_loop3A_323 : i32 to index
        %parallel_loop3A_435 = arith.constant 208 : index
        %parallel_loop3A_436 = tpu.vector_load %arg7[%parallel_loop3A_434, %parallel_loop3A_435] {strides = array<i32>} : memref<48x480xf32, #tpu.memory_space<vmem>>, vector<16xf32>,
        tpu.vector_store %arg7[%parallel_loop3A_434, %parallel_loop3A_435], %parallel_loop3A_433 {strides = array<i32>} : memref<48x480xf32, #tpu.memory_space<vmem>>, vector<16xf32>,
        %parallel_loop3A_437 = arith.constant 224 : i32
        %parallel_loop3A_438 = arith.addi %sub3A_242, %parallel_loop3A_437 : i32
        %parallel_loop3A_439 = vector.broadcast %parallel_loop3A_438 : i32 to vector<16xi32>
        %parallel_loop3A_440 = arith.addi %iota3A, %parallel_loop3A_439 : vector<16xi32>
        %parallel_loop3A_441 = tpu.vector_load_idx %arg5[%parallel_loop3A_324, %parallel_loop3A_440] : memref<48x512xf32, #tpu.memory_space<vmem>>[vector<16xi32>, vector<16xi32>], vector<16xf32>,
        %parallel_loop3A_442 = arith.index_cast %parallel_loop3A_323 : i32 to index
        %parallel_loop3A_443 = arith.constant 224 : index
        %parallel_loop3A_444 = tpu.vector_load %arg7[%parallel_loop3A_442, %parallel_loop3A_443] {strides = array<i32>} : memref<48x480xf32, #tpu.memory_space<vmem>>, vector<16xf32>,
        tpu.vector_store %arg7[%parallel_loop3A_442, %parallel_loop3A_443], %parallel_loop3A_441 {strides = array<i32>} : memref<48x480xf32, #tpu.memory_space<vmem>>, vector<16xf32>,
        %parallel_loop3A_445 = arith.constant 240 : i32
        %parallel_loop3A_446 = arith.addi %sub3A_242, %parallel_loop3A_445 : i32
        %parallel_loop3A_447 = vector.broadcast %parallel_loop3A_446 : i32 to vector<16xi32>
        %parallel_loop3A_448 = arith.addi %iota3A, %parallel_loop3A_447 : vector<16xi32>
        %parallel_loop3A_449 = tpu.vector_load_idx %arg5[%parallel_loop3A_324, %parallel_loop3A_448] : memref<48x512xf32, #tpu.memory_space<vmem>>[vector<16xi32>, vector<16xi32>], vector<16xf32>,
        %parallel_loop3A_450 = arith.index_cast %parallel_loop3A_323 : i32 to index
        %parallel_loop3A_451 = arith.constant 240 : index
        %parallel_loop3A_452 = tpu.vector_load %arg7[%parallel_loop3A_450, %parallel_loop3A_451] {strides = array<i32>} : memref<48x480xf32, #tpu.memory_space<vmem>>, vector<16xf32>,
        tpu.vector_store %arg7[%parallel_loop3A_450, %parallel_loop3A_451], %parallel_loop3A_449 {strides = array<i32>} : memref<48x480xf32, #tpu.memory_space<vmem>>, vector<16xf32>,
        %parallel_loop3A_453 = arith.constant 256 : i32
        %parallel_loop3A_454 = arith.addi %sub3A_242, %parallel_loop3A_453 : i32
        %parallel_loop3A_455 = vector.broadcast %parallel_loop3A_454 : i32 to vector<16xi32>
        %parallel_loop3A_456 = arith.addi %iota3A, %parallel_loop3A_455 : vector<16xi32>
        %parallel_loop3A_457 = tpu.vector_load_idx %arg5[%parallel_loop3A_324, %parallel_loop3A_456] : memref<48x512xf32, #tpu.memory_space<vmem>>[vector<16xi32>, vector<16xi32>], vector<16xf32>,
        %parallel_loop3A_458 = arith.index_cast %parallel_loop3A_323 : i32 to index
        %parallel_loop3A_459 = arith.constant 256 : index
        %parallel_loop3A_460 = tpu.vector_load %arg7[%parallel_loop3A_458, %parallel_loop3A_459] {strides = array<i32>} : memref<48x480xf32, #tpu.memory_space<vmem>>, vector<16xf32>,
        tpu.vector_store %arg7[%parallel_loop3A_458, %parallel_loop3A_459], %parallel_loop3A_457 {strides = array<i32>} : memref<48x480xf32, #tpu.memory_space<vmem>>, vector<16xf32>,
        %parallel_loop3A_461 = arith.constant 272 : i32
        %parallel_loop3A_462 = arith.addi %sub3A_242, %parallel_loop3A_461 : i32
        %parallel_loop3A_463 = vector.broadcast %parallel_loop3A_462 : i32 to vector<16xi32>
        %parallel_loop3A_464 = arith.addi %iota3A, %parallel_loop3A_463 : vector<16xi32>
        %parallel_loop3A_465 = tpu.vector_load_idx %arg5[%parallel_loop3A_324, %parallel_loop3A_464] : memref<48x512xf32, #tpu.memory_space<vmem>>[vector<16xi32>, vector<16xi32>], vector<16xf32>,
        %parallel_loop3A_466 = arith.index_cast %parallel_loop3A_323 : i32 to index
        %parallel_loop3A_467 = arith.constant 272 : index
        %parallel_loop3A_468 = tpu.vector_load %arg7[%parallel_loop3A_466, %parallel_loop3A_467] {strides = array<i32>} : memref<48x480xf32, #tpu.memory_space<vmem>>, vector<16xf32>,
        tpu.vector_store %arg7[%parallel_loop3A_466, %parallel_loop3A_467], %parallel_loop3A_465 {strides = array<i32>} : memref<48x480xf32, #tpu.memory_space<vmem>>, vector<16xf32>,
        %parallel_loop3A_469 = arith.constant 288 : i32
        %parallel_loop3A_470 = arith.addi %sub3A_242, %parallel_loop3A_469 : i32
        %parallel_loop3A_471 = vector.broadcast %parallel_loop3A_470 : i32 to vector<16xi32>
        %parallel_loop3A_472 = arith.addi %iota3A, %parallel_loop3A_471 : vector<16xi32>
        %parallel_loop3A_473 = tpu.vector_load_idx %arg5[%parallel_loop3A_324, %parallel_loop3A_472] : memref<48x512xf32, #tpu.memory_space<vmem>>[vector<16xi32>, vector<16xi32>], vector<16xf32>,
        %parallel_loop3A_474 = arith.index_cast %parallel_loop3A_323 : i32 to index
        %parallel_loop3A_475 = arith.constant 288 : index
        %parallel_loop3A_476 = tpu.vector_load %arg7[%parallel_loop3A_474, %parallel_loop3A_475] {strides = array<i32>} : memref<48x480xf32, #tpu.memory_space<vmem>>, vector<16xf32>,
        tpu.vector_store %arg7[%parallel_loop3A_474, %parallel_loop3A_475], %parallel_loop3A_473 {strides = array<i32>} : memref<48x480xf32, #tpu.memory_space<vmem>>, vector<16xf32>,
        %parallel_loop3A_477 = arith.constant 304 : i32
        %parallel_loop3A_478 = arith.addi %sub3A_242, %parallel_loop3A_477 : i32
        %parallel_loop3A_479 = vector.broadcast %parallel_loop3A_478 : i32 to vector<16xi32>
        %parallel_loop3A_480 = arith.addi %iota3A, %parallel_loop3A_479 : vector<16xi32>
        %parallel_loop3A_481 = tpu.vector_load_idx %arg5[%parallel_loop3A_324, %parallel_loop3A_480] : memref<48x512xf32, #tpu.memory_space<vmem>>[vector<16xi32>, vector<16xi32>], vector<16xf32>,
        %parallel_loop3A_482 = arith.index_cast %parallel_loop3A_323 : i32 to index
        %parallel_loop3A_483 = arith.constant 304 : index
        %parallel_loop3A_484 = tpu.vector_load %arg7[%parallel_loop3A_482, %parallel_loop3A_483] {strides = array<i32>} : memref<48x480xf32, #tpu.memory_space<vmem>>, vector<16xf32>,
        tpu.vector_store %arg7[%parallel_loop3A_482, %parallel_loop3A_483], %parallel_loop3A_481 {strides = array<i32>} : memref<48x480xf32, #tpu.memory_space<vmem>>, vector<16xf32>,
        %parallel_loop3A_485 = arith.constant 320 : i32
        %parallel_loop3A_486 = arith.addi %sub3A_242, %parallel_loop3A_485 : i32
        %parallel_loop3A_487 = vector.broadcast %parallel_loop3A_486 : i32 to vector<16xi32>
        %parallel_loop3A_488 = arith.addi %iota3A, %parallel_loop3A_487 : vector<16xi32>
        %parallel_loop3A_489 = tpu.vector_load_idx %arg5[%parallel_loop3A_324, %parallel_loop3A_488] : memref<48x512xf32, #tpu.memory_space<vmem>>[vector<16xi32>, vector<16xi32>], vector<16xf32>,
        %parallel_loop3A_490 = arith.index_cast %parallel_loop3A_323 : i32 to index
        %parallel_loop3A_491 = arith.constant 320 : index
        %parallel_loop3A_492 = tpu.vector_load %arg7[%parallel_loop3A_490, %parallel_loop3A_491] {strides = array<i32>} : memref<48x480xf32, #tpu.memory_space<vmem>>, vector<16xf32>,
        tpu.vector_store %arg7[%parallel_loop3A_490, %parallel_loop3A_491], %parallel_loop3A_489 {strides = array<i32>} : memref<48x480xf32, #tpu.memory_space<vmem>>, vector<16xf32>,
        %parallel_loop3A_493 = arith.constant 336 : i32
        %parallel_loop3A_494 = arith.addi %sub3A_242, %parallel_loop3A_493 : i32
        %parallel_loop3A_495 = vector.broadcast %parallel_loop3A_494 : i32 to vector<16xi32>
        %parallel_loop3A_496 = arith.addi %iota3A, %parallel_loop3A_495 : vector<16xi32>
        %parallel_loop3A_497 = tpu.vector_load_idx %arg5[%parallel_loop3A_324, %parallel_loop3A_496] : memref<48x512xf32, #tpu.memory_space<vmem>>[vector<16xi32>, vector<16xi32>], vector<16xf32>,
        %parallel_loop3A_498 = arith.index_cast %parallel_loop3A_323 : i32 to index
        %parallel_loop3A_499 = arith.constant 336 : index
        %parallel_loop3A_500 = tpu.vector_load %arg7[%parallel_loop3A_498, %parallel_loop3A_499] {strides = array<i32>} : memref<48x480xf32, #tpu.memory_space<vmem>>, vector<16xf32>,
        tpu.vector_store %arg7[%parallel_loop3A_498, %parallel_loop3A_499], %parallel_loop3A_497 {strides = array<i32>} : memref<48x480xf32, #tpu.memory_space<vmem>>, vector<16xf32>,
        %parallel_loop3A_501 = arith.constant 352 : i32
        %parallel_loop3A_502 = arith.addi %sub3A_242, %parallel_loop3A_501 : i32
        %parallel_loop3A_503 = vector.broadcast %parallel_loop3A_502 : i32 to vector<16xi32>
        %parallel_loop3A_504 = arith.addi %iota3A, %parallel_loop3A_503 : vector<16xi32>
        %parallel_loop3A_505 = tpu.vector_load_idx %arg5[%parallel_loop3A_324, %parallel_loop3A_504] : memref<48x512xf32, #tpu.memory_space<vmem>>[vector<16xi32>, vector<16xi32>], vector<16xf32>,
        %parallel_loop3A_506 = arith.index_cast %parallel_loop3A_323 : i32 to index
        %parallel_loop3A_507 = arith.constant 352 : index
        %parallel_loop3A_508 = tpu.vector_load %arg7[%parallel_loop3A_506, %parallel_loop3A_507] {strides = array<i32>} : memref<48x480xf32, #tpu.memory_space<vmem>>, vector<16xf32>,
        tpu.vector_store %arg7[%parallel_loop3A_506, %parallel_loop3A_507], %parallel_loop3A_505 {strides = array<i32>} : memref<48x480xf32, #tpu.memory_space<vmem>>, vector<16xf32>,
        %parallel_loop3A_509 = arith.constant 368 : i32
        %parallel_loop3A_510 = arith.addi %sub3A_242, %parallel_loop3A_509 : i32
        %parallel_loop3A_511 = vector.broadcast %parallel_loop3A_510 : i32 to vector<16xi32>
        %parallel_loop3A_512 = arith.addi %iota3A, %parallel_loop3A_511 : vector<16xi32>
        %parallel_loop3A_513 = tpu.vector_load_idx %arg5[%parallel_loop3A_324, %parallel_loop3A_512] : memref<48x512xf32, #tpu.memory_space<vmem>>[vector<16xi32>, vector<16xi32>], vector<16xf32>,
        %parallel_loop3A_514 = arith.index_cast %parallel_loop3A_323 : i32 to index
        %parallel_loop3A_515 = arith.constant 368 : index
        %parallel_loop3A_516 = tpu.vector_load %arg7[%parallel_loop3A_514, %parallel_loop3A_515] {strides = array<i32>} : memref<48x480xf32, #tpu.memory_space<vmem>>, vector<16xf32>,
        tpu.vector_store %arg7[%parallel_loop3A_514, %parallel_loop3A_515], %parallel_loop3A_513 {strides = array<i32>} : memref<48x480xf32, #tpu.memory_space<vmem>>, vector<16xf32>,
        %parallel_loop3A_517 = arith.constant 384 : i32
        %parallel_loop3A_518 = arith.addi %sub3A_242, %parallel_loop3A_517 : i32
        %parallel_loop3A_519 = vector.broadcast %parallel_loop3A_518 : i32 to vector<16xi32>
        %parallel_loop3A_520 = arith.addi %iota3A, %parallel_loop3A_519 : vector<16xi32>
        %parallel_loop3A_521 = tpu.vector_load_idx %arg5[%parallel_loop3A_324, %parallel_loop3A_520] : memref<48x512xf32, #tpu.memory_space<vmem>>[vector<16xi32>, vector<16xi32>], vector<16xf32>,
        %parallel_loop3A_522 = arith.index_cast %parallel_loop3A_323 : i32 to index
        %parallel_loop3A_523 = arith.constant 384 : index
        %parallel_loop3A_524 = tpu.vector_load %arg7[%parallel_loop3A_522, %parallel_loop3A_523] {strides = array<i32>} : memref<48x480xf32, #tpu.memory_space<vmem>>, vector<16xf32>,
        tpu.vector_store %arg7[%parallel_loop3A_522, %parallel_loop3A_523], %parallel_loop3A_521 {strides = array<i32>} : memref<48x480xf32, #tpu.memory_space<vmem>>, vector<16xf32>,
        %parallel_loop3A_525 = arith.constant 400 : i32
        %parallel_loop3A_526 = arith.addi %sub3A_242, %parallel_loop3A_525 : i32
        %parallel_loop3A_527 = vector.broadcast %parallel_loop3A_526 : i32 to vector<16xi32>
        %parallel_loop3A_528 = arith.addi %iota3A, %parallel_loop3A_527 : vector<16xi32>
        %parallel_loop3A_529 = tpu.vector_load_idx %arg5[%parallel_loop3A_324, %parallel_loop3A_528] : memref<48x512xf32, #tpu.memory_space<vmem>>[vector<16xi32>, vector<16xi32>], vector<16xf32>,
        %parallel_loop3A_530 = arith.index_cast %parallel_loop3A_323 : i32 to index
        %parallel_loop3A_531 = arith.constant 400 : index
        %parallel_loop3A_532 = tpu.vector_load %arg7[%parallel_loop3A_530, %parallel_loop3A_531] {strides = array<i32>} : memref<48x480xf32, #tpu.memory_space<vmem>>, vector<16xf32>,
        tpu.vector_store %arg7[%parallel_loop3A_530, %parallel_loop3A_531], %parallel_loop3A_529 {strides = array<i32>} : memref<48x480xf32, #tpu.memory_space<vmem>>, vector<16xf32>,
        %parallel_loop3A_533 = arith.constant 416 : i32
        %parallel_loop3A_534 = arith.addi %sub3A_242, %parallel_loop3A_533 : i32
        %parallel_loop3A_535 = vector.broadcast %parallel_loop3A_534 : i32 to vector<16xi32>
        %parallel_loop3A_536 = arith.addi %iota3A, %parallel_loop3A_535 : vector<16xi32>
        %parallel_loop3A_537 = tpu.vector_load_idx %arg5[%parallel_loop3A_324, %parallel_loop3A_536] : memref<48x512xf32, #tpu.memory_space<vmem>>[vector<16xi32>, vector<16xi32>], vector<16xf32>,
        %parallel_loop3A_538 = arith.index_cast %parallel_loop3A_323 : i32 to index
        %parallel_loop3A_539 = arith.constant 416 : index
        %parallel_loop3A_540 = tpu.vector_load %arg7[%parallel_loop3A_538, %parallel_loop3A_539] {strides = array<i32>} : memref<48x480xf32, #tpu.memory_space<vmem>>, vector<16xf32>,
        tpu.vector_store %arg7[%parallel_loop3A_538, %parallel_loop3A_539], %parallel_loop3A_537 {strides = array<i32>} : memref<48x480xf32, #tpu.memory_space<vmem>>, vector<16xf32>,
        %parallel_loop3A_541 = arith.constant 432 : i32
        %parallel_loop3A_542 = arith.addi %sub3A_242, %parallel_loop3A_541 : i32
        %parallel_loop3A_543 = vector.broadcast %parallel_loop3A_542 : i32 to vector<16xi32>
        %parallel_loop3A_544 = arith.addi %iota3A, %parallel_loop3A_543 : vector<16xi32>
        %parallel_loop3A_545 = tpu.vector_load_idx %arg5[%parallel_loop3A_324, %parallel_loop3A_544] : memref<48x512xf32, #tpu.memory_space<vmem>>[vector<16xi32>, vector<16xi32>], vector<16xf32>,
        %parallel_loop3A_546 = arith.index_cast %parallel_loop3A_323 : i32 to index
        %parallel_loop3A_547 = arith.constant 432 : index
        %parallel_loop3A_548 = tpu.vector_load %arg7[%parallel_loop3A_546, %parallel_loop3A_547] {strides = array<i32>} : memref<48x480xf32, #tpu.memory_space<vmem>>, vector<16xf32>,
        tpu.vector_store %arg7[%parallel_loop3A_546, %parallel_loop3A_547], %parallel_loop3A_545 {strides = array<i32>} : memref<48x480xf32, #tpu.memory_space<vmem>>, vector<16xf32>,
        %parallel_loop3A_549 = arith.constant 448 : i32
        %parallel_loop3A_550 = arith.addi %sub3A_242, %parallel_loop3A_549 : i32
        %parallel_loop3A_551 = vector.broadcast %parallel_loop3A_550 : i32 to vector<16xi32>
        %parallel_loop3A_552 = arith.addi %iota3A, %parallel_loop3A_551 : vector<16xi32>
        %parallel_loop3A_553 = tpu.vector_load_idx %arg5[%parallel_loop3A_324, %parallel_loop3A_552] : memref<48x512xf32, #tpu.memory_space<vmem>>[vector<16xi32>, vector<16xi32>], vector<16xf32>,
        %parallel_loop3A_554 = arith.index_cast %parallel_loop3A_323 : i32 to index
        %parallel_loop3A_555 = arith.constant 448 : index
        %parallel_loop3A_556 = tpu.vector_load %arg7[%parallel_loop3A_554, %parallel_loop3A_555] {strides = array<i32>} : memref<48x480xf32, #tpu.memory_space<vmem>>, vector<16xf32>,
        tpu.vector_store %arg7[%parallel_loop3A_554, %parallel_loop3A_555], %parallel_loop3A_553 {strides = array<i32>} : memref<48x480xf32, #tpu.memory_space<vmem>>, vector<16xf32>,
        %parallel_loop3A_557 = arith.constant 464 : i32
        %parallel_loop3A_558 = arith.addi %sub3A_242, %parallel_loop3A_557 : i32
        %parallel_loop3A_559 = vector.broadcast %parallel_loop3A_558 : i32 to vector<16xi32>
        %parallel_loop3A_560 = arith.addi %iota3A, %parallel_loop3A_559 : vector<16xi32>
        %parallel_loop3A_561 = tpu.vector_load_idx %arg5[%parallel_loop3A_324, %parallel_loop3A_560] : memref<48x512xf32, #tpu.memory_space<vmem>>[vector<16xi32>, vector<16xi32>], vector<16xf32>,
        %parallel_loop3A_562 = arith.index_cast %parallel_loop3A_323 : i32 to index
        %parallel_loop3A_563 = arith.constant 464 : index
        %parallel_loop3A_564 = tpu.vector_load %arg7[%parallel_loop3A_562, %parallel_loop3A_563] {strides = array<i32>} : memref<48x480xf32, #tpu.memory_space<vmem>>, vector<16xf32>,
        tpu.vector_store %arg7[%parallel_loop3A_562, %parallel_loop3A_563], %parallel_loop3A_561 {strides = array<i32>} : memref<48x480xf32, #tpu.memory_space<vmem>>, vector<16xf32>,
      } {sc.loop_unroll_factor = 4 : i64, sc.parallel_access}
      %jit3A_264 = arith.constant 10 : i32
      %div3A_265 = arith.divsi %add3A_202, %jit3A_264 : i32
      %sign3A_266 = arith.constant 0 : i32
      %sign3A_267 = arith.cmpi sgt, %add3A_202, %sign3A_266 : i32
      %sign3A_268 = arith.extui %sign3A_267 : i1 to i32
      %sign3A_269 = arith.constant 0 : i32
      %sign3A_270 = arith.cmpi slt, %add3A_202, %sign3A_269 : i32
      %sign3A_271 = arith.extui %sign3A_270 : i1 to i32
      %sign3A_272 = arith.subi %sign3A_268, %sign3A_271 : i32
      %sign3A_273 = arith.constant 0 : i32
      %sign3A_274 = arith.cmpi sgt, %jit3A_264, %sign3A_273 : i32
      %sign3A_275 = arith.extui %sign3A_274 : i1 to i32
      %sign3A_276 = arith.constant 0 : i32
      %sign3A_277 = arith.cmpi slt, %jit3A_264, %sign3A_276 : i32
      %sign3A_278 = arith.extui %sign3A_277 : i1 to i32
      %sign3A_279 = arith.subi %sign3A_275, %sign3A_278 : i32
      %ne3A_280 = arith.cmpi ne, %sign3A_272, %sign3A_279 : i32
      %rem3A_281 = arith.remsi %add3A_202, %jit3A_264 : i32
      %ne3A_282 = arith.constant 0 : i32
      %ne3A_283 = arith.cmpi ne, %rem3A_281, %ne3A_282 : i32
      %and3A_284 = arith.andi %ne3A_280, %ne3A_283 : i1
      %sub3A_285 = arith.constant 1 : i32
      %sub3A_286 = arith.subi %div3A_265, %sub3A_285 : i32
      %select_n3A_287 = arith.select %and3A_284, %sub3A_286, %div3A_265 : i32
      %add3A_288 = arith.addi %mul3A_2, %select_n3A_287 : i32
      %rem3A_289 = arith.constant 3 : i32
      %rem3A_290 = arith.remsi %add3A_288, %rem3A_289 : i32
      %sub3A_291 = arith.constant 2 : i32
      %sub3A_292 = arith.subi %sub3A_291, %rem3A_290 : i32
      %jit3A_293 = arith.constant 10 : i32
      %eq3A_294 = arith.constant 0 : i32
      %eq3A_295 = arith.cmpi eq, %jit3A_293, %eq3A_294 : i32
      %jit3A_296 = arith.constant 1 : i32
      %select_n3A_297 = arith.select %eq3A_295, %jit3A_296, %jit3A_293 : i32
      %rem3A_298 = arith.remsi %add3A_202, %select_n3A_297 : i32
      %ne3A_299 = arith.constant 0 : i32
      %ne3A_300 = arith.cmpi ne, %rem3A_298, %ne3A_299 : i32
      %lt3A_301 = arith.constant 0 : i32
      %lt3A_302 = arith.cmpi slt, %rem3A_298, %lt3A_301 : i32
      %lt3A_303 = arith.constant 0 : i32
      %lt3A_304 = arith.cmpi slt, %select_n3A_297, %lt3A_303 : i32
      %ne3A_305 = arith.xori %lt3A_302, %lt3A_304 : i1
      %and3A_306 = arith.andi %ne3A_305, %ne3A_300 : i1
      %add3A_307 = arith.addi %rem3A_298, %select_n3A_297 : i32
      %select_n3A_308 = arith.select %and3A_306, %add3A_307, %rem3A_298 : i32
      %mul3A_309 = arith.constant 48 : i32
      %mul3A_310 = arith.muli %select_n3A_308, %mul3A_309 : i32
      %dma_start3A_311 = arith.constant 0 : i32
      %dma_start3A_312 = tpu.memref_slice %arg3[%add3A_288, %mul3A_310, %dma_start3A_311] : memref<128x480x480xf32, #tpu.memory_space<hbm>> -> memref<1x48x480xf32, #tpu.memory_space<hbm>>
      %dma_start3A_313 = tpu.memref_squeeze %dma_start3A_312 : memref<1x48x480xf32, #tpu.memory_space<hbm>> -> memref<48x480xf32, #tpu.memory_space<hbm>>
      %dma_start3A_314 = arith.constant 0 : i32
      %dma_start3A_315 = tpu.memref_slice %arg3[%add3A_288, %mul3A_310, %dma_start3A_314] : memref<128x480x480xf32, #tpu.memory_space<hbm>> -> memref<1x48x480xf32, #tpu.memory_space<hbm>>
      %dma_start3A_316 = tpu.memref_squeeze %dma_start3A_315 : memref<1x48x480xf32, #tpu.memory_space<hbm>> -> memref<48x480xf32, #tpu.memory_space<hbm>>
      tpu.enqueue_dma source(%arg7 : memref<48x480xf32, #tpu.memory_space<vmem>>) target(%dma_start3A_316 : memref<48x480xf32, #tpu.memory_space<hbm>>) target_semaphore(%arg13 : memref<!tpu.dma_semaphore, #tpu.memory_space<semaphore_mem>>)
      %lt3A_317 = arith.constant 19 : i32
      %lt3A_318 = arith.cmpi slt, %scan3A_86, %lt3A_317 : i32
      %convert_element_type3A_319 = arith.extui %lt3A_318 : i1 to i32
      %cond3A_320 = arith.constant 0 : i32
      %cond3A_321 = arith.cmpi ne, %convert_element_type3A_319, %cond3A_320 : i32
      scf.if %cond3A_321 {
        %add3A_323 = arith.constant 2 : i32
        %add3A_324 = arith.addi %add3A_202, %add3A_323 : i32
        %jit3A_325 = arith.constant 10 : i32
        %div3A_326 = arith.divsi %add3A_324, %jit3A_325 : i32
        %sign3A_327 = arith.constant 0 : i32
        %sign3A_328 = arith.cmpi sgt, %add3A_324, %sign3A_327 : i32
        %sign3A_329 = arith.extui %sign3A_328 : i1 to i32
        %sign3A_330 = arith.constant 0 : i32
        %sign3A_331 = arith.cmpi slt, %add3A_324, %sign3A_330 : i32
        %sign3A_332 = arith.extui %sign3A_331 : i1 to i32
        %sign3A_333 = arith.subi %sign3A_329, %sign3A_332 : i32
        %sign3A_334 = arith.constant 0 : i32
        %sign3A_335 = arith.cmpi sgt, %jit3A_325, %sign3A_334 : i32
        %sign3A_336 = arith.extui %sign3A_335 : i1 to i32
        %sign3A_337 = arith.constant 0 : i32
        %sign3A_338 = arith.cmpi slt, %jit3A_325, %sign3A_337 : i32
        %sign3A_339 = arith.extui %sign3A_338 : i1 to i32
        %sign3A_340 = arith.subi %sign3A_336, %sign3A_339 : i32
        %ne3A_341 = arith.cmpi ne, %sign3A_333, %sign3A_340 : i32
        %rem3A_342 = arith.remsi %add3A_324, %jit3A_325 : i32
        %ne3A_343 = arith.constant 0 : i32
        %ne3A_344 = arith.cmpi ne, %rem3A_342, %ne3A_343 : i32
        %and3A_345 = arith.andi %ne3A_341, %ne3A_344 : i1
        %sub3A_346 = arith.constant 1 : i32
        %sub3A_347 = arith.subi %div3A_326, %sub3A_346 : i32
        %select_n3A_348 = arith.select %and3A_345, %sub3A_347, %div3A_326 : i32
        %add3A_349 = arith.addi %mul3A_2, %select_n3A_348 : i32
        %rem3A_350 = arith.constant 3 : i32
        %rem3A_351 = arith.remsi %add3A_349, %rem3A_350 : i32
        %sub3A_352 = arith.constant 2 : i32
        %sub3A_353 = arith.subi %sub3A_352, %rem3A_351 : i32
        %jit3A_354 = arith.constant 10 : i32
        %eq3A_355 = arith.constant 0 : i32
        %eq3A_356 = arith.cmpi eq, %jit3A_354, %eq3A_355 : i32
        %jit3A_357 = arith.constant 1 : i32
        %select_n3A_358 = arith.select %eq3A_356, %jit3A_357, %jit3A_354 : i32
        %rem3A_359 = arith.remsi %add3A_324, %select_n3A_358 : i32
        %ne3A_360 = arith.constant 0 : i32
        %ne3A_361 = arith.cmpi ne, %rem3A_359, %ne3A_360 : i32
        %lt3A_362 = arith.constant 0 : i32
        %lt3A_363 = arith.cmpi slt, %rem3A_359, %lt3A_362 : i32
        %lt3A_364 = arith.constant 0 : i32
        %lt3A_365 = arith.cmpi slt, %select_n3A_358, %lt3A_364 : i32
        %ne3A_366 = arith.xori %lt3A_363, %lt3A_365 : i1
        %and3A_367 = arith.andi %ne3A_366, %ne3A_361 : i1
        %add3A_368 = arith.addi %rem3A_359, %select_n3A_358 : i32
        %select_n3A_369 = arith.select %and3A_367, %add3A_368, %rem3A_359 : i32
        %mul3A_370 = arith.constant 48 : i32
        %mul3A_371 = arith.muli %select_n3A_369, %mul3A_370 : i32
        %mul3A_372 = arith.constant 512 : i32
        %mul3A_373 = arith.muli %add3A_349, %mul3A_372 : i32
        %add3A_374 = arith.addi %mul3A_373, %sub3A_353 : i32
        %add3A_375 = arith.addi %add3A_374, %mul3A_371 : i32
        %add3A_376 = arith.constant 0 : i32
        %add3A_377 = arith.addi %add3A_375, %add3A_376 : i32
        %add3A_378 = vector.broadcast %add3A_377 : i32 to vector<16xi32>
        %add3A_379 = arith.addi %iota3A, %add3A_378 : vector<16xi32>
        %swap3A_380 = arith.constant 0 : index
        %swap3A_381 = tpu.vector_load %arg9[%swap3A_380] {strides = array<i32>} : memref<48xi32, #tpu.memory_space<vmem>>, vector<16xi32>,
        tpu.vector_store %arg9[%swap3A_380], %add3A_379 {strides = array<i32>} : memref<48xi32, #tpu.memory_space<vmem>>, vector<16xi32>,
        %add3A_382 = arith.constant 16 : i32
        %add3A_383 = arith.addi %add3A_375, %add3A_382 : i32
        %add3A_384 = vector.broadcast %add3A_383 : i32 to vector<16xi32>
        %add3A_385 = arith.addi %iota3A, %add3A_384 : vector<16xi32>
        %swap3A_386 = arith.constant 16 : index
        %swap3A_387 = tpu.vector_load %arg9[%swap3A_386] {strides = array<i32>} : memref<48xi32, #tpu.memory_space<vmem>>, vector<16xi32>,
        tpu.vector_store %arg9[%swap3A_386], %add3A_385 {strides = array<i32>} : memref<48xi32, #tpu.memory_space<vmem>>, vector<16xi32>,
        %add3A_388 = arith.constant 32 : i32
        %add3A_389 = arith.addi %add3A_375, %add3A_388 : i32
        %add3A_390 = vector.broadcast %add3A_389 : i32 to vector<16xi32>
        %add3A_391 = arith.addi %iota3A, %add3A_390 : vector<16xi32>
        %swap3A_392 = arith.constant 32 : index
        %swap3A_393 = tpu.vector_load %arg9[%swap3A_392] {strides = array<i32>} : memref<48xi32, #tpu.memory_space<vmem>>, vector<16xi32>,
        tpu.vector_store %arg9[%swap3A_392], %add3A_391 {strides = array<i32>} : memref<48xi32, #tpu.memory_space<vmem>>, vector<16xi32>,
        %dma_start3A_394 = arith.constant 0 : i32
        %dma_start3A_395 = arith.constant 0 : i32
        %dma_start3A_396 = tpu.memref_slice %arg2[%dma_start3A_394, %dma_start3A_395] : memref<65536x512xf32, #tpu.memory_space<hbm>> -> memref<65536x512xf32, #tpu.memory_space<hbm>>
        tpu.enqueue_indirect_dma source(%dma_start3A_396 : memref<65536x512xf32, #tpu.memory_space<hbm>>) target(%arg5 : memref<48x512xf32, #tpu.memory_space<vmem>>) offsets(%arg9 : memref<48xi32, #tpu.memory_space<vmem>>) semaphore(%arg11 : memref<!tpu.dma_semaphore, #tpu.memory_space<semaphore_mem>>)
      } else {
      }
      %scan3A_322 = arith.constant 0 : i32
      scf.yield %scan3A_322 : i32
    }
    %scan3A_68 = arith.constant 20 : i32
    %dma_wait3A = arith.constant 0 : i32
    %dma_wait3A_69 = arith.constant 0 : i32
    %dma_wait3A_70 = arith.constant 0 : i32
    %dma_wait3A_71 = tpu.memref_slice %arg3[%dma_wait3A, %dma_wait3A_69, %dma_wait3A_70] : memref<128x480x480xf32, #tpu.memory_space<hbm>> -> memref<1x48x480xf32, #tpu.memory_space<hbm>>
    %dma_wait3A_72 = tpu.memref_squeeze %dma_wait3A_71 : memref<1x48x480xf32, #tpu.memory_space<hbm>> -> memref<48x480xf32, #tpu.memory_space<hbm>>
    %dma_wait3A_73 = arith.constant 0 : i32
    %dma_wait3A_74 = arith.constant 0 : i32
    %dma_wait3A_75 = tpu.memref_slice %arg3[%dma_wait3A, %dma_wait3A_73, %dma_wait3A_74] : memref<128x480x480xf32, #tpu.memory_space<hbm>> -> memref<1x48x480xf32, #tpu.memory_space<hbm>>
    %dma_wait3A_76 = tpu.memref_squeeze %dma_wait3A_75 : memref<1x48x480xf32, #tpu.memory_space<hbm>> -> memref<48x480xf32, #tpu.memory_space<hbm>>
    tpu.wait_dma2 semaphore(%arg12 : memref<!tpu.dma_semaphore, #tpu.memory_space<semaphore_mem>>) src(%arg6 : memref<48x480xf32, #tpu.memory_space<vmem>>) dst(%dma_wait3A_76 : memref<48x480xf32, #tpu.memory_space<hbm>>)
    %dma_wait3A_77 = arith.constant 0 : i32
    %dma_wait3A_78 = arith.constant 0 : i32
    %dma_wait3A_79 = arith.constant 0 : i32
    %dma_wait3A_80 = tpu.memref_slice %arg3[%dma_wait3A_77, %dma_wait3A_78, %dma_wait3A_79] : memref<128x480x480xf32, #tpu.memory_space<hbm>> -> memref<1x48x480xf32, #tpu.memory_space<hbm>>
    %dma_wait3A_81 = tpu.memref_squeeze %dma_wait3A_80 : memref<1x48x480xf32, #tpu.memory_space<hbm>> -> memref<48x480xf32, #tpu.memory_space<hbm>>
    %dma_wait3A_82 = arith.constant 0 : i32
    %dma_wait3A_83 = arith.constant 0 : i32
    %dma_wait3A_84 = tpu.memref_slice %arg3[%dma_wait3A_77, %dma_wait3A_82, %dma_wait3A_83] : memref<128x480x480xf32, #tpu.memory_space<hbm>> -> memref<1x48x480xf32, #tpu.memory_space<hbm>>
    %dma_wait3A_85 = tpu.memref_squeeze %dma_wait3A_84 : memref<1x48x480xf32, #tpu.memory_space<hbm>> -> memref<48x480xf32, #tpu.memory_space<hbm>>
    tpu.wait_dma2 semaphore(%arg13 : memref<!tpu.dma_semaphore, #tpu.memory_space<semaphore_mem>>) src(%arg7 : memref<48x480xf32, #tpu.memory_space<vmem>>) dst(%dma_wait3A_85 : memref<48x480xf32, #tpu.memory_space<hbm>>)
    return
  }
}

</mosaic_0001>

<sc_bundles>
// kernel: kernel.3.cloned.1.call-start
scs
__scs_entry_jumppad:
0x0: {  	(pc) =	sbr.rel $0x88, $3  }
0x1: {  	(tag) =	ssettag $0x0;
	lr =	simm.s32 $0x1  }
0x2: {  	[smem:$0x3FA0] =	sst lr;
	_ =	strace $0xD0000000  }
0x3: {  	_ = 	snop  }
0x4: {  	_ = 	snop  }
0x5: {  	_ = 	snop  }
0x6: {  	_ = 	snop  }
0x7: {  	_ = 	snop  }
__scs_overlays_trampoline_lowered:
0x8: {  	[smem:$0x3FAF] =	sst s0  }
0x9: {  	[smem:$0x3FB0] =	sst s1  }
0xa: {  	[smem:$0x3FB1] =	sst s2  }
0xb: {  	[smem:$0x3FB2] =	sst s3  }
0xc: {  	[smem:$0x3FB3] =	sst s4  }
0xd: {  	[smem:$0x3FB4] =	sst s5  }
0xe: {  	[smem:$0x3FB5] =	sst s6  }
0xf: {  	[smem:$0x3FB6] =	sst s7  }
0x10: {  	[smem:$0x3FB7] =	sst s8  }
0x11: {  	[smem:$0x3FB8] =	sst s9;
	s0 =	simm.s32 @!p0 $0x0  }
0x12: {  	s1 =	sld [smem:$0x3F9E];
	s0 =	simm.s32 @p0 $0x1  }
0x13: {  	[smem:$0x3FB9] =	sst s0;
	s0 =	simm.s32 @!p1 $0x0  }
0x14: {  	s2 =	sld [smem:$0x3F9D];
	s0 =	simm.s32 @p1 $0x1  }
0x15: {  	[smem:$0x3FBA] =	sst s0;
	s0 =	simm.s32 @!p2 $0x0  }
0x16: {  	s3 =	sld [smem:$0x3FDB];
	s0 =	simm.s32 @p2 $0x1  }
0x17: {  	s4 =	simm.s32 $0x1BF5;
	[smem:$0x3FBC] =	sst s0  }
0x18: {  	s0 =	sld [smem:$0x3F9F];
	_ =	swait.ge [sflag:s4], $0x0  }
0x19: {  	s7 =	sld [smem:$0x3FA0]  }
0x1a: {  	s8 =	sadd.s32 $0xFFFFE003, lr  }
0x1b: {  	s9 =	sadd.s32 $0xFFFFFEF7, lr;
	s5 =	simm.s32 $0xFFFFFFFF;
	p2 =	slt.u32 s8, $0xFFFFF086  }
0x1c: {  	p1 =	slt.u32 s9, $0xF7A;
	s5 =	simm.s32 @!p2 $0x0  }
0x1d: {  	s5 =	simm.s32 @p1 $0x1;
	p0 =	seq.s32 s7, s2  }
0x1e: {  	s7 =	smul.u32 @!p0 $0xF7A, s2;
	p2 =	seq.s32 @!p0 s5, $0x0  }
0x1f: {  	s9 =	smul.u32 $0xF7A, s1;
	s8 =	simm.s32 @!p0 $0x1BF5;
	p2 =	por !p2, p0  }
0x20: {  	[sflag:s8] =	ssyncset.s32 @!p0 $0xFFFFF086;
	s6 =	sadd.s32 @!p0 s3, s7;
	s7 =	simm.s32 @!p0 $0x108  }
0x21: {  	s3 =	sadd.s32 s3, s9;
	s6 =	sadd.s32 @!p0 $0x88, s6;
	s7 =	simm.s32 @p2 $0x1082  }
0x22: {  	[simem:s7], [sflag:s8] =	dma.local @!p0 [hbm:s6], $0xF7A  }
0x23: {  	s9 =	sor.u32 $0xD0000000, s2;
	s6 =	simm.s32 $0x108;
	_ =	swait.ge @!p0 [sflag:s8], $0x0  }
0x24: {  	s3 =	sadd.s32 $0x88, s3;
	s6 =	simm.s32 @!p1 $0x1082;
	[sflag:s4] =	ssyncset.s32 $0xFFFFF086  }
0x25: {  	[simem:s6], [sflag:s4] =	dma.local [hbm:s3], $0xF7A  }
0x26: {  	[smem:$0x3FA0] =	sst s1;
	(tag) =	ssettag s2;
	_ =	strace s9  }
0x27: {  	s1 =	sld [smem:$0x3FB0]  }
0x28: {  	s2 =	sld [smem:$0x3FB1]  }
0x29: {  	s4 =	sld [smem:$0x3FB3]  }
0x2a: {  	p0 =	seq.s32 s5, $0x0;
	s5 =	sld [smem:$0x3FB4]  }
0x2b: {  	s6 =	sld [smem:$0x3FB5]  }
0x2c: {  	s7 =	sld [smem:$0x3FB6]  }
0x2d: {  	s3 =	simm.s32 $0x108;
	s8 =	sld [smem:$0x3FB7]  }
0x2e: {  	s3 =	simm.s32 @!p0 $0x1082;
	s9 =	sld [smem:$0x3FB8]  }
0x2f: {  	lr =	sadd.s32 s0, s3;
	s0 =	sld [smem:$0x3FAF]  }
0x30: {  	s3 =	sld [smem:$0x3FB2]  }
0x31: {  	[smem:$0x3FBB] =	sst s10  }
0x32: {  	s10 =	sld [smem:$0x3FB9];
	_ =	sdelay $0x3  }
0x33: {  	p0 =	seq.s32 s10, $0x1;
	s10 =	sld [smem:$0x3FBB];
	_ =	sdelay $0x3  }
0x34: {  	[smem:$0x3FBB] =	sst s10  }
0x35: {  	s10 =	sld [smem:$0x3FBA];
	_ =	sdelay $0x3  }
0x36: {  	p1 =	seq.s32 s10, $0x1;
	s10 =	sld [smem:$0x3FBB];
	_ =	sdelay $0x3  }
0x37: {  	[smem:$0x3FBB] =	sst s10  }
0x38: {  	s10 =	sld [smem:$0x3FBC]  }
0x39: {  	_ = 	snop;
	(pc) =	sbr.ind lr, $3  }
0x3a: {  	_ = 	snop  }
0x3b: {  	_ = 	snop  }
0x3c: {  	p2 =	seq.s32 s10, $0x1;
	s10 =	sld [smem:$0x3FBB]  }
0x3d: {  	_ =	shalt  }
0x3e: {  	_ =	shalt  }
0x3f: {  	_ =	shalt  }
0x40: {  	_ =	shalt  }
0x41: {  	_ =	shalt  }
0x42: {  	_ =	shalt  }
0x43: {  	_ =	shalt  }
0x44: {  	_ =	shalt  }
0x45: {  	_ =	shalt  }
0x46: {  	_ =	shalt  }
0x47: {  	_ =	shalt  }
0x48: {  	_ =	shalt  }
0x49: {  	_ =	shalt  }
0x4a: {  	_ =	shalt  }
0x4b: {  	_ =	shalt  }
0x4c: {  	_ =	shalt  }
0x4d: {  	_ =	shalt  }
0x4e: {  	_ =	shalt  }
0x4f: {  	_ =	shalt  }
0x50: {  	_ =	shalt  }
0x51: {  	_ =	shalt  }
0x52: {  	_ =	shalt  }
0x53: {  	_ =	shalt  }
0x54: {  	_ =	shalt  }
0x55: {  	_ =	shalt  }
0x56: {  	_ =	shalt  }
0x57: {  	_ =	shalt  }
0x58: {  	_ =	shalt  }
0x59: {  	_ =	shalt  }
0x5a: {  	_ =	shalt  }
0x5b: {  	_ =	shalt  }
0x5c: {  	_ =	shalt  }
0x5d: {  	_ =	shalt  }
0x5e: {  	_ =	shalt  }
0x5f: {  	_ =	shalt  }
0x60: {  	_ =	shalt  }
0x61: {  	_ =	shalt  }
0x62: {  	_ =	shalt  }
0x63: {  	_ =	shalt  }
0x64: {  	_ =	shalt  }
0x65: {  	_ =	shalt  }
0x66: {  	_ =	shalt  }
0x67: {  	_ =	shalt  }
0x68: {  	_ =	shalt  }
0x69: {  	_ =	shalt  }
0x6a: {  	_ =	shalt  }
0x6b: {  	_ =	shalt  }
0x6c: {  	_ =	shalt  }
0x6d: {  	_ =	shalt  }
0x6e: {  	_ =	shalt  }
0x6f: {  	_ =	shalt  }
0x70: {  	_ =	shalt  }
0x71: {  	_ =	shalt  }
0x72: {  	_ =	shalt  }
0x73: {  	_ =	shalt  }
0x74: {  	_ =	shalt  }
0x75: {  	_ =	shalt  }
0x76: {  	_ =	shalt  }
0x77: {  	_ =	shalt  }
0x78: {  	_ =	shalt  }
0x79: {  	_ =	shalt  }
0x7a: {  	_ =	shalt  }
0x7b: {  	_ =	shalt  }
0x7c: {  	_ =	shalt  }
0x7d: {  	_ =	shalt  }
0x7e: {  	_ =	shalt  }
0x7f: {  	_ =	shalt  }
0x80: {  	_ =	shalt  }
0x81: {  	_ =	shalt  }
0x82: {  	_ =	shalt  }
0x83: {  	_ =	shalt  }
0x84: {  	_ =	shalt  }
0x85: {  	_ =	shalt  }
0x86: {  	_ =	shalt  }
0x87: {  	_ =	shalt  }
.Lfunc_end0:
.L_simem_size_0:
called_computation_lowered:
.L_overlay_start_0:
0x88: {  	s2 =	sld [smem:$0x3FD9]  }
0x89: {  	s3 =	sld [smem:$0x3FFE];
	_ =	sdelay $0x1  }
0x8a: {  	s1 =	srdreg.scid  }
0x8b: {  	s0 =	sand.u32 $0x1, s1  }
0x8c: {  	s17 =	sshll.u32 s0, $0xA;
	s2 =	sadd.s32 s3, s2  }
0x8d: {  	s2 =	sadd.s32 s2, s17  }
0x8e: {  	[smem:$0x3FC7] =	sst s2  }
0x8f: {  	_ = 	snop  }
0x90: {  	s2 =	sld [smem:$0x3FC9];
	(tm) =	ssettm $0x1  }
0x91: {  	s18 =	sld [smem:$0x3FFB];
	_ =	sdelay $0x3  }
0x92: {  	_ =	strace s18  }
0x93: {  	s3 =	sld [smem:$0x3FFC];
	_ =	sdelay $0x3  }
0x94: {  	_ =	strace s3  }
0x95: {  	s3 =	sld [smem:$0x3FFD];
	_ =	sdelay $0x3  }
0x96: {  	_ =	strace s3  }
0x97: {  	_ =	strace $0x8FFFFFFF  }
0x98: {  	s19 =	sld [smem:$0x3FDB];
	_ =	sdelay $0x1  }
0x99: {  	s4 =	simm.s32 $_scs_section_size  }
0x9a: {  	s5 =	simm.s32 $_size__tile_overlayer_lowered;
	s6 =	simm.s32 $_tile_overlayer_lowered  }
0x9b: {  	s22 =	simm.s32 $0x1BFF;
	s21 =	sshll.u32 s6, $0x1;
	s3 =	sadd.s32 s4, s19  }
0x9c: {  	s7 =	simm.s32 $0x0;
	s20 =	sshll.u32 s5, $0x1;
	s5 =	sadd.s32 s21, s3  }
0x9d: {  	[timem:s7], [sflag:s22] =	dma.local [hbm:s5], s20  }
0x9e: {  	_ =	swait.ge [sflag:s22], s20  }
0x9f: {  	s4 =	ssub.s32 $0x0, s20;
	[sflag:s22] =	ssyncset.done $0x0  }
0xa0: {  	[sflag:s22] =	ssyncadd.s32 s4;
	_ =	sdelay $0x1  }
0xa1: {  	s23 =	simm.s32 $0x1B8B  }
0xa2: {  	_ =	swait.ge [sflag:s23], $0x1  }
0xa3: {  	[sflag:s23] =	ssyncset.done $0x0  }
0xa4: {  	s25 =	simm.s32 $0x1B8E;
	s24 =	sld [smem:$0x3FFE];
	[sflag:s23] =	ssyncadd.s32 $0xFFFFFFFF  }
0xa5: {  	s26 =	simm.s32 $execute0_lowered;
	[smem:$0x3FD2] =	sst s25  }
0xa6: {  	s5 =	sshll.u32 s26, $0x1;
	_ =	strace $0x80000046;
	[dreg:$0x1] =	wrdreg $0xFFFFFFFF  }
0xa7: {  	s28 =	simm.s32 $_size_execute0_lowered;
	s3 =	sadd.s32 s3, s5;
	[dreg:$0x0] =	wrdreg $0x0  }
0xa8: {  	s5 =	sshll.u32 s28, $0x1;
	[dreg:$0x2] =	wrdreg s3  }
0xa9: {  	[dreg:$0x3] =	wrdreg s5  }
0xaa: {  	[dreg:$0x4] =	wrdreg $0xC0  }
0xab: {  	_ =	task [dreg:s7], $0x5FFFF  }
0xac: {  	[dreg:$0x1] =	wrdreg $0xFFFFFFFF  }
0xad: {  	[dreg:$0x0] =	wrdreg $0x60  }
0xae: {  	[dreg:$0x2] =	wrdreg s2  }
0xaf: {  	[dreg:$0x3] =	wrdreg s24  }
0xb0: {  	[dreg:$0x4] =	wrdreg $0x9  }
0xb1: {  	_ =	task.clear_ibuf [dreg:s7], $0x5FFFF;
	_ =	strace $0x90000046  }
0xb2: {  	s29 =	simm.s32 $0x9;
	_ =	strace $0x80000048  }
0xb3: {  	_ =	swait.ge [sflag:s29], $0x1  }
0xb4: {  	[sflag:s29] =	ssyncadd.s32 $0xFFFFFFFF  }
0xb5: {  	_ =	strace $0x90000048  }
0xb6: {  	_ =	sfence  }
0xb7: {  	s30 =	sld [smem:$0x0];
	_ =	sdelay $0x2  }
0xb8: {  	s31 =	sshll.u32 s1, $0xD;
	s1 =	sshrl.u32 s1, $0x2  }
0xb9: {  	s3 =	sand.u32 $0x4000, s31;
	s1 =	sadd.s32 s1, s30  }
0xba: {  	s0 =	sor.u32 s3, s0;
	s1 =	sshll.u32 s1, $0x11  }
0xbb: {  	s0 =	sor.u32 s1, s0  }
0xbc: {  	s0 =	sadd.s32 $0x8F2B, s0  }
0xbd: {  	[sflag:s0] =	ssyncadd.remote.s32 $0x1  }
0xbe: {  	_ =	sfence.sel $0xFFFF  }
0xbf: {  	[dreg:$0x0] =	wrdreg $0xFFFFFFFF;
	(pc) =	sbr.abs _section_cstart, $3  }
0xc0: {  	[dreg:$0x1] =	wrdreg $0xFFFFFFFF  }
0xc1: {  	_ =	task.clear_ibuf [dreg:s7], $0x2FFFF;
	_ =	strace $0x9FFFFFFF  }
0xc2: {  	(tm) =	ssettm $0x7FFFFFFF  }
0xc3: {  	_ =	shalt  }
tec
execute0_lowered:
.L_overlay_start_1:
0x0: {  	(tag) =	ssettag $0x1  }
0x1: {  	s0 =	srdreg.scid;
	s1 =	stileid.u32  }
0x2: {  	s0 =	sand.u32 $0x1, s0;
	s1 =	sshll.u32 s1, $0x1  }
0x3: {  	s1 =	sor.u32 s0, s1  }
0x4: {  	s2 =	smul.u32 $0x158, s1;
	_ =	sdelay $0x1  }
0x5: {  	s2 =	sshrl.u32 s2, $0x8  }
0x6: {  	s2 =	smul.u32 $0x3, s2  }
0x7: {  	s8 =	sshll.u32 s1, $0x2  }
0x8: {  	s6 =	rddreg [dreg:$0x0];
	s20 =	simm.s32 $0x0;
	v22 =	vlaneseq.u32;
	s2 =	ssub.s32 s8, s2  }
0x9: {  	[smem:$0x7FF] =	sst s20;
	v5 =	vand.u32 $0x7, v22;
	v57 =	vshrl.u32 v22, $0x3;
	s1 =	sshll.u32 s1, $0xB;
	s2 =	sand.u32 $0xFF, s2  }
0xa: {  	s4 =	rddreg [dreg:$0x1];
	v6 =	vor.u32 $0x8, v22;
	_ =	strace $0x80000047;
	v7 =	vmul.u32 $0x8, v57;
	[tilespmem:$0x1FF80] =	vst v5;
	s1 =	ssub.s32 s1, s2  }
0xb: {  	[tilespmem:$0x1FF90] =	vst v6;
	s2 =	sadd.s32 $0x2, s1;
	s30 =	sadd.s32 $0x12, s1  }
0xc: {  	[tilespmem:$0x1FFE0] =	vst v7;
	s5 =	sadd.s32 $0x22, s1;
	v1 =	vadd.s32 s2, v22;
	v0 =	vadd.s32 s30, v22  }
0xd: {  	s31 =	sadd.s32 $0x32, s1;
	v2 =	vadd.s32 s5, v22;
	[tilespmem:$0x1FF30] =	vst v0;
	v56 =	vshll.u32 v1, $0x2  }
0xe: {  	s7 =	sadd.s32 $0x42, s1;
	v4 =	vadd.s32 s31, v22;
	[tilespmem:$0x1FF50] =	vst v1;
	v1 =	vand.u32 $0x7, v1;
	v0 =	vand.u32 $0xFFFFFFE0, v56  }
0xf: {  	v59 =	vadd.s32 s7, v22;
	[tilespmem:$0x1FF40] =	vst v2;
	v3 =	vshll.u32 v4, $0x2;
	v0 =	vor.u32 v1, v0  }
0x10: {  	s1 =	sadd.s32 $0x52, s1;
	[tilespmem:$0x1FF60] =	vst v4;
	v4 =	vand.u32 $0x7, v4;
	v3 =	vand.u32 $0xFFFFFFE0, v3;
	v1 =	vperm.xlane v0, v5  }
0x11: {  	v61 =	vadd.s32 s1, v22;
	[tilespmem:$0x1FF70] =	vst v59;
	v58 =	vor.u32 v4, v3;
	v0 =	vperm.xlane v0, v6  }
.Ltmp0:
0x12: {  	s4 =	sadd.s32 $0x400, s4;
	s0 =	ssub.s32 $0x2, s0;
	[tilespmem:$0x1FFA0] =	vst v61;
	v60 =	vperm.xlane v58, v5;
	v1 =	vadd.s32 v7, v1;
	(pc) =	sbr.rel .LBB2_1-.Ltmp0, $4  }
0x13: {  	s6 =	sadd.s32 $0x100, s6;
	[smem:$0x7FA] =	sst s4;
	s29 =	sshrl.u32 s0, $0x1;
	v2 =	vperm.xlane v58, v6;
	v0 =	vadd.s32 v7, v0;
	[tilespmem:$0x1FFB0] =	vst v1  }
0x14: {  	[smem:$0x7FB] =	sst s6;
	s0 =	ssub.s32 s0, s29;
	v62 =	vadd.s32 v7, v60;
	[tilespmem:$0x1FFC0] =	vst v0  }
0x15: {  	[smem:$0x7FD] =	sst s8;
	s0 =	smax.u32 s0, $0x1;
	v63 =	vadd.s32 v7, v2;
	[tilespmem:$0x1FFD0] =	vst v62  }
0x16: {  	s19 =	simm.s32 $0x6000;
	vm0 =	vmmov $0xffff;
	[smem:$0x7FC] =	sst s0;
	s2 =	simm.s32 $0x0;
	[tilespmem:$0x1FFF0] =	vst v63  }
.LBB2_10:
0x17: {  	s0 =	simm.s32 $0x3  }
0x18: {  	_ =	swait.ge [sflag:s0], $0x6000  }
0x19: {  	[sflag:s0] =	ssyncset.done $0x0  }
0x1a: {  	s1 =	simm.s32 $0x4;
	[sflag:s0] =	ssyncadd.s32 $0xFFFFA000  }
0x1b: {  	_ =	swait.ge [sflag:s1], $0x6000  }
0x1c: {  	s2 =	sld [smem:$0x7F9]  }
0x1d: {  	s31 =	sld [smem:$0x7FC];
	_ =	sdelay $0x1  }
0x1e: {  	s2 =	sadd.s32 $0x1, s2  }
0x1f: {  	p0 =	sne.s32 s2, s31  }
.Ltmp1:
0x20: {  	_ = 	snop;
	(pc) =	sbr.rel @!p0 .LBB2_11-.Ltmp1, $3  }
0x21: {  	_ =	sdelay $0x1  }
0x22: {  	[sflag:s1] =	ssyncset.done $0x0  }
0x23: {  	v22 =	vlaneseq.u32;
	s8 =	sld [smem:$0x7FD];
	[sflag:s1] =	ssyncadd.s32 $0xFFFFA000  }
.LBB2_1:
0x24: {  	v0 =	vld [tilespmem:$0x1FF50]  }
0x25: {  	v54 =	vld [tilespmem:$0x1FFB0]  }
0x26: {  	v52 =	vld [tilespmem:$0x1FF30]  }
0x27: {  	v53 =	vld [tilespmem:$0x1FF40];
	_ =	sdelay $0x1  }
0x28: {  	v55 =	vld [tilespmem:$0x1FFC0]  }
0x29: {  	[tilespmem:$0x18000] =	vst v0  }
0x2a: {  	s0 =	rddreg [dreg:$0x0];
	[tilespmem:$0x18010] =	vst v52  }
0x2b: {  	s1 =	sld [smem:$0x7FB];
	[tilespmem:$0x18020] =	vst v53  }
0x2c: {  	[tilespmem:s20], [sflag:$0x1] =	stream.indirect_vreg.gather [hbm4b:s0+s20], $0x80, v54, vm0, $0xb8;
	[tilespmem:$0x18100] =	vst v63  }
0x2d: {  	s6 =	simm.s32 $0x800  }
0x2e: {  	[tilespmem:s6], [sflag:$0x1] =	stream.indirect_vreg.gather [hbm4b:s1+s20], $0x80, v54, vm0, $0xb8;
	[tilespmem:$0x18100] =	vst v63  }
0x2f: {  	s7 =	simm.s32 $0x1000  }
0x30: {  	[tilespmem:s7], [sflag:$0x1] =	stream.indirect_vreg.gather [hbm4b:s0+s20], $0x80, v55, vm0, $0xb8;
	[tilespmem:$0x18100] =	vst v63  }
0x31: {  	s9 =	simm.s32 $0x1800  }
0x32: {  	[tilespmem:s9], [sflag:$0x1] =	stream.indirect_vreg.gather [hbm4b:s1+s20], $0x80, v55, vm0, $0xb8;
	[tilespmem:$0x18100] =	vst v63  }
0x33: {  	v0 =	vld [tilespmem:$0x18010];
	_ =	sdelay $0x2  }
0x34: {  	v2 =	vld [tilespmem:$0x1FF80];
	_ =	sdelay $0x1  }
0x35: {  	v4 =	vld [tilespmem:$0x1FFE0];
	v1 =	vshll.u32 v0, $0x2  }
0x36: {  	v0 =	vand.u32 $0x7, v0;
	v1 =	vand.u32 $0xFFFFFFE0, v1  }
0x37: {  	v3 =	vld [tilespmem:$0x1FF90];
	v0 =	vor.u32 v0, v1  }
0x38: {  	v1 =	vperm.xlane v0, v2;
	_ =	sdelay $0x1  }
0x39: {  	v1 =	vadd.s32 v4, v1;
	_ =	sdelay $0x1  }
0x3a: {  	v0 =	vperm.xlane v0, v3;
	_ =	sdelay $0x1  }
0x3b: {  	s10 =	simm.s32 $0x2000;
	v0 =	vadd.s32 v4, v0  }
0x3c: {  	[tilespmem:s10], [sflag:$0x1] =	stream.indirect_vreg.gather [hbm4b:s0+s20], $0x80, v1, vm0, $0xb8;
	[tilespmem:$0x18100] =	vst v63  }
0x3d: {  	s11 =	simm.s32 $0x2800  }
0x3e: {  	[tilespmem:s11], [sflag:$0x1] =	stream.indirect_vreg.gather [hbm4b:s1+s20], $0x80, v1, vm0, $0xb8;
	[tilespmem:$0x18100] =	vst v63  }
0x3f: {  	s12 =	simm.s32 $0x3000  }
0x40: {  	[tilespmem:s12], [sflag:$0x1] =	stream.indirect_vreg.gather [hbm4b:s0+s20], $0x80, v0, vm0, $0xb8;
	[tilespmem:$0x18100] =	vst v63  }
0x41: {  	s13 =	simm.s32 $0x3800  }
0x42: {  	[tilespmem:s13], [sflag:$0x1] =	stream.indirect_vreg.gather [hbm4b:s1+s20], $0x80, v0, vm0, $0xb8;
	[tilespmem:$0x18100] =	vst v63  }
0x43: {  	v0 =	vld [tilespmem:$0x18020];
	_ =	sdelay $0x4  }
0x44: {  	v56 =	vshll.u32 v0, $0x2  }
0x45: {  	v0 =	vand.u32 $0x7, v0;
	v1 =	vand.u32 $0xFFFFFFE0, v56  }
0x46: {  	v0 =	vor.u32 v0, v1  }
0x47: {  	v1 =	vperm.xlane v0, v2;
	_ =	sdelay $0x1  }
0x48: {  	v1 =	vadd.s32 v4, v1;
	_ =	sdelay $0x1  }
0x49: {  	v0 =	vperm.xlane v0, v3;
	_ =	sdelay $0x1  }
0x4a: {  	s14 =	simm.s32 $0x4000;
	v0 =	vadd.s32 v4, v0  }
0x4b: {  	[tilespmem:s14], [sflag:$0x1] =	stream.indirect_vreg.gather [hbm4b:s0+s20], $0x80, v1, vm0, $0xb8;
	[tilespmem:$0x18100] =	vst v63  }
0x4c: {  	s15 =	simm.s32 $0x4800;
	v57 =	vld [tilespmem:$0x1FF60]  }
0x4d: {  	v60 =	vld [tilespmem:$0x1FFD0];
	[tilespmem:s15], [sflag:$0x1] =	stream.indirect_vreg.gather [hbm4b:s1+s20], $0x80, v1, vm0, $0xb8  }
0x4e: {  	s16 =	simm.s32 $0x5000;
	v58 =	vld [tilespmem:$0x1FF70]  }
0x4f: {  	v59 =	vld [tilespmem:$0x1FFA0];
	[tilespmem:s16], [sflag:$0x1] =	stream.indirect_vreg.gather [hbm4b:s0+s20], $0x80, v0, vm0, $0xb8  }
0x50: {  	s17 =	simm.s32 $0x5800  }
0x51: {  	v61 =	vld [tilespmem:$0x1FFF0];
	[tilespmem:s17], [sflag:$0x1] =	stream.indirect_vreg.gather [hbm4b:s1+s20], $0x80, v0, vm0, $0xb8  }
0x52: {  	[tilespmem:$0x18080] =	vst v57  }
0x53: {  	[tilespmem:$0x18090] =	vst v58  }
0x54: {  	[tilespmem:$0x180A0] =	vst v59  }
0x55: {  	[tilespmem:s19], [sflag:$0x2] =	stream.indirect_vreg.gather [hbm4b:s0+s20], $0x80, v60, vm0, $0xb8;
	[tilespmem:$0x18100] =	vst v63  }
0x56: {  	s18 =	simm.s32 $0x6800  }
0x57: {  	[tilespmem:s18], [sflag:$0x2] =	stream.indirect_vreg.gather [hbm4b:s1+s20], $0x80, v60, vm0, $0xb8;
	[tilespmem:$0x18100] =	vst v63  }
0x58: {  	s21 =	simm.s32 $0x7000  }
0x59: {  	[tilespmem:s21], [sflag:$0x2] =	stream.indirect_vreg.gather [hbm4b:s0+s20], $0x80, v61, vm0, $0xb8;
	[tilespmem:$0x18100] =	vst v63  }
0x5a: {  	s22 =	simm.s32 $0x7800  }
0x5b: {  	[tilespmem:s22], [sflag:$0x2] =	stream.indirect_vreg.gather [hbm4b:s1+s20], $0x80, v61, vm0, $0xb8;
	[tilespmem:$0x18100] =	vst v63  }
0x5c: {  	v0 =	vld [tilespmem:$0x18090];
	_ =	sdelay $0x4  }
0x5d: {  	v62 =	vshll.u32 v0, $0x2  }
0x5e: {  	v0 =	vand.u32 $0x7, v0;
	v1 =	vand.u32 $0xFFFFFFE0, v62  }
0x5f: {  	v0 =	vor.u32 v0, v1  }
0x60: {  	v1 =	vperm.xlane v0, v2;
	_ =	sdelay $0x1  }
0x61: {  	v1 =	vadd.s32 v4, v1;
	_ =	sdelay $0x1  }
0x62: {  	v0 =	vperm.xlane v0, v3;
	_ =	sdelay $0x1  }
0x63: {  	s23 =	simm.s32 $0x8000;
	v0 =	vadd.s32 v4, v0  }
0x64: {  	[tilespmem:s23], [sflag:$0x2] =	stream.indirect_vreg.gather [hbm4b:s0+s20], $0x80, v1, vm0, $0xb8;
	[tilespmem:$0x18100] =	vst v63  }
0x65: {  	s24 =	simm.s32 $0x8800  }
0x66: {  	[tilespmem:s24], [sflag:$0x2] =	stream.indirect_vreg.gather [hbm4b:s1+s20], $0x80, v1, vm0, $0xb8;
	[tilespmem:$0x18100] =	vst v63  }
0x67: {  	s25 =	simm.s32 $0x9000  }
0x68: {  	[tilespmem:s25], [sflag:$0x2] =	stream.indirect_vreg.gather [hbm4b:s0+s20], $0x80, v0, vm0, $0xb8;
	[tilespmem:$0x18100] =	vst v63  }
0x69: {  	s26 =	simm.s32 $0x9800  }
0x6a: {  	[tilespmem:s26], [sflag:$0x2] =	stream.indirect_vreg.gather [hbm4b:s1+s20], $0x80, v0, vm0, $0xb8;
	[tilespmem:$0x18100] =	vst v63  }
0x6b: {  	v0 =	vld [tilespmem:$0x180A0];
	_ =	sdelay $0x4  }
0x6c: {  	v63 =	vshll.u32 v0, $0x2  }
0x6d: {  	v0 =	vand.u32 $0x7, v0;
	v1 =	vand.u32 $0xFFFFFFE0, v63  }
0x6e: {  	v0 =	vor.u32 v0, v1  }
0x6f: {  	v1 =	vperm.xlane v0, v2;
	_ =	sdelay $0x1  }
0x70: {  	v1 =	vadd.s32 v4, v1;
	_ =	sdelay $0x1  }
0x71: {  	v0 =	vperm.xlane v0, v3;
	_ =	sdelay $0x1  }
0x72: {  	s28 =	simm.s32 $0xA000;
	v0 =	vadd.s32 v4, v0  }
0x73: {  	[tilespmem:s28], [sflag:$0x2] =	stream.indirect_vreg.gather [hbm4b:s0+s20], $0x80, v1, vm0, $0xb8;
	[tilespmem:$0x18100] =	vst v63  }
0x74: {  	s29 =	simm.s32 $0xA800  }
0x75: {  	[tilespmem:s29], [sflag:$0x2] =	stream.indirect_vreg.gather [hbm4b:s1+s20], $0x80, v1, vm0, $0xb8;
	[tilespmem:$0x18100] =	vst v63  }
0x76: {  	s30 =	simm.s32 $0xB000  }
0x77: {  	[tilespmem:s30], [sflag:$0x2] =	stream.indirect_vreg.gather [hbm4b:s0+s20], $0x80, v0, vm0, $0xb8;
	[tilespmem:$0x18100] =	vst v63  }
0x78: {  	[smem:$0x7F9] =	sst s2;
	s31 =	simm.s32 $0xB800;
	s14 =	simm.s32 $0x0  }
0x79: {  	[tilespmem:s31], [sflag:$0x2] =	stream.indirect_vreg.gather [hbm4b:s1+s20], $0x80, v0, vm0, $0xb8;
	[tilespmem:$0x18100] =	vst v63  }
.LBB2_2:
0x7a: {  	s0 =	smul.u32 $0xCD, s14;
	_ =	sdelay $0x1  }
0x7b: {  	s0 =	sshrl.u32 s0, $0xA  }
0x7c: {  	s0 =	sand.u32 $0x3F, s0  }
0x7d: {  	s2 =	simm.s32 $0x1;
	s1 =	sadd.s32 s0, s8  }
0x7e: {  	v0 =	vmov s2;
	s0 =	smulhi.u32 $0x55555556, s1  }
0x7f: {  	s21 =	simm.s32 $0x3;
	v1 =	vshll.u32 v0, $0x9  }
0x80: {  	v2 =	vmov s21;
	v0 =	vshll.u32 v0, $0x7;
	v30 =	vand.u32 $0x7000, v1;
	s0 =	smul.u32 $0x3, s0  }
0x81: {  	s13 =	simm.s32 $0x2;
	s22 =	simm.s32 $0x1;
	v1 =	vshll.u32 v2, $0x9;
	v2 =	vshll.u32 v2, $0x7;
	v60 =	vand.u32 $0x280, v0  }
0x82: {  	s16 =	simm.s32 $0x0;
	v0 =	vmov s13;
	v36 =	vand.u32 $0x7000, v1;
	v44 =	vand.u32 $0x380, v2;
	[smem:$0x7F0] =	sst s1;
	s0 =	ssub.s32 s1, s0  }
0x83: {  	v61 =	vor.u32 v60, v30;
	v2 =	vshll.u32 v0, $0x9;
	v1 =	vmov s16;
	_ =	swait.ge [sflag:s22], $0x6000;
	s1 =	ssub.s32 $0x2, s0  }
0x84: {  	p0 =	seq.s32 s14, $0x0;
	v0 =	vshll.u32 v0, $0x7;
	v42 =	vor.u32 v44, v36;
	[tilespmem:$0x1FDE0] =	vst v30;
	[sflag:s22] =	ssyncset.done $0x0;
	v9 =	vadd.s32 s1, v22  }
0x85: {  	v34 =	vand.u32 $0x7000, v2;
	v31 =	vand.u32 $0x300, v0;
	[tilespmem:$0x1FE70] =	vst v2;
	[sflag:s22] =	ssyncadd.s32 $0xFFFFA000;
	s1 =	simm.s32 @!p0 $0x3;
	v6 =	vor.u32 v9, v42  }
0x86: {  	v0 =	vshll.u32 v1, $0x9;
	v1 =	vshll.u32 v1, $0x7;
	v11 =	vor.u32 v31, v34;
	_ =	swait.ge @!p0 [sflag:s1], $0x6000  }
0x87: {  	v8 =	vand.u32 $0x200, v1;
	v2 =	vand.u32 $0x7000, v0;
	v4 =	vor.u32 v9, v61;
	[tilespmem:$0x1FE10] =	vst v31  }
0x88: {  	v10 =	vor.u32 v8, v2;
	v7 =	vor.u32 v9, v11;
	[sflag:s1] =	ssyncset.done @!p0 $0x0;
	[tilespmem:$0x1FE00] =	vst v34  }
0x89: {  	s23 =	ssub.s32 $0x12, s0;
	v12 =	vor.u32 v9, v10;
	[tilespmem:$0x1FE30] =	vst v2;
	[sflag:s1] =	ssyncadd.s32 @!p0 $0xFFFFA000  }
0x8a: {  	v39 =	vadd.s32 s23, v22;
	v6 =	vld.idx.msk [tilespmem:v6+s20+$0x0], $0xffff  }
0x8b: {  	v13 =	vor.u32 v39, v42  }
0x8c: {  	s24 =	simm.s32 $0x180;
	s25 =	sand.u32 $0x7000, s16;
	v4 =	vld.idx.msk [tilespmem:v4+s20+$0x0], $0xffff  }
0x8d: {  	s2 =	sadd.s32 $0xC000, s25;
	v14 =	vor.u32 v39, v61;
	s1 =	sand.u32 $0x380, s24;
	v7 =	vld.idx.msk [tilespmem:v7+s20+$0x0], $0xffff  }
0x8e: {  	s4 =	simm.s32 $0x80;
	v15 =	vor.u32 v39, v11;
	s5 =	sor.u32 s1, s2;
	v12 =	vld.idx.msk [tilespmem:v12+s20+$0x0], $0xffff  }
0x8f: {  	s3 =	simm.s32 $0x100;
	s4 =	sand.u32 $0x280, s4;
	s26 =	ssub.s32 $0x22, s0;
	[tilespmem:s5+$0x0] =	vst v6;
	v6 =	vor.u32 v39, v10  }
0x90: {  	s7 =	simm.s32 $0x0;
	s6 =	sor.u32 s4, s2;
	v41 =	vadd.s32 s26, v22;
	s1 =	sand.u32 $0x300, s3;
	v13 =	vld.idx.msk [tilespmem:v13+s20+$0x0], $0xffff  }
0x91: {  	s7 =	sand.u32 $0x200, s7;
	s4 =	sor.u32 s1, s2;
	[tilespmem:s6+$0x0] =	vst v4;
	v4 =	vor.u32 v41, v42  }
0x92: {  	s1 =	sor.u32 s7, s2;
	[tilespmem:s4+$0x0] =	vst v7;
	v14 =	vld.idx.msk [tilespmem:v14+s20+$0x0], $0xffff  }
0x93: {  	v7 =	vor.u32 v41, v61;
	[tilespmem:s1+$0x0] =	vst v12;
	v12 =	vld.idx.msk [tilespmem:v15+s20+$0x0], $0xffff  }
0x94: {  	v15 =	vor.u32 v41, v11;
	v6 =	vld.idx.msk [tilespmem:v6+s20+$0x0], $0xffff  }
0x95: {  	s8 =	ssub.s32 $0x32, s0;
	[tilespmem:s5+$0x10] =	vst v13;
	v13 =	vor.u32 v41, v10  }
0x96: {  	v43 =	vadd.s32 s8, v22;
	v4 =	vld.idx.msk [tilespmem:v4+s20+$0x0], $0xffff  }
0x97: {  	s9 =	ssub.s32 $0x42, s0;
	[tilespmem:s6+$0x10] =	vst v14;
	v14 =	vor.u32 v43, v42  }
0x98: {  	v16 =	vadd.s32 s9, v22;
	[tilespmem:s4+$0x10] =	vst v12;
	v7 =	vld.idx.msk [tilespmem:v7+s20+$0x0], $0xffff  }
0x99: {  	v17 =	vshll.u32 v16, $0x3;
	v12 =	vor.u32 v43, v61;
	[tilespmem:s1+$0x10] =	vst v6;
	v6 =	vld.idx.msk [tilespmem:v15+s20+$0x0], $0xffff  }
0x9a: {  	v15 =	vand.u32 $0x7F, v16;
	v16 =	vand.u32 $0x400, v17;
	v17 =	vor.u32 v43, v11;
	v13 =	vld.idx.msk [tilespmem:v13+s20+$0x0], $0xffff  }
0x9b: {  	[tilespmem:s5+$0x20] =	vst v4;
	v4 =	vor.u32 v43, v10  }
0x9c: {  	v46 =	vor.u32 v16, v15;
	v14 =	vld.idx.msk [tilespmem:v14+s20+$0x0], $0xffff  }
0x9d: {  	[tilespmem:s6+$0x20] =	vst v7;
	v7 =	vor.u32 v46, v42  }
0x9e: {  	v12 =	vld.idx.msk [tilespmem:v12+s20+$0x0], $0xffff;
	[tilespmem:s4+$0x20] =	vst v6  }
0x9f: {  	v6 =	vor.u32 v46, v61;
	[tilespmem:s1+$0x20] =	vst v13;
	v13 =	vld.idx.msk [tilespmem:v17+s20+$0x0], $0xffff  }
0xa0: {  	v15 =	vor.u32 v46, v11;
	v4 =	vld.idx.msk [tilespmem:v4+s20+$0x0], $0xffff  }
0xa1: {  	s10 =	ssub.s32 $0x52, s0;
	[tilespmem:s5+$0x30] =	vst v14;
	v14 =	vor.u32 v46, v10  }
0xa2: {  	v62 =	vadd.s32 s10, v22;
	v7 =	vld.idx.msk [tilespmem:v7+s20+$0x0], $0xffff  }
0xa3: {  	s11 =	ssub.s32 $0x62, s0;
	[tilespmem:s6+$0x30] =	vst v12;
	v12 =	vor.u32 v62, v42  }
0xa4: {  	v16 =	vadd.s32 s11, v22;
	v6 =	vld.idx.msk [tilespmem:v6+s20+$0x0], $0xffff;
	[tilespmem:s4+$0x30] =	vst v13  }
0xa5: {  	v17 =	vshll.u32 v16, $0x3;
	v13 =	vor.u32 v62, v61;
	[tilespmem:s1+$0x30] =	vst v4;
	v4 =	vld.idx.msk [tilespmem:v15+s20+$0x0], $0xffff  }
0xa6: {  	v15 =	vand.u32 $0x7F, v16;
	v16 =	vand.u32 $0x400, v17;
	v17 =	vor.u32 v62, v11;
	v14 =	vld.idx.msk [tilespmem:v14+s20+$0x0], $0xffff  }
0xa7: {  	[tilespmem:s5+$0x40] =	vst v7;
	v7 =	vor.u32 v62, v10  }
0xa8: {  	v27 =	vor.u32 v16, v15;
	v12 =	vld.idx.msk [tilespmem:v12+s20+$0x0], $0xffff  }
0xa9: {  	[tilespmem:s6+$0x40] =	vst v6;
	v6 =	vor.u32 v27, v42  }
0xaa: {  	s12 =	ssub.s32 $0x72, s0;
	v13 =	vld.idx.msk [tilespmem:v13+s20+$0x0], $0xffff;
	[tilespmem:s4+$0x40] =	vst v4  }
0xab: {  	v15 =	vadd.s32 s12, v22;
	v4 =	vor.u32 v27, v61;
	[tilespmem:s1+$0x40] =	vst v14;
	v14 =	vld.idx.msk [tilespmem:v17+s20+$0x0], $0xffff  }
0xac: {  	v16 =	vshll.u32 v15, $0x3;
	v17 =	vor.u32 v27, v11;
	v7 =	vld.idx.msk [tilespmem:v7+s20+$0x0], $0xffff  }
0xad: {  	v15 =	vand.u32 $0x7F, v15;
	v16 =	vand.u32 $0x400, v16;
	[tilespmem:s5+$0x50] =	vst v12;
	v12 =	vor.u32 v27, v10  }
0xae: {  	v29 =	vor.u32 v16, v15;
	v6 =	vld.idx.msk [tilespmem:v6+s20+$0x0], $0xffff  }
0xaf: {  	[tilespmem:s6+$0x50] =	vst v13;
	v13 =	vor.u32 v29, v42  }
0xb0: {  	s15 =	ssub.s32 $0x82, s0;
	v4 =	vld.idx.msk [tilespmem:v4+s20+$0x0], $0xffff;
	[tilespmem:s4+$0x50] =	vst v14  }
0xb1: {  	v15 =	vadd.s32 s15, v22;
	v14 =	vor.u32 v29, v61;
	[tilespmem:s1+$0x50] =	vst v7;
	v7 =	vld.idx.msk [tilespmem:v17+s20+$0x0], $0xffff  }
0xb2: {  	v16 =	vshll.u32 v15, $0x3;
	v17 =	vor.u32 v29, v11;
	v12 =	vld.idx.msk [tilespmem:v12+s20+$0x0], $0xffff  }
0xb3: {  	v15 =	vand.u32 $0x7F, v15;
	v16 =	vand.u32 $0xC00, v16;
	[tilespmem:s5+$0x60] =	vst v6;
	v6 =	vor.u32 v29, v10  }
0xb4: {  	v24 =	vor.u32 v16, v15;
	v13 =	vld.idx.msk [tilespmem:v13+s20+$0x0], $0xffff  }
0xb5: {  	[tilespmem:s6+$0x60] =	vst v4;
	v4 =	vor.u32 v24, v42  }
0xb6: {  	v14 =	vld.idx.msk [tilespmem:v14+s20+$0x0], $0xffff;
	[tilespmem:s4+$0x60] =	vst v7  }
0xb7: {  	v7 =	vor.u32 v24, v61;
	[tilespmem:s1+$0x60] =	vst v12;
	v12 =	vld.idx.msk [tilespmem:v17+s20+$0x0], $0xffff  }
0xb8: {  	s17 =	ssub.s32 $0x92, s0;
	v16 =	vor.u32 v24, v11;
	v6 =	vld.idx.msk [tilespmem:v6+s20+$0x0], $0xffff  }
0xb9: {  	v15 =	vadd.s32 s17, v22;
	[tilespmem:s5+$0x70] =	vst v13;
	v13 =	vor.u32 v24, v10  }
0xba: {  	v23 =	vand.u32 $0x3F, v15;
	v15 =	vor.u32 $0x400, v42;
	v4 =	vld.idx.msk [tilespmem:v4+s20+$0x0], $0xffff  }
0xbb: {  	[tilespmem:s6+$0x70] =	vst v14;
	v14 =	vor.u32 v23, v15  }
0xbc: {  	v17 =	vor.u32 $0x400, v61;
	v7 =	vld.idx.msk [tilespmem:v7+s20+$0x0], $0xffff;
	[tilespmem:s4+$0x70] =	vst v12  }
0xbd: {  	v12 =	vor.u32 v23, v17;
	[tilespmem:s1+$0x70] =	vst v6;
	v6 =	vld.idx.msk [tilespmem:v16+s20+$0x0], $0xffff;
	v16 =	vor.u32 $0x400, v11  }
0xbe: {  	v19 =	vor.u32 $0x400, v10;
	s18 =	ssub.s32 $0xA2, s0;
	v13 =	vld.idx.msk [tilespmem:v13+s20+$0x0], $0xffff;
	v20 =	vor.u32 v23, v16  }
0xbf: {  	v18 =	vadd.s32 s18, v22;
	[tilespmem:s5+$0x400] =	vst v4;
	v4 =	vor.u32 v23, v19  }
0xc0: {  	v26 =	vand.u32 $0x7F, v18;
	v14 =	vld.idx.msk [tilespmem:v14+s20+$0x0], $0xffff  }
0xc1: {  	[tilespmem:s6+$0x400] =	vst v7;
	v7 =	vor.u32 v26, v15  }
0xc2: {  	v12 =	vld.idx.msk [tilespmem:v12+s20+$0x0], $0xffff;
	[tilespmem:s4+$0x400] =	vst v6  }
0xc3: {  	v6 =	vor.u32 v26, v17;
	[tilespmem:s1+$0x400] =	vst v13;
	v13 =	vld.idx.msk [tilespmem:v20+s20+$0x0], $0xffff  }
0xc4: {  	s21 =	ssub.s32 $0xB2, s0;
	v20 =	vor.u32 v26, v16;
	v4 =	vld.idx.msk [tilespmem:v4+s20+$0x0], $0xffff  }
0xc5: {  	v18 =	vadd.s32 s21, v22;
	[tilespmem:s5+$0x410] =	vst v14;
	v14 =	vor.u32 v26, v19  }
0xc6: {  	v5 =	vand.u32 $0x7F, v18;
	v7 =	vld.idx.msk [tilespmem:v7+s20+$0x0], $0xffff  }
0xc7: {  	[tilespmem:s6+$0x410] =	vst v12;
	v12 =	vor.u32 v5, v15  }
0xc8: {  	s22 =	ssub.s32 $0xC2, s0;
	v6 =	vld.idx.msk [tilespmem:v6+s20+$0x0], $0xffff;
	[tilespmem:s4+$0x410] =	vst v13  }
0xc9: {  	v18 =	vadd.s32 s22, v22;
	v13 =	vor.u32 v5, v17;
	[tilespmem:s1+$0x410] =	vst v4;
	v4 =	vld.idx.msk [tilespmem:v20+s20+$0x0], $0xffff  }
0xca: {  	v21 =	vshll.u32 v18, $0x3;
	v25 =	vor.u32 v5, v16;
	v14 =	vld.idx.msk [tilespmem:v14+s20+$0x0], $0xffff  }
0xcb: {  	v18 =	vand.u32 $0x7F, v18;
	v20 =	vand.u32 $0xC00, v21;
	[tilespmem:s5+$0x420] =	vst v7;
	v7 =	vor.u32 v5, v19  }
0xcc: {  	v3 =	vor.u32 v20, v18;
	v12 =	vld.idx.msk [tilespmem:v12+s20+$0x0], $0xffff  }
0xcd: {  	[tilespmem:s6+$0x420] =	vst v6;
	v6 =	vor.u32 v3, v42  }
0xce: {  	v13 =	vld.idx.msk [tilespmem:v13+s20+$0x0], $0xffff;
	[tilespmem:s4+$0x420] =	vst v4  }
0xcf: {  	v4 =	vor.u32 v3, v61;
	[tilespmem:s1+$0x420] =	vst v14;
	v14 =	vld.idx.msk [tilespmem:v25+s20+$0x0], $0xffff  }
0xd0: {  	s23 =	ssub.s32 $0xD2, s0;
	v25 =	vor.u32 v3, v11;
	v7 =	vld.idx.msk [tilespmem:v7+s20+$0x0], $0xffff  }
0xd1: {  	v18 =	vadd.s32 s23, v22;
	[tilespmem:s5+$0x430] =	vst v12;
	v12 =	vor.u32 v3, v10  }
0xd2: {  	v33 =	vand.u32 $0x7F, v18;
	v6 =	vld.idx.msk [tilespmem:v6+s20+$0x0], $0xffff  }
0xd3: {  	[tilespmem:s6+$0x430] =	vst v13;
	v13 =	vor.u32 v33, v15  }
0xd4: {  	s24 =	ssub.s32 $0xE2, s0;
	v4 =	vld.idx.msk [tilespmem:v4+s20+$0x0], $0xffff;
	[tilespmem:s4+$0x430] =	vst v14  }
0xd5: {  	v15 =	vadd.s32 s24, v22;
	v14 =	vor.u32 v33, v17;
	[tilespmem:s1+$0x430] =	vst v7;
	v7 =	vld.idx.msk [tilespmem:v25+s20+$0x0], $0xffff  }
0xd6: {  	v16 =	vor.u32 v33, v16;
	v17 =	vshll.u32 v15, $0x3;
	v12 =	vld.idx.msk [tilespmem:v12+s20+$0x0], $0xffff  }
0xd7: {  	v15 =	vand.u32 $0x7F, v15;
	v17 =	vand.u32 $0xC00, v17;
	[tilespmem:s5+$0x440] =	vst v6;
	v6 =	vor.u32 v33, v19  }
0xd8: {  	v32 =	vor.u32 v17, v15;
	v13 =	vld.idx.msk [tilespmem:v13+s20+$0x0], $0xffff  }
0xd9: {  	s25 =	ssub.s32 $0xF2, s0;
	[tilespmem:s6+$0x440] =	vst v4;
	v4 =	vor.u32 v32, v42  }
0xda: {  	v15 =	vadd.s32 s25, v22;
	v14 =	vld.idx.msk [tilespmem:v14+s20+$0x0], $0xffff;
	[tilespmem:s4+$0x440] =	vst v7  }
0xdb: {  	v17 =	vshll.u32 v15, $0x3;
	v7 =	vor.u32 v32, v61;
	[tilespmem:s1+$0x440] =	vst v12;
	v12 =	vld.idx.msk [tilespmem:v16+s20+$0x0], $0xffff  }
0xdc: {  	s8 =	simm.s32 $0x4;
	v15 =	vand.u32 $0x7F, v15;
	v17 =	vand.u32 $0xC00, v17;
	v16 =	vor.u32 v32, v11;
	v6 =	vld.idx.msk [tilespmem:v6+s20+$0x0], $0xffff  }
0xdd: {  	s26 =	ssub.s32 $0x102, s0;
	v25 =	vmov s8;
	v1 =	vor.u32 v17, v15;
	v17 =	vor.u32 v32, v10;
	[tilespmem:s5+$0x450] =	vst v13  }
0xde: {  	s3 =	simm.s32 $0x5;
	v63 =	vshll.u32 v25, $0x9;
	v15 =	vadd.s32 s26, v22;
	v4 =	vld.idx.msk [tilespmem:v4+s20+$0x0], $0xffff  }
0xdf: {  	v28 =	vand.u32 $0x7F, v15;
	v13 =	vmov s3;
	[tilespmem:s6+$0x450] =	vst v14;
	v14 =	vor.u32 v1, v42  }
0xe0: {  	s7 =	ssub.s32 $0x112, s0;
	v15 =	vshll.u32 v15, $0x3;
	v18 =	vshll.u32 v13, $0x9;
	v13 =	vshll.u32 v13, $0x7;
	v7 =	vld.idx.msk [tilespmem:v7+s20+$0x0], $0xffff;
	[tilespmem:s4+$0x450] =	vst v12  }
0xe1: {  	v48 =	vand.u32 $0x280, v13;
	v13 =	vadd.s32 s7, v22;
	v12 =	vor.u32 v1, v61;
	[tilespmem:s1+$0x450] =	vst v6;
	v6 =	vld.idx.msk [tilespmem:v16+s20+$0x0], $0xffff  }
0xe2: {  	v35 =	vand.u32 $0x1C00, v15;
	v20 =	vand.u32 $0x3F, v13;
	v16 =	vor.u32 v1, v11;
	v13 =	vld.idx.msk [tilespmem:v17+s20+$0x0], $0xffff  }
0xe3: {  	v50 =	vand.u32 $0x7000, v63;
	v19 =	vor.u32 v1, v10;
	[tilespmem:s5+$0x460] =	vst v4;
	v4 =	vadd.s32 v35, v36  }
0xe4: {  	s9 =	simm.s32 $0x6;
	v47 =	vand.u32 $0x7000, v18;
	v18 =	vadd.s32 v35, v2;
	v14 =	vld.idx.msk [tilespmem:v14+s20+$0x0], $0xffff;
	v4 =	vor.u32 v44, v4  }
0xe5: {  	v17 =	vadd.s32 v35, v30;
	v30 =	vmov s9;
	[tilespmem:s6+$0x460] =	vst v7;
	v4 =	vor.u32 v28, v4  }
0xe6: {  	v2 =	vshll.u32 v30, $0x9;
	v17 =	vor.u32 v60, v17;
	v7 =	vld.idx.msk [tilespmem:v12+s20+$0x0], $0xffff;
	v12 =	vadd.s32 v35, v34;
	[tilespmem:s4+$0x460] =	vst v6  }
0xe7: {  	s10 =	simm.s32 $0x7;
	v17 =	vor.u32 v28, v17;
	v6 =	vshll.u32 v30, $0x7;
	v12 =	vor.u32 v31, v12;
	[tilespmem:s1+$0x460] =	vst v13;
	v13 =	vld.idx.msk [tilespmem:v16+s20+$0x0], $0xffff  }
0xe8: {  	v16 =	vor.u32 v8, v18;
	v18 =	vor.u32 v28, v12;
	v12 =	vmov s10;
	[tilespmem:$0x1FE50] =	vst v8  }
0xe9: {  	v16 =	vor.u32 v28, v16;
	v30 =	vshll.u32 v12, $0x7;
	v19 =	vld.idx.msk [tilespmem:v19+s20+$0x0], $0xffff;
	[tilespmem:s5+$0x470] =	vst v14;
	v14 =	vshll.u32 v12, $0x9  }
0xea: {  	s11 =	sand.u32 $0x7, s16;
	v12 =	vor.u32 $0x800, v42;
	v55 =	vand.u32 $0x380, v30;
	v31 =	vld.idx.msk [tilespmem:v4+s20+$0x0], $0xffff;
	v56 =	vand.u32 $0x7000, v14;
	[tilespmem:$0x1FD80] =	vst v2  }
0xeb: {  	s2 =	sshll.u32 s11, $0x7;
	v54 =	vor.u32 v48, v47;
	[tilespmem:s6+$0x470] =	vst v7;
	v7 =	vor.u32 v20, v12;
	v59 =	vor.u32 v55, v56  }
0xec: {  	s2 =	sadd.s32 $0x0, s2;
	v15 =	vor.u32 v9, v54;
	v52 =	vand.u32 $0x7000, v2;
	v14 =	vld.idx.msk [tilespmem:v17+s20+$0x0], $0xffff;
	v17 =	vor.u32 v9, v59;
	[tilespmem:s4+$0x470] =	vst v13  }
0xed: {  	p1 =	por $0x0, $0x0;
	s15 =	sand.u32 $0x3, s16;
	s8 =	sadd.s32 $0x180, s2;
	v51 =	vand.u32 $0x300, v6;
	v6 =	vshll.u32 v25, $0x7;
	v4 =	vor.u32 $0x800, v61;
	v18 =	vld.idx.msk [tilespmem:v18+s20+$0x0], $0xffff  }
0xee: {  	s12 =	ssub.s32 $0x122, s0;
	s17 =	sor.u32 $0x800, s8;
	v57 =	vor.u32 v51, v52;
	v49 =	vand.u32 $0x200, v6;
	v13 =	vor.u32 v20, v4;
	s4 =	sshll.u32 s15, $0x8;
	[tilespmem:s1+$0x470] =	vst v19  }
0xef: {  	v6 =	vadd.s32 s12, v22;
	s5 =	simm.s32 $0x1;
	v58 =	vor.u32 v49, v50;
	s15 =	sadd.s32 $0x80, s2;
	s18 =	sadd.s32 $0x0, s4;
	v19 =	vor.u32 v9, v57;
	v16 =	vld.idx.msk [tilespmem:v16+s20+$0x0], $0xffff;
	[tilespmem:s17+$0xC000] =	vst v31  }
0xf0: {  	v2 =	vand.u32 $0x7F, v6;
	s5 =	simm.s32 @!p1 $0x0;
	v30 =	vor.u32 v9, v58;
	s2 =	sor.u32 $0x800, s15;
	s4 =	sadd.s32 $0x100, s18;
	v25 =	vld.idx.msk [tilespmem:v7+s20+$0x0], $0xffff  }
0xf1: {  	v6 =	vor.u32 $0x800, v11;
	s5 =	sshll.u32 s5, $0x9;
	s1 =	sor.u32 $0x800, s4;
	[tilespmem:s2+$0xC000] =	vst v14;
	v14 =	vld.idx.msk [tilespmem:v17+s20+$0x0], $0xffff;
	v17 =	vor.u32 v2, v12  }
0xf2: {  	s9 =	simm.s32 $0x800;
	v15 =	vld.idx.msk [tilespmem:v15+s20+$0x0], $0xffff;
	s6 =	sadd.s32 $0x0, s5;
	v31 =	vor.u32 v20, v6;
	[tilespmem:s1+$0xC000] =	vst v18  }
0xf3: {  	s28 =	simm.s32 $0x380;
	v21 =	vor.u32 v0, v8;
	s22 =	sand.u32 $0x7000, s9;
	s21 =	sor.u32 $0x800, s6;
	v13 =	vld.idx.msk [tilespmem:v13+s20+$0x0], $0xffff;
	[tilespmem:$0x1FD90] =	vst v20  }
0xf4: {  	s24 =	sand.u32 $0x380, s28;
	s23 =	sor.u32 $0x810, s8;
	v7 =	vor.u32 $0x800, v21;
	v18 =	vor.u32 v39, v59;
	s1 =	sadd.s32 $0xC000, s22;
	v19 =	vld.idx.msk [tilespmem:v19+s20+$0x0], $0xffff;
	[tilespmem:s21+$0xC000] =	vst v16  }
0xf5: {  	v40 =	vor.u32 v20, v7;
	s30 =	sor.u32 s24, s1;
	v16 =	vld.idx.msk [tilespmem:v30+s20+$0x0], $0xffff;
	[tilespmem:s23+$0xC000] =	vst v25  }
0xf6: {  	s11 =	simm.s32 $0x300;
	s26 =	simm.s32 $0x280;
	v17 =	vld.idx.msk [tilespmem:v17+s20+$0x0], $0xffff;
	[tilespmem:s30+$0x0] =	vst v14  }
0xf7: {  	s25 =	ssub.s32 $0x132, s0;
	s3 =	sor.u32 $0x810, s15;
	s2 =	sand.u32 $0x280, s26;
	v30 =	vor.u32 v39, v54;
	v14 =	vld.idx.msk [tilespmem:v31+s20+$0x0], $0xffff;
	[tilespmem:$0x1FDA0] =	vst v39  }
0xf8: {  	s11 =	sand.u32 $0x300, s11;
	s10 =	simm.s32 $0x200;
	v37 =	vor.u32 v39, v57;
	s5 =	sor.u32 s2, s1;
	v25 =	vadd.s32 s25, v22;
	[tilespmem:s3+$0xC000] =	vst v13  }
0xf9: {  	s12 =	sand.u32 $0x200, s10;
	s7 =	sor.u32 s11, s1;
	v38 =	vand.u32 $0x7F, v25;
	v31 =	vor.u32 v39, v58;
	v13 =	vld.idx.msk [tilespmem:v18+s20+$0x0], $0xffff;
	[tilespmem:s5+$0x0] =	vst v15  }
0xfa: {  	s1 =	sor.u32 s12, s1;
	v18 =	vor.u32 v38, v12;
	v15 =	vld.idx.msk [tilespmem:v40+s20+$0x0], $0xffff;
	[tilespmem:s7+$0x0] =	vst v19  }
0xfb: {  	v45 =	vor.u32 v2, v4;
	s18 =	sor.u32 $0x820, s8;
	[tilespmem:s1+$0x0] =	vst v16  }
0xfc: {  	v53 =	vor.u32 v41, v59;
	s17 =	ssub.s32 $0x142, s0;
	s21 =	sor.u32 $0x810, s4;
	v19 =	vld.idx.msk [tilespmem:v30+s20+$0x0], $0xffff;
	[tilespmem:s18+$0xC000] =	vst v17  }
0xfd: {  	v16 =	vadd.s32 s17, v22;
	v37 =	vld.idx.msk [tilespmem:v37+s20+$0x0], $0xffff;
	v17 =	vor.u32 v2, v6;
	[tilespmem:s21+$0xC000] =	vst v14  }
0xfe: {  	s22 =	sor.u32 $0x810, s6;
	v14 =	vshll.u32 v16, $0x3;
	v31 =	vld.idx.msk [tilespmem:v31+s20+$0x0], $0xffff;
	[tilespmem:s30+$0x10] =	vst v13  }
0xff: {  	v40 =	vor.u32 v41, v54;
	v14 =	vand.u32 $0xC00, v14;
	v13 =	vand.u32 $0x7F, v16;
	v16 =	vld.idx.msk [tilespmem:v18+s20+$0x0], $0xffff;
	[tilespmem:s22+$0xC000] =	vst v15  }
0x100: {  	v18 =	vor.u32 v41, v57;
	v0 =	vor.u32 v14, v13;
	v13 =	vld.idx.msk [tilespmem:v45+s20+$0x0], $0xffff;
	[tilespmem:$0x1FDB0] =	vst v41  }
0x101: {  	v14 =	vor.u32 v41, v58;
	v15 =	vld.idx.msk [tilespmem:v53+s20+$0x0], $0xffff;
	[tilespmem:s5+$0x10] =	vst v19  }
0x102: {  	v19 =	vor.u32 v0, v42;
	[tilespmem:s7+$0x10] =	vst v37;
	v17 =	vld.idx.msk [tilespmem:v17+s20+$0x0], $0xffff  }
0x103: {  	v34 =	vor.u32 v2, v7;
	s23 =	sor.u32 $0x830, s8;
	[tilespmem:s1+$0x10] =	vst v31  }
0x104: {  	s24 =	sor.u32 $0x820, s15;
	v45 =	vor.u32 v43, v59;
	v37 =	vld.idx.msk [tilespmem:v40+s20+$0x0], $0xffff;
	[tilespmem:s23+$0xC000] =	vst v16  }
0x105: {  	v16 =	vor.u32 v38, v4;
	v18 =	vld.idx.msk [tilespmem:v18+s20+$0x0], $0xffff;
	[tilespmem:s24+$0xC000] =	vst v13  }
0x106: {  	s26 =	sor.u32 $0x820, s4;
	s25 =	ssub.s32 $0x152, s0;
	v14 =	vld.idx.msk [tilespmem:v14+s20+$0x0], $0xffff;
	v13 =	vor.u32 v43, v54;
	[tilespmem:s30+$0x20] =	vst v15  }
0x107: {  	v53 =	vor.u32 v43, v57;
	v15 =	vadd.s32 s25, v22;
	v19 =	vld.idx.msk [tilespmem:v19+s20+$0x0], $0xffff;
	[tilespmem:s26+$0xC000] =	vst v17  }
0x108: {  	v20 =	vand.u32 $0x7F, v15;
	v15 =	vld.idx.msk [tilespmem:v34+s20+$0x0], $0xffff;
	v17 =	vor.u32 v43, v58;
	[tilespmem:$0x1FDC0] =	vst v43  }
0x109: {  	v12 =	vor.u32 v20, v12;
	[tilespmem:s5+$0x20] =	vst v37;
	v45 =	vld.idx.msk [tilespmem:v45+s20+$0x0], $0xffff  }
0x10a: {  	[tilespmem:s7+$0x20] =	vst v18;
	v18 =	vor.u32 v38, v6;
	v16 =	vld.idx.msk [tilespmem:v16+s20+$0x0], $0xffff  }
0x10b: {  	s11 =	sor.u32 $0x840, s8;
	s3 =	ssub.s32 $0x162, s0;
	v13 =	vld.idx.msk [tilespmem:v13+s20+$0x0], $0xffff;
	[tilespmem:s1+$0x20] =	vst v14;
	v14 =	vor.u32 v46, v59  }
0x10c: {  	s12 =	sor.u32 $0x820, s6;
	v39 =	vor.u32 v38, v7;
	v37 =	vld.idx.msk [tilespmem:v53+s20+$0x0], $0xffff;
	[tilespmem:s11+$0xC000] =	vst v19;
	v19 =	vadd.s32 s3, v22  }
0x10d: {  	v53 =	vor.u32 v46, v54;
	[tilespmem:s12+$0xC000] =	vst v15;
	v15 =	vld.idx.msk [tilespmem:v17+s20+$0x0], $0xffff;
	v17 =	vshll.u32 v19, $0x3  }
0x10e: {  	s17 =	sor.u32 $0x830, s15;
	v19 =	vand.u32 $0x7F, v19;
	v17 =	vand.u32 $0xC00, v17;
	v12 =	vld.idx.msk [tilespmem:v12+s20+$0x0], $0xffff;
	[tilespmem:s30+$0x30] =	vst v45;
	v45 =	vor.u32 v46, v57  }
0x10f: {  	v31 =	vmov v2;
	v2 =	vor.u32 v17, v19;
	[tilespmem:s17+$0xC000] =	vst v16;
	v16 =	vld.idx.msk [tilespmem:v18+s20+$0x0], $0xffff;
	v17 =	vor.u32 v46, v58  }
0x110: {  	[tilespmem:s5+$0x30] =	vst v13;
	v13 =	vld.idx.msk [tilespmem:v14+s20+$0x0], $0xffff;
	v14 =	vor.u32 v2, v42  }
0x111: {  	v18 =	vld.idx.msk [tilespmem:v39+s20+$0x0], $0xffff;
	v19 =	vor.u32 v0, v61;
	[tilespmem:s7+$0x30] =	vst v37  }
0x112: {  	s18 =	ssub.s32 $0x172, s0;
	s21 =	sor.u32 $0x850, s8;
	v39 =	vor.u32 v62, v59;
	[tilespmem:s1+$0x30] =	vst v15;
	v15 =	vld.idx.msk [tilespmem:v53+s20+$0x0], $0xffff  }
0x113: {  	s22 =	sor.u32 $0x830, s4;
	v40 =	vor.u32 v0, v11;
	v53 =	vadd.s32 s18, v22;
	[tilespmem:s21+$0xC000] =	vst v12;
	v12 =	vld.idx.msk [tilespmem:v45+s20+$0x0], $0xffff  }
0x114: {  	[tilespmem:s22+$0xC000] =	vst v16;
	v16 =	vld.idx.msk [tilespmem:v17+s20+$0x0], $0xffff;
	v17 =	vshll.u32 v53, $0x3;
	v45 =	vor.u32 v62, v54  }
0x115: {  	s23 =	sor.u32 $0x830, s6;
	[tilespmem:s30+$0x40] =	vst v13;
	v13 =	vand.u32 $0x7F, v53;
	v17 =	vand.u32 $0xC00, v17;
	v14 =	vld.idx.msk [tilespmem:v14+s20+$0x0], $0xffff;
	v53 =	vor.u32 v62, v57  }
0x116: {  	v30 =	vmov v1;
	[tilespmem:s23+$0xC000] =	vst v18;
	v1 =	vor.u32 v17, v13;
	v13 =	vld.idx.msk [tilespmem:v19+s20+$0x0], $0xffff;
	v17 =	vor.u32 v62, v58  }
0x117: {  	[tilespmem:s5+$0x40] =	vst v15;
	v15 =	vld.idx.msk [tilespmem:v39+s20+$0x0], $0xffff;
	v18 =	vor.u32 v1, v42  }
0x118: {  	v41 =	vmov v27;
	s24 =	ssub.s32 $0x182, s0;
	v19 =	vor.u32 v0, v10;
	[tilespmem:s7+$0x40] =	vst v12;
	v12 =	vld.idx.msk [tilespmem:v40+s20+$0x0], $0xffff  }
0x119: {  	s25 =	sor.u32 $0x860, s8;
	v39 =	vadd.s32 s24, v22;
	[tilespmem:s1+$0x40] =	vst v16;
	v16 =	vld.idx.msk [tilespmem:v45+s20+$0x0], $0xffff;
	v45 =	vor.u32 v41, v59  }
0x11a: {  	s26 =	sor.u32 $0x840, s15;
	v4 =	vor.u32 v20, v4;
	v37 =	vmov v23;
	v23 =	vshll.u32 v39, $0x3;
	[tilespmem:s25+$0xC000] =	vst v14;
	v14 =	vld.idx.msk [tilespmem:v53+s20+$0x0], $0xffff  }
0x11b: {  	v23 =	vand.u32 $0x1C00, v23;
	[tilespmem:s26+$0xC000] =	vst v13;
	v13 =	vld.idx.msk [tilespmem:v17+s20+$0x0], $0xffff;
	v17 =	vor.u32 v41, v54  }
0x11c: {  	s3 =	sor.u32 $0x840, s4;
	v53 =	vadd.s32 v23, v36;
	[tilespmem:s30+$0x50] =	vst v15;
	v15 =	vld.idx.msk [tilespmem:v18+s20+$0x0], $0xffff;
	v18 =	vor.u32 v41, v57  }
0x11d: {  	v43 =	vor.u32 v41, v58;
	v25 =	vand.u32 $0x7F, v39;
	[tilespmem:s3+$0xC000] =	vst v12;
	v12 =	vld.idx.msk [tilespmem:v19+s20+$0x0], $0xffff;
	v19 =	vor.u32 v44, v53  }
0x11e: {  	[tilespmem:s5+$0x50] =	vst v16;
	v16 =	vld.idx.msk [tilespmem:v45+s20+$0x0], $0xffff;
	v19 =	vor.u32 v25, v19  }
0x11f: {  	v6 =	vor.u32 v20, v6;
	v4 =	vld.idx.msk [tilespmem:v4+s20+$0x0], $0xffff;
	[tilespmem:s7+$0x50] =	vst v14  }
0x120: {  	s10 =	sor.u32 $0x870, s8;
	v7 =	vor.u32 v20, v7;
	[tilespmem:s1+$0x50] =	vst v13;
	v13 =	vld.idx.msk [tilespmem:v17+s20+$0x0], $0xffff  }
0x121: {  	s11 =	sor.u32 $0x840, s6;
	v14 =	vor.u32 v29, v59;
	[tilespmem:s10+$0xC000] =	vst v15;
	v15 =	vld.idx.msk [tilespmem:v18+s20+$0x0], $0xffff  }
0x122: {  	v17 =	vor.u32 v29, v54;
	[tilespmem:s11+$0xC000] =	vst v12;
	v12 =	vld.idx.msk [tilespmem:v43+s20+$0x0], $0xffff  }
0x123: {  	s12 =	ssub.s32 $0x192, s0;
	s17 =	sor.u32 $0x850, s15;
	[tilespmem:s30+$0x60] =	vst v16;
	v16 =	vld.idx.msk [tilespmem:v19+s20+$0x0], $0xffff;
	v19 =	vor.u32 v29, v57  }
0x124: {  	v18 =	vadd.s32 s12, v22;
	[tilespmem:s17+$0xC000] =	vst v4;
	v4 =	vld.idx.msk [tilespmem:v6+s20+$0x0], $0xffff  }
0x125: {  	v39 =	vmovc v24;
	v6 =	vor.u32 $0xC00, v42;
	v24 =	vand.u32 $0x3F, v18;
	v18 =	vor.u32 v29, v58;
	v7 =	vld.idx.msk [tilespmem:v7+s20+$0x0], $0xffff;
	[tilespmem:s5+$0x60] =	vst v13  }
0x126: {  	v13 =	vld.idx.msk [tilespmem:v14+s20+$0x0], $0xffff;
	v14 =	vor.u32 v24, v6;
	[tilespmem:s7+$0x60] =	vst v15  }
0x127: {  	s18 =	sor.u32 $0xC00, s8;
	v15 =	vor.u32 v2, v61;
	[tilespmem:s1+$0x60] =	vst v12;
	v12 =	vld.idx.msk [tilespmem:v17+s20+$0x0], $0xffff  }
0x128: {  	s21 =	sor.u32 $0x850, s4;
	v17 =	vor.u32 v39, v59;
	[tilespmem:s18+$0xC000] =	vst v16;
	v16 =	vld.idx.msk [tilespmem:v19+s20+$0x0], $0xffff  }
0x129: {  	s23 =	sor.u32 $0x850, s6;
	[tilespmem:s21+$0xC000] =	vst v4;
	v19 =	vor.u32 v2, v11  }
0x12a: {  	s22 =	ssub.s32 $0x1A2, s0;
	v4 =	vld.idx.msk [tilespmem:v18+s20+$0x0], $0xffff;
	v18 =	vor.u32 v39, v54;
	[tilespmem:s23+$0xC000] =	vst v7  }
0x12b: {  	v45 =	vor.u32 v39, v57;
	[tilespmem:s30+$0x70] =	vst v13;
	v13 =	vld.idx.msk [tilespmem:v14+s20+$0x0], $0xffff;
	v14 =	vadd.s32 s22, v22  }
0x12c: {  	v40 =	vmov v29;
	v29 =	vand.u32 $0x7F, v14;
	v7 =	vld.idx.msk [tilespmem:v15+s20+$0x0], $0xffff;
	v14 =	vor.u32 v39, v58;
	[tilespmem:s5+$0x70] =	vst v12  }
0x12d: {  	v15 =	vor.u32 v29, v6;
	v12 =	vld.idx.msk [tilespmem:v17+s20+$0x0], $0xffff;
	[tilespmem:s7+$0x70] =	vst v16  }
0x12e: {  	v17 =	vor.u32 v2, v10;
	v16 =	vld.idx.msk [tilespmem:v19+s20+$0x0], $0xffff;
	v19 =	vor.u32 $0x400, v59;
	[tilespmem:$0x1FDD0] =	vst v2  }
0x12f: {  	s24 =	sor.u32 $0xC10, s8;
	[tilespmem:s1+$0x70] =	vst v4;
	v4 =	vld.idx.msk [tilespmem:v18+s20+$0x0], $0xffff;
	v18 =	vor.u32 v37, v19  }
0x130: {  	s25 =	sor.u32 $0x860, s15;
	[tilespmem:s24+$0xC000] =	vst v13;
	v13 =	vld.idx.msk [tilespmem:v45+s20+$0x0], $0xffff;
	v45 =	vor.u32 v1, v61  }
0x131: {  	s26 =	ssub.s32 $0x1B2, s0;
	[tilespmem:s25+$0xC000] =	vst v7;
	v7 =	vld.idx.msk [tilespmem:v14+s20+$0x0], $0xffff  }
0x132: {  	s3 =	sor.u32 $0x860, s4;
	[tilespmem:s30+$0x400] =	vst v12;
	v12 =	vld.idx.msk [tilespmem:v15+s20+$0x0], $0xffff;
	v15 =	vadd.s32 s26, v22  }
0x133: {  	[tilespmem:s3+$0xC000] =	vst v16;
	v53 =	vand.u32 $0x7F, v15;
	v15 =	vld.idx.msk [tilespmem:v17+s20+$0x0], $0xffff  }
0x134: {  	[tilespmem:s5+$0x400] =	vst v4;
	v4 =	vld.idx.msk [tilespmem:v18+s20+$0x0], $0xffff  }
0x135: {  	v11 =	vor.u32 v1, v11;
	[tilespmem:s7+$0x400] =	vst v13;
	v13 =	vld.idx.msk [tilespmem:v45+s20+$0x0], $0xffff  }
0x136: {  	v42 =	vmov v62;
	v62 =	vor.u32 $0x400, v54;
	s12 =	sor.u32 $0xC20, s8;
	[tilespmem:s1+$0x400] =	vst v7  }
0x137: {  	v34 =	vmov v3;
	v3 =	vor.u32 $0x400, v57;
	s17 =	sor.u32 $0x860, s6;
	v14 =	vor.u32 v37, v62;
	[tilespmem:s12+$0xC000] =	vst v12  }
0x138: {  	v43 =	vmov v0;
	v0 =	vor.u32 v37, v3;
	v2 =	vor.u32 $0x400, v58;
	[tilespmem:s17+$0xC000] =	vst v15  }
0x139: {  	s18 =	sor.u32 $0x870, s15;
	v16 =	vor.u32 v37, v2;
	[tilespmem:s30+$0x410] =	vst v4  }
0x13a: {  	s11 =	ssub.s32 $0x1C2, s0;
	v17 =	vor.u32 v53, v6;
	v11 =	vld.idx.msk [tilespmem:v11+s20+$0x0], $0xffff;
	[tilespmem:s18+$0xC000] =	vst v13  }
0x13b: {  	v18 =	vadd.s32 s11, v22;
	v8 =	vld [tilespmem:$0x1FDE0]  }
0x13c: {  	v27 =	vmov v1;
	v1 =	vor.u32 v26, v19;
	v7 =	vld.idx.msk [tilespmem:v14+s20+$0x0], $0xffff;
	v14 =	vshll.u32 v18, $0x3  }
0x13d: {  	v10 =	vor.u32 v27, v10;
	v45 =	vmov v9;
	v0 =	vld.idx.msk [tilespmem:v0+s20+$0x0], $0xffff;
	v9 =	vand.u32 $0x1C00, v14  }
0x13e: {  	v12 =	vld.idx.msk [tilespmem:v16+s20+$0x0], $0xffff;
	v14 =	vadd.s32 v9, v36  }
0x13f: {  	v4 =	vor.u32 v44, v14;
	v14 =	vld.idx.msk [tilespmem:v17+s20+$0x0], $0xffff  }
0x140: {  	v15 =	vor.u32 v26, v62;
	v16 =	vor.u32 v26, v3;
	[tilespmem:$0x1FDF0] =	vst v26;
	v13 =	vadd.s32 v23, v8  }
0x141: {  	v44 =	vmov v20;
	v20 =	vand.u32 $0x7F, v18;
	[tilespmem:s5+$0x410] =	vst v7;
	v1 =	vld.idx.msk [tilespmem:v1+s20+$0x0], $0xffff;
	v7 =	vor.u32 v60, v13  }
0x142: {  	v4 =	vor.u32 v20, v4;
	[tilespmem:s7+$0x410] =	vst v0;
	v0 =	vor.u32 v25, v7;
	v7 =	vld.idx.msk [tilespmem:v10+s20+$0x0], $0xffff  }
0x143: {  	s21 =	sor.u32 $0xC30, s8;
	v18 =	vld [tilespmem:$0x1FE00];
	[tilespmem:s1+$0x410] =	vst v12  }
0x144: {  	s22 =	sor.u32 $0x870, s4;
	v36 =	vmov v60;
	v17 =	vor.u32 v26, v2;
	v60 =	vld [tilespmem:$0x1FE10];
	[tilespmem:s21+$0xC000] =	vst v14  }
0x145: {  	v12 =	vld.idx.msk [tilespmem:v15+s20+$0x0], $0xffff;
	[tilespmem:s22+$0xC000] =	vst v11  }
0x146: {  	s23 =	sor.u32 $0x870, s6;
	v14 =	vld.idx.msk [tilespmem:v16+s20+$0x0], $0xffff;
	[tilespmem:s30+$0x420] =	vst v1  }
0x147: {  	s0 =	ssub.s32 $0x1D2, s0;
	v13 =	vor.u32 v5, v19;
	v1 =	vld.idx.msk [tilespmem:v4+s20+$0x0], $0xffff;
	[tilespmem:s23+$0xC000] =	vst v7  }
0x148: {  	v4 =	vadd.s32 s0, v22;
	v22 =	vld [tilespmem:$0x1FE30]  }
0x149: {  	v11 =	vld.idx.msk [tilespmem:v17+s20+$0x0], $0xffff;
	v10 =	vadd.s32 v23, v18  }
0x14a: {  	v10 =	vor.u32 v60, v10;
	v0 =	vld.idx.msk [tilespmem:v0+s20+$0x0], $0xffff;
	[tilespmem:$0x1FE20] =	vst v23  }
0x14b: {  	v10 =	vor.u32 v25, v10;
	[tilespmem:$0x1FE40] =	vst v5  }
0x14c: {  	v15 =	vor.u32 v5, v62;
	[tilespmem:s5+$0x420] =	vst v12;
	v12 =	vld.idx.msk [tilespmem:v13+s20+$0x0], $0xffff  }
0x14d: {  	v16 =	vor.u32 v5, v3;
	v26 =	vand.u32 $0x7F, v4;
	v4 =	vadd.s32 v23, v22;
	v23 =	vld [tilespmem:$0x1FE50];
	[tilespmem:s7+$0x420] =	vst v14  }
0x14e: {  	[tilespmem:$0x1FE60] =	vst v25  }
0x14f: {  	s24 =	sor.u32 $0xC40, s8;
	[tilespmem:s1+$0x420] =	vst v11  }
0x150: {  	s25 =	sor.u32 $0xC00, s15;
	v7 =	vor.u32 v5, v2;
	v10 =	vld.idx.msk [tilespmem:v10+s20+$0x0], $0xffff;
	[tilespmem:s24+$0xC000] =	vst v1  }
0x151: {  	v6 =	vor.u32 v26, v6;
	v11 =	vld.idx.msk [tilespmem:v15+s20+$0x0], $0xffff;
	[tilespmem:s25+$0xC000] =	vst v0  }
0x152: {  	v14 =	vor.u32 v34, v59;
	v1 =	vld.idx.msk [tilespmem:v16+s20+$0x0], $0xffff;
	[tilespmem:s30+$0x430] =	vst v12;
	v4 =	vor.u32 v23, v4  }
0x153: {  	v13 =	vor.u32 v25, v4;
	v25 =	vor.u32 $0xC00, v61;
	v4 =	vld [tilespmem:$0x1FE70]  }
0x154: {  	v15 =	vor.u32 v24, v25  }
0x155: {  	s26 =	sor.u32 $0xC00, s4;
	v0 =	vld.idx.msk [tilespmem:v7+s20+$0x0], $0xffff  }
0x156: {  	v16 =	vor.u32 v34, v54;
	v12 =	vld.idx.msk [tilespmem:v6+s20+$0x0], $0xffff;
	[tilespmem:s26+$0xC000] =	vst v10  }
0x157: {  	v17 =	vor.u32 v34, v57;
	[tilespmem:s5+$0x430] =	vst v11;
	v11 =	vld.idx.msk [tilespmem:v14+s20+$0x0], $0xffff  }
0x158: {  	[tilespmem:s7+$0x430] =	vst v1;
	v7 =	vor.u32 v60, v4;
	v10 =	vld.idx.msk [tilespmem:v13+s20+$0x0], $0xffff  }
0x159: {  	v13 =	vor.u32 v34, v58;
	v6 =	vor.u32 $0xC00, v7;
	v1 =	vld.idx.msk [tilespmem:v15+s20+$0x0], $0xffff;
	[tilespmem:$0x1FE80] =	vst v24  }
0x15a: {  	s2 =	sor.u32 $0xC50, s8;
	v7 =	vor.u32 $0xC00, v21;
	v5 =	vor.u32 v24, v6;
	[tilespmem:s1+$0x430] =	vst v0  }
0x15b: {  	v14 =	vor.u32 v24, v7;
	v0 =	vld.idx.msk [tilespmem:v16+s20+$0x0], $0xffff;
	[tilespmem:s2+$0xC000] =	vst v12  }
0x15c: {  	s3 =	sor.u32 $0xC00, s6;
	v15 =	vor.u32 v33, v19;
	v12 =	vld.idx.msk [tilespmem:v17+s20+$0x0], $0xffff;
	[tilespmem:s30+$0x440] =	vst v11  }
0x15d: {  	s8 =	sor.u32 $0xC10, s15;
	v16 =	vor.u32 v29, v25;
	[tilespmem:s3+$0xC000] =	vst v10  }
0x15e: {  	v10 =	vld.idx.msk [tilespmem:v13+s20+$0x0], $0xffff;
	[tilespmem:s8+$0xC000] =	vst v1  }
0x15f: {  	v5 =	vld.idx.msk [tilespmem:v5+s20+$0x0], $0xffff;
	[tilespmem:$0x1FE90] =	vst v33  }
0x160: {  	v13 =	vor.u32 v33, v62;
	v1 =	vor.u32 v33, v2;
	v2 =	vld.idx.msk [tilespmem:v14+s20+$0x0], $0xffff;
	[tilespmem:s5+$0x440] =	vst v0  }
0x161: {  	v3 =	vor.u32 v33, v3;
	v0 =	vld.idx.msk [tilespmem:v15+s20+$0x0], $0xffff;
	[tilespmem:s7+$0x440] =	vst v12  }
0x162: {  	v12 =	vld.idx.msk [tilespmem:v16+s20+$0x0], $0xffff;
	[tilespmem:$0x1FEA0] =	vst v29  }
0x163: {  	s11 =	sor.u32 $0xC10, s4;
	[tilespmem:s1+$0x440] =	vst v10  }
0x164: {  	s12 =	sor.u32 $0xC10, s6;
	v11 =	vor.u32 v29, v6;
	[tilespmem:s11+$0xC000] =	vst v5  }
0x165: {  	v10 =	vld.idx.msk [tilespmem:v13+s20+$0x0], $0xffff;
	[tilespmem:s12+$0xC000] =	vst v2  }
0x166: {  	s3 =	sor.u32 $0xC40, s6;
	v14 =	vor.u32 v29, v7;
	v3 =	vld.idx.msk [tilespmem:v3+s20+$0x0], $0xffff;
	[tilespmem:s30+$0x450] =	vst v0  }
0x167: {  	s18 =	sor.u32 $0xC20, s15;
	v15 =	vor.u32 v32, v59;
	v1 =	vld.idx.msk [tilespmem:v1+s20+$0x0], $0xffff;
	[smem:$0x7F1] =	sst s3  }
0x168: {  	s21 =	sor.u32 $0xC40, s4;
	[tilespmem:s18+$0xC000] =	vst v12  }
0x169: {  	s22 =	sor.u32 $0xC50, s6;
	v0 =	vld.idx.msk [tilespmem:v11+s20+$0x0], $0xffff;
	[smem:$0x7F2] =	sst s21  }
0x16a: {  	v16 =	vor.u32 v53, v25;
	[smem:$0x7F3] =	sst s22  }
0x16b: {  	s10 =	simm.s32 $0x9;
	v2 =	vor.u32 v32, v54;
	v11 =	vld.idx.msk [tilespmem:v14+s20+$0x0], $0xffff;
	[tilespmem:s5+$0x450] =	vst v10  }
0x16c: {  	v13 =	vmov s10;
	v10 =	vld.idx.msk [tilespmem:v15+s20+$0x0], $0xffff;
	[tilespmem:$0x1FEB0] =	vst v32  }
0x16d: {  	v5 =	vshll.u32 v13, $0x9;
	[tilespmem:s7+$0x450] =	vst v3  }
0x16e: {  	s0 =	sor.u32 $0xC30, s6;
	s24 =	sand.u32 $0x3, s13;
	s26 =	sor.u32 $0xC40, s15;
	v4 =	vmovc v60;
	v13 =	vshll.u32 v13, $0x7;
	v60 =	vand.u32 $0x7000, v5;
	v5 =	vor.u32 v32, v57;
	[tilespmem:s1+$0x450] =	vst v1  }
0x16f: {  	s8 =	sor.u32 $0xC20, s6;
	s6 =	sshll.u32 s24, $0x8;
	v61 =	vand.u32 $0x280, v13;
	v3 =	vld.idx.msk [tilespmem:v16+s20+$0x0], $0xffff;
	[smem:$0x7F4] =	sst s26  }
0x170: {  	s17 =	sor.u32 $0xC20, s4;
	s6 =	sadd.s32 $0x800, s6;
	v62 =	vor.u32 v61, v60;
	v2 =	vld.idx.msk [tilespmem:v2+s20+$0x0], $0xffff;
	[tilespmem:$0x1FEC0] =	vst v53  }
0x171: {  	s31 =	sor.u32 $0xC50, s15;
	s25 =	sor.u32 $0xC30, s15;
	s15 =	sadd.s32 $0x100, s6;
	v12 =	vor.u32 v45, v62;
	[tilespmem:s17+$0xC000] =	vst v0  }
0x172: {  	[tilespmem:s8+$0xC000] =	vst v11;
	s17 =	sor.u32 $0x800, s15  }
0x173: {  	s18 =	sor.u32 $0x810, s15;
	v5 =	vld.idx.msk [tilespmem:v5+s20+$0x0], $0xffff;
	[smem:$0x7F5] =	sst s17  }
0x174: {  	v13 =	vor.u32 v32, v58;
	[dreg:$0x1b] =	wrdreg s18  }
0x175: {  	s21 =	sor.u32 $0x820, s15;
	v0 =	vadd.s32 v9, v22;
	[tilespmem:s30+$0x460] =	vst v10  }
0x176: {  	s22 =	sor.u32 $0x830, s15;
	v14 =	vadd.s32 v9, v8;
	v8 =	vor.u32 v23, v0;
	v0 =	vld.idx.msk [tilespmem:v12+s20+$0x0], $0xffff;
	[dreg:$0x17] =	wrdreg s21  }
0x177: {  	s24 =	sor.u32 $0x840, s15;
	v15 =	vor.u32 v53, v6;
	[dreg:$0x13] =	wrdreg s22  }
0x178: {  	[dreg:$0xf] =	wrdreg s24  }
0x179: {  	v10 =	vld.idx.msk [tilespmem:v13+s20+$0x0], $0xffff;
	[tilespmem:$0x1FED0] =	vst v9  }
0x17a: {  	v16 =	vor.u32 v53, v7;
	[tilespmem:s25+$0xC000] =	vst v3;
	s25 =	sor.u32 $0x850, s15  }
0x17b: {  	p1 =	por !p1, !p1;
	s26 =	sor.u32 $0x860, s15;
	[dreg:$0xb] =	wrdreg s25  }
0x17c: {  	v17 =	vor.u32 v30, v59;
	s12 =	simm.s32 $0x1;
	s3 =	sor.u32 $0x870, s15;
	v14 =	vor.u32 v36, v14;
	v3 =	vld.idx.msk [tilespmem:v15+s20+$0x0], $0xffff;
	[dreg:$0x6] =	wrdreg s26  }
0x17d: {  	s12 =	simm.s32 @!p1 $0x0;
	v11 =	vor.u32 v20, v14;
	[dreg:$0x4] =	wrdreg s3  }
0x17e: {  	s12 =	sshll.u32 s12, $0x9;
	[tilespmem:s5+$0x460] =	vst v2  }
0x17f: {  	s11 =	simm.s32 $0xA;
	s6 =	sadd.s32 $0x800, s12;
	v1 =	vadd.s32 v9, v18;
	v18 =	vld.idx.msk [tilespmem:v16+s20+$0x0], $0xffff;
	[tilespmem:$0x1FEE0] =	vst v30  }
0x180: {  	s12 =	sor.u32 $0x800, s6;
	s18 =	sor.u32 $0xC20, s15;
	s17 =	sor.u32 $0xC40, s15;
	v12 =	vor.u32 v30, v54;
	[tilespmem:s7+$0x460] =	vst v5  }
0x181: {  	s22 =	sor.u32 $0xC10, s15;
	v13 =	vadd.s32 v35, v56;
	s26 =	sor.u32 $0xC00, s15;
	s3 =	sor.u32 $0xC50, s15;
	v53 =	vld.idx.msk [tilespmem:v17+s20+$0x0], $0xffff;
	[tilespmem:$0x1FEF0] =	vst v20  }
0x182: {  	v16 =	vmov s11;
	s11 =	sor.u32 $0xC30, s15;
	s15 =	sor.u32 $0x810, s6;
	v5 =	vor.u32 v55, v13;
	v13 =	vld.idx.msk [tilespmem:v11+s20+$0x0], $0xffff;
	[smem:$0x7F6] =	sst s12  }
0x183: {  	v14 =	vor.u32 v30, v57;
	[dreg:$0x1d] =	wrdreg s15  }
0x184: {  	s21 =	sor.u32 $0x820, s6;
	[tilespmem:s1+$0x460] =	vst v10  }
0x185: {  	s24 =	sor.u32 $0x830, s6;
	v15 =	vld.idx.msk [tilespmem:v12+s20+$0x0], $0xffff;
	[dreg:$0x19] =	wrdreg s21  }
0x186: {  	s25 =	sor.u32 $0x840, s6;
	[dreg:$0x15] =	wrdreg s24  }
0x187: {  	s8 =	sor.u32 $0x850, s6;
	v2 =	vor.u32 v30, v58;
	[dreg:$0x11] =	wrdreg s25  }
0x188: {  	s10 =	sor.u32 $0x860, s6;
	v12 =	vld.idx.msk [tilespmem:v14+s20+$0x0], $0xffff;
	[dreg:$0xc] =	wrdreg s8  }
0x189: {  	v9 =	vor.u32 v4, v1;
	s12 =	sor.u32 $0x870, s6;
	[dreg:$0x8] =	wrdreg s10  }
0x18a: {  	s2 =	sor.u32 $0xC30, s4;
	v9 =	vor.u32 v20, v9;
	[dreg:$0x5] =	wrdreg s12  }
0x18b: {  	s23 =	sor.u32 $0xC50, s4;
	s4 =	simm.s32 $0x8;
	v4 =	vor.u32 v20, v8;
	[tilespmem:s2+$0xC000] =	vst v3  }
0x18c: {  	v1 =	vmov s4;
	v11 =	vor.u32 v28, v5;
	v5 =	vadd.s32 v35, v47;
	v17 =	vld.idx.msk [tilespmem:v2+s20+$0x0], $0xffff;
	[tilespmem:$0x1FF00] =	vst v35  }
0x18d: {  	v8 =	vshll.u32 v16, $0x9;
	v19 =	vshll.u32 v16, $0x7;
	v5 =	vor.u32 v48, v5;
	[tilespmem:s0+$0xC000] =	vst v18  }
0x18e: {  	s29 =	sor.u32 $0xC00, s6;
	s15 =	sor.u32 $0xC10, s6;
	v10 =	vor.u32 v26, v25;
	v16 =	vor.u32 v28, v5;
	v5 =	vadd.s32 v35, v52;
	[tilespmem:s30+$0x470] =	vst v53  }
0x18f: {  	s21 =	sor.u32 $0xC20, s6;
	s25 =	sor.u32 $0xC40, s6;
	s24 =	sor.u32 $0xC50, s6;
	v3 =	vor.u32 v51, v5;
	v2 =	vand.u32 $0x300, v19;
	v5 =	vadd.s32 v35, v50;
	v19 =	vld.idx.msk [tilespmem:v9+s20+$0x0], $0xffff;
	[tilespmem:$0x1FF10] =	vst v28  }
0x190: {  	s12 =	sor.u32 $0xC30, s6;
	v14 =	vor.u32 v49, v5;
	v5 =	vor.u32 v28, v3;
	v3 =	vand.u32 $0x7000, v8;
	v18 =	vld.idx.msk [tilespmem:v4+s20+$0x0], $0xffff;
	[smem:$0x7F7] =	sst s14;
	s14 =	sshll.u32 s14, $0x1  }
0x191: {  	v14 =	vor.u32 v28, v14;
	v9 =	vor.u32 v2, v3;
	s0 =	simm.s32 $0xB;
	s30 =	simm.s32 $0xC;
	v4 =	vshll.u32 v1, $0x9;
	[tilespmem:$0x1FF20] =	vst v27;
	[smem:$0x7F8] =	sst s14  }
.LBB2_3:
0x192: {  	[smem:$0x7DC] =	sst s26  }
0x193: {  	[smem:$0x7DE] =	sst s29  }
0x194: {  	[smem:$0x7E1] =	sst s22  }
0x195: {  	[smem:$0x7E3] =	sst s15  }
0x196: {  	[smem:$0x7E6] =	sst s18  }
0x197: {  	[smem:$0x7E8] =	sst s21  }
0x198: {  	s2 =	sld [smem:$0x7F4]  }
0x199: {  	[smem:$0x7ED] =	sst s12;
	s16 =	sadd.s32 $0x4, s16  }
0x19a: {  	[smem:$0x7EB] =	sst s11;
	s4 =	sand.u32 $0x7, s16  }
0x19b: {  	v20 =	vmov s0;
	s13 =	sadd.s32 $0x2, s13;
	s6 =	sld [smem:$0x7F2];
	s0 =	sshll.u32 s4, $0x7;
	[tilespmem:s2+$0xC000] =	vst v13  }
0x19c: {  	[dreg:$0x3] =	wrdreg s13;
	[tilespmem:s7+$0x470] =	vst v12;
	s0 =	sadd.s32 s9, s0  }
0x19d: {  	[tilespmem:s1+$0x470] =	vst v17;
	s7 =	sld [smem:$0x7F1];
	s1 =	sadd.s32 $0x80, s0  }
0x19e: {  	[tilespmem:s5+$0x470] =	vst v15;
	s5 =	sld [smem:$0x7F5];
	s10 =	sor.u32 $0x840, s1  }
0x19f: {  	v21 =	vld.idx.msk [tilespmem:v11+s20+$0x0], $0xffff;
	s11 =	sor.u32 $0x850, s1;
	[smem:$0x7D4] =	sst s10  }
0x1a0: {  	v32 =	vld [tilespmem:$0x1FD90];
	p1 =	por !p1, !p1;
	s12 =	sor.u32 $0x860, s1;
	[smem:$0x7D5] =	sst s11  }
0x1a1: {  	v23 =	vor.u32 v26, v6;
	s14 =	smov.u32 s3;
	v28 =	vld [tilespmem:$0x1FDB0];
	s15 =	sor.u32 $0x870, s1;
	[smem:$0x7D6] =	sst s12  }
0x1a2: {  	v22 =	vor.u32 v26, v7;
	s28 =	sadd.s32 $0x200, s28;
	v17 =	vld.idx.msk [tilespmem:v5+s20+$0x0], $0xffff;
	s18 =	sor.u32 $0xC00, s1;
	[smem:$0x7D8] =	sst s15  }
0x1a3: {  	v25 =	vor.u32 v45, v9;
	v6 =	vshll.u32 v20, $0x9;
	v7 =	vshll.u32 v20, $0x7;
	s9 =	sadd.s32 $0x800, s9;
	v27 =	vld.idx.msk [tilespmem:v14+s20+$0x0], $0xffff;
	s21 =	sor.u32 $0xC10, s1;
	[smem:$0x7DB] =	sst s18  }
0x1a4: {  	v6 =	vand.u32 $0x7000, v6;
	v11 =	vand.u32 $0x380, v7;
	v15 =	vor.u32 $0x800, v59;
	s8 =	sadd.s32 $0x180, s0;
	v20 =	vld.idx.msk [tilespmem:v10+s20+$0x0], $0xffff;
	s4 =	sor.u32 $0x800, s1;
	[smem:$0x7E0] =	sst s21  }
0x1a5: {  	v1 =	vshll.u32 v1, $0x7;
	v7 =	vor.u32 v11, v6;
	[tilespmem:s6+$0xC000] =	vst v19;
	v16 =	vld.idx.msk [tilespmem:v16+s20+$0x0], $0xffff;
	v24 =	vor.u32 v32, v15;
	s0 =	sor.u32 $0x810, s1;
	s22 =	sor.u32 $0xC20, s1;
	s10 =	sld [smem:$0x7F6]  }
0x1a6: {  	v35 =	vmovc v26;
	v1 =	vand.u32 $0x200, v1;
	v13 =	vor.u32 $0x800, v54;
	v26 =	vor.u32 v45, v7;
	s2 =	sor.u32 $0x800, s8;
	s26 =	sor.u32 $0xC30, s1;
	[tilespmem:s7+$0xC000] =	vst v18;
	v18 =	vld.idx.msk [tilespmem:v23+s20+$0x0], $0xffff;
	[smem:$0x7E5] =	sst s22  }
0x1a7: {  	v14 =	vor.u32 $0x800, v57;
	v10 =	vor.u32 v63, v49;
	v19 =	vor.u32 v32, v13;
	s3 =	sor.u32 $0x820, s1;
	s6 =	sor.u32 $0x830, s1;
	[tilespmem:s2+$0xC000] =	vst v21;
	[smem:$0x7EA] =	sst s26;
	v33 =	vld.idx.msk [tilespmem:v22+s20+$0x0], $0xffff  }
0x1a8: {  	v5 =	vand.u32 $0x7000, v4;
	v53 =	vor.u32 v32, v14;
	v12 =	vor.u32 $0x800, v10;
	s7 =	sand.u32 $0x3, s13;
	s11 =	smov.u32 s25;
	s12 =	sand.u32 $0x7000, s9;
	[tilespmem:s10+$0xC000] =	vst v27;
	v27 =	vld [tilespmem:$0x1FDA0]  }
0x1a9: {  	v63 =	vmov v4;
	v4 =	vor.u32 v1, v5;
	v25 =	vld.idx.msk [tilespmem:v25+s20+$0x0], $0xffff;
	s13 =	sor.u32 $0x810, s8;
	s15 =	sld [smem:$0x7F3];
	s18 =	sadd.s32 $0xFFFFFE80, s28;
	v36 =	vor.u32 v32, v12;
	[tilespmem:s5+$0xC000] =	vst v17  }
0x1aa: {  	s22 =	sand.u32 $0x380, s28;
	s25 =	sadd.s32 $0xFFFFFF80, s28;
	[smem:$0x7F1] =	sst s11;
	v24 =	vld.idx.msk [tilespmem:v24+s20+$0x0], $0xffff;
	[tilespmem:s31+$0xC000] =	vst v20;
	v20 =	vor.u32 v45, v4  }
0x1ab: {  	s21 =	sadd.s32 $0xC000, s12;
	s26 =	sand.u32 $0x200, s18;
	s2 =	sand.u32 $0x300, s25;
	v17 =	vor.u32 v31, v15;
	[tilespmem:s4+$0xC000] =	vst v16;
	v16 =	vld.idx.msk [tilespmem:v26+s20+$0x0], $0xffff  }
0x1ac: {  	s18 =	rddreg [dreg:$0x1b];
	s10 =	sshll.u32 s7, $0x8;
	s4 =	sor.u32 $0xC40, s1;
	v19 =	vld.idx.msk [tilespmem:v19+s20+$0x0], $0xffff  }
0x1ad: {  	v23 =	vld.idx.msk [tilespmem:v53+s20+$0x0], $0xffff;
	s31 =	sor.u32 s22, s21;
	[tilespmem:s23+$0xC000] =	vst v18;
	[smem:$0x7F4] =	sst s4;
	s4 =	simm.s32 $0x1;
	v26 =	vor.u32 v27, v7  }
0x1ae: {  	v53 =	vor.u32 v31, v13;
	s12 =	sadd.s32 s9, s10;
	s1 =	sor.u32 $0xC50, s1;
	v18 =	vld.idx.msk [tilespmem:v36+s20+$0x0], $0xffff;
	[tilespmem:s15+$0xC000] =	vst v33;
	s4 =	simm.s32 @!p1 $0x0  }
0x1af: {  	s23 =	sadd.s32 $0xFFFFFF00, s28;
	[smem:$0x7EF] =	sst s1;
	s4 =	sshll.u32 s4, $0x9;
	v32 =	vor.u32 v27, v62;
	v20 =	vld.idx.msk [tilespmem:v20+s20+$0x0], $0xffff;
	[tilespmem:s13+$0xC000] =	vst v24  }
0x1b0: {  	s5 =	sand.u32 $0x280, s23;
	v24 =	vor.u32 v27, v9;
	s23 =	sadd.s32 s4, s9;
	s13 =	smov.u32 s17;
	v17 =	vld.idx.msk [tilespmem:v17+s20+$0x0], $0xffff;
	[tilespmem:s31+$0x0] =	vst v16  }
0x1b1: {  	v29 =	vld [tilespmem:$0x1FE60];
	s5 =	sor.u32 s5, s21;
	v27 =	vor.u32 v27, v4;
	[smem:$0x7F2] =	sst s13;
	s25 =	sor.u32 $0x860, s23;
	[tilespmem:s0+$0xC000] =	vst v19  }
0x1b2: {  	s1 =	sor.u32 s26, s21;
	s26 =	sor.u32 $0x870, s23;
	[smem:$0x7D7] =	sst s25;
	[tilespmem:s5+$0x0] =	vst v0;
	v16 =	vld.idx.msk [tilespmem:v26+s20+$0x0], $0xffff  }
0x1b3: {  	s7 =	sor.u32 s2, s21;
	s4 =	sadd.s32 $0x100, s12;
	v19 =	vor.u32 v38, v15;
	[smem:$0x7DA] =	sst s26;
	v0 =	vld.idx.msk [tilespmem:v53+s20+$0x0], $0xffff  }
0x1b4: {  	v33 =	vor.u32 v31, v14;
	[tilespmem:s7+$0x0] =	vst v25;
	s25 =	sor.u32 $0x870, s4;
	s26 =	rddreg [dreg:$0x1d];
	v21 =	vld.idx.msk [tilespmem:v32+s20+$0x0], $0xffff  }
0x1b5: {  	v25 =	vor.u32 v28, v7;
	s17 =	sor.u32 $0x820, s8;
	[smem:$0x7D9] =	sst s25;
	s25 =	sor.u32 $0xC00, s23;
	[tilespmem:s1+$0x0] =	vst v20;
	v20 =	vld.idx.msk [tilespmem:v24+s20+$0x0], $0xffff  }
0x1b6: {  	s15 =	sor.u32 $0x800, s23;
	[smem:$0x7DF] =	sst s25;
	s25 =	sor.u32 $0xC10, s4;
	v24 =	vor.u32 v31, v12;
	[tilespmem:s18+$0xC000] =	vst v23;
	v26 =	vld.idx.msk [tilespmem:v27+s20+$0x0], $0xffff  }
0x1b7: {  	v36 =	vor.u32 v28, v4;
	s13 =	smov.u32 s24;
	[smem:$0x7E2] =	sst s25;
	s25 =	sor.u32 $0xC20, s23;
	v27 =	vor.u32 v28, v62;
	[tilespmem:s17+$0xC000] =	vst v17;
	v17 =	vor.u32 v28, v9;
	v28 =	vld [tilespmem:$0x1FDC0]  }
0x1b8: {  	s24 =	sor.u32 $0x810, s23;
	[tilespmem:s26+$0xC000] =	vst v18;
	s26 =	sor.u32 $0xC00, s4;
	[smem:$0x7E9] =	sst s25;
	v19 =	vld.idx.msk [tilespmem:v19+s20+$0x0], $0xffff  }
0x1b9: {  	s29 =	sor.u32 $0x810, s4;
	s25 =	sor.u32 $0xC30, s23;
	[smem:$0x7DD] =	sst s26;
	[tilespmem:s31+$0x10] =	vst v16;
	v16 =	vld.idx.msk [tilespmem:v33+s20+$0x0], $0xffff  }
0x1ba: {  	s11 =	sor.u32 $0x820, s23;
	v18 =	vor.u32 v43, v59;
	s26 =	sor.u32 $0xC10, s23;
	[smem:$0x7EE] =	sst s25;
	v53 =	vld.idx.msk [tilespmem:v25+s20+$0x0], $0xffff  }
0x1bb: {  	s21 =	sor.u32 $0x830, s23;
	[smem:$0x7E4] =	sst s26;
	s26 =	sor.u32 $0xC20, s4;
	[tilespmem:s5+$0x10] =	vst v21;
	v32 =	vld.idx.msk [tilespmem:v24+s20+$0x0], $0xffff  }
0x1bc: {  	s12 =	sor.u32 $0x840, s23;
	[smem:$0x7E7] =	sst s26;
	s26 =	sor.u32 $0xC30, s4;
	v24 =	vor.u32 v38, v13;
	[tilespmem:s7+$0x10] =	vst v20;
	v25 =	vld.idx.msk [tilespmem:v27+s20+$0x0], $0xffff  }
0x1bd: {  	s2 =	sor.u32 $0x850, s23;
	[smem:$0x7EC] =	sst s26;
	s26 =	sor.u32 $0x830, s8;
	v20 =	vor.u32 v28, v7;
	[tilespmem:s1+$0x10] =	vst v26;
	v17 =	vld.idx.msk [tilespmem:v17+s20+$0x0], $0xffff  }
0x1be: {  	s25 =	sor.u32 $0xC40, s23;
	v26 =	vor.u32 v38, v14;
	v23 =	vld.idx.msk [tilespmem:v36+s20+$0x0], $0xffff;
	[tilespmem:s26+$0xC000] =	vst v19;
	s26 =	sor.u32 $0xC50, s23;
	s23 =	smov.u32 s24  }
0x1bf: {  	v27 =	vor.u32 v28, v62;
	[tilespmem:s3+$0xC000] =	vst v0;
	v0 =	vld.idx.msk [tilespmem:v18+s20+$0x0], $0xffff;
	[dreg:$0x1d] =	wrdreg s23;
	s23 =	smov.u32 s29  }
0x1c0: {  	v19 =	vor.u32 v28, v9;
	v18 =	vor.u32 v28, v4;
	v28 =	vld [tilespmem:$0x1FE80];
	[dreg:$0x1b] =	wrdreg s23  }
0x1c1: {  	s23 =	smov.u32 s14;
	s14 =	rddreg [dreg:$0x17];
	[tilespmem:s31+$0x20] =	vst v53;
	v33 =	vld.idx.msk [tilespmem:v24+s20+$0x0], $0xffff  }
0x1c2: {  	[tilespmem:s14+$0xC000] =	vst v16;
	v20 =	vld.idx.msk [tilespmem:v20+s20+$0x0], $0xffff  }
0x1c3: {  	[tilespmem:s5+$0x20] =	vst v25;
	v24 =	vld.idx.msk [tilespmem:v26+s20+$0x0], $0xffff  }
0x1c4: {  	v15 =	vor.u32 v44, v15;
	v25 =	vld.idx.msk [tilespmem:v27+s20+$0x0], $0xffff;
	[tilespmem:s1+$0x20] =	vst v23  }
0x1c5: {  	v16 =	vor.u32 v38, v12;
	s14 =	rddreg [dreg:$0x19];
	[tilespmem:s7+$0x20] =	vst v17;
	v18 =	vld.idx.msk [tilespmem:v18+s20+$0x0], $0xffff  }
0x1c6: {  	v17 =	vor.u32 v46, v7;
	[tilespmem:s14+$0xC000] =	vst v32;
	v32 =	vld [tilespmem:$0x1FDD0]  }
0x1c7: {  	s24 =	smov.u32 s13;
	v36 =	vor.u32 v43, v54;
	s13 =	sor.u32 $0x840, s8;
	v19 =	vld.idx.msk [tilespmem:v19+s20+$0x0], $0xffff  }
0x1c8: {  	v26 =	vor.u32 v46, v62;
	v27 =	vld [tilespmem:$0x1FF20];
	[tilespmem:s13+$0xC000] =	vst v0  }
0x1c9: {  	v0 =	vor.u32 v46, v9;
	v15 =	vld.idx.msk [tilespmem:v15+s20+$0x0], $0xffff;
	[tilespmem:s6+$0xC000] =	vst v33  }
0x1ca: {  	v53 =	vor.u32 v46, v4;
	v16 =	vld.idx.msk [tilespmem:v16+s20+$0x0], $0xffff;
	[tilespmem:s31+$0x30] =	vst v20  }
0x1cb: {  	[smem:$0x7F6] =	sst s15;
	v17 =	vld.idx.msk [tilespmem:v17+s20+$0x0], $0xffff;
	[tilespmem:s5+$0x30] =	vst v25;
	v20 =	vor.u32 v32, v59  }
0x1cc: {  	s15 =	sor.u32 $0x820, s4;
	[smem:$0x7F3] =	sst s24;
	v33 =	vor.u32 v43, v57;
	[tilespmem:s7+$0x30] =	vst v19;
	v22 =	vld.idx.msk [tilespmem:v36+s20+$0x0], $0xffff  }
0x1cd: {  	s24 =	smov.u32 s15;
	s6 =	rddreg [dreg:$0x13];
	v25 =	vld.idx.msk [tilespmem:v26+s20+$0x0], $0xffff;
	[tilespmem:s1+$0x30] =	vst v18;
	v18 =	vor.u32 v43, v58  }
0x1ce: {  	[dreg:$0x17] =	wrdreg s24;
	s24 =	smov.u32 s26;
	s26 =	sor.u32 $0x850, s8;
	v0 =	vld.idx.msk [tilespmem:v0+s20+$0x0], $0xffff;
	[tilespmem:s6+$0xC000] =	vst v24  }
0x1cf: {  	s13 =	rddreg [dreg:$0x15];
	v19 =	vor.u32 v42, v7;
	v21 =	vld.idx.msk [tilespmem:v53+s20+$0x0], $0xffff;
	[tilespmem:s26+$0xC000] =	vst v15  }
0x1d0: {  	v26 =	vor.u32 v42, v62;
	[tilespmem:s13+$0xC000] =	vst v16;
	v20 =	vld.idx.msk [tilespmem:v20+s20+$0x0], $0xffff  }
0x1d1: {  	v15 =	vor.u32 v42, v9;
	[tilespmem:s31+$0x40] =	vst v17;
	v17 =	vld.idx.msk [tilespmem:v33+s20+$0x0], $0xffff  }
0x1d2: {  	v24 =	vor.u32 v42, v4;
	v18 =	vld.idx.msk [tilespmem:v18+s20+$0x0], $0xffff  }
0x1d3: {  	v13 =	vor.u32 v44, v13;
	s14 =	smov.u32 s21;
	s21 =	sld [smem:$0x7D4];
	[tilespmem:s5+$0x40] =	vst v25;
	v33 =	vld [tilespmem:$0x1FE20]  }
0x1d4: {  	v16 =	vor.u32 v27, v59;
	[tilespmem:s7+$0x40] =	vst v0;
	v19 =	vld.idx.msk [tilespmem:v19+s20+$0x0], $0xffff  }
0x1d5: {  	s15 =	smov.u32 s11;
	v0 =	vor.u32 v41, v7;
	v36 =	vld.idx.msk [tilespmem:v26+s20+$0x0], $0xffff;
	[tilespmem:s1+$0x40] =	vst v21  }
0x1d6: {  	s22 =	sor.u32 $0x830, s4;
	v14 =	vor.u32 v44, v14;
	[dreg:$0x19] =	wrdreg s15;
	s15 =	sor.u32 $0x860, s8;
	v15 =	vld.idx.msk [tilespmem:v15+s20+$0x0], $0xffff;
	[tilespmem:s21+$0xC000] =	vst v22  }
0x1d7: {  	s11 =	smov.u32 s22;
	s22 =	rddreg [dreg:$0xf];
	v21 =	vld.idx.msk [tilespmem:v24+s20+$0x0], $0xffff;
	v24 =	vor.u32 v41, v62;
	[tilespmem:s15+$0xC000] =	vst v20  }
0x1d8: {  	v25 =	vor.u32 v41, v4;
	v13 =	vld.idx.msk [tilespmem:v13+s20+$0x0], $0xffff;
	v53 =	vadd.s32 v33, v56;
	[tilespmem:s22+$0xC000] =	vst v17  }
0x1d9: {  	[dreg:$0x13] =	wrdreg s11;
	v20 =	vor.u32 v41, v9;
	v16 =	vld.idx.msk [tilespmem:v16+s20+$0x0], $0xffff;
	[tilespmem:s31+$0x50] =	vst v19;
	v19 =	vor.u32 v55, v53  }
0x1da: {  	s0 =	sor.u32 $0x800, s4;
	s11 =	smov.u32 s12;
	s12 =	sld [smem:$0x7D5];
	[tilespmem:s5+$0x50] =	vst v36;
	v0 =	vld.idx.msk [tilespmem:v0+s20+$0x0], $0xffff;
	v17 =	vor.u32 v29, v19  }
0x1db: {  	s10 =	sor.u32 $0x860, s4;
	[smem:$0x7F5] =	sst s0;
	s0 =	sor.u32 $0x840, s4;
	v12 =	vor.u32 v44, v12;
	v19 =	vld.idx.msk [tilespmem:v14+s20+$0x0], $0xffff;
	[tilespmem:s7+$0x50] =	vst v15  }
0x1dc: {  	s18 =	sor.u32 $0x850, s4;
	s17 =	sor.u32 $0xC40, s4;
	s4 =	sor.u32 $0xC50, s4;
	v22 =	vld.idx.msk [tilespmem:v24+s20+$0x0], $0xffff;
	v15 =	vor.u32 v40, v7;
	[tilespmem:s1+$0x50] =	vst v21  }
0x1dd: {  	s3 =	smov.u32 s4;
	s4 =	sor.u32 $0x870, s8;
	v36 =	vor.u32 v32, v54;
	[tilespmem:s12+$0xC000] =	vst v13;
	v53 =	vld.idx.msk [tilespmem:v25+s20+$0x0], $0xffff  }
0x1de: {  	s6 =	rddreg [dreg:$0x11];
	v24 =	vor.u32 v40, v62;
	v20 =	vld.idx.msk [tilespmem:v20+s20+$0x0], $0xffff;
	[tilespmem:s4+$0xC000] =	vst v16  }
0x1df: {  	[tilespmem:s6+$0xC000] =	vst v18;
	v17 =	vld.idx.msk [tilespmem:v17+s20+$0x0], $0xffff  }
0x1e0: {  	v16 =	vor.u32 v40, v9;
	[tilespmem:s31+$0x60] =	vst v0;
	v0 =	vld.idx.msk [tilespmem:v12+s20+$0x0], $0xffff  }
0x1e1: {  	v14 =	vor.u32 $0xC00, v59;
	v59 =	vmov v7;
	v18 =	vor.u32 v40, v4;
	[tilespmem:s5+$0x60] =	vst v22;
	v7 =	vld.idx.msk [tilespmem:v15+s20+$0x0], $0xffff  }
0x1e2: {  	v12 =	vor.u32 v28, v14;
	v15 =	vld.idx.msk [tilespmem:v36+s20+$0x0], $0xffff  }
0x1e3: {  	[dreg:$0x15] =	wrdreg s14;
	v13 =	vor.u32 v32, v57;
	v21 =	vld.idx.msk [tilespmem:v24+s20+$0x0], $0xffff;
	[tilespmem:s1+$0x60] =	vst v53  }
0x1e4: {  	s14 =	rddreg [dreg:$0xb];
	v32 =	vor.u32 v32, v58;
	v53 =	vld [tilespmem:$0x1FEA0];
	[tilespmem:s7+$0x60] =	vst v20  }
0x1e5: {  	s13 =	sor.u32 $0xC00, s8;
	v36 =	vor.u32 v39, v62;
	v16 =	vld.idx.msk [tilespmem:v16+s20+$0x0], $0xffff;
	[tilespmem:s14+$0xC000] =	vst v19  }
0x1e6: {  	s21 =	rddreg [dreg:$0xc];
	v18 =	vld.idx.msk [tilespmem:v18+s20+$0x0], $0xffff;
	v20 =	vor.u32 v39, v59;
	[tilespmem:s13+$0xC000] =	vst v17  }
0x1e7: {  	[tilespmem:s21+$0xC000] =	vst v0;
	v19 =	vld.idx.msk [tilespmem:v12+s20+$0x0], $0xffff  }
0x1e8: {  	v24 =	vor.u32 v39, v4;
	[tilespmem:s31+$0x70] =	vst v7;
	v7 =	vld.idx.msk [tilespmem:v13+s20+$0x0], $0xffff  }
0x1e9: {  	v17 =	vor.u32 v39, v9;
	[tilespmem:s5+$0x70] =	vst v21;
	v21 =	vld.idx.msk [tilespmem:v32+s20+$0x0], $0xffff  }
0x1ea: {  	v25 =	vor.u32 v53, v14;
	v23 =	vld.idx.msk [tilespmem:v36+s20+$0x0], $0xffff  }
0x1eb: {  	v32 =	vor.u32 v27, v54;
	v20 =	vld.idx.msk [tilespmem:v20+s20+$0x0], $0xffff  }
0x1ec: {  	s26 =	smov.u32 s0;
	s22 =	smov.u32 s2;
	s2 =	sld [smem:$0x7D6];
	[tilespmem:s1+$0x70] =	vst v18;
	v36 =	vld [tilespmem:$0x1FEC0]  }
0x1ed: {  	[dreg:$0xf] =	wrdreg s26;
	s26 =	sor.u32 $0xC10, s8;
	v24 =	vld.idx.msk [tilespmem:v24+s20+$0x0], $0xffff;
	[tilespmem:s7+$0x70] =	vst v16  }
0x1ee: {  	v0 =	vor.u32 $0x400, v59;
	v18 =	vor.u32 v27, v57;
	v17 =	vld.idx.msk [tilespmem:v17+s20+$0x0], $0xffff;
	[tilespmem:s26+$0xC000] =	vst v19  }
0x1ef: {  	v12 =	vor.u32 $0x400, v62;
	[tilespmem:s2+$0xC000] =	vst v15;
	v16 =	vor.u32 v37, v0;
	v15 =	vld.idx.msk [tilespmem:v25+s20+$0x0], $0xffff  }
0x1f0: {  	v57 =	vmov v9;
	v26 =	vor.u32 v37, v12;
	v9 =	vor.u32 $0x400, v4;
	[tilespmem:s31+$0x400] =	vst v20;
	v20 =	vld.idx.msk [tilespmem:v32+s20+$0x0], $0xffff  }
0x1f1: {  	s4 =	rddreg [dreg:$0x6];
	v13 =	vor.u32 $0x400, v57;
	v25 =	vor.u32 v37, v9;
	v32 =	vld [tilespmem:$0x1FDF0]  }
0x1f2: {  	v30 =	vld [tilespmem:$0x1FED0];
	v19 =	vor.u32 v37, v13;
	[tilespmem:s4+$0xC000] =	vst v7  }
0x1f3: {  	[dreg:$0x11] =	wrdreg s11;
	s15 =	smov.u32 s18;
	v7 =	vor.u32 v36, v14;
	v18 =	vld.idx.msk [tilespmem:v18+s20+$0x0], $0xffff;
	[tilespmem:s5+$0x400] =	vst v23  }
0x1f4: {  	[dreg:$0xb] =	wrdreg s15;
	[tilespmem:s1+$0x400] =	vst v24;
	v16 =	vld.idx.msk [tilespmem:v16+s20+$0x0], $0xffff  }
0x1f5: {  	s11 =	sor.u32 $0xC20, s8;
	s15 =	sld [smem:$0x7D8];
	v22 =	vor.u32 v27, v58;
	v58 =	vmov v4;
	v4 =	vld.idx.msk [tilespmem:v26+s20+$0x0], $0xffff;
	[tilespmem:s7+$0x400] =	vst v17  }
0x1f6: {  	s12 =	rddreg [dreg:$0x8];
	v24 =	vld.idx.msk [tilespmem:v25+s20+$0x0], $0xffff;
	[tilespmem:s11+$0xC000] =	vst v15;
	v25 =	vor.u32 v32, v12  }
0x1f7: {  	v19 =	vld.idx.msk [tilespmem:v19+s20+$0x0], $0xffff;
	[tilespmem:s12+$0xC000] =	vst v21  }
0x1f8: {  	v23 =	vadd.s32 v33, v47;
	v21 =	vadd.s32 v30, v56;
	v56 =	vmov v6;
	v7 =	vld.idx.msk [tilespmem:v7+s20+$0x0], $0xffff;
	[tilespmem:s15+$0xC000] =	vst v20  }
0x1f9: {  	v17 =	vor.u32 v32, v0;
	v15 =	vor.u32 v32, v13;
	v6 =	vor.u32 v32, v9;
	v32 =	vld [tilespmem:$0x1FEF0];
	[tilespmem:s31+$0x410] =	vst v16  }
0x1fa: {  	v23 =	vor.u32 v48, v23;
	v16 =	vld.idx.msk [tilespmem:v22+s20+$0x0], $0xffff;
	[tilespmem:s5+$0x410] =	vst v4  }
0x1fb: {  	v23 =	vor.u32 v29, v23;
	v22 =	vld.idx.msk [tilespmem:v25+s20+$0x0], $0xffff  }
0x1fc: {  	v4 =	vadd.s32 v33, v50;
	v25 =	vld [tilespmem:$0x1FE40]  }
0x1fd: {  	v26 =	vadd.s32 v33, v52;
	v4 =	vor.u32 v49, v4  }
0x1fe: {  	v21 =	vor.u32 v55, v21;
	v33 =	vor.u32 v29, v4;
	v4 =	vor.u32 $0xC00, v54;
	v54 =	vmovc v62;
	v62 =	vld [tilespmem:$0x1FD80]  }
0x1ff: {  	v55 =	vmov v11;
	v11 =	vld.idx.msk [tilespmem:v17+s20+$0x0], $0xffff;
	v17 =	vor.u32 v51, v26;
	v20 =	vor.u32 v32, v21  }
0x200: {  	[tilespmem:s7+$0x410] =	vst v19;
	v21 =	vld.idx.msk [tilespmem:v23+s20+$0x0], $0xffff;
	v17 =	vor.u32 v29, v17  }
0x201: {  	s2 =	rddreg [dreg:$0x5];
	[tilespmem:s1+$0x410] =	vst v24;
	v15 =	vld.idx.msk [tilespmem:v15+s20+$0x0], $0xffff;
	v19 =	vor.u32 v25, v0  }
0x202: {  	s18 =	sor.u32 $0xC30, s8;
	v24 =	vld.idx.msk [tilespmem:v6+s20+$0x0], $0xffff;
	[tilespmem:s2+$0xC000] =	vst v16;
	v6 =	vor.u32 v25, v12  }
0x203: {  	s21 =	rddreg [dreg:$0x4];
	[tilespmem:s18+$0xC000] =	vst v7;
	v16 =	vld.idx.msk [tilespmem:v33+s20+$0x0], $0xffff  }
0x204: {  	[tilespmem:s21+$0xC000] =	vst v18;
	v18 =	vld.idx.msk [tilespmem:v20+s20+$0x0], $0xffff  }
0x205: {  	s13 =	sld [smem:$0x7D7];
	v7 =	vor.u32 v25, v13;
	[tilespmem:s31+$0x420] =	vst v11;
	v11 =	vld.idx.msk [tilespmem:v17+s20+$0x0], $0xffff  }
0x206: {  	v14 =	vor.u32 v35, v14;
	v33 =	vmov v8;
	[tilespmem:s5+$0x420] =	vst v22;
	v17 =	vld.idx.msk [tilespmem:v19+s20+$0x0], $0xffff  }
0x207: {  	s12 =	sld [smem:$0x7DB];
	[tilespmem:$0x1FD80] =	vst v33;
	v19 =	vor.u32 v28, v4;
	v8 =	vld.idx.msk [tilespmem:v6+s20+$0x0], $0xffff  }
0x208: {  	s14 =	smov.u32 s13;
	s11 =	sor.u32 $0xC40, s8;
	v20 =	vor.u32 v25, v9;
	v25 =	vor.u32 v34, v54;
	[tilespmem:s7+$0x420] =	vst v15  }
0x209: {  	[dreg:$0x8] =	wrdreg s14;
	[tilespmem:s11+$0xC000] =	vst v18  }
0x20a: {  	s14 =	sld [smem:$0x7DC];
	v33 =	vld.idx.msk [tilespmem:v7+s20+$0x0], $0xffff;
	[tilespmem:s12+$0xC000] =	vst v21  }
0x20b: {  	v14 =	vld.idx.msk [tilespmem:v14+s20+$0x0], $0xffff;
	[tilespmem:s31+$0x430] =	vst v17  }
0x20c: {  	v22 =	vor.u32 v51, v62;
	v17 =	vld.idx.msk [tilespmem:v19+s20+$0x0], $0xffff;
	[tilespmem:s5+$0x430] =	vst v8  }
0x20d: {  	s6 =	smov.u32 s10;
	s10 =	sadd.s32 $0x1, s30;
	v15 =	vor.u32 v34, v59;
	v6 =	vor.u32 $0xC00, v22;
	[tilespmem:s14+$0xC000] =	vst v11;
	v11 =	vld.idx.msk [tilespmem:v25+s20+$0x0], $0xffff  }
0x20e: {  	v62 =	vmov s10;
	[tilespmem:s1+$0x420] =	vst v24;
	v24 =	vor.u32 v28, v6;
	v25 =	vld [tilespmem:$0x1FE90]  }
0x20f: {  	v7 =	vshll.u32 v62, $0x9;
	v22 =	vshll.u32 v62, $0x7;
	v20 =	vld.idx.msk [tilespmem:v20+s20+$0x0], $0xffff  }
0x210: {  	v21 =	vor.u32 v34, v58;
	v18 =	vand.u32 $0x7000, v7;
	v22 =	vand.u32 $0x280, v22  }
0x211: {  	v26 =	vor.u32 v34, v57;
	v62 =	vor.u32 v22, v18  }
0x212: {  	v19 =	vor.u32 v45, v62;
	v15 =	vld.idx.msk [tilespmem:v15+s20+$0x0], $0xffff  }
0x213: {  	v7 =	vor.u32 $0xC00, v10;
	v10 =	vld.idx.msk [tilespmem:v24+s20+$0x0], $0xffff;
	[tilespmem:s7+$0x430] =	vst v33;
	v33 =	vor.u32 v25, v0  }
0x214: {  	v8 =	vor.u32 v28, v7;
	[tilespmem:s1+$0x430] =	vst v20;
	v28 =	vld [tilespmem:$0x1FF00]  }
0x215: {  	s18 =	sor.u32 $0xC50, s8;
	s21 =	sld [smem:$0x7DE];
	v21 =	vld.idx.msk [tilespmem:v21+s20+$0x0], $0xffff  }
0x216: {  	s2 =	sld [smem:$0x7E0];
	v24 =	vor.u32 v53, v4;
	[tilespmem:s18+$0xC000] =	vst v14;
	v20 =	vld.idx.msk [tilespmem:v26+s20+$0x0], $0xffff  }
0x217: {  	[dreg:$0xc] =	wrdreg s22;
	v12 =	vor.u32 v25, v12;
	v0 =	vld.idx.msk [tilespmem:v19+s20+$0x0], $0xffff;
	[tilespmem:s31+$0x440] =	vst v15  }
0x218: {  	s4 =	sld [smem:$0x7DA];
	[tilespmem:s21+$0xC000] =	vst v16;
	v14 =	vld.idx.msk [tilespmem:v33+s20+$0x0], $0xffff  }
0x219: {  	s22 =	sld [smem:$0x7D9];
	v13 =	vor.u32 v25, v13;
	[tilespmem:s2+$0xC000] =	vst v17;
	v33 =	vld [tilespmem:$0x1FEB0]  }
0x21a: {  	[dreg:$0x6] =	wrdreg s6;
	v8 =	vld.idx.msk [tilespmem:v8+s20+$0x0], $0xffff;
	v9 =	vor.u32 v25, v9;
	[tilespmem:s5+$0x440] =	vst v11  }
0x21b: {  	s6 =	smov.u32 s4;
	s4 =	sld [smem:$0x7E1];
	v15 =	vor.u32 v53, v6;
	v16 =	vld.idx.msk [tilespmem:v24+s20+$0x0], $0xffff  }
0x21c: {  	s8 =	sld [smem:$0x7E3];
	[tilespmem:s1+$0x440] =	vst v21;
	v11 =	vor.u32 v53, v7;
	v12 =	vld.idx.msk [tilespmem:v12+s20+$0x0], $0xffff  }
0x21d: {  	s11 =	sld [smem:$0x7E5];
	v19 =	vor.u32 v36, v4;
	v25 =	vld [tilespmem:$0x1FEE0];
	[tilespmem:s7+$0x440] =	vst v20  }
0x21e: {  	s26 =	smov.u32 s22;
	s22 =	sld [smem:$0x7DF];
	v13 =	vld.idx.msk [tilespmem:v13+s20+$0x0], $0xffff;
	[tilespmem:s4+$0xC000] =	vst v10;
	v17 =	vor.u32 v33, v59  }
0x21f: {  	[dreg:$0x5] =	wrdreg s6;
	v9 =	vld.idx.msk [tilespmem:v9+s20+$0x0], $0xffff;
	[tilespmem:s8+$0xC000] =	vst v8;
	v10 =	vor.u32 v33, v57  }
0x220: {  	s6 =	sld [smem:$0x7E2];
	v8 =	vld.idx.msk [tilespmem:v15+s20+$0x0], $0xffff;
	[tilespmem:s11+$0xC000] =	vst v16;
	v20 =	vor.u32 v33, v54  }
0x221: {  	s15 =	sld [smem:$0x7DD];
	v11 =	vld.idx.msk [tilespmem:v11+s20+$0x0], $0xffff;
	v15 =	vor.u32 v33, v58;
	[tilespmem:s5+$0x450] =	vst v12  }
0x222: {  	s12 =	sld [smem:$0x7E6];
	v53 =	vadd.s32 v30, v47;
	v16 =	vor.u32 v36, v6;
	[tilespmem:s31+$0x450] =	vst v14;
	v19 =	vld.idx.msk [tilespmem:v19+s20+$0x0], $0xffff  }
0x223: {  	s21 =	sld [smem:$0x7E8];
	v21 =	vor.u32 v48, v53;
	v12 =	vor.u32 v36, v7;
	[tilespmem:s7+$0x450] =	vst v13;
	v17 =	vld.idx.msk [tilespmem:v17+s20+$0x0], $0xffff  }
0x224: {  	s29 =	smov.u32 s22;
	s22 =	smov.u32 s6;
	s6 =	sld [smem:$0x7EA];
	v14 =	vadd.s32 v30, v50;
	v50 =	vmov v5;
	v13 =	vor.u32 v25, v59;
	[tilespmem:s1+$0x450] =	vst v9;
	v9 =	vld.idx.msk [tilespmem:v10+s20+$0x0], $0xffff  }
0x225: {  	s10 =	sld [smem:$0x7E4];
	v47 =	vmov v60;
	v33 =	vor.u32 v25, v57;
	v5 =	vadd.s32 v28, v50;
	v20 =	vld.idx.msk [tilespmem:v20+s20+$0x0], $0xffff;
	[tilespmem:s12+$0xC000] =	vst v8  }
0x226: {  	v60 =	vmov v18;
	v10 =	vor.u32 v49, v14;
	v14 =	vor.u32 v32, v21;
	v18 =	vld.idx.msk [tilespmem:v15+s20+$0x0], $0xffff;
	[tilespmem:s21+$0xC000] =	vst v11  }
0x227: {  	[dreg:$0x4] =	wrdreg s26;
	v49 =	vmov v1;
	v15 =	vor.u32 v25, v54;
	v1 =	vadd.s32 v30, v52;
	v24 =	vld.idx.msk [tilespmem:v16+s20+$0x0], $0xffff;
	[tilespmem:s6+$0xC000] =	vst v19  }
0x228: {  	s26 =	smov.u32 s15;
	s15 =	smov.u32 s10;
	s10 =	sld [smem:$0x7EC];
	v21 =	vadd.s32 v28, v47;
	v52 =	vmov v3;
	v3 =	vadd.s32 v28, v56;
	v36 =	vld.idx.msk [tilespmem:v12+s20+$0x0], $0xffff;
	[tilespmem:s31+$0x460] =	vst v17  }
0x229: {  	s14 =	sld [smem:$0x7E7];
	v16 =	vor.u32 v25, v58;
	v8 =	vor.u32 v51, v1;
	[tilespmem:s7+$0x460] =	vst v9;
	v9 =	vadd.s32 v28, v52;
	v28 =	vld [tilespmem:$0x1FF10]  }
0x22a: {  	v26 =	vmov v35;
	s4 =	sadd.s32 $0x2, s30;
	s8 =	sld [smem:$0x7EB];
	v19 =	vor.u32 v32, v8;
	[tilespmem:s5+$0x460] =	vst v20;
	v25 =	vld.idx.msk [tilespmem:v13+s20+$0x0], $0xffff  }
0x22b: {  	p2 =	slt.u32 s30, $0x2C;
	v48 =	vmovc v61;
	s12 =	sld [smem:$0x7ED];
	v1 =	vmov s30;
	v51 =	vmovc v2;
	v2 =	vmov s4;
	v20 =	vor.u32 v32, v10;
	v13 =	vld.idx.msk [tilespmem:v14+s20+$0x0], $0xffff  }
.Ltmp2:
0x22c: {  	s2 =	sld [smem:$0x7E9];
	v61 =	vmovc v22;
	v3 =	vor.u32 v55, v3;
	v8 =	vshll.u32 v2, $0x9;
	v2 =	vshll.u32 v2, $0x7;
	[tilespmem:s1+$0x460] =	vst v18;
	v15 =	vld.idx.msk [tilespmem:v15+s20+$0x0], $0xffff;
	(pc) =	sbr.rel @p2 .LBB2_3-.Ltmp2, $4  }
0x22d: {  	s18 =	smov.u32 s14;
	s14 =	sld [smem:$0x7EE];
	v2 =	vand.u32 $0x300, v2;
	v10 =	vor.u32 v35, v4;
	v14 =	vor.u32 v48, v21;
	v12 =	vld.idx.msk [tilespmem:v33+s20+$0x0], $0xffff;
	[tilespmem:s8+$0xC000] =	vst v24  }
0x22e: {  	s0 =	sadd.s32 $0x3, s30;
	v17 =	vld.idx.msk [tilespmem:v16+s20+$0x0], $0xffff;
	v4 =	vor.u32 v51, v9;
	[tilespmem:s12+$0xC000] =	vst v36;
	v11 =	vor.u32 v28, v3;
	v3 =	vand.u32 $0x7000, v8  }
0x22f: {  	s13 =	rddreg [dreg:$0x3];
	s11 =	smov.u32 s10;
	s21 =	smov.u32 s2;
	v19 =	vld.idx.msk [tilespmem:v19+s20+$0x0], $0xffff;
	v16 =	vor.u32 v28, v14;
	v14 =	vor.u32 v49, v5;
	v5 =	vor.u32 v28, v4  }
0x230: {  	s30 =	sadd.s32 $0x4, s30;
	s12 =	smov.u32 s14;
	v4 =	vshll.u32 v1, $0x9;
	v18 =	vld.idx.msk [tilespmem:v20+s20+$0x0], $0xffff;
	v9 =	vor.u32 v2, v3;
	v14 =	vor.u32 v28, v14;
	[tilespmem:s31+$0x470] =	vst v25;
	s31 =	sld [smem:$0x7EF]  }
0x231: {  	s10 =	sld [smem:$0x7F4];
	_ =	sdelay $0x1  }
0x232: {  	v20 =	vmov s0;
	[tilespmem:s5+$0x470] =	vst v15  }
0x233: {  	v21 =	vshll.u32 v20, $0x9;
	v20 =	vshll.u32 v20, $0x7;
	[tilespmem:s10+$0xC000] =	vst v13  }
0x234: {  	v11 =	vld.idx.msk [tilespmem:v11+s20+$0x0], $0xffff;
	v30 =	vand.u32 $0x7000, v21;
	v29 =	vand.u32 $0x380, v20;
	[tilespmem:$0x1FD00] =	vst v45  }
0x235: {  	v25 =	vor.u32 v29, v30;
	[tilespmem:s7+$0x470] =	vst v12  }
0x236: {  	v36 =	vor.u32 v45, v25;
	[tilespmem:s1+$0x470] =	vst v17  }
0x237: {  	v1 =	vshll.u32 v1, $0x7;
	v20 =	vld [tilespmem:$0x1FDA0]  }
0x238: {  	v33 =	vand.u32 $0x7000, v4;
	s4 =	sadd.s32 $0x4, s16;
	v1 =	vand.u32 $0x200, v1;
	s1 =	sld [smem:$0x7F2]  }
0x239: {  	s14 =	sand.u32 $0x7, s4;
	v21 =	vor.u32 v45, v9;
	v13 =	vor.u32 v1, v33  }
0x23a: {  	s0 =	sshll.u32 s14, $0x7;
	v53 =	vor.u32 v45, v13  }
0x23b: {  	s6 =	sadd.s32 s9, s0;
	v12 =	vld.idx.msk [tilespmem:v36+s20+$0x0], $0xffff;
	[tilespmem:s1+$0xC000] =	vst v19  }
0x23c: {  	s2 =	sadd.s32 $0x800, s9;
	s0 =	sadd.s32 $0x180, s6;
	s7 =	sld [smem:$0x7F1];
	v32 =	vor.u32 v20, v25  }
0x23d: {  	s28 =	sadd.s32 $0x200, s28;
	s16 =	sand.u32 $0x7000, s2;
	v10 =	vld.idx.msk [tilespmem:v10+s20+$0x0], $0xffff;
	s9 =	sor.u32 $0x800, s0;
	v36 =	vor.u32 v20, v62  }
0x23e: {  	s8 =	sand.u32 $0x380, s28;
	s30 =	sadd.s32 $0xC000, s16;
	s10 =	sadd.s32 $0xFFFFFF00, s28;
	v45 =	vld.idx.msk [tilespmem:v21+s20+$0x0], $0xffff;
	[tilespmem:s9+$0xC000] =	vst v11  }
0x23f: {  	v22 =	vmov v46;
	s14 =	sand.u32 $0x280, s10;
	v46 =	vld.idx.msk [tilespmem:v53+s20+$0x0], $0xffff;
	s9 =	sor.u32 s8, s30;
	[tilespmem:s7+$0xC000] =	vst v18  }
0x240: {  	s16 =	sadd.s32 $0xFFFFFF80, s28;
	v16 =	vld.idx.msk [tilespmem:v16+s20+$0x0], $0xffff;
	s7 =	sor.u32 s14, s30;
	[tilespmem:s9+$0x0] =	vst v12  }
0x241: {  	s1 =	sadd.s32 $0xFFFFFE80, s28;
	s8 =	sand.u32 $0x300, s16;
	[tilespmem:s7+$0x0] =	vst v0;
	v12 =	vld.idx.msk [tilespmem:v32+s20+$0x0], $0xffff  }
0x242: {  	[tilespmem:s31+$0xC000] =	vst v10;
	s1 =	sand.u32 $0x200, s1;
	s8 =	sor.u32 s8, s30;
	v0 =	vld.idx.msk [tilespmem:v36+s20+$0x0], $0xffff  }
0x243: {  	s5 =	sor.u32 s1, s30;
	s1 =	sadd.s32 $0x80, s6;
	v21 =	vld [tilespmem:$0x1FDB0];
	[tilespmem:s8+$0x0] =	vst v45  }
0x244: {  	v53 =	vor.u32 v20, v9;
	s6 =	sor.u32 $0x800, s1;
	[tilespmem:s5+$0x0] =	vst v46  }
0x245: {  	v6 =	vor.u32 v26, v6;
	[tilespmem:s6+$0xC000] =	vst v16  }
0x246: {  	v5 =	vld.idx.msk [tilespmem:v5+s20+$0x0], $0xffff;
	v20 =	vor.u32 v20, v13;
	[tilespmem:s9+$0x10] =	vst v12  }
0x247: {  	[tilespmem:s7+$0x10] =	vst v0  }
0x248: {  	v14 =	vld.idx.msk [tilespmem:v14+s20+$0x0], $0xffff;
	v23 =	vor.u32 v21, v25;
	s6 =	sld [smem:$0x7F5]  }
0x249: {  	v46 =	vld.idx.msk [tilespmem:v53+s20+$0x0], $0xffff;
	v45 =	vor.u32 v21, v62  }
0x24a: {  	v6 =	vld.idx.msk [tilespmem:v6+s20+$0x0], $0xffff  }
0x24b: {  	v15 =	vld.idx.msk [tilespmem:v20+s20+$0x0], $0xffff;
	v32 =	vor.u32 v21, v9;
	[tilespmem:s6+$0xC000] =	vst v5  }
0x24c: {  	v36 =	vor.u32 v21, v13;
	v53 =	vld [tilespmem:$0x1FDC0]  }
0x24d: {  	v10 =	vld.idx.msk [tilespmem:v23+s20+$0x0], $0xffff  }
0x24e: {  	v0 =	vld.idx.msk [tilespmem:v45+s20+$0x0], $0xffff;
	[tilespmem:s8+$0x10] =	vst v46  }
0x24f: {  	v46 =	vld [tilespmem:$0x1FD90]  }
0x250: {  	v12 =	vor.u32 v26, v7;
	[tilespmem:s5+$0x10] =	vst v15;
	v23 =	vld.idx.msk [tilespmem:v32+s20+$0x0], $0xffff  }
0x251: {  	s6 =	sld [smem:$0x7F6];
	v32 =	vld.idx.msk [tilespmem:v36+s20+$0x0], $0xffff;
	[tilespmem:s23+$0xC000] =	vst v6;
	v5 =	vor.u32 v53, v25  }
0x252: {  	[tilespmem:s9+$0x20] =	vst v10;
	v11 =	vor.u32 v53, v62  }
0x253: {  	[tilespmem:s7+$0x20] =	vst v0;
	v36 =	vor.u32 v53, v9  }
0x254: {  	v17 =	vor.u32 $0x800, v59;
	[tilespmem:s6+$0xC000] =	vst v14;
	v45 =	vor.u32 v53, v13  }
0x255: {  	v7 =	vor.u32 $0x800, v54;
	v12 =	vld.idx.msk [tilespmem:v12+s20+$0x0], $0xffff;
	v21 =	vor.u32 v46, v17;
	[tilespmem:s8+$0x20] =	vst v23  }
0x256: {  	v53 =	vor.u32 v46, v7;
	[tilespmem:s5+$0x20] =	vst v32;
	v5 =	vld.idx.msk [tilespmem:v5+s20+$0x0], $0xffff  }
0x257: {  	s6 =	sld [smem:$0x7F3];
	v6 =	vld.idx.msk [tilespmem:v11+s20+$0x0], $0xffff  }
0x258: {  	v11 =	vor.u32 v22, v25;
	v16 =	vld.idx.msk [tilespmem:v36+s20+$0x0], $0xffff  }
0x259: {  	v15 =	vor.u32 v22, v62;
	v32 =	vld.idx.msk [tilespmem:v45+s20+$0x0], $0xffff  }
0x25a: {  	v36 =	vor.u32 v22, v9;
	v19 =	vld.idx.msk [tilespmem:v21+s20+$0x0], $0xffff;
	[tilespmem:s6+$0xC000] =	vst v12  }
0x25b: {  	v0 =	vor.u32 $0x800, v57;
	v45 =	vor.u32 v22, v13;
	v10 =	vld.idx.msk [tilespmem:v53+s20+$0x0], $0xffff;
	[tilespmem:$0x1FD10] =	vst v22  }
0x25c: {  	v53 =	vor.u32 v46, v0;
	[tilespmem:s9+$0x30] =	vst v5  }
0x25d: {  	v20 =	vor.u32 v31, v17;
	[tilespmem:s7+$0x30] =	vst v6;
	v11 =	vld.idx.msk [tilespmem:v11+s20+$0x0], $0xffff  }
0x25e: {  	[tilespmem:s8+$0x30] =	vst v16;
	v15 =	vld.idx.msk [tilespmem:v15+s20+$0x0], $0xffff  }
0x25f: {  	s23 =	sor.u32 $0x810, s0;
	v6 =	vor.u32 v63, v49;
	[tilespmem:s5+$0x30] =	vst v32;
	v63 =	vld.idx.msk [tilespmem:v36+s20+$0x0], $0xffff  }
0x260: {  	s28 =	sor.u32 $0x810, s1;
	[tilespmem:s23+$0xC000] =	vst v19;
	v19 =	vor.u32 v42, v25;
	v32 =	vld.idx.msk [tilespmem:v45+s20+$0x0], $0xffff  }
0x261: {  	v16 =	vor.u32 v42, v62;
	[tilespmem:s28+$0xC000] =	vst v10;
	v5 =	vld.idx.msk [tilespmem:v53+s20+$0x0], $0xffff  }
0x262: {  	v14 =	vor.u32 $0x800, v6;
	v36 =	vor.u32 v42, v9;
	v20 =	vld.idx.msk [tilespmem:v20+s20+$0x0], $0xffff;
	[tilespmem:$0x1FD20] =	vst v42  }
0x263: {  	v22 =	vor.u32 v46, v14;
	[tilespmem:s9+$0x40] =	vst v11  }
0x264: {  	v42 =	vor.u32 v42, v13;
	[tilespmem:s7+$0x40] =	vst v15  }
0x265: {  	v53 =	vor.u32 v38, v17;
	[tilespmem:s8+$0x40] =	vst v63;
	v19 =	vld.idx.msk [tilespmem:v19+s20+$0x0], $0xffff  }
0x266: {  	s30 =	sor.u32 $0x820, s0;
	[tilespmem:s5+$0x40] =	vst v32;
	v15 =	vld.idx.msk [tilespmem:v16+s20+$0x0], $0xffff;
	v16 =	vor.u32 v41, v25  }
0x267: {  	v12 =	vor.u32 v41, v62;
	[tilespmem:s30+$0xC000] =	vst v20;
	v63 =	vld.idx.msk [tilespmem:v36+s20+$0x0], $0xffff  }
0x268: {  	v20 =	vld.idx.msk [tilespmem:v22+s20+$0x0], $0xffff;
	v22 =	vor.u32 v31, v7;
	s6 =	rddreg [dreg:$0x1b]  }
0x269: {  	v32 =	vld.idx.msk [tilespmem:v42+s20+$0x0], $0xffff;
	v36 =	vor.u32 v41, v9;
	[tilespmem:s6+$0xC000] =	vst v5  }
0x26a: {  	v42 =	vmov v41;
	v41 =	vor.u32 v41, v13;
	v11 =	vld.idx.msk [tilespmem:v53+s20+$0x0], $0xffff;
	[tilespmem:s9+$0x50] =	vst v19  }
0x26b: {  	[tilespmem:s7+$0x50] =	vst v15;
	v16 =	vld.idx.msk [tilespmem:v16+s20+$0x0], $0xffff  }
0x26c: {  	v53 =	vor.u32 v31, v0;
	s6 =	rddreg [dreg:$0x1d];
	v12 =	vld.idx.msk [tilespmem:v12+s20+$0x0], $0xffff;
	[tilespmem:s8+$0x50] =	vst v63  }
0x26d: {  	v15 =	vor.u32 v40, v25;
	[tilespmem:s6+$0xC000] =	vst v20;
	v20 =	vld.idx.msk [tilespmem:v22+s20+$0x0], $0xffff  }
0x26e: {  	s31 =	sor.u32 $0x830, s0;
	v10 =	vor.u32 v40, v62;
	[tilespmem:s5+$0x50] =	vst v32;
	v63 =	vld.idx.msk [tilespmem:v36+s20+$0x0], $0xffff  }
0x26f: {  	[tilespmem:s31+$0xC000] =	vst v11;
	v22 =	vor.u32 v43, v59;
	v32 =	vld.idx.msk [tilespmem:v41+s20+$0x0], $0xffff  }
0x270: {  	v36 =	vor.u32 v40, v9;
	[tilespmem:s9+$0x60] =	vst v16  }
0x271: {  	s10 =	sor.u32 $0x820, s1;
	v19 =	vld.idx.msk [tilespmem:v53+s20+$0x0], $0xffff;
	v41 =	vmov v40;
	v40 =	vor.u32 v40, v13;
	[tilespmem:s7+$0x60] =	vst v12  }
0x272: {  	v15 =	vld.idx.msk [tilespmem:v15+s20+$0x0], $0xffff;
	[tilespmem:s10+$0xC000] =	vst v20  }
0x273: {  	v53 =	vor.u32 v31, v14;
	v10 =	vld.idx.msk [tilespmem:v10+s20+$0x0], $0xffff;
	[tilespmem:s8+$0x60] =	vst v63  }
0x274: {  	v12 =	vor.u32 v39, v25;
	v20 =	vld.idx.msk [tilespmem:v22+s20+$0x0], $0xffff;
	[tilespmem:s5+$0x60] =	vst v32  }
0x275: {  	v5 =	vor.u32 v39, v62;
	v63 =	vld.idx.msk [tilespmem:v36+s20+$0x0], $0xffff;
	s6 =	rddreg [dreg:$0x17]  }
0x276: {  	v22 =	vor.u32 v38, v7;
	v32 =	vld.idx.msk [tilespmem:v40+s20+$0x0], $0xffff;
	[tilespmem:s6+$0xC000] =	vst v19  }
0x277: {  	v36 =	vor.u32 v39, v9;
	[tilespmem:s9+$0x70] =	vst v15  }
0x278: {  	s14 =	sor.u32 $0x840, s0;
	v16 =	vld.idx.msk [tilespmem:v53+s20+$0x0], $0xffff;
	v40 =	vmov v39;
	v39 =	vor.u32 v39, v13;
	[tilespmem:s7+$0x70] =	vst v10  }
0x279: {  	v53 =	vor.u32 v44, v17;
	v10 =	vor.u32 $0x400, v25;
	[tilespmem:s14+$0xC000] =	vst v20;
	v12 =	vld.idx.msk [tilespmem:v12+s20+$0x0], $0xffff  }
0x27a: {  	v20 =	vor.u32 $0x400, v62;
	v5 =	vld.idx.msk [tilespmem:v5+s20+$0x0], $0xffff;
	v17 =	vor.u32 v37, v10;
	[tilespmem:s8+$0x70] =	vst v63  }
0x27b: {  	v22 =	vld.idx.msk [tilespmem:v22+s20+$0x0], $0xffff;
	v11 =	vor.u32 v37, v20;
	[tilespmem:s5+$0x70] =	vst v32  }
0x27c: {  	v18 =	vld.idx.msk [tilespmem:v36+s20+$0x0], $0xffff;
	s6 =	rddreg [dreg:$0x19]  }
0x27d: {  	v23 =	vor.u32 v38, v0;
	[tilespmem:s6+$0xC000] =	vst v16;
	v16 =	vld.idx.msk [tilespmem:v39+s20+$0x0], $0xffff  }
0x27e: {  	v15 =	vld.idx.msk [tilespmem:v53+s20+$0x0], $0xffff;
	[tilespmem:s9+$0x400] =	vst v12  }
0x27f: {  	s16 =	sor.u32 $0x830, s1;
	v53 =	vmov v38;
	[tilespmem:s7+$0x400] =	vst v5;
	v17 =	vld.idx.msk [tilespmem:v17+s20+$0x0], $0xffff  }
0x280: {  	v19 =	vor.u32 $0x400, v9;
	v32 =	vor.u32 v53, v14;
	[tilespmem:s16+$0xC000] =	vst v22;
	v11 =	vld.idx.msk [tilespmem:v11+s20+$0x0], $0xffff  }
0x281: {  	v21 =	vor.u32 $0x400, v13;
	v24 =	vor.u32 v37, v19;
	v28 =	vld [tilespmem:$0x1FDF0];
	[tilespmem:s8+$0x400] =	vst v18  }
0x282: {  	s23 =	sor.u32 $0x850, s0;
	v23 =	vld.idx.msk [tilespmem:v23+s20+$0x0], $0xffff;
	v63 =	vor.u32 v37, v21;
	[tilespmem:s5+$0x400] =	vst v16  }
0x283: {  	v39 =	vld [tilespmem:$0x1FDD0];
	[tilespmem:s23+$0xC000] =	vst v15  }
0x284: {  	[tilespmem:s9+$0x410] =	vst v17  }
0x285: {  	v5 =	vld.idx.msk [tilespmem:v32+s20+$0x0], $0xffff;
	[tilespmem:s7+$0x410] =	vst v11  }
0x286: {  	v24 =	vld.idx.msk [tilespmem:v24+s20+$0x0], $0xffff;
	s6 =	rddreg [dreg:$0x13]  }
0x287: {  	v38 =	vmov v37;
	v32 =	vor.u32 v43, v54;
	v12 =	vld.idx.msk [tilespmem:v63+s20+$0x0], $0xffff;
	v22 =	vor.u32 v28, v10;
	[tilespmem:s6+$0xC000] =	vst v23  }
0x288: {  	v18 =	vor.u32 v28, v20;
	v15 =	vor.u32 v28, v19;
	v37 =	vmovc v28;
	v63 =	vor.u32 v28, v21;
	v28 =	vld [tilespmem:$0x1FE40];
	_ =	sdelay $0x3  }
0x289: {  	v16 =	vor.u32 v39, v59;
	v22 =	vld.idx.msk [tilespmem:v22+s20+$0x0], $0xffff  }
0x28a: {  	v11 =	vld.idx.msk [tilespmem:v32+s20+$0x0], $0xffff;
	[tilespmem:s8+$0x410] =	vst v24;
	v36 =	vor.u32 v28, v10  }
0x28b: {  	[tilespmem:s5+$0x410] =	vst v12;
	v18 =	vld.idx.msk [tilespmem:v18+s20+$0x0], $0xffff  }
0x28c: {  	s6 =	rddreg [dreg:$0x15];
	v15 =	vld.idx.msk [tilespmem:v15+s20+$0x0], $0xffff;
	v24 =	vor.u32 v28, v20  }
0x28d: {  	v12 =	vor.u32 v43, v57;
	[tilespmem:s6+$0xC000] =	vst v5;
	v5 =	vld.idx.msk [tilespmem:v63+s20+$0x0], $0xffff  }
0x28e: {  	s30 =	sor.u32 $0x840, s1;
	v16 =	vld.idx.msk [tilespmem:v16+s20+$0x0], $0xffff;
	v17 =	vor.u32 v28, v19;
	[tilespmem:s9+$0x420] =	vst v22  }
0x28f: {  	[tilespmem:s30+$0xC000] =	vst v11;
	v32 =	vor.u32 v28, v21;
	v23 =	vld.idx.msk [tilespmem:v36+s20+$0x0], $0xffff  }
0x290: {  	v63 =	vor.u32 v27, v59;
	[tilespmem:s7+$0x420] =	vst v18  }
0x291: {  	[tilespmem:s8+$0x420] =	vst v15;
	v36 =	vld.idx.msk [tilespmem:v24+s20+$0x0], $0xffff  }
0x292: {  	s28 =	sor.u32 $0x860, s0;
	v12 =	vld.idx.msk [tilespmem:v12+s20+$0x0], $0xffff;
	[tilespmem:s5+$0x420] =	vst v5  }
0x293: {  	[tilespmem:s28+$0xC000] =	vst v16;
	v24 =	vor.u32 v34, v25;
	v17 =	vld.idx.msk [tilespmem:v17+s20+$0x0], $0xffff  }
0x294: {  	v11 =	vld.idx.msk [tilespmem:v32+s20+$0x0], $0xffff;
	[tilespmem:s9+$0x430] =	vst v23  }
0x295: {  	v18 =	vld.idx.msk [tilespmem:v63+s20+$0x0], $0xffff;
	[tilespmem:$0x1FD30] =	vst v34  }
0x296: {  	[tilespmem:s7+$0x430] =	vst v36  }
0x297: {  	v15 =	vor.u32 v34, v62;
	s6 =	rddreg [dreg:$0xf]  }
0x298: {  	v16 =	vld.idx.msk [tilespmem:v24+s20+$0x0], $0xffff;
	[tilespmem:s6+$0xC000] =	vst v12  }
0x299: {  	v45 =	vmov v26;
	v26 =	vmov v43;
	v43 =	vor.u32 v43, v58;
	v24 =	vld [tilespmem:$0x1FE90];
	_ =	sdelay $0x1  }
0x29a: {  	v7 =	vor.u32 v44, v7;
	v63 =	vld [tilespmem:$0x1FE20];
	[tilespmem:s8+$0x430] =	vst v17  }
0x29b: {  	v32 =	vor.u32 v34, v9;
	v15 =	vld.idx.msk [tilespmem:v15+s20+$0x0], $0xffff;
	[tilespmem:s5+$0x430] =	vst v11  }
0x29c: {  	v34 =	vor.u32 v34, v13;
	v28 =	vld [tilespmem:$0x1FE60]  }
0x29d: {  	s31 =	sor.u32 $0x870, s0;
	v5 =	vld.idx.msk [tilespmem:v43+s20+$0x0], $0xffff;
	v43 =	vor.u32 v24, v20  }
0x29e: {  	[tilespmem:s31+$0xC000] =	vst v18  }
0x29f: {  	v7 =	vld.idx.msk [tilespmem:v7+s20+$0x0], $0xffff;
	[tilespmem:s9+$0x440] =	vst v16;
	v36 =	vadd.s32 v63, v56;
	v10 =	vor.u32 v24, v10  }
0x2a0: {  	v32 =	vld.idx.msk [tilespmem:v32+s20+$0x0], $0xffff;
	[tilespmem:s7+$0x440] =	vst v15;
	v12 =	vor.u32 v55, v36  }
0x2a1: {  	v34 =	vld.idx.msk [tilespmem:v34+s20+$0x0], $0xffff;
	s6 =	rddreg [dreg:$0x11];
	v11 =	vor.u32 v28, v12  }
0x2a2: {  	[tilespmem:s6+$0xC000] =	vst v5;
	v5 =	vld.idx.msk [tilespmem:v43+s20+$0x0], $0xffff  }
0x2a3: {  	v19 =	vor.u32 v24, v19;
	v43 =	vld [tilespmem:$0x1FEB0]  }
0x2a4: {  	v36 =	vor.u32 v24, v21;
	v10 =	vld.idx.msk [tilespmem:v10+s20+$0x0], $0xffff;
	_ =	sdelay $0x1  }
0x2a5: {  	v0 =	vor.u32 v44, v0;
	[tilespmem:s8+$0x440] =	vst v32;
	v11 =	vld.idx.msk [tilespmem:v11+s20+$0x0], $0xffff  }
0x2a6: {  	s10 =	sor.u32 $0x850, s1;
	[tilespmem:s5+$0x440] =	vst v34  }
0x2a7: {  	[tilespmem:s10+$0xC000] =	vst v7;
	v16 =	vld.idx.msk [tilespmem:v19+s20+$0x0], $0xffff;
	v22 =	vor.u32 v43, v25  }
0x2a8: {  	v17 =	vld.idx.msk [tilespmem:v36+s20+$0x0], $0xffff;
	v23 =	vor.u32 v43, v62;
	[tilespmem:s9+$0x450] =	vst v10  }
0x2a9: {  	s14 =	sor.u32 $0xC00, s0;
	v18 =	vor.u32 v43, v9;
	v32 =	vld [tilespmem:$0x1FE80];
	[tilespmem:s7+$0x450] =	vst v5  }
0x2aa: {  	v0 =	vld.idx.msk [tilespmem:v0+s20+$0x0], $0xffff;
	[tilespmem:s14+$0xC000] =	vst v11  }
0x2ab: {  	v14 =	vor.u32 v44, v14;
	v7 =	vor.u32 $0xC00, v59;
	v59 =	vld [tilespmem:$0x1FEE0]  }
0x2ac: {  	v36 =	vor.u32 v43, v13;
	v15 =	vld.idx.msk [tilespmem:v22+s20+$0x0], $0xffff  }
0x2ad: {  	[tilespmem:s8+$0x450] =	vst v16;
	v5 =	vld.idx.msk [tilespmem:v23+s20+$0x0], $0xffff  }
0x2ae: {  	[tilespmem:s5+$0x450] =	vst v17;
	v16 =	vld.idx.msk [tilespmem:v18+s20+$0x0], $0xffff;
	v43 =	vor.u32 v32, v7  }
0x2af: {  	s6 =	rddreg [dreg:$0xb]  }
0x2b0: {  	v12 =	vld.idx.msk [tilespmem:v14+s20+$0x0], $0xffff;
	[tilespmem:s6+$0xC000] =	vst v0;
	v34 =	vor.u32 v59, v25  }
0x2b1: {  	v0 =	vld.idx.msk [tilespmem:v36+s20+$0x0], $0xffff;
	[tilespmem:s9+$0x460] =	vst v15  }
0x2b2: {  	v36 =	vld [tilespmem:$0x1FF00];
	[tilespmem:s7+$0x460] =	vst v5  }
0x2b3: {  	v14 =	vor.u32 v59, v62;
	v10 =	vld.idx.msk [tilespmem:v43+s20+$0x0], $0xffff;
	[tilespmem:s8+$0x460] =	vst v16  }
0x2b4: {  	v17 =	vor.u32 v59, v9;
	v22 =	vld [tilespmem:$0x1FF10]  }
0x2b5: {  	v19 =	vor.u32 v59, v13;
	v11 =	vld.idx.msk [tilespmem:v34+s20+$0x0], $0xffff  }
0x2b6: {  	[tilespmem:s5+$0x460] =	vst v0  }
0x2b7: {  	v18 =	vor.u32 v39, v54;
	s6 =	rddreg [dreg:$0xc]  }
0x2b8: {  	s16 =	sor.u32 $0xC10, s0;
	v23 =	vmov v31;
	v15 =	vor.u32 v39, v57;
	v14 =	vld.idx.msk [tilespmem:v14+s20+$0x0], $0xffff;
	[tilespmem:s6+$0xC000] =	vst v12;
	v59 =	vadd.s32 v36, v30  }
0x2b9: {  	v43 =	vmov v30;
	v0 =	vld.idx.msk [tilespmem:v17+s20+$0x0], $0xffff;
	v31 =	vadd.s32 v36, v60;
	[tilespmem:s16+$0xC000] =	vst v10;
	v20 =	vor.u32 v29, v59  }
0x2ba: {  	v34 =	vmov v29;
	v12 =	vld.idx.msk [tilespmem:v19+s20+$0x0], $0xffff;
	v21 =	vor.u32 v61, v31;
	v20 =	vor.u32 v22, v20;
	[tilespmem:s9+$0x470] =	vst v11  }
0x2bb: {  	v30 =	vadd.s32 v36, v33;
	v21 =	vor.u32 v22, v21;
	v59 =	vmovc v36;
	v36 =	vadd.s32 v36, v3;
	v29 =	vld [tilespmem:$0x1FEA0]  }
0x2bc: {  	v16 =	vor.u32 v2, v36;
	v36 =	vld.idx.msk [tilespmem:v18+s20+$0x0], $0xffff  }
0x2bd: {  	v5 =	vor.u32 v1, v30  }
0x2be: {  	s4 =	sadd.s32 $0x4, s4;
	v5 =	vor.u32 v22, v5;
	v11 =	vld.idx.msk [tilespmem:v15+s20+$0x0], $0xffff;
	[tilespmem:s7+$0x470] =	vst v14  }
0x2bf: {  	s4 =	sand.u32 $0x7, s4;
	[tilespmem:s8+$0x470] =	vst v0;
	v16 =	vor.u32 v22, v16;
	v31 =	vld.idx.msk [tilespmem:v20+s20+$0x0], $0xffff  }
0x2c0: {  	s4 =	sshll.u32 s4, $0x7;
	s28 =	sor.u32 $0x860, s1;
	[tilespmem:s5+$0x470] =	vst v12;
	v17 =	vld.idx.msk [tilespmem:v21+s20+$0x0], $0xffff;
	v15 =	vor.u32 v29, v7  }
0x2c1: {  	s30 =	sadd.s32 s2, s4;
	[tilespmem:s28+$0xC000] =	vst v36  }
0x2c2: {  	s4 =	sadd.s32 $0x180, s30;
	s7 =	rddreg [dreg:$0x6]  }
0x2c3: {  	p1 =	por !p1, !p1;
	s31 =	sor.u32 $0x800, s4;
	v14 =	vor.u32 v39, v58;
	s5 =	sadd.s32 $0x80, s30;
	v5 =	vld.idx.msk [tilespmem:v5+s20+$0x0], $0xffff;
	[tilespmem:s7+$0xC000] =	vst v11  }
0x2c4: {  	s23 =	sadd.s32 $0x2, s13;
	v19 =	vor.u32 $0x800, v25;
	s8 =	simm.s32 $0x1;
	s9 =	sor.u32 $0x800, s5;
	v12 =	vld.idx.msk [tilespmem:v16+s20+$0x0], $0xffff;
	[tilespmem:s31+$0xC000] =	vst v31  }
0x2c5: {  	s6 =	sand.u32 $0x3, s23;
	s8 =	simm.s32 @!p1 $0x0;
	v20 =	vor.u32 v46, v19;
	v21 =	vor.u32 $0x800, v62;
	[tilespmem:s9+$0xC000] =	vst v17;
	v15 =	vld.idx.msk [tilespmem:v15+s20+$0x0], $0xffff  }
0x2c6: {  	s6 =	sshll.u32 s6, $0x8;
	v0 =	vor.u32 v4, v1;
	s8 =	sshll.u32 s8, $0x9;
	v4 =	vor.u32 v46, v21;
	v16 =	vor.u32 $0x800, v9;
	v31 =	vld [tilespmem:$0x1FEC0]  }
0x2c7: {  	s6 =	sadd.s32 s2, s6;
	v10 =	vor.u32 $0x800, v0;
	s2 =	sadd.s32 s8, s2;
	v36 =	vor.u32 v46, v16  }
0x2c8: {  	s6 =	sadd.s32 $0x100, s6;
	v30 =	vmov v27;
	s13 =	sor.u32 $0x800, s2;
	v14 =	vld.idx.msk [tilespmem:v14+s20+$0x0], $0xffff;
	v11 =	vor.u32 v46, v10  }
0x2c9: {  	s10 =	sor.u32 $0x800, s6;
	v18 =	vor.u32 v30, v54;
	[tilespmem:s13+$0xC000] =	vst v5  }
0x2ca: {  	s14 =	sor.u32 $0xC20, s0;
	v20 =	vld.idx.msk [tilespmem:v20+s20+$0x0], $0xffff;
	[tilespmem:s10+$0xC000] =	vst v12  }
0x2cb: {  	v4 =	vld.idx.msk [tilespmem:v4+s20+$0x0], $0xffff;
	v17 =	vor.u32 v31, v7;
	[tilespmem:s14+$0xC000] =	vst v15  }
0x2cc: {  	v12 =	vor.u32 v23, v19;
	v5 =	vld.idx.msk [tilespmem:v36+s20+$0x0], $0xffff;
	s7 =	rddreg [dreg:$0x8]  }
0x2cd: {  	v36 =	vor.u32 v23, v21;
	v11 =	vld.idx.msk [tilespmem:v11+s20+$0x0], $0xffff;
	[tilespmem:s7+$0xC000] =	vst v14  }
0x2ce: {  	s16 =	sor.u32 $0x810, s4;
	v18 =	vld.idx.msk [tilespmem:v18+s20+$0x0], $0xffff;
	[tilespmem:$0x1FD40] =	vst v23  }
0x2cf: {  	v57 =	vor.u32 v30, v57;
	s23 =	sor.u32 $0x810, s5;
	[tilespmem:s16+$0xC000] =	vst v20  }
0x2d0: {  	s28 =	sor.u32 $0x810, s6;
	v15 =	vor.u32 v23, v16;
	[tilespmem:s23+$0xC000] =	vst v4;
	v17 =	vld.idx.msk [tilespmem:v17+s20+$0x0], $0xffff  }
0x2d1: {  	s30 =	sor.u32 $0x810, s2;
	v14 =	vor.u32 v23, v10;
	[tilespmem:s28+$0xC000] =	vst v5;
	v12 =	vld.idx.msk [tilespmem:v12+s20+$0x0], $0xffff  }
0x2d2: {  	v27 =	vmov v22;
	[tilespmem:s30+$0xC000] =	vst v11;
	v22 =	vld.idx.msk [tilespmem:v36+s20+$0x0], $0xffff  }
0x2d3: {  	s31 =	sor.u32 $0x870, s1;
	v36 =	vld [tilespmem:$0x1FED0]  }
0x2d4: {  	s8 =	sor.u32 $0xC30, s0;
	v20 =	vld.idx.msk [tilespmem:v57+s20+$0x0], $0xffff;
	[tilespmem:s31+$0xC000] =	vst v18  }
0x2d5: {  	v15 =	vld.idx.msk [tilespmem:v15+s20+$0x0], $0xffff;
	[tilespmem:s8+$0xC000] =	vst v17  }
0x2d6: {  	s9 =	sor.u32 $0x820, s4;
	v14 =	vld.idx.msk [tilespmem:v14+s20+$0x0], $0xffff;
	[tilespmem:$0x1FD50] =	vst v53  }
0x2d7: {  	v23 =	vor.u32 v53, v21;
	v4 =	vor.u32 v30, v58;
	v5 =	vor.u32 v53, v19;
	[tilespmem:s9+$0xC000] =	vst v12  }
0x2d8: {  	v57 =	vor.u32 v53, v10;
	v58 =	vadd.s32 v36, v56;
	v56 =	vor.u32 v53, v16;
	v53 =	vld [tilespmem:$0x1FEF0];
	_ =	sdelay $0x1  }
0x2d9: {  	s10 =	sor.u32 $0x820, s5  }
0x2da: {  	s13 =	sor.u32 $0x820, s6;
	[tilespmem:s10+$0xC000] =	vst v22  }
0x2db: {  	v24 =	vadd.s32 v63, v47;
	s14 =	sor.u32 $0x820, s2;
	v11 =	vor.u32 v55, v58;
	v4 =	vld.idx.msk [tilespmem:v4+s20+$0x0], $0xffff;
	[tilespmem:s13+$0xC000] =	vst v15  }
0x2dc: {  	v58 =	vor.u32 v48, v24;
	[tilespmem:s14+$0xC000] =	vst v14;
	v11 =	vor.u32 v53, v11  }
0x2dd: {  	v12 =	vor.u32 v28, v58;
	v5 =	vld.idx.msk [tilespmem:v5+s20+$0x0], $0xffff;
	s7 =	rddreg [dreg:$0x4]  }
0x2de: {  	v22 =	vld.idx.msk [tilespmem:v23+s20+$0x0], $0xffff;
	[tilespmem:s7+$0xC000] =	vst v20  }
0x2df: {  	v15 =	vor.u32 v26, v25;
	v14 =	vld.idx.msk [tilespmem:v56+s20+$0x0], $0xffff;
	s7 =	rddreg [dreg:$0x5]  }
0x2e0: {  	v18 =	vor.u32 v26, v62;
	v17 =	vld.idx.msk [tilespmem:v57+s20+$0x0], $0xffff;
	[tilespmem:s7+$0xC000] =	vst v4  }
0x2e1: {  	s16 =	sor.u32 $0x830, s4;
	v55 =	vadd.s32 v63, v52;
	v56 =	vor.u32 v26, v9;
	v11 =	vld.idx.msk [tilespmem:v11+s20+$0x0], $0xffff;
	[tilespmem:$0x1FD60] =	vst v26  }
0x2e2: {  	s23 =	sor.u32 $0x830, s5;
	v57 =	vor.u32 v26, v13;
	v20 =	vor.u32 v51, v55;
	[tilespmem:s16+$0xC000] =	vst v5;
	v58 =	vld.idx.msk [tilespmem:v12+s20+$0x0], $0xffff  }
0x2e3: {  	s28 =	sor.u32 $0x830, s6;
	v12 =	vor.u32 v28, v20;
	[tilespmem:s23+$0xC000] =	vst v22  }
0x2e4: {  	v7 =	vor.u32 v45, v7;
	s30 =	sor.u32 $0x830, s2;
	[tilespmem:s28+$0xC000] =	vst v14;
	v15 =	vld.idx.msk [tilespmem:v15+s20+$0x0], $0xffff  }
0x2e5: {  	s31 =	sor.u32 $0xC40, s0;
	v14 =	vor.u32 v44, v19;
	[tilespmem:s30+$0xC000] =	vst v17;
	v18 =	vld.idx.msk [tilespmem:v18+s20+$0x0], $0xffff  }
0x2e6: {  	s8 =	sor.u32 $0xC00, s1;
	v55 =	vor.u32 v44, v21;
	v17 =	vld.idx.msk [tilespmem:v56+s20+$0x0], $0xffff;
	[tilespmem:s31+$0xC000] =	vst v11  }
0x2e7: {  	v4 =	vor.u32 $0xC00, v54;
	v57 =	vld.idx.msk [tilespmem:v57+s20+$0x0], $0xffff;
	[tilespmem:s8+$0xC000] =	vst v58  }
0x2e8: {  	s9 =	sor.u32 $0x840, s4;
	v22 =	vor.u32 v32, v4;
	v21 =	vld.idx.msk [tilespmem:v12+s20+$0x0], $0xffff;
	[tilespmem:$0x1FD70] =	vst v44  }
0x2e9: {  	v16 =	vor.u32 v44, v16;
	s10 =	sor.u32 $0x840, s5;
	v56 =	vadd.s32 v63, v50;
	[tilespmem:s9+$0xC000] =	vst v15;
	v7 =	vld.idx.msk [tilespmem:v7+s20+$0x0], $0xffff  }
0x2ea: {  	v10 =	vor.u32 v44, v10;
	s13 =	sor.u32 $0x840, s6;
	v58 =	vor.u32 v49, v56;
	[tilespmem:s10+$0xC000] =	vst v18;
	v14 =	vld.idx.msk [tilespmem:v14+s20+$0x0], $0xffff  }
0x2eb: {  	s14 =	sor.u32 $0x840, s2;
	v11 =	vor.u32 v28, v58;
	[tilespmem:s13+$0xC000] =	vst v17;
	v44 =	vld.idx.msk [tilespmem:v55+s20+$0x0], $0xffff  }
0x2ec: {  	[tilespmem:s14+$0xC000] =	vst v57  }
0x2ed: {  	s0 =	sor.u32 $0xC50, s0;
	v23 =	vor.u32 v39, v25;
	v12 =	vld.idx.msk [tilespmem:v22+s20+$0x0], $0xffff;
	[tilespmem:s26+$0xC000] =	vst v21  }
0x2ee: {  	v54 =	vor.u32 v39, v62;
	s16 =	sor.u32 $0x850, s4;
	v16 =	vld.idx.msk [tilespmem:v16+s20+$0x0], $0xffff;
	[tilespmem:s0+$0xC000] =	vst v7  }
0x2ef: {  	s23 =	sor.u32 $0x850, s5;
	v56 =	vor.u32 v39, v9;
	v55 =	vld.idx.msk [tilespmem:v10+s20+$0x0], $0xffff;
	[tilespmem:s16+$0xC000] =	vst v14  }
0x2f0: {  	v57 =	vor.u32 v39, v13;
	v11 =	vld.idx.msk [tilespmem:v11+s20+$0x0], $0xffff;
	[tilespmem:s23+$0xC000] =	vst v44  }
0x2f1: {  	v6 =	vor.u32 $0xC00, v6;
	v7 =	vld [tilespmem:$0x1FD80]  }
0x2f2: {  	s26 =	sor.u32 $0x850, s6;
	v21 =	vor.u32 v32, v6;
	v14 =	vld.idx.msk [tilespmem:v23+s20+$0x0], $0xffff  }
0x2f3: {  	s28 =	sor.u32 $0x850, s2;
	[tilespmem:s26+$0xC000] =	vst v16;
	v58 =	vld.idx.msk [tilespmem:v54+s20+$0x0], $0xffff;
	v23 =	vor.u32 v30, v25  }
0x2f4: {  	v44 =	vor.u32 v30, v62;
	[tilespmem:s28+$0xC000] =	vst v55;
	v10 =	vld.idx.msk [tilespmem:v56+s20+$0x0], $0xffff  }
0x2f5: {  	v54 =	vor.u32 v30, v9;
	v22 =	vld.idx.msk [tilespmem:v57+s20+$0x0], $0xffff;
	[tilespmem:s29+$0xC000] =	vst v11;
	s29 =	sor.u32 $0xC10, s1  }
0x2f6: {  	s30 =	sor.u32 $0x860, s4;
	v55 =	vor.u32 v30, v13;
	v56 =	vor.u32 v29, v4;
	[tilespmem:s29+$0xC000] =	vst v12  }
0x2f7: {  	s31 =	sor.u32 $0x860, s5;
	v57 =	vadd.s32 v63, v43;
	v11 =	vld.idx.msk [tilespmem:v21+s20+$0x0], $0xffff;
	v7 =	vor.u32 v51, v7;
	[tilespmem:s30+$0xC000] =	vst v14  }
0x2f8: {  	s7 =	sor.u32 $0x860, s6;
	v15 =	vor.u32 v34, v57;
	[tilespmem:s31+$0xC000] =	vst v58;
	v7 =	vor.u32 $0xC00, v7;
	v12 =	vld.idx.msk [tilespmem:v23+s20+$0x0], $0xffff  }
0x2f9: {  	s8 =	sor.u32 $0x860, s2;
	v21 =	vadd.s32 v63, v3;
	[tilespmem:s7+$0xC000] =	vst v10;
	v14 =	vld.idx.msk [tilespmem:v44+s20+$0x0], $0xffff;
	v20 =	vor.u32 v32, v7  }
0x2fa: {  	v15 =	vor.u32 v28, v15;
	v18 =	vor.u32 v2, v21;
	[tilespmem:s8+$0xC000] =	vst v22;
	v9 =	vld.idx.msk [tilespmem:v54+s20+$0x0], $0xffff  }
0x2fb: {  	v30 =	vor.u32 v28, v18;
	v22 =	vadd.s32 v63, v33;
	v23 =	vld.idx.msk [tilespmem:v55+s20+$0x0], $0xffff  }
0x2fc: {  	v44 =	vor.u32 v1, v22;
	v54 =	vld.idx.msk [tilespmem:v56+s20+$0x0], $0xffff;
	v56 =	vor.u32 v29, v6  }
0x2fd: {  	v8 =	vor.u32 v2, v8;
	s9 =	sor.u32 $0x870, s4;
	[tilespmem:s15+$0xC000] =	vst v11;
	v55 =	vor.u32 v28, v44  }
0x2fe: {  	s13 =	sor.u32 $0x870, s6;
	v57 =	vor.u32 v31, v4;
	[tilespmem:s9+$0xC000] =	vst v12;
	v5 =	vld.idx.msk [tilespmem:v20+s20+$0x0], $0xffff;
	v20 =	vadd.s32 v63, v60  }
0x2ff: {  	s10 =	sor.u32 $0x870, s5;
	v58 =	vor.u32 v29, v7;
	v15 =	vld.idx.msk [tilespmem:v15+s20+$0x0], $0xffff;
	[tilespmem:s13+$0xC000] =	vst v9;
	v17 =	vor.u32 v61, v20  }
0x300: {  	v8 =	vor.u32 $0xC00, v8;
	s14 =	sor.u32 $0x870, s2;
	[tilespmem:s10+$0xC000] =	vst v14;
	v21 =	vld.idx.msk [tilespmem:v30+s20+$0x0], $0xffff;
	v17 =	vor.u32 v28, v17  }
0x301: {  	s15 =	sor.u32 $0xC20, s1;
	[tilespmem:s14+$0xC000] =	vst v23;
	v12 =	vld.idx.msk [tilespmem:v56+s20+$0x0], $0xffff;
	v30 =	vor.u32 v32, v8  }
0x302: {  	v0 =	vor.u32 $0xC00, v0;
	[tilespmem:s15+$0xC000] =	vst v54;
	v23 =	vld.idx.msk [tilespmem:v55+s20+$0x0], $0xffff  }
0x303: {  	v18 =	vor.u32 $0xC00, v25;
	v44 =	vor.u32 v32, v0;
	v14 =	vld.idx.msk [tilespmem:v57+s20+$0x0], $0xffff;
	[tilespmem:s22+$0xC000] =	vst v5  }
0x304: {  	s22 =	sor.u32 $0xC00, s6;
	v16 =	vld.idx.msk [tilespmem:v58+s20+$0x0], $0xffff;
	v58 =	vor.u32 v32, v18  }
0x305: {  	v19 =	vor.u32 $0xC00, v62;
	s16 =	sor.u32 $0xC00, s4;
	v55 =	vor.u32 v31, v6;
	[tilespmem:s22+$0xC000] =	vst v21;
	v17 =	vld.idx.msk [tilespmem:v17+s20+$0x0], $0xffff  }
0x306: {  	s23 =	sor.u32 $0xC00, s2;
	v22 =	vor.u32 v32, v19;
	[tilespmem:s16+$0xC000] =	vst v15;
	v57 =	vld.idx.msk [tilespmem:v30+s20+$0x0], $0xffff  }
0x307: {  	[tilespmem:s23+$0xC000] =	vst v23;
	v30 =	vor.u32 v29, v8  }
0x308: {  	v54 =	vor.u32 v31, v7;
	[tilespmem:s21+$0xC000] =	vst v12;
	v62 =	vld.idx.msk [tilespmem:v44+s20+$0x0], $0xffff  }
0x309: {  	v44 =	vadd.s32 v36, v47;
	v47 =	vor.u32 v29, v0;
	[tilespmem:s18+$0xC000] =	vst v16;
	s18 =	sor.u32 $0xC00, s5;
	v9 =	vld.idx.msk [tilespmem:v58+s20+$0x0], $0xffff  }
0x30a: {  	s30 =	sor.u32 $0xC10, s6;
	[tilespmem:s18+$0xC000] =	vst v17;
	v17 =	vld.idx.msk [tilespmem:v55+s20+$0x0], $0xffff  }
0x30b: {  	s26 =	sor.u32 $0xC30, s1;
	v56 =	vor.u32 v29, v18;
	[tilespmem:s30+$0xC000] =	vst v57;
	v10 =	vld.idx.msk [tilespmem:v22+s20+$0x0], $0xffff  }
0x30c: {  	s31 =	sor.u32 $0xC10, s2;
	[tilespmem:s26+$0xC000] =	vst v14;
	v20 =	vor.u32 v48, v44;
	v58 =	vor.u32 v29, v19;
	v55 =	vld.idx.msk [tilespmem:v30+s20+$0x0], $0xffff  }
0x30d: {  	s28 =	sor.u32 $0xC10, s4;
	v48 =	vadd.s32 v36, v52;
	v15 =	vld.idx.msk [tilespmem:v54+s20+$0x0], $0xffff;
	[tilespmem:s31+$0xC000] =	vst v62;
	v62 =	vor.u32 v31, v8  }
0x30e: {  	v14 =	vld.idx.msk [tilespmem:v47+s20+$0x0], $0xffff;
	[tilespmem:s28+$0xC000] =	vst v9;
	v9 =	vor.u32 v51, v48;
	v51 =	vor.u32 v53, v20  }
0x30f: {  	v4 =	vor.u32 v45, v4;
	s29 =	sor.u32 $0xC10, s5;
	v44 =	vadd.s32 v36, v3;
	v30 =	vor.u32 v31, v0  }
0x310: {  	s9 =	sor.u32 $0xC20, s6;
	v54 =	vor.u32 v31, v18;
	v5 =	vld.idx.msk [tilespmem:v56+s20+$0x0], $0xffff;
	v9 =	vor.u32 v53, v9;
	[tilespmem:s29+$0xC000] =	vst v10  }
0x311: {  	v57 =	vor.u32 v31, v19;
	v56 =	vadd.s32 v36, v50;
	[tilespmem:s9+$0xC000] =	vst v55;
	v52 =	vld.idx.msk [tilespmem:v58+s20+$0x0], $0xffff  }
0x312: {  	s10 =	sor.u32 $0xC20, s2;
	v47 =	vor.u32 v2, v44;
	[tilespmem:s11+$0xC000] =	vst v15;
	v15 =	vor.u32 v49, v56;
	v50 =	vld.idx.msk [tilespmem:v62+s20+$0x0], $0xffff  }
0x313: {  	v48 =	vadd.s32 v36, v33;
	[tilespmem:s10+$0xC000] =	vst v14;
	v31 =	vor.u32 v53, v15;
	v22 =	vld.idx.msk [tilespmem:v51+s20+$0x0], $0xffff  }
0x314: {  	s7 =	sor.u32 $0xC20, s4;
	v2 =	vor.u32 v53, v47;
	[tilespmem:s12+$0xC000] =	vst v17;
	v1 =	vor.u32 v1, v48;
	v51 =	vld.idx.msk [tilespmem:v30+s20+$0x0], $0xffff  }
0x315: {  	s8 =	sor.u32 $0xC20, s5;
	v1 =	vor.u32 v53, v1;
	v58 =	vadd.s32 v36, v43;
	[tilespmem:s7+$0xC000] =	vst v5;
	v9 =	vld.idx.msk [tilespmem:v9+s20+$0x0], $0xffff  }
0x316: {  	s14 =	sor.u32 $0xC30, s6;
	v23 =	vor.u32 v34, v58;
	v34 =	vadd.s32 v36, v60;
	v12 =	vld.idx.msk [tilespmem:v54+s20+$0x0], $0xffff;
	[tilespmem:s8+$0xC000] =	vst v52  }
0x317: {  	s11 =	sor.u32 $0xC40, s1;
	v15 =	vor.u32 v61, v34;
	v10 =	vor.u32 v53, v23;
	[tilespmem:s14+$0xC000] =	vst v50;
	v43 =	vld.idx.msk [tilespmem:v57+s20+$0x0], $0xffff  }
0x318: {  	s15 =	sor.u32 $0xC30, s2;
	v49 =	vor.u32 v53, v15;
	v52 =	vld.idx.msk [tilespmem:v31+s20+$0x0], $0xffff;
	[tilespmem:s11+$0xC000] =	vst v22  }
0x319: {  	v7 =	vor.u32 v45, v7;
	v2 =	vld.idx.msk [tilespmem:v2+s20+$0x0], $0xffff;
	[tilespmem:s15+$0xC000] =	vst v51  }
0x31a: {  	s12 =	sor.u32 $0xC30, s4;
	[tilespmem:s17+$0xC000] =	vst v9;
	v4 =	vld.idx.msk [tilespmem:v4+s20+$0x0], $0xffff  }
0x31b: {  	s13 =	sor.u32 $0xC30, s5;
	v1 =	vld.idx.msk [tilespmem:v1+s20+$0x0], $0xffff;
	[tilespmem:s12+$0xC000] =	vst v12  }
0x31c: {  	v6 =	vor.u32 v45, v6;
	v53 =	vld.idx.msk [tilespmem:v10+s20+$0x0], $0xffff;
	[tilespmem:s13+$0xC000] =	vst v43  }
0x31d: {  	s21 =	sor.u32 $0xC40, s6;
	v54 =	vor.u32 v45, v18;
	v55 =	vld.idx.msk [tilespmem:v49+s20+$0x0], $0xffff;
	s15 =	sld [smem:$0x7F8];
	[tilespmem:s25+$0xC000] =	vst v52  }
0x31e: {  	s1 =	sor.u32 $0xC50, s1;
	v56 =	vor.u32 v45, v19;
	v58 =	vld.idx.msk [tilespmem:v7+s20+$0x0], $0xffff;
	[tilespmem:s21+$0xC000] =	vst v2  }
0x31f: {  	s22 =	sor.u32 $0xC40, s2;
	[tilespmem:s1+$0xC000] =	vst v4  }
0x320: {  	v57 =	vor.u32 v45, v8;
	s17 =	sor.u32 $0xC40, s4;
	[tilespmem:s22+$0xC000] =	vst v1  }
0x321: {  	s18 =	sor.u32 $0xC40, s5;
	v0 =	vor.u32 v45, v0;
	v6 =	vld.idx.msk [tilespmem:v6+s20+$0x0], $0xffff;
	[tilespmem:s17+$0xC000] =	vst v53  }
0x322: {  	v60 =	vld.idx.msk [tilespmem:v54+s20+$0x0], $0xffff;
	[tilespmem:s18+$0xC000] =	vst v55  }
0x323: {  	[tilespmem:s3+$0xC000] =	vst v58;
	v61 =	vld.idx.msk [tilespmem:v56+s20+$0x0], $0xffff  }
0x324: {  	s1 =	sld [smem:$0x7F0]  }
0x325: {  	v62 =	vld.idx.msk [tilespmem:v57+s20+$0x0], $0xffff  }
0x326: {  	s25 =	sor.u32 $0xC50, s4;
	v0 =	vld.idx.msk [tilespmem:v0+s20+$0x0], $0xffff;
	s16 =	smul.u32 $0xCD, s15;
	[tilespmem:s24+$0xC000] =	vst v6  }
0x327: {  	s26 =	sor.u32 $0xC50, s5;
	s23 =	smul.u32 $0x3C000, s1;
	[tilespmem:s25+$0xC000] =	vst v60  }
0x328: {  	[tilespmem:s26+$0xC000] =	vst v61  }
0x329: {  	s28 =	sor.u32 $0xC50, s6;
	s0 =	sshrl.u32 s16, $0xB;
	[smem:$0x7D3] =	sst s23  }
0x32a: {  	s29 =	sor.u32 $0xC50, s2;
	s0 =	sand.u32 $0x1F, s0;
	[tilespmem:s28+$0xC000] =	vst v62  }
0x32b: {  	s0 =	smul.u32 $0xA, s0;
	[tilespmem:s29+$0xC000] =	vst v0  }
0x32c: {  	s31 =	sld [smem:$0x7F7]  }
0x32d: {  	s0 =	ssub.s32 s15, s0  }
0x32e: {  	s0 =	sand.u32 $0xFF, s0  }
0x32f: {  	s0 =	smul.u32 $0x6000, s0;
	p1 =	seq.s32 s31, $0x13  }
.Ltmp3:
0x330: {  	s1 =	sld [smem:$0x7FA];
	(pc) =	sbr.rel @p1 .LBB2_6-.Ltmp3, $4  }
0x331: {  	s0 =	sadd.s32 s0, s23  }
0x332: {  	s0 =	sshrl.u32 s0, $0x3  }
0x333: {  	s30 =	simm.s32 $0xC000;
	s0 =	sadd.s32 s1, s0  }
0x334: {  	v24 =	vmovc v46;
	v26 =	vmov v63;
	v25 =	vmov v29;
	v53 =	vmov v39;
	[hbm4b:s0+s20] =	stream.linear.scatter [tilespmem:s30], [sflag:$0x3], $0x6000, $0x38;
	[tilespmem:$0x18100] =	vst v63  }
0x335: {  	s0 =	sadd.s32 $0x2, s15  }
0x336: {  	s4 =	sld [smem:$0x7FD];
	s1 =	smulhi.u32 $0x66666667, s0  }
0x337: {  	_ = 	snop  }
0x338: {  	s1 =	sshrl.u32 s1, $0x2  }
0x339: {  	s2 =	smul.u32 $0xA, s1;
	s1 =	sadd.s32 s4, s1  }
0x33a: {  	s4 =	smulhi.u32 $0x55555556, s1;
	_ =	sdelay $0x1  }
0x33b: {  	s0 =	ssub.s32 s0, s2;
	s13 =	smul.u32 $0x3, s4  }
0x33c: {  	s0 =	smul.u32 $0x30, s0  }
0x33d: {  	s2 =	ssub.s32 s13, s1  }
0x33e: {  	s1 =	sshll.u32 s1, $0x9;
	s0 =	sadd.s32 s0, s2  }
0x33f: {  	s0 =	sadd.s32 s1, s0  }
0x340: {  	v3 =	vlaneseq.u32;
	v4 =	vld [tilespmem:$0x1FF80];
	s1 =	sadd.s32 $0x2, s0  }
0x341: {  	v0 =	vadd.s32 s1, v3  }
0x342: {  	v6 =	vld [tilespmem:$0x1FFE0];
	v1 =	vshll.u32 v0, $0x2  }
0x343: {  	v2 =	vand.u32 $0x7, v0;
	v1 =	vand.u32 $0xFFFFFFE0, v1  }
0x344: {  	v5 =	vld [tilespmem:$0x1FF90];
	v1 =	vor.u32 v2, v1  }
0x345: {  	v2 =	vperm.xlane v1, v4;
	_ =	sdelay $0x1  }
0x346: {  	v2 =	vadd.s32 v6, v2  }
0x347: {  	s14 =	sadd.s32 $0x12, s0  }
0x348: {  	s0 =	sadd.s32 $0x22, s0;
	v58 =	vadd.s32 s14, v3;
	[tilespmem:$0x18000] =	vst v0;
	v1 =	vperm.xlane v1, v5  }
0x349: {  	s16 =	rddreg [dreg:$0x0];
	v60 =	vadd.s32 s0, v3;
	[tilespmem:$0x18010] =	vst v58  }
0x34a: {  	s17 =	sld [smem:$0x7FB];
	[tilespmem:$0x18020] =	vst v60;
	v61 =	vadd.s32 v6, v1  }
0x34b: {  	[tilespmem:s20], [sflag:$0x1] =	stream.indirect_vreg.gather [hbm4b:s16+s20], $0x80, v2, vm0, $0xb8;
	[tilespmem:$0x18100] =	vst v63  }
0x34c: {  	s18 =	simm.s32 $0x800  }
0x34d: {  	[tilespmem:s18], [sflag:$0x1] =	stream.indirect_vreg.gather [hbm4b:s17+s20], $0x80, v2, vm0, $0xb8;
	[tilespmem:$0x18100] =	vst v63  }
0x34e: {  	s21 =	simm.s32 $0x1000  }
0x34f: {  	[tilespmem:s21], [sflag:$0x1] =	stream.indirect_vreg.gather [hbm4b:s16+s20], $0x80, v61, vm0, $0xb8;
	[tilespmem:$0x18100] =	vst v63  }
0x350: {  	s22 =	simm.s32 $0x1800  }
0x351: {  	[tilespmem:s22], [sflag:$0x1] =	stream.indirect_vreg.gather [hbm4b:s17+s20], $0x80, v61, vm0, $0xb8;
	[tilespmem:$0x18100] =	vst v63  }
0x352: {  	v0 =	vld [tilespmem:$0x18010];
	_ =	sdelay $0x4  }
0x353: {  	v62 =	vshll.u32 v0, $0x2  }
0x354: {  	v0 =	vand.u32 $0x7, v0;
	v1 =	vand.u32 $0xFFFFFFE0, v62  }
0x355: {  	v0 =	vor.u32 v0, v1  }
0x356: {  	v1 =	vperm.xlane v0, v4;
	_ =	sdelay $0x1  }
0x357: {  	v1 =	vadd.s32 v6, v1;
	_ =	sdelay $0x1  }
0x358: {  	v0 =	vperm.xlane v0, v5;
	_ =	sdelay $0x1  }
0x359: {  	s23 =	simm.s32 $0x2000;
	v0 =	vadd.s32 v6, v0  }
0x35a: {  	[tilespmem:s23], [sflag:$0x1] =	stream.indirect_vreg.gather [hbm4b:s16+s20], $0x80, v1, vm0, $0xb8;
	[tilespmem:$0x18100] =	vst v63  }
0x35b: {  	s24 =	simm.s32 $0x2800  }
0x35c: {  	[tilespmem:s24], [sflag:$0x1] =	stream.indirect_vreg.gather [hbm4b:s17+s20], $0x80, v1, vm0, $0xb8;
	[tilespmem:$0x18100] =	vst v63  }
0x35d: {  	s25 =	simm.s32 $0x3000  }
0x35e: {  	[tilespmem:s25], [sflag:$0x1] =	stream.indirect_vreg.gather [hbm4b:s16+s20], $0x80, v0, vm0, $0xb8;
	[tilespmem:$0x18100] =	vst v63  }
0x35f: {  	s26 =	simm.s32 $0x3800  }
0x360: {  	[tilespmem:s26], [sflag:$0x1] =	stream.indirect_vreg.gather [hbm4b:s17+s20], $0x80, v0, vm0, $0xb8;
	[tilespmem:$0x18100] =	vst v63  }
0x361: {  	v0 =	vld [tilespmem:$0x18020];
	_ =	sdelay $0x4  }
0x362: {  	v63 =	vshll.u32 v0, $0x2  }
0x363: {  	v0 =	vand.u32 $0x7, v0;
	v1 =	vand.u32 $0xFFFFFFE0, v63  }
0x364: {  	v0 =	vor.u32 v0, v1  }
0x365: {  	v1 =	vperm.xlane v0, v4;
	_ =	sdelay $0x1  }
0x366: {  	v1 =	vadd.s32 v6, v1;
	_ =	sdelay $0x1  }
0x367: {  	v0 =	vperm.xlane v0, v5;
	_ =	sdelay $0x1  }
0x368: {  	s28 =	simm.s32 $0x4000;
	v0 =	vadd.s32 v6, v0  }
0x369: {  	[tilespmem:s28], [sflag:$0x1] =	stream.indirect_vreg.gather [hbm4b:s16+s20], $0x80, v1, vm0, $0xb8;
	[tilespmem:$0x18100] =	vst v63  }
0x36a: {  	s29 =	simm.s32 $0x4800  }
0x36b: {  	[tilespmem:s29], [sflag:$0x1] =	stream.indirect_vreg.gather [hbm4b:s17+s20], $0x80, v1, vm0, $0xb8;
	[tilespmem:$0x18100] =	vst v63  }
0x36c: {  	s30 =	simm.s32 $0x5000  }
0x36d: {  	[tilespmem:s30], [sflag:$0x1] =	stream.indirect_vreg.gather [hbm4b:s16+s20], $0x80, v0, vm0, $0xb8;
	[tilespmem:$0x18100] =	vst v63  }
0x36e: {  	s31 =	simm.s32 $0x5800  }
0x36f: {  	[tilespmem:s31], [sflag:$0x1] =	stream.indirect_vreg.gather [hbm4b:s17+s20], $0x80, v0, vm0, $0xb8;
	[tilespmem:$0x18100] =	vst v63  }
.LBB2_6:
0x370: {  	s0 =	simm.s32 $0x1;
	s12 =	simm.s32 $0x2  }
0x371: {  	s11 =	simm.s32 $0x3;
	v0 =	vmov s0;
	_ =	swait.ge [sflag:s12], $0x6000  }
0x372: {  	v2 =	vmov s11;
	v1 =	vshll.u32 v0, $0x9;
	v46 =	vld [tilespmem:$0x1FD00]  }
0x373: {  	s16 =	simm.s32 $0x2;
	v0 =	vshll.u32 v0, $0x7;
	v8 =	vand.u32 $0x7000, v1;
	v1 =	vshll.u32 v2, $0x9  }
0x374: {  	v2 =	vshll.u32 v2, $0x7;
	v63 =	vand.u32 $0x280, v0;
	v0 =	vmov s16  }
0x375: {  	[sflag:s12] =	ssyncset.done $0x0;
	v10 =	vand.u32 $0x7000, v1;
	v12 =	vand.u32 $0x380, v2;
	v1 =	vshll.u32 v0, $0x9  }
0x376: {  	s8 =	simm.s32 $0x0;
	s0 =	simm.s32 @!p0 $0x4;
	[sflag:s12] =	ssyncadd.s32 $0xFFFFA000;
	v62 =	vor.u32 v12, v10;
	[tilespmem:$0x1FCE0] =	vst v1  }
0x377: {  	v6 =	vmov s8;
	v11 =	vor.u32 v63, v8;
	_ =	swait.ge @!p0 [sflag:s0], $0x6000;
	v4 =	vor.u32 v46, v62  }
0x378: {  	v0 =	vshll.u32 v0, $0x7;
	v2 =	vshll.u32 v6, $0x9;
	v3 =	vor.u32 v46, v11;
	v29 =	vld [tilespmem:$0x1FDA0]  }
0x379: {  	v6 =	vshll.u32 v6, $0x7;
	v9 =	vand.u32 $0x7000, v1;
	v45 =	vand.u32 $0x300, v0  }
0x37a: {  	v21 =	vand.u32 $0x7000, v2;
	v39 =	vand.u32 $0x200, v6;
	v61 =	vor.u32 v45, v9;
	[sflag:s0] =	ssyncset.done @!p0 $0x0;
	[tilespmem:$0x1FCF0] =	vst v9  }
0x37b: {  	v13 =	vor.u32 v39, v21;
	v6 =	vor.u32 v46, v61;
	[tilespmem:$0x1FCC0] =	vst v21;
	[sflag:s0] =	ssyncadd.s32 @!p0 $0xFFFFA000  }
0x37c: {  	v7 =	vor.u32 v46, v13;
	v4 =	vld.idx.msk [tilespmem:v4+s19+$0x0], $0xffff  }
0x37d: {  	v14 =	vor.u32 v29, v62;
	v3 =	vld.idx.msk [tilespmem:v3+s19+$0x0], $0xffff  }
0x37e: {  	s13 =	simm.s32 $0x180;
	s1 =	sand.u32 $0x7000, s8  }
0x37f: {  	s14 =	simm.s32 $0x80;
	s5 =	sadd.s32 $0x12000, s1;
	s0 =	sand.u32 $0x380, s13;
	v15 =	vor.u32 v29, v11  }
0x380: {  	s17 =	sand.u32 $0x280, s14;
	s4 =	sor.u32 s0, s5;
	v6 =	vld.idx.msk [tilespmem:v6+s19+$0x0], $0xffff  }
0x381: {  	s2 =	sor.u32 s17, s5;
	v7 =	vld.idx.msk [tilespmem:v7+s19+$0x0], $0xffff;
	[tilespmem:s4+$0x0] =	vst v4  }
0x382: {  	[tilespmem:s2+$0x0] =	vst v3;
	v14 =	vld.idx.msk [tilespmem:v14+s19+$0x0], $0xffff  }
0x383: {  	s18 =	simm.s32 $0x100;
	v28 =	vld [tilespmem:$0x1FDB0]  }
0x384: {  	s21 =	simm.s32 $0x0;
	s1 =	sand.u32 $0x300, s18;
	v15 =	vld.idx.msk [tilespmem:v15+s19+$0x0], $0xffff  }
0x385: {  	s1 =	sor.u32 s1, s5;
	s0 =	sand.u32 $0x200, s21  }
0x386: {  	s0 =	sor.u32 s0, s5;
	[tilespmem:s1+$0x0] =	vst v6  }
0x387: {  	v16 =	vor.u32 v29, v61;
	[tilespmem:s0+$0x0] =	vst v7  }
0x388: {  	v4 =	vor.u32 v29, v13;
	[tilespmem:s4+$0x10] =	vst v14  }
0x389: {  	v3 =	vor.u32 v28, v62;
	[tilespmem:s2+$0x10] =	vst v15  }
0x38a: {  	v6 =	vor.u32 v28, v11;
	v30 =	vld [tilespmem:$0x1FDC0];
	_ =	sdelay $0x1  }
0x38b: {  	v7 =	vld.idx.msk [tilespmem:v16+s19+$0x0], $0xffff  }
0x38c: {  	v4 =	vld.idx.msk [tilespmem:v4+s19+$0x0], $0xffff;
	v16 =	vor.u32 v28, v61  }
0x38d: {  	v14 =	vor.u32 v28, v13;
	v3 =	vld.idx.msk [tilespmem:v3+s19+$0x0], $0xffff  }
0x38e: {  	v6 =	vld.idx.msk [tilespmem:v6+s19+$0x0], $0xffff;
	v15 =	vor.u32 v30, v62;
	_ =	sdelay $0x1  }
0x38f: {  	[tilespmem:s1+$0x10] =	vst v7;
	v7 =	vor.u32 v30, v11  }
0x390: {  	[tilespmem:s0+$0x10] =	vst v4;
	v4 =	vld.idx.msk [tilespmem:v16+s19+$0x0], $0xffff  }
0x391: {  	v14 =	vld.idx.msk [tilespmem:v14+s19+$0x0], $0xffff;
	[tilespmem:s4+$0x20] =	vst v3  }
0x392: {  	[tilespmem:s2+$0x20] =	vst v6;
	v15 =	vld.idx.msk [tilespmem:v15+s19+$0x0], $0xffff  }
0x393: {  	v31 =	vld [tilespmem:$0x1FD10]  }
0x394: {  	v7 =	vld.idx.msk [tilespmem:v7+s19+$0x0], $0xffff;
	_ =	sdelay $0x1  }
0x395: {  	v16 =	vor.u32 v30, v61;
	[tilespmem:s1+$0x20] =	vst v4  }
0x396: {  	v3 =	vor.u32 v30, v13;
	[tilespmem:s0+$0x20] =	vst v14  }
0x397: {  	[tilespmem:s4+$0x30] =	vst v15  }
0x398: {  	v6 =	vor.u32 v31, v62;
	[tilespmem:s2+$0x30] =	vst v7  }
0x399: {  	v4 =	vor.u32 v31, v11;
	v43 =	vld [tilespmem:$0x1FD20]  }
0x39a: {  	v14 =	vld.idx.msk [tilespmem:v16+s19+$0x0], $0xffff  }
0x39b: {  	v3 =	vld.idx.msk [tilespmem:v3+s19+$0x0], $0xffff;
	v16 =	vor.u32 v31, v61  }
0x39c: {  	v15 =	vor.u32 v31, v13  }
0x39d: {  	v6 =	vld.idx.msk [tilespmem:v6+s19+$0x0], $0xffff  }
0x39e: {  	v4 =	vld.idx.msk [tilespmem:v4+s19+$0x0], $0xffff;
	v7 =	vor.u32 v43, v62  }
0x39f: {  	[tilespmem:s1+$0x30] =	vst v14;
	v14 =	vor.u32 v43, v11  }
0x3a0: {  	[tilespmem:s0+$0x30] =	vst v3;
	v3 =	vld.idx.msk [tilespmem:v16+s19+$0x0], $0xffff  }
0x3a1: {  	v15 =	vld.idx.msk [tilespmem:v15+s19+$0x0], $0xffff;
	v16 =	vor.u32 v43, v61  }
0x3a2: {  	[tilespmem:s4+$0x40] =	vst v6;
	v6 =	vor.u32 v43, v13  }
0x3a3: {  	[tilespmem:s2+$0x40] =	vst v4;
	v7 =	vld.idx.msk [tilespmem:v7+s19+$0x0], $0xffff  }
0x3a4: {  	v4 =	vor.u32 v42, v62;
	v14 =	vld.idx.msk [tilespmem:v14+s19+$0x0], $0xffff  }
0x3a5: {  	[tilespmem:s1+$0x40] =	vst v3;
	v3 =	vor.u32 v42, v11  }
0x3a6: {  	[tilespmem:s0+$0x40] =	vst v15;
	v15 =	vld.idx.msk [tilespmem:v16+s19+$0x0], $0xffff  }
0x3a7: {  	v16 =	vor.u32 v42, v61;
	v6 =	vld.idx.msk [tilespmem:v6+s19+$0x0], $0xffff  }
0x3a8: {  	[tilespmem:s4+$0x50] =	vst v7;
	v7 =	vor.u32 v42, v13  }
0x3a9: {  	[tilespmem:s2+$0x50] =	vst v14;
	v4 =	vld.idx.msk [tilespmem:v4+s19+$0x0], $0xffff  }
0x3aa: {  	v14 =	vor.u32 v41, v62;
	v3 =	vld.idx.msk [tilespmem:v3+s19+$0x0], $0xffff  }
0x3ab: {  	[tilespmem:s1+$0x50] =	vst v15;
	v15 =	vor.u32 v41, v11  }
0x3ac: {  	[tilespmem:s0+$0x50] =	vst v6;
	v6 =	vld.idx.msk [tilespmem:v16+s19+$0x0], $0xffff  }
0x3ad: {  	v16 =	vor.u32 v41, v61;
	v7 =	vld.idx.msk [tilespmem:v7+s19+$0x0], $0xffff  }
0x3ae: {  	[tilespmem:s4+$0x60] =	vst v4  }
0x3af: {  	v4 =	vor.u32 v41, v13;
	[tilespmem:s2+$0x60] =	vst v3;
	v14 =	vld.idx.msk [tilespmem:v14+s19+$0x0], $0xffff  }
0x3b0: {  	v3 =	vor.u32 v40, v62;
	v15 =	vld.idx.msk [tilespmem:v15+s19+$0x0], $0xffff  }
0x3b1: {  	[tilespmem:s1+$0x60] =	vst v6;
	v6 =	vor.u32 v40, v11  }
0x3b2: {  	[tilespmem:s0+$0x60] =	vst v7;
	v7 =	vld.idx.msk [tilespmem:v16+s19+$0x0], $0xffff;
	_ =	sdelay $0x1  }
0x3b3: {  	v16 =	vor.u32 v40, v61;
	v4 =	vld.idx.msk [tilespmem:v4+s19+$0x0], $0xffff;
	[tilespmem:s4+$0x70] =	vst v14  }
0x3b4: {  	v17 =	vor.u32 $0x400, v62;
	v14 =	vor.u32 v40, v13;
	[tilespmem:s2+$0x70] =	vst v15;
	v3 =	vld.idx.msk [tilespmem:v3+s19+$0x0], $0xffff  }
0x3b5: {  	v18 =	vor.u32 $0x400, v11;
	v15 =	vor.u32 v38, v17;
	v6 =	vld.idx.msk [tilespmem:v6+s19+$0x0], $0xffff  }
0x3b6: {  	[tilespmem:s1+$0x70] =	vst v7;
	v7 =	vor.u32 v38, v18;
	_ =	sdelay $0x1  }
0x3b7: {  	[tilespmem:s0+$0x70] =	vst v4;
	v4 =	vld.idx.msk [tilespmem:v16+s19+$0x0], $0xffff  }
0x3b8: {  	v14 =	vld.idx.msk [tilespmem:v14+s19+$0x0], $0xffff;
	[tilespmem:s4+$0x400] =	vst v3  }
0x3b9: {  	v16 =	vor.u32 $0x400, v61;
	v15 =	vld.idx.msk [tilespmem:v15+s19+$0x0], $0xffff;
	[tilespmem:s2+$0x400] =	vst v6  }
0x3ba: {  	v20 =	vor.u32 v38, v16;
	v7 =	vld.idx.msk [tilespmem:v7+s19+$0x0], $0xffff  }
0x3bb: {  	v19 =	vor.u32 $0x400, v13  }
0x3bc: {  	v3 =	vor.u32 v38, v19;
	[tilespmem:s1+$0x400] =	vst v4  }
0x3bd: {  	v6 =	vor.u32 v37, v17;
	[tilespmem:s0+$0x400] =	vst v14  }
0x3be: {  	v4 =	vor.u32 v37, v18;
	[tilespmem:s4+$0x410] =	vst v15  }
0x3bf: {  	v14 =	vld.idx.msk [tilespmem:v20+s19+$0x0], $0xffff;
	[tilespmem:s2+$0x410] =	vst v7  }
0x3c0: {  	v0 =	vld [tilespmem:$0x1FE40]  }
0x3c1: {  	v3 =	vld.idx.msk [tilespmem:v3+s19+$0x0], $0xffff  }
0x3c2: {  	v20 =	vor.u32 v37, v16;
	v6 =	vld.idx.msk [tilespmem:v6+s19+$0x0], $0xffff  }
0x3c3: {  	v15 =	vor.u32 v37, v19;
	v4 =	vld.idx.msk [tilespmem:v4+s19+$0x0], $0xffff;
	_ =	sdelay $0x1  }
0x3c4: {  	[tilespmem:s1+$0x410] =	vst v14;
	v7 =	vor.u32 v0, v17  }
0x3c5: {  	[tilespmem:s0+$0x410] =	vst v3;
	v14 =	vor.u32 v0, v18  }
0x3c6: {  	v3 =	vld.idx.msk [tilespmem:v20+s19+$0x0], $0xffff;
	[tilespmem:s4+$0x420] =	vst v6  }
0x3c7: {  	v15 =	vld.idx.msk [tilespmem:v15+s19+$0x0], $0xffff;
	[tilespmem:s2+$0x420] =	vst v4  }
0x3c8: {  	v1 =	vld [tilespmem:$0x1FD30]  }
0x3c9: {  	v7 =	vld.idx.msk [tilespmem:v7+s19+$0x0], $0xffff  }
0x3ca: {  	v20 =	vor.u32 v0, v16;
	v14 =	vld.idx.msk [tilespmem:v14+s19+$0x0], $0xffff;
	_ =	sdelay $0x1  }
0x3cb: {  	v6 =	vor.u32 v0, v19;
	[tilespmem:s1+$0x420] =	vst v3  }
0x3cc: {  	[tilespmem:s0+$0x420] =	vst v15;
	v4 =	vor.u32 v1, v62  }
0x3cd: {  	v3 =	vor.u32 v1, v11;
	[tilespmem:s4+$0x430] =	vst v7  }
0x3ce: {  	v15 =	vld.idx.msk [tilespmem:v20+s19+$0x0], $0xffff;
	[tilespmem:s2+$0x430] =	vst v14  }
0x3cf: {  	v36 =	vld [tilespmem:$0x1FE90]  }
0x3d0: {  	v6 =	vld.idx.msk [tilespmem:v6+s19+$0x0], $0xffff  }
0x3d1: {  	v20 =	vor.u32 v1, v61;
	v4 =	vld.idx.msk [tilespmem:v4+s19+$0x0], $0xffff  }
0x3d2: {  	v7 =	vor.u32 v1, v13;
	v3 =	vld.idx.msk [tilespmem:v3+s19+$0x0], $0xffff;
	_ =	sdelay $0x1  }
0x3d3: {  	[tilespmem:s1+$0x430] =	vst v15;
	v14 =	vor.u32 v36, v17  }
0x3d4: {  	[tilespmem:s0+$0x430] =	vst v6;
	v15 =	vor.u32 v36, v18  }
0x3d5: {  	v6 =	vld.idx.msk [tilespmem:v20+s19+$0x0], $0xffff;
	[tilespmem:s4+$0x440] =	vst v4  }
0x3d6: {  	v7 =	vld.idx.msk [tilespmem:v7+s19+$0x0], $0xffff;
	[tilespmem:s2+$0x440] =	vst v3  }
0x3d7: {  	v5 =	vld [tilespmem:$0x1FEB0]  }
0x3d8: {  	v14 =	vld.idx.msk [tilespmem:v14+s19+$0x0], $0xffff  }
0x3d9: {  	v15 =	vld.idx.msk [tilespmem:v15+s19+$0x0], $0xffff;
	_ =	sdelay $0x1  }
0x3da: {  	v16 =	vor.u32 v36, v16;
	[tilespmem:s1+$0x440] =	vst v6  }
0x3db: {  	v4 =	vor.u32 v36, v19;
	[tilespmem:s0+$0x440] =	vst v7  }
0x3dc: {  	[tilespmem:s4+$0x450] =	vst v14  }
0x3dd: {  	v3 =	vor.u32 v5, v62;
	[tilespmem:s2+$0x450] =	vst v15  }
0x3de: {  	v44 =	vld [tilespmem:$0x1FEE0]  }
0x3df: {  	v7 =	vld.idx.msk [tilespmem:v16+s19+$0x0], $0xffff;
	v6 =	vor.u32 v5, v11  }
0x3e0: {  	v4 =	vld.idx.msk [tilespmem:v4+s19+$0x0], $0xffff;
	v16 =	vor.u32 v5, v61  }
0x3e1: {  	v17 =	vor.u32 v5, v13  }
0x3e2: {  	v3 =	vld.idx.msk [tilespmem:v3+s19+$0x0], $0xffff  }
0x3e3: {  	v15 =	vor.u32 v44, v62  }
0x3e4: {  	v6 =	vld.idx.msk [tilespmem:v6+s19+$0x0], $0xffff;
	[tilespmem:s1+$0x450] =	vst v7  }
0x3e5: {  	s23 =	simm.s32 $0x4;
	s6 =	simm.s32 $0x6;
	v19 =	vadd.s32 v59, v8;
	[tilespmem:s0+$0x450] =	vst v4;
	v4 =	vld.idx.msk [tilespmem:v16+s19+$0x0], $0xffff;
	v7 =	vor.u32 v44, v11  }
0x3e6: {  	v33 =	vmovc v27;
	v60 =	vmov s23;
	v22 =	vmov s6;
	v19 =	vor.u32 v63, v19;
	v16 =	vld.idx.msk [tilespmem:v17+s19+$0x0], $0xffff  }
0x3e7: {  	s22 =	simm.s32 $0x5;
	v19 =	vor.u32 v33, v19;
	v17 =	vor.u32 v44, v61;
	[tilespmem:s4+$0x460] =	vst v3;
	v3 =	vadd.s32 v59, v10  }
0x3e8: {  	v14 =	vmov s22;
	v20 =	vor.u32 v44, v13;
	v3 =	vor.u32 v12, v3;
	v15 =	vld.idx.msk [tilespmem:v15+s19+$0x0], $0xffff  }
0x3e9: {  	v18 =	vshll.u32 v14, $0x9;
	v14 =	vshll.u32 v14, $0x7;
	[tilespmem:s2+$0x460] =	vst v6;
	v3 =	vor.u32 v27, v3  }
0x3ea: {  	v47 =	vand.u32 $0x7000, v18;
	v48 =	vand.u32 $0x280, v14;
	v14 =	vadd.s32 v59, v21;
	[tilespmem:s1+$0x460] =	vst v4;
	v6 =	vld.idx.msk [tilespmem:v7+s19+$0x0], $0xffff  }
0x3eb: {  	v54 =	vor.u32 v48, v47;
	v14 =	vor.u32 v39, v14;
	[tilespmem:s0+$0x460] =	vst v16;
	v7 =	vadd.s32 v59, v9  }
0x3ec: {  	v18 =	vor.u32 v46, v54;
	v4 =	vshll.u32 v22, $0x7;
	v16 =	vld.idx.msk [tilespmem:v17+s19+$0x0], $0xffff;
	[tilespmem:$0x1FCD0] =	vst v39;
	v7 =	vor.u32 v45, v7  }
0x3ed: {  	s24 =	simm.s32 $0x7;
	v27 =	vshll.u32 v22, $0x9;
	v51 =	vand.u32 $0x300, v4;
	v20 =	vld.idx.msk [tilespmem:v20+s19+$0x0], $0xffff;
	v7 =	vor.u32 v33, v7;
	[tilespmem:s4+$0x470] =	vst v15  }
0x3ee: {  	v52 =	vand.u32 $0x7000, v27;
	v17 =	vmov s24;
	v33 =	vor.u32 v33, v14;
	v23 =	vld.idx.msk [tilespmem:v3+s19+$0x0], $0xffff;
	[tilespmem:$0x1FCB0] =	vst v27  }
0x3ef: {  	s25 =	sand.u32 $0x7, s8;
	v14 =	vor.u32 $0x800, v62;
	v15 =	vshll.u32 v17, $0x9;
	v17 =	vshll.u32 v17, $0x7;
	[tilespmem:s2+$0x470] =	vst v6  }
0x3f0: {  	s26 =	sshll.u32 s25, $0x7;
	v56 =	vand.u32 $0x7000, v15;
	v55 =	vand.u32 $0x380, v17;
	v6 =	vor.u32 v24, v14;
	v15 =	vld.idx.msk [tilespmem:v19+s19+$0x0], $0xffff  }
0x3f1: {  	s3 =	sand.u32 $0x3, s8;
	v4 =	vor.u32 $0x800, v11;
	v57 =	vor.u32 v51, v52;
	v59 =	vor.u32 v55, v56;
	s2 =	sadd.s32 $0x0, s26;
	[tilespmem:s1+$0x470] =	vst v16  }
0x3f2: {  	s7 =	sshll.u32 s3, $0x8;
	p0 =	por $0x0, $0x0;
	v3 =	vshll.u32 v60, $0x9;
	v16 =	vshll.u32 v60, $0x7;
	[tilespmem:s0+$0x470] =	vst v20;
	v17 =	vor.u32 v46, v59;
	s6 =	sadd.s32 $0x180, s2;
	v20 =	vld.idx.msk [tilespmem:v7+s19+$0x0], $0xffff  }
0x3f3: {  	s4 =	simm.s32 $0x1;
	v50 =	vand.u32 $0x7000, v3;
	v19 =	vor.u32 v24, v4;
	v49 =	vand.u32 $0x200, v16;
	v34 =	vld.idx.msk [tilespmem:v33+s19+$0x0], $0xffff;
	s1 =	sadd.s32 $0x80, s2;
	s5 =	sor.u32 $0x800, s6  }
0x3f4: {  	s9 =	sadd.s32 $0x0, s7;
	s4 =	simm.s32 @!p0 $0x0;
	v18 =	vld.idx.msk [tilespmem:v18+s19+$0x0], $0xffff;
	v16 =	vor.u32 v46, v57;
	v58 =	vor.u32 v49, v50;
	s10 =	sor.u32 $0x800, s1;
	[tilespmem:s5+$0x12000] =	vst v23  }
0x3f5: {  	s4 =	sshll.u32 s4, $0x9;
	s2 =	sadd.s32 $0x100, s9;
	v33 =	vor.u32 v46, v58;
	v22 =	vld.idx.msk [tilespmem:v6+s19+$0x0], $0xffff;
	[tilespmem:s10+$0x12000] =	vst v15  }
0x3f6: {  	s28 =	simm.s32 $0x800;
	v9 =	vmovc v45;
	v60 =	vor.u32 v2, v39;
	v39 =	vor.u32 v29, v54;
	s13 =	sadd.s32 $0x0, s4;
	s0 =	sor.u32 $0x800, s2;
	v6 =	vor.u32 $0x800, v61;
	v45 =	vld [tilespmem:$0x1FD40]  }
0x3f7: {  	s11 =	sand.u32 $0x7000, s28;
	s18 =	simm.s32 $0x280;
	v27 =	vmov v24;
	s4 =	sor.u32 $0x800, s13;
	v15 =	vld.idx.msk [tilespmem:v17+s19+$0x0], $0xffff;
	v24 =	vor.u32 v24, v6;
	[tilespmem:s0+$0x12000] =	vst v20  }
0x3f8: {  	s14 =	sadd.s32 $0x12000, s11;
	s9 =	simm.s32 $0x300;
	v19 =	vld.idx.msk [tilespmem:v19+s19+$0x0], $0xffff;
	v20 =	vor.u32 v29, v59;
	[tilespmem:s4+$0x12000] =	vst v34;
	s4 =	sand.u32 $0x280, s18  }
0x3f9: {  	s30 =	simm.s32 $0x380;
	v7 =	vor.u32 $0x800, v60;
	s21 =	sand.u32 $0x300, s9;
	v16 =	vld.idx.msk [tilespmem:v16+s19+$0x0], $0xffff;
	s9 =	sor.u32 s4, s14  }
0x3fa: {  	s17 =	sand.u32 $0x380, s30;
	s12 =	sor.u32 $0x810, s6;
	v34 =	vor.u32 v27, v7;
	v23 =	vld.idx.msk [tilespmem:v33+s19+$0x0], $0xffff;
	[tilespmem:s9+$0x0] =	vst v18  }
0x3fb: {  	s0 =	sor.u32 s17, s14;
	[tilespmem:s12+$0x12000] =	vst v22;
	v22 =	vld.idx.msk [tilespmem:v39+s19+$0x0], $0xffff;
	v17 =	vor.u32 v45, v14  }
0x3fc: {  	s7 =	sor.u32 $0x810, s1;
	[tilespmem:s0+$0x0] =	vst v15;
	v24 =	vld.idx.msk [tilespmem:v24+s19+$0x0], $0xffff  }
0x3fd: {  	s10 =	simm.s32 $0x200;
	[tilespmem:s7+$0x12000] =	vst v19;
	v20 =	vld.idx.msk [tilespmem:v20+s19+$0x0], $0xffff  }
0x3fe: {  	s22 =	sand.u32 $0x200, s10;
	s7 =	sor.u32 s21, s14;
	v27 =	vld [tilespmem:$0x1FD50]  }
0x3ff: {  	s4 =	sor.u32 s22, s14;
	v15 =	vor.u32 v29, v57;
	v21 =	vld.idx.msk [tilespmem:v34+s19+$0x0], $0xffff;
	[tilespmem:s7+$0x0] =	vst v16  }
0x400: {  	v19 =	vor.u32 v29, v58;
	[tilespmem:s4+$0x0] =	vst v23;
	v17 =	vld.idx.msk [tilespmem:v17+s19+$0x0], $0xffff  }
0x401: {  	s24 =	sor.u32 $0x810, s2;
	[tilespmem:s9+$0x10] =	vst v22  }
0x402: {  	v16 =	vor.u32 v45, v4;
	[tilespmem:s24+$0x12000] =	vst v24  }
0x403: {  	s25 =	sor.u32 $0x810, s13;
	[tilespmem:s0+$0x10] =	vst v20;
	v18 =	vor.u32 v27, v14  }
0x404: {  	s23 =	sor.u32 $0x820, s6;
	v33 =	vor.u32 v28, v59;
	v15 =	vld.idx.msk [tilespmem:v15+s19+$0x0], $0xffff;
	[tilespmem:s25+$0x12000] =	vst v21  }
0x405: {  	v24 =	vor.u32 v28, v54;
	v19 =	vld.idx.msk [tilespmem:v19+s19+$0x0], $0xffff;
	[tilespmem:s23+$0x12000] =	vst v17  }
0x406: {  	v17 =	vor.u32 v45, v6;
	v39 =	vld [tilespmem:$0x1FD60]  }
0x407: {  	v20 =	vor.u32 v28, v57;
	v16 =	vld.idx.msk [tilespmem:v16+s19+$0x0], $0xffff  }
0x408: {  	v34 =	vor.u32 v28, v58;
	v18 =	vld.idx.msk [tilespmem:v18+s19+$0x0], $0xffff  }
0x409: {  	v23 =	vld.idx.msk [tilespmem:v33+s19+$0x0], $0xffff;
	[tilespmem:s7+$0x10] =	vst v15;
	v15 =	vor.u32 v45, v7  }
0x40a: {  	v24 =	vld.idx.msk [tilespmem:v24+s19+$0x0], $0xffff;
	[tilespmem:s4+$0x10] =	vst v19;
	v19 =	vor.u32 v30, v59  }
0x40b: {  	s3 =	sor.u32 $0x820, s1;
	v17 =	vld.idx.msk [tilespmem:v17+s19+$0x0], $0xffff;
	v33 =	vor.u32 v39, v62  }
0x40c: {  	s26 =	sor.u32 $0x830, s6;
	[tilespmem:s3+$0x12000] =	vst v16;
	v20 =	vld.idx.msk [tilespmem:v20+s19+$0x0], $0xffff  }
0x40d: {  	v21 =	vld.idx.msk [tilespmem:v34+s19+$0x0], $0xffff;
	[tilespmem:s26+$0x12000] =	vst v18;
	v18 =	vor.u32 v27, v4  }
0x40e: {  	v16 =	vor.u32 v30, v54;
	[tilespmem:s0+$0x20] =	vst v23;
	v15 =	vld.idx.msk [tilespmem:v15+s19+$0x0], $0xffff  }
0x40f: {  	s11 =	sor.u32 $0x820, s2;
	v34 =	vor.u32 v30, v57;
	v19 =	vld.idx.msk [tilespmem:v19+s19+$0x0], $0xffff  }
0x410: {  	[tilespmem:s11+$0x12000] =	vst v17;
	v17 =	vor.u32 v30, v58;
	v22 =	vld.idx.msk [tilespmem:v33+s19+$0x0], $0xffff  }
0x411: {  	v45 =	vld [tilespmem:$0x1FD70]  }
0x412: {  	[tilespmem:s9+$0x20] =	vst v24;
	v24 =	vor.u32 v27, v6;
	v18 =	vld.idx.msk [tilespmem:v18+s19+$0x0], $0xffff  }
0x413: {  	[tilespmem:s7+$0x20] =	vst v20;
	v20 =	vor.u32 v31, v59;
	v16 =	vld.idx.msk [tilespmem:v16+s19+$0x0], $0xffff  }
0x414: {  	s14 =	sor.u32 $0x820, s13;
	[tilespmem:s4+$0x20] =	vst v21;
	v33 =	vor.u32 v27, v7;
	v23 =	vld.idx.msk [tilespmem:v34+s19+$0x0], $0xffff  }
0x415: {  	[tilespmem:s14+$0x12000] =	vst v15;
	v34 =	vor.u32 v31, v54;
	v17 =	vld.idx.msk [tilespmem:v17+s19+$0x0], $0xffff  }
0x416: {  	s17 =	sor.u32 $0x830, s1;
	[tilespmem:s0+$0x30] =	vst v19;
	v14 =	vor.u32 v45, v14  }
0x417: {  	v15 =	vor.u32 v31, v57;
	v19 =	vld.idx.msk [tilespmem:v24+s19+$0x0], $0xffff;
	[tilespmem:s17+$0x12000] =	vst v18  }
0x418: {  	s12 =	sor.u32 $0x840, s6;
	v18 =	vld.idx.msk [tilespmem:v20+s19+$0x0], $0xffff;
	[tilespmem:s9+$0x30] =	vst v16;
	v16 =	vor.u32 v39, v11  }
0x419: {  	[tilespmem:s12+$0x12000] =	vst v22;
	v21 =	vld.idx.msk [tilespmem:v33+s19+$0x0], $0xffff;
	v33 =	vor.u32 v43, v59  }
0x41a: {  	v22 =	vld.idx.msk [tilespmem:v34+s19+$0x0], $0xffff;
	[tilespmem:s4+$0x30] =	vst v17;
	v17 =	vor.u32 v39, v61  }
0x41b: {  	s21 =	sor.u32 $0x830, s2;
	v24 =	vor.u32 v31, v58;
	[tilespmem:s7+$0x30] =	vst v23;
	v14 =	vld.idx.msk [tilespmem:v14+s19+$0x0], $0xffff  }
0x41c: {  	v15 =	vld.idx.msk [tilespmem:v15+s19+$0x0], $0xffff;
	[tilespmem:s21+$0x12000] =	vst v19  }
0x41d: {  	s22 =	sor.u32 $0x830, s13;
	[tilespmem:s0+$0x40] =	vst v18;
	v16 =	vld.idx.msk [tilespmem:v16+s19+$0x0], $0xffff  }
0x41e: {  	v20 =	vor.u32 v53, v62;
	[tilespmem:s22+$0x12000] =	vst v21;
	v21 =	vld.idx.msk [tilespmem:v33+s19+$0x0], $0xffff  }
0x41f: {  	s18 =	sor.u32 $0x850, s6;
	v33 =	vor.u32 v39, v13;
	v17 =	vld.idx.msk [tilespmem:v17+s19+$0x0], $0xffff  }
0x420: {  	[tilespmem:s18+$0x12000] =	vst v14;
	v14 =	vld.idx.msk [tilespmem:v24+s19+$0x0], $0xffff;
	v24 =	vor.u32 v43, v54  }
0x421: {  	v4 =	vor.u32 v45, v4;
	v27 =	vld [tilespmem:$0x1FF20]  }
0x422: {  	v19 =	vor.u32 v43, v57;
	[tilespmem:s9+$0x40] =	vst v22  }
0x423: {  	v18 =	vor.u32 v43, v58;
	v20 =	vld.idx.msk [tilespmem:v20+s19+$0x0], $0xffff;
	[tilespmem:s7+$0x40] =	vst v15  }
0x424: {  	s24 =	sor.u32 $0x840, s1;
	[tilespmem:s0+$0x50] =	vst v21;
	v21 =	vld.idx.msk [tilespmem:v33+s19+$0x0], $0xffff  }
0x425: {  	s25 =	sor.u32 $0x840, s2;
	[tilespmem:s24+$0x12000] =	vst v16;
	v15 =	vld.idx.msk [tilespmem:v24+s19+$0x0], $0xffff;
	v24 =	vor.u32 v42, v59  }
0x426: {  	v4 =	vld.idx.msk [tilespmem:v4+s19+$0x0], $0xffff;
	[tilespmem:s25+$0x12000] =	vst v17;
	v34 =	vor.u32 v27, v62  }
0x427: {  	s23 =	sor.u32 $0x860, s6;
	[tilespmem:s4+$0x40] =	vst v14;
	v14 =	vld.idx.msk [tilespmem:v19+s19+$0x0], $0xffff;
	v19 =	vor.u32 v42, v54  }
0x428: {  	v16 =	vor.u32 v42, v57;
	[tilespmem:s23+$0x12000] =	vst v20;
	v18 =	vld.idx.msk [tilespmem:v18+s19+$0x0], $0xffff  }
0x429: {  	s3 =	sor.u32 $0x840, s13;
	v6 =	vor.u32 v45, v6;
	v33 =	vld [tilespmem:$0x1FE60]  }
0x42a: {  	v39 =	vor.u32 v42, v58;
	[tilespmem:s3+$0x12000] =	vst v21;
	v17 =	vld.idx.msk [tilespmem:v24+s19+$0x0], $0xffff  }
0x42b: {  	v7 =	vor.u32 v45, v7;
	[tilespmem:s9+$0x50] =	vst v15;
	v20 =	vld.idx.msk [tilespmem:v34+s19+$0x0], $0xffff  }
0x42c: {  	s11 =	sor.u32 $0x850, s1;
	[tilespmem:s7+$0x50] =	vst v14;
	v15 =	vor.u32 v41, v59;
	v34 =	vadd.s32 v26, v10;
	v14 =	vld.idx.msk [tilespmem:v19+s19+$0x0], $0xffff  }
0x42d: {  	[tilespmem:s11+$0x12000] =	vst v4;
	v16 =	vld.idx.msk [tilespmem:v16+s19+$0x0], $0xffff;
	v19 =	vor.u32 v41, v54;
	v23 =	vor.u32 v12, v34  }
0x42e: {  	v6 =	vld.idx.msk [tilespmem:v6+s19+$0x0], $0xffff;
	[tilespmem:s4+$0x50] =	vst v18;
	v23 =	vor.u32 v33, v23  }
0x42f: {  	s26 =	sor.u32 $0x870, s6;
	v18 =	vld.idx.msk [tilespmem:v39+s19+$0x0], $0xffff;
	[tilespmem:s0+$0x60] =	vst v17  }
0x430: {  	v7 =	vld.idx.msk [tilespmem:v7+s19+$0x0], $0xffff;
	v17 =	vor.u32 v41, v58;
	[tilespmem:s26+$0x12000] =	vst v20  }
0x431: {  	v20 =	vor.u32 v41, v57;
	v4 =	vld.idx.msk [tilespmem:v15+s19+$0x0], $0xffff;
	[tilespmem:s9+$0x60] =	vst v14  }
0x432: {  	v14 =	vor.u32 v53, v11;
	[tilespmem:s7+$0x60] =	vst v16;
	v16 =	vld.idx.msk [tilespmem:v19+s19+$0x0], $0xffff  }
0x433: {  	v22 =	vor.u32 $0xC00, v62;
	v19 =	vor.u32 v40, v59;
	v39 =	vld.idx.msk [tilespmem:v23+s19+$0x0], $0xffff  }
0x434: {  	s14 =	sor.u32 $0x850, s2;
	v15 =	vor.u32 v32, v22;
	[tilespmem:s4+$0x60] =	vst v18  }
0x435: {  	s17 =	sor.u32 $0x850, s13;
	[tilespmem:s14+$0x12000] =	vst v6;
	v18 =	vor.u32 v53, v61;
	v17 =	vld.idx.msk [tilespmem:v17+s19+$0x0], $0xffff  }
0x436: {  	v45 =	vor.u32 v40, v54;
	[tilespmem:s17+$0x12000] =	vst v7;
	v20 =	vld.idx.msk [tilespmem:v20+s19+$0x0], $0xffff  }
0x437: {  	s12 =	sor.u32 $0xC00, s6;
	v6 =	vor.u32 v40, v57;
	[tilespmem:s0+$0x70] =	vst v4;
	v4 =	vld.idx.msk [tilespmem:v14+s19+$0x0], $0xffff  }
0x438: {  	v14 =	vor.u32 v40, v58;
	v7 =	vld.idx.msk [tilespmem:v19+s19+$0x0], $0xffff;
	[tilespmem:s12+$0x12000] =	vst v39  }
0x439: {  	[tilespmem:s9+$0x70] =	vst v16;
	v16 =	vor.u32 v53, v13;
	v15 =	vld.idx.msk [tilespmem:v15+s19+$0x0], $0xffff  }
0x43a: {  	v23 =	vor.u32 $0x400, v59;
	v19 =	vor.u32 v25, v22;
	v18 =	vld.idx.msk [tilespmem:v18+s19+$0x0], $0xffff;
	[tilespmem:s4+$0x70] =	vst v17  }
0x43b: {  	s21 =	sor.u32 $0x860, s1;
	v34 =	vor.u32 v38, v23;
	[tilespmem:s7+$0x70] =	vst v20;
	v20 =	vld.idx.msk [tilespmem:v45+s19+$0x0], $0xffff  }
0x43c: {  	[tilespmem:s21+$0x12000] =	vst v4;
	v6 =	vld.idx.msk [tilespmem:v6+s19+$0x0], $0xffff  }
0x43d: {  	s18 =	sor.u32 $0xC10, s6;
	v24 =	vor.u32 $0x400, v54;
	v17 =	vor.u32 v27, v11;
	v14 =	vld.idx.msk [tilespmem:v14+s19+$0x0], $0xffff;
	[tilespmem:s0+$0x400] =	vst v7  }
0x43e: {  	s22 =	sor.u32 $0x860, s2;
	v62 =	vmov v25;
	v25 =	vor.u32 $0x400, v57;
	v16 =	vld.idx.msk [tilespmem:v16+s19+$0x0], $0xffff;
	[tilespmem:s18+$0x12000] =	vst v15;
	v15 =	vor.u32 v38, v24  }
0x43f: {  	v4 =	vor.u32 v38, v25;
	[tilespmem:s22+$0x12000] =	vst v18;
	v7 =	vld.idx.msk [tilespmem:v19+s19+$0x0], $0xffff  }
0x440: {  	v45 =	vmov v26;
	v26 =	vor.u32 $0x400, v58;
	v19 =	vld.idx.msk [tilespmem:v34+s19+$0x0], $0xffff;
	[tilespmem:s9+$0x400] =	vst v20  }
0x441: {  	v18 =	vor.u32 v38, v26;
	v39 =	vld [tilespmem:$0x1FEC0];
	[tilespmem:s7+$0x400] =	vst v6  }
0x442: {  	s24 =	sor.u32 $0x860, s13;
	v17 =	vld.idx.msk [tilespmem:v17+s19+$0x0], $0xffff;
	v6 =	vor.u32 v27, v61;
	[tilespmem:s4+$0x400] =	vst v14  }
0x443: {  	s23 =	sor.u32 $0xC20, s6;
	v14 =	vor.u32 v37, v23;
	[tilespmem:s24+$0x12000] =	vst v16;
	v15 =	vld.idx.msk [tilespmem:v15+s19+$0x0], $0xffff  }
0x444: {  	v4 =	vld.idx.msk [tilespmem:v4+s19+$0x0], $0xffff;
	[tilespmem:s23+$0x12000] =	vst v7  }
0x445: {  	v7 =	vor.u32 v27, v13;
	v34 =	vld [tilespmem:$0x1FED0]  }
0x446: {  	s25 =	sor.u32 $0x870, s1;
	v13 =	vld.idx.msk [tilespmem:v18+s19+$0x0], $0xffff;
	[tilespmem:s0+$0x410] =	vst v19;
	v20 =	vor.u32 v39, v22  }
0x447: {  	[tilespmem:s25+$0x12000] =	vst v17;
	v6 =	vld.idx.msk [tilespmem:v6+s19+$0x0], $0xffff  }
0x448: {  	v16 =	vor.u32 v37, v24;
	v14 =	vld.idx.msk [tilespmem:v14+s19+$0x0], $0xffff;
	[tilespmem:s9+$0x410] =	vst v15  }
0x449: {  	v27 =	vld [tilespmem:$0x1FEF0]  }
0x44a: {  	v19 =	vor.u32 v37, v25;
	v17 =	vor.u32 v37, v26;
	v7 =	vld.idx.msk [tilespmem:v7+s19+$0x0], $0xffff;
	v18 =	vadd.s32 v34, v10  }
0x44b: {  	[tilespmem:s7+$0x410] =	vst v4;
	v20 =	vld.idx.msk [tilespmem:v20+s19+$0x0], $0xffff;
	v12 =	vor.u32 v12, v18;
	v18 =	vadd.s32 v45, v8  }
0x44c: {  	v2 =	vld [tilespmem:$0x1FCF0];
	v15 =	vor.u32 v63, v18  }
0x44d: {  	s3 =	sor.u32 $0x870, s2;
	v16 =	vld.idx.msk [tilespmem:v16+s19+$0x0], $0xffff;
	[tilespmem:s4+$0x410] =	vst v13;
	v15 =	vor.u32 v33, v15  }
0x44e: {  	[tilespmem:s3+$0x12000] =	vst v6  }
0x44f: {  	s26 =	sor.u32 $0xC30, s6;
	v17 =	vld.idx.msk [tilespmem:v17+s19+$0x0], $0xffff;
	[tilespmem:s0+$0x420] =	vst v14;
	v12 =	vor.u32 v27, v12  }
0x450: {  	s11 =	sor.u32 $0x870, s13;
	v18 =	vld.idx.msk [tilespmem:v19+s19+$0x0], $0xffff;
	[tilespmem:s26+$0x12000] =	vst v20  }
0x451: {  	v4 =	vadd.s32 v45, v2;
	v2 =	vld [tilespmem:$0x1FCC0];
	[tilespmem:s11+$0x12000] =	vst v7  }
0x452: {  	v13 =	vor.u32 v0, v23;
	v4 =	vor.u32 v9, v4;
	[tilespmem:s9+$0x420] =	vst v16;
	v15 =	vld.idx.msk [tilespmem:v15+s19+$0x0], $0xffff  }
0x453: {  	v10 =	vmov v9;
	v4 =	vor.u32 v33, v4;
	v9 =	vld [tilespmem:$0x1FCD0]  }
0x454: {  	v19 =	vor.u32 v0, v24;
	v12 =	vld.idx.msk [tilespmem:v12+s19+$0x0], $0xffff;
	_ =	sdelay $0x1  }
0x455: {  	v6 =	vor.u32 v0, v25;
	[tilespmem:s7+$0x420] =	vst v18  }
0x456: {  	s14 =	sor.u32 $0xC00, s1;
	v13 =	vld.idx.msk [tilespmem:v13+s19+$0x0], $0xffff;
	v7 =	vor.u32 v0, v26;
	[tilespmem:s4+$0x420] =	vst v17;
	v14 =	vadd.s32 v45, v2  }
0x457: {  	s12 =	sor.u32 $0xC40, s6;
	v16 =	vor.u32 v35, v22;
	v20 =	vld.idx.msk [tilespmem:v4+s19+$0x0], $0xffff;
	v14 =	vor.u32 v9, v14;
	[tilespmem:s14+$0x12000] =	vst v15  }
0x458: {  	v4 =	vor.u32 $0xC00, v11;
	v11 =	vld.idx.msk [tilespmem:v19+s19+$0x0], $0xffff;
	v14 =	vor.u32 v33, v14;
	[tilespmem:s12+$0x12000] =	vst v12  }
0x459: {  	v18 =	vor.u32 v1, v59;
	v0 =	vld [tilespmem:$0x1FCE0]  }
0x45a: {  	v19 =	vld.idx.msk [tilespmem:v6+s19+$0x0], $0xffff;
	v17 =	vor.u32 v32, v4  }
0x45b: {  	v7 =	vld.idx.msk [tilespmem:v7+s19+$0x0], $0xffff  }
0x45c: {  	v12 =	vor.u32 v1, v54;
	v15 =	vld.idx.msk [tilespmem:v16+s19+$0x0], $0xffff  }
0x45d: {  	s17 =	sor.u32 $0xC00, s2;
	v22 =	vmov v10;
	[tilespmem:s0+$0x430] =	vst v13;
	v13 =	vld.idx.msk [tilespmem:v14+s19+$0x0], $0xffff;
	v14 =	vor.u32 v1, v58  }
0x45e: {  	v18 =	vld.idx.msk [tilespmem:v18+s19+$0x0], $0xffff;
	[tilespmem:s17+$0x12000] =	vst v20;
	v6 =	vor.u32 v10, v0;
	v10 =	vor.u32 v1, v57;
	v0 =	vor.u32 $0xC00, v60  }
0x45f: {  	[tilespmem:s9+$0x430] =	vst v11;
	v11 =	vld.idx.msk [tilespmem:v17+s19+$0x0], $0xffff;
	v6 =	vor.u32 $0xC00, v6;
	v17 =	vor.u32 v32, v0  }
0x460: {  	[tilespmem:s7+$0x430] =	vst v19;
	v16 =	vor.u32 v32, v6  }
0x461: {  	s18 =	sor.u32 $0xC50, s6;
	[tilespmem:s4+$0x430] =	vst v7;
	v12 =	vld.idx.msk [tilespmem:v12+s19+$0x0], $0xffff  }
0x462: {  	s21 =	sor.u32 $0xC00, s13;
	v19 =	vor.u32 v36, v23;
	[tilespmem:s18+$0x12000] =	vst v15;
	v14 =	vld.idx.msk [tilespmem:v14+s19+$0x0], $0xffff  }
0x463: {  	[tilespmem:s21+$0x12000] =	vst v13;
	v7 =	vld.idx.msk [tilespmem:v10+s19+$0x0], $0xffff;
	v10 =	vor.u32 v62, v4  }
0x464: {  	s22 =	sor.u32 $0xC10, s1;
	v15 =	vor.u32 v36, v24;
	[tilespmem:s0+$0x440] =	vst v18;
	v17 =	vld.idx.msk [tilespmem:v17+s19+$0x0], $0xffff  }
0x465: {  	[tilespmem:s22+$0x12000] =	vst v11;
	v13 =	vld.idx.msk [tilespmem:v16+s19+$0x0], $0xffff;
	v16 =	vor.u32 v36, v25  }
0x466: {  	v20 =	vor.u32 v36, v26;
	[tilespmem:s9+$0x440] =	vst v12  }
0x467: {  	v19 =	vld.idx.msk [tilespmem:v19+s19+$0x0], $0xffff;
	[tilespmem:s4+$0x440] =	vst v14  }
0x468: {  	s23 =	simm.s32 $0x9;
	s25 =	sor.u32 $0xC10, s13;
	v36 =	vor.u32 v62, v6;
	v10 =	vld.idx.msk [tilespmem:v10+s19+$0x0], $0xffff;
	[tilespmem:s7+$0x440] =	vst v7  }
0x469: {  	s24 =	sor.u32 $0xC10, s2;
	v18 =	vmov s23;
	v7 =	vld.idx.msk [tilespmem:v15+s19+$0x0], $0xffff;
	[tilespmem:s25+$0x12000] =	vst v17  }
0x46a: {  	s3 =	sor.u32 $0xC40, s13;
	v11 =	vshll.u32 v18, $0x9;
	v18 =	vshll.u32 v18, $0x7;
	v15 =	vld.idx.msk [tilespmem:v16+s19+$0x0], $0xffff;
	[tilespmem:s24+$0x12000] =	vst v13  }
0x46b: {  	v60 =	vand.u32 $0x7000, v11;
	v61 =	vand.u32 $0x280, v18;
	v16 =	vld.idx.msk [tilespmem:v20+s19+$0x0], $0xffff;
	[dreg:$0x1f] =	wrdreg s3  }
0x46c: {  	s6 =	sor.u32 $0xC30, s2;
	s12 =	sor.u32 $0xC40, s2;
	v11 =	vor.u32 v62, v0;
	v62 =	vor.u32 v61, v60;
	[tilespmem:s0+$0x450] =	vst v19  }
0x46d: {  	s11 =	sor.u32 $0xC20, s2;
	s2 =	sor.u32 $0xC50, s2;
	v14 =	vor.u32 v46, v62;
	v18 =	vld.idx.msk [tilespmem:v36+s19+$0x0], $0xffff;
	[smem:$0x7CC] =	sst s12  }
0x46e: {  	s17 =	sor.u32 $0xC50, s13;
	v12 =	vor.u32 v39, v4;
	[smem:$0x7CD] =	sst s2  }
0x46f: {  	s14 =	sor.u32 $0xC20, s1;
	[smem:$0x7CE] =	sst s17  }
0x470: {  	v13 =	vor.u32 v5, v59;
	[tilespmem:s14+$0x12000] =	vst v10  }
0x471: {  	v11 =	vld.idx.msk [tilespmem:v11+s19+$0x0], $0xffff;
	[tilespmem:s9+$0x450] =	vst v7  }
0x472: {  	s18 =	sand.u32 $0x3, s16;
	s21 =	sor.u32 $0xC40, s1;
	v17 =	vor.u32 v5, v54;
	v7 =	vld.idx.msk [tilespmem:v14+s19+$0x0], $0xffff;
	[tilespmem:s7+$0x450] =	vst v15  }
0x473: {  	s14 =	sshll.u32 s18, $0x8;
	v12 =	vld.idx.msk [tilespmem:v12+s19+$0x0], $0xffff;
	[smem:$0x7CF] =	sst s21  }
0x474: {  	s17 =	sor.u32 $0xC30, s1;
	s1 =	sor.u32 $0xC50, s1;
	s14 =	sadd.s32 $0x800, s14;
	[tilespmem:s4+$0x450] =	vst v16  }
0x475: {  	v19 =	vor.u32 v5, v57;
	s23 =	sadd.s32 $0x100, s14;
	v13 =	vld.idx.msk [tilespmem:v13+s19+$0x0], $0xffff;
	[dreg:$0x1e] =	wrdreg s1  }
0x476: {  	s24 =	sor.u32 $0x800, s23;
	[tilespmem:s11+$0x12000] =	vst v18  }
0x477: {  	s25 =	sor.u32 $0x810, s23;
	v16 =	vld.idx.msk [tilespmem:v17+s19+$0x0], $0xffff;
	[smem:$0x7D0] =	sst s24  }
0x478: {  	s26 =	sor.u32 $0xC20, s13;
	[dreg:$0x1a] =	wrdreg s25  }
0x479: {  	v10 =	vor.u32 v5, v58;
	[tilespmem:s26+$0x12000] =	vst v11;
	s26 =	sor.u32 $0x820, s23  }
0x47a: {  	s10 =	sor.u32 $0x830, s23;
	v18 =	vld.idx.msk [tilespmem:v19+s19+$0x0], $0xffff;
	[dreg:$0x16] =	wrdreg s26  }
0x47b: {  	v14 =	vor.u32 v39, v6;
	s11 =	sor.u32 $0x840, s23;
	[dreg:$0x12] =	wrdreg s10  }
0x47c: {  	v8 =	vadd.s32 v34, v8;
	v15 =	vor.u32 v39, v0;
	[dreg:$0xe] =	wrdreg s11  }
0x47d: {  	p0 =	por !p0, !p0;
	s5 =	sor.u32 $0xC30, s13;
	v5 =	vor.u32 v63, v8;
	s12 =	sor.u32 $0x850, s23;
	v17 =	vor.u32 v44, v59;
	v33 =	vld [tilespmem:$0x1FF00];
	[tilespmem:s17+$0x12000] =	vst v12  }
0x47e: {  	s13 =	simm.s32 $0x1;
	s14 =	sor.u32 $0x860, s23;
	v19 =	vor.u32 v27, v5;
	v10 =	vld.idx.msk [tilespmem:v10+s19+$0x0], $0xffff;
	[dreg:$0xa] =	wrdreg s12  }
0x47f: {  	s13 =	simm.s32 @!p0 $0x0;
	[dreg:$0x7] =	wrdreg s14;
	v1 =	vld [tilespmem:$0x1FCF0]  }
0x480: {  	s22 =	sshll.u32 s13, $0x9;
	v14 =	vld.idx.msk [tilespmem:v14+s19+$0x0], $0xffff  }
0x481: {  	s1 =	sadd.s32 $0x800, s22;
	v11 =	vor.u32 v44, v54;
	[tilespmem:s0+$0x460] =	vst v13;
	v15 =	vld.idx.msk [tilespmem:v15+s19+$0x0], $0xffff  }
0x482: {  	s21 =	sor.u32 $0xC10, s23;
	s18 =	sor.u32 $0x800, s1;
	[tilespmem:s9+$0x460] =	vst v16;
	v39 =	vld.idx.msk [tilespmem:v17+s19+$0x0], $0xffff  }
0x483: {  	s3 =	sor.u32 $0xC40, s23;
	s22 =	sor.u32 $0x810, s1;
	v13 =	vld.idx.msk [tilespmem:v19+s19+$0x0], $0xffff;
	[smem:$0x7D1] =	sst s18  }
0x484: {  	v8 =	vadd.s32 v34, v2;
	s24 =	sor.u32 $0xC00, s23;
	s25 =	sor.u32 $0x830, s1;
	[dreg:$0x1c] =	wrdreg s22  }
0x485: {  	v8 =	vor.u32 v9, v8;
	v9 =	vor.u32 v44, v57;
	s26 =	sor.u32 $0x870, s23;
	s11 =	sor.u32 $0xC30, s23;
	s10 =	sor.u32 $0x840, s1;
	[tilespmem:s7+$0x460] =	vst v18;
	v2 =	vadd.s32 v34, v1  }
0x486: {  	s17 =	simm.s32 $0xA;
	s14 =	sor.u32 $0xC20, s23;
	v16 =	vld.idx.msk [tilespmem:v11+s19+$0x0], $0xffff;
	[dreg:$0x14] =	wrdreg s25;
	v1 =	vor.u32 v22, v2  }
0x487: {  	v36 =	vor.u32 v44, v58;
	v25 =	vld [tilespmem:$0x1FF10];
	[dreg:$0x10] =	wrdreg s10;
	v44 =	vor.u32 v27, v1;
	v1 =	vmov s17;
	s17 =	sor.u32 $0xC50, s23;
	s23 =	sor.u32 $0x820, s1  }
0x488: {  	[dreg:$0x18] =	wrdreg s23  }
0x489: {  	v24 =	vor.u32 v27, v8;
	s12 =	sor.u32 $0x850, s1;
	v20 =	vadd.s32 v33, v50;
	v12 =	vadd.s32 v33, v56;
	[tilespmem:s4+$0x460] =	vst v10  }
0x48a: {  	s13 =	sor.u32 $0x860, s1;
	v17 =	vmovc v33;
	v11 =	vor.u32 v35, v4;
	v8 =	vshll.u32 v1, $0x9;
	v19 =	vshll.u32 v1, $0x7;
	v1 =	vld.idx.msk [tilespmem:v9+s19+$0x0], $0xffff;
	[dreg:$0xd] =	wrdreg s12  }
0x48b: {  	v12 =	vor.u32 v55, v12;
	v18 =	vadd.s32 v17, v52;
	v2 =	vadd.s32 v33, v47;
	[dreg:$0x9] =	wrdreg s13  }
0x48c: {  	s15 =	sor.u32 $0x1, s15;
	s29 =	simm.s32 $0xC;
	s2 =	simm.s32 $0x8;
	v4 =	vor.u32 v51, v18;
	v17 =	vor.u32 v48, v2;
	v12 =	vor.u32 v25, v12;
	[tilespmem:s6+$0x12000] =	vst v14  }
0x48d: {  	s31 =	sor.u32 $0x870, s1;
	s18 =	sor.u32 $0xC20, s1;
	s22 =	sor.u32 $0xC40, s1;
	v2 =	vand.u32 $0x7000, v8;
	v17 =	vor.u32 v25, v17;
	v63 =	vand.u32 $0x300, v19;
	v10 =	vld.idx.msk [tilespmem:v36+s19+$0x0], $0xffff;
	[tilespmem:s5+$0x12000] =	vst v15  }
0x48e: {  	v5 =	vmov s2;
	s25 =	sor.u32 $0xC00, s1;
	s23 =	sor.u32 $0xC10, s1;
	s13 =	sor.u32 $0xC30, s1;
	v9 =	vor.u32 v63, v2;
	v14 =	vor.u32 v49, v20;
	[tilespmem:s0+$0x470] =	vst v39;
	v18 =	vld.idx.msk [tilespmem:v44+s19+$0x0], $0xffff  }
0x48f: {  	v26 =	vmovc v35;
	s12 =	sor.u32 $0xC50, s1;
	s1 =	simm.s32 $0xB;
	v15 =	vor.u32 v25, v4;
	v4 =	vshll.u32 v5, $0x9;
	v14 =	vor.u32 v25, v14;
	v19 =	vld.idx.msk [tilespmem:v24+s19+$0x0], $0xffff;
	[smem:$0x7D2] =	sst s15  }
.LBB2_7:
0x490: {  	[smem:$0x7B4] =	sst s26  }
0x491: {  	[smem:$0x7B9] =	sst s24  }
0x492: {  	[smem:$0x7BE] =	sst s21  }
0x493: {  	[smem:$0x7BB] =	sst s25  }
0x494: {  	[smem:$0x7C0] =	sst s23  }
0x495: {  	[smem:$0x7C5] =	sst s18  }
0x496: {  	s0 =	sld [smem:$0x7CF]  }
0x497: {  	[smem:$0x7C3] =	sst s14;
	s8 =	sadd.s32 $0x4, s8  }
0x498: {  	[smem:$0x7C8] =	sst s11;
	s6 =	sand.u32 $0x7, s8  }
0x499: {  	[smem:$0x7CA] =	sst s13;
	[tilespmem:s0+$0x12000] =	vst v13;
	s0 =	sshll.u32 s6, $0x7  }
0x49a: {  	s2 =	rddreg [dreg:$0x1f];
	s0 =	sadd.s32 s28, s0  }
0x49b: {  	s23 =	rddreg [dreg:$0x1e];
	[tilespmem:s4+$0x470] =	vst v10;
	s4 =	sadd.s32 $0x80, s0  }
0x49c: {  	[tilespmem:s9+$0x470] =	vst v16;
	s9 =	sld [smem:$0x7CC];
	s13 =	sor.u32 $0x830, s4  }
0x49d: {  	s14 =	sor.u32 $0x840, s4;
	[smem:$0x7AE] =	sst s13  }
0x49e: {  	s15 =	sor.u32 $0x850, s4;
	[smem:$0x7AF] =	sst s14  }
0x49f: {  	s18 =	sor.u32 $0x860, s4;
	[smem:$0x7B0] =	sst s15  }
0x4a0: {  	s16 =	sadd.s32 $0x2, s16;
	s21 =	sor.u32 $0x870, s4;
	[smem:$0x7B1] =	sst s18  }
0x4a1: {  	p0 =	por !p0, !p0;
	s24 =	sor.u32 $0xC00, s4;
	[smem:$0x7B3] =	sst s21  }
0x4a2: {  	v44 =	vld [tilespmem:$0x1FD90];
	s30 =	sadd.s32 $0x200, s30;
	s25 =	sor.u32 $0xC10, s4;
	[smem:$0x7B8] =	sst s24  }
0x4a3: {  	v21 =	vld.idx.msk [tilespmem:v12+s19+$0x0], $0xffff;
	v0 =	vor.u32 v26, v0;
	[tilespmem:s7+$0x470] =	vst v1;
	s28 =	sadd.s32 $0x800, s28;
	s26 =	sor.u32 $0xC20, s4;
	[smem:$0x7BD] =	sst s25  }
0x4a4: {  	v20 =	vmov s1;
	v13 =	vor.u32 v26, v6;
	v26 =	vld.idx.msk [tilespmem:v14+s19+$0x0], $0xffff;
	[tilespmem:s2+$0x12000] =	vst v19;
	s1 =	sadd.s32 $0x180, s0;
	s2 =	sor.u32 $0xC30, s4;
	[smem:$0x7C2] =	sst s26  }
0x4a5: {  	v23 =	vor.u32 v46, v9;
	v12 =	vshll.u32 v20, $0x7;
	v6 =	vshll.u32 v20, $0x9;
	v24 =	vld.idx.msk [tilespmem:v15+s19+$0x0], $0xffff;
	s10 =	sor.u32 $0x800, s4;
	s7 =	sor.u32 $0xC40, s4;
	[smem:$0x7C7] =	sst s2  }
0x4a6: {  	v16 =	vor.u32 $0x800, v59;
	v6 =	vand.u32 $0x7000, v6;
	v20 =	vld.idx.msk [tilespmem:v11+s19+$0x0], $0xffff;
	v11 =	vand.u32 $0x380, v12;
	s6 =	sor.u32 $0x810, s4;
	s11 =	sor.u32 $0x800, s1;
	[smem:$0x7CF] =	sst s7  }
0x4a7: {  	v1 =	vshll.u32 v5, $0x7;
	v17 =	vld.idx.msk [tilespmem:v17+s19+$0x0], $0xffff;
	v22 =	vor.u32 v44, v16;
	v12 =	vor.u32 v11, v6;
	s5 =	sor.u32 $0x820, s4;
	[tilespmem:s9+$0x12000] =	vst v18;
	s9 =	sor.u32 $0xC50, s4;
	s13 =	sld [smem:$0x7D1]  }
0x4a8: {  	v10 =	vor.u32 v3, v49;
	v14 =	vor.u32 $0x800, v54;
	v39 =	vld.idx.msk [tilespmem:v0+s19+$0x0], $0xffff;
	v25 =	vor.u32 v46, v12;
	[tilespmem:s11+$0x12000] =	vst v21;
	s11 =	sand.u32 $0x3, s16;
	s4 =	simm.s32 $0x1;
	s15 =	sld [smem:$0x7CD]  }
0x4a9: {  	v15 =	vor.u32 $0x800, v57;
	v18 =	vor.u32 v44, v14;
	s14 =	smov.u32 s22;
	s18 =	sand.u32 $0x7000, s28;
	s22 =	sld [smem:$0x7CE];
	v19 =	vld.idx.msk [tilespmem:v13+s19+$0x0], $0xffff;
	v13 =	vor.u32 $0x800, v10  }
0x4aa: {  	v5 =	vand.u32 $0x7000, v4;
	v3 =	vmovc v4;
	v27 =	vor.u32 v44, v15;
	s21 =	sor.u32 $0x810, s1;
	s25 =	sand.u32 $0x380, s30;
	[dreg:$0x1e] =	wrdreg s9;
	v4 =	vor.u32 v44, v13;
	v44 =	vld [tilespmem:$0x1FD40]  }
0x4ab: {  	v1 =	vand.u32 $0x200, v1;
	s26 =	sadd.s32 $0xFFFFFF00, s30;
	s2 =	sadd.s32 $0xFFFFFF80, s30;
	v23 =	vld.idx.msk [tilespmem:v23+s19+$0x0], $0xffff;
	[dreg:$0x1f] =	wrdreg s14;
	[tilespmem:s23+$0x12000] =	vst v20  }
0x4ac: {  	v0 =	vor.u32 v1, v5;
	s4 =	simm.s32 @!p0 $0x0;
	s11 =	sshll.u32 s11, $0x8;
	v22 =	vld.idx.msk [tilespmem:v22+s19+$0x0], $0xffff;
	[tilespmem:s10+$0x12000] =	vst v17;
	s10 =	sld [smem:$0x7D0]  }
0x4ad: {  	s24 =	sadd.s32 $0x12000, s18;
	s18 =	smov.u32 s12;
	s12 =	smov.u32 s17;
	v20 =	vor.u32 v46, v0;
	v17 =	vld.idx.msk [tilespmem:v25+s19+$0x0], $0xffff  }
0x4ae: {  	s17 =	smov.u32 s8;
	s8 =	smov.u32 s16;
	[tilespmem:s13+$0x12000] =	vst v26;
	s13 =	sshll.u32 s4, $0x9;
	v18 =	vld.idx.msk [tilespmem:v18+s19+$0x0], $0xffff  }
0x4af: {  	s0 =	sor.u32 s25, s24;
	s23 =	sadd.s32 $0xFFFFFE80, s30;
	s25 =	sadd.s32 s13, s28;
	[tilespmem:s10+$0x12000] =	vst v24;
	v24 =	vor.u32 v44, v16;
	v4 =	vld.idx.msk [tilespmem:v4+s19+$0x0], $0xffff  }
0x4b0: {  	v33 =	vor.u32 v29, v62;
	s11 =	sadd.s32 s28, s11;
	s7 =	sand.u32 $0x200, s23;
	s14 =	sor.u32 $0x800, s25;
	[tilespmem:s22+$0x12000] =	vst v39;
	v39 =	vld [tilespmem:$0x1FD50]  }
0x4b1: {  	v25 =	vor.u32 v29, v12;
	s4 =	sor.u32 s7, s24;
	[smem:$0x7D1] =	sst s14;
	s14 =	sadd.s32 $0x100, s11;
	v26 =	vld.idx.msk [tilespmem:v27+s19+$0x0], $0xffff;
	[tilespmem:s15+$0x12000] =	vst v19  }
0x4b2: {  	s10 =	sand.u32 $0x300, s2;
	s22 =	rddreg [dreg:$0x1a];
	v19 =	vor.u32 v44, v14;
	v20 =	vld.idx.msk [tilespmem:v20+s19+$0x0], $0xffff;
	[tilespmem:s21+$0x12000] =	vst v22;
	s15 =	sand.u32 $0x280, s26  }
0x4b3: {  	v34 =	vor.u32 v29, v9;
	s7 =	sor.u32 s10, s24;
	s10 =	sor.u32 $0x860, s25;
	s9 =	sor.u32 s15, s24;
	[tilespmem:s6+$0x12000] =	vst v18  }
0x4b4: {  	s13 =	smov.u32 s3;
	s15 =	sor.u32 $0x800, s14;
	[smem:$0x7B2] =	sst s10;
	[tilespmem:s9+$0x0] =	vst v7;
	v24 =	vld.idx.msk [tilespmem:v24+s19+$0x0], $0xffff  }
0x4b5: {  	s3 =	smov.u32 s30;
	v27 =	vor.u32 v29, v0;
	s10 =	sor.u32 $0x870, s14;
	[smem:$0x7D0] =	sst s15;
	[tilespmem:s0+$0x0] =	vst v17;
	v21 =	vld.idx.msk [tilespmem:v33+s19+$0x0], $0xffff  }
0x4b6: {  	s30 =	sor.u32 $0x830, s1;
	[tilespmem:s7+$0x0] =	vst v23;
	[smem:$0x7B5] =	sst s10;
	s10 =	sor.u32 $0xC00, s25;
	v18 =	vor.u32 v39, v16;
	v17 =	vld.idx.msk [tilespmem:v25+s19+$0x0], $0xffff  }
0x4b7: {  	s16 =	sor.u32 $0x810, s25;
	[smem:$0x7BC] =	sst s10;
	s10 =	sor.u32 $0xC10, s14;
	v7 =	vld.idx.msk [tilespmem:v19+s19+$0x0], $0xffff;
	v19 =	vor.u32 v44, v15;
	[tilespmem:s4+$0x0] =	vst v20  }
0x4b8: {  	s2 =	smov.u32 s28;
	[smem:$0x7BF] =	sst s10;
	v20 =	vld.idx.msk [tilespmem:v34+s19+$0x0], $0xffff;
	v44 =	vor.u32 v44, v13;
	[tilespmem:s22+$0x12000] =	vst v26;
	s22 =	sor.u32 $0x870, s25  }
0x4b9: {  	v36 =	vor.u32 v28, v12;
	s28 =	sor.u32 $0x810, s14;
	s21 =	sor.u32 $0x820, s1;
	v33 =	vld [tilespmem:$0x1FD60];
	[smem:$0x7B7] =	sst s22  }
0x4ba: {  	s23 =	sor.u32 $0x830, s14;
	s10 =	sor.u32 $0xC20, s25;
	v25 =	vld.idx.msk [tilespmem:v27+s19+$0x0], $0xffff;
	v27 =	vor.u32 v28, v62;
	s22 =	rddreg [dreg:$0x1c];
	[tilespmem:s21+$0x12000] =	vst v24  }
0x4bb: {  	s11 =	sor.u32 $0x850, s14;
	[smem:$0x7C6] =	sst s10;
	s10 =	sor.u32 $0xC30, s25;
	[tilespmem:s22+$0x12000] =	vst v4;
	v18 =	vld.idx.msk [tilespmem:v18+s19+$0x0], $0xffff  }
0x4bc: {  	s26 =	sor.u32 $0x820, s14;
	v26 =	vor.u32 v28, v0;
	[smem:$0x7CB] =	sst s10;
	s22 =	sor.u32 $0xC00, s14;
	[tilespmem:s0+$0x10] =	vst v17;
	v17 =	vld.idx.msk [tilespmem:v19+s19+$0x0], $0xffff  }
0x4bd: {  	s6 =	sor.u32 $0x840, s14;
	[smem:$0x7BA] =	sst s22;
	s22 =	sor.u32 $0xC10, s25;
	v24 =	vor.u32 v28, v9;
	[tilespmem:s9+$0x10] =	vst v21;
	v21 =	vld.idx.msk [tilespmem:v44+s19+$0x0], $0xffff  }
0x4be: {  	s15 =	sor.u32 $0x860, s14;
	v4 =	vor.u32 v33, v59;
	[smem:$0x7C1] =	sst s22;
	s22 =	sor.u32 $0xC20, s14;
	v19 =	vld.idx.msk [tilespmem:v36+s19+$0x0], $0xffff  }
0x4bf: {  	v34 =	vor.u32 v39, v14;
	s10 =	sor.u32 $0xC40, s14;
	[smem:$0x7C4] =	sst s22;
	v36 =	vld.idx.msk [tilespmem:v27+s19+$0x0], $0xffff;
	[tilespmem:s5+$0x12000] =	vst v7;
	s5 =	smov.u32 s16  }
0x4c0: {  	v44 =	vld [tilespmem:$0x1FD70];
	[tilespmem:s4+$0x10] =	vst v25;
	v25 =	vor.u32 v39, v15;
	s16 =	smov.u32 s8;
	s8 =	smov.u32 s17;
	s17 =	smov.u32 s28  }
0x4c1: {  	[tilespmem:s7+$0x10] =	vst v20;
	v20 =	vor.u32 v30, v12;
	s22 =	sor.u32 $0xC30, s14;
	s14 =	sor.u32 $0xC50, s14;
	v26 =	vld.idx.msk [tilespmem:v26+s19+$0x0], $0xffff;
	[dreg:$0x1a] =	wrdreg s17  }
0x4c2: {  	v27 =	vor.u32 v30, v62;
	s17 =	smov.u32 s14;
	s14 =	rddreg [dreg:$0x16];
	v24 =	vld.idx.msk [tilespmem:v24+s19+$0x0], $0xffff;
	[tilespmem:s30+$0x12000] =	vst v18  }
0x4c3: {  	v7 =	vor.u32 v30, v0;
	[tilespmem:s14+$0x12000] =	vst v17;
	v4 =	vld.idx.msk [tilespmem:v4+s19+$0x0], $0xffff  }
0x4c4: {  	[tilespmem:s0+$0x20] =	vst v19;
	v19 =	vld.idx.msk [tilespmem:v34+s19+$0x0], $0xffff  }
0x4c5: {  	v18 =	vor.u32 v30, v9;
	v17 =	vor.u32 v39, v13;
	v39 =	vld.idx.msk [tilespmem:v25+s19+$0x0], $0xffff  }
0x4c6: {  	[tilespmem:s9+$0x20] =	vst v36;
	v20 =	vld.idx.msk [tilespmem:v20+s19+$0x0], $0xffff  }
0x4c7: {  	s30 =	smov.u32 s3;
	v16 =	vor.u32 v44, v16;
	s3 =	rddreg [dreg:$0x18];
	v23 =	vld.idx.msk [tilespmem:v27+s19+$0x0], $0xffff;
	[tilespmem:s4+$0x20] =	vst v26  }
0x4c8: {  	s14 =	sld [smem:$0x7AE];
	v25 =	vor.u32 v33, v54;
	v7 =	vld.idx.msk [tilespmem:v7+s19+$0x0], $0xffff;
	[tilespmem:s3+$0x12000] =	vst v21  }
0x4c9: {  	s28 =	smov.u32 s2;
	s2 =	sor.u32 $0x840, s1;
	v27 =	vld [tilespmem:$0x1FF20];
	v26 =	vor.u32 v31, v62;
	[tilespmem:s7+$0x20] =	vst v24  }
0x4ca: {  	v24 =	vor.u32 v31, v12;
	v18 =	vld.idx.msk [tilespmem:v18+s19+$0x0], $0xffff;
	[tilespmem:s2+$0x12000] =	vst v4  }
0x4cb: {  	v34 =	vor.u32 v31, v0;
	v17 =	vld.idx.msk [tilespmem:v17+s19+$0x0], $0xffff;
	[tilespmem:s14+$0x12000] =	vst v19  }
0x4cc: {  	v16 =	vld.idx.msk [tilespmem:v16+s19+$0x0], $0xffff;
	[tilespmem:s9+$0x30] =	vst v23  }
0x4cd: {  	v4 =	vor.u32 v31, v9;
	v23 =	vld.idx.msk [tilespmem:v25+s19+$0x0], $0xffff  }
0x4ce: {  	[dreg:$0x1c] =	wrdreg s5;
	s5 =	smov.u32 s12;
	v19 =	vor.u32 v53, v59;
	[tilespmem:s0+$0x30] =	vst v20;
	v25 =	vld.idx.msk [tilespmem:v26+s19+$0x0], $0xffff  }
0x4cf: {  	s12 =	smov.u32 s18;
	s18 =	smov.u32 s26;
	s26 =	rddreg [dreg:$0x14];
	[tilespmem:s4+$0x30] =	vst v7;
	v7 =	vor.u32 v33, v58;
	v20 =	vld.idx.msk [tilespmem:v24+s19+$0x0], $0xffff  }
0x4d0: {  	[smem:$0x7CD] =	sst s5;
	v24 =	vor.u32 v33, v57;
	v21 =	vld.idx.msk [tilespmem:v34+s19+$0x0], $0xffff;
	[tilespmem:s7+$0x30] =	vst v18  }
0x4d1: {  	s24 =	sor.u32 $0x820, s25;
	[dreg:$0x16] =	wrdreg s18;
	s18 =	sor.u32 $0x850, s1;
	v33 =	vld [tilespmem:$0x1FE60];
	v18 =	vor.u32 v43, v12;
	[tilespmem:s26+$0x12000] =	vst v17  }
0x4d2: {  	s5 =	smov.u32 s24;
	s24 =	rddreg [dreg:$0x12];
	v26 =	vor.u32 v43, v62;
	v4 =	vld.idx.msk [tilespmem:v4+s19+$0x0], $0xffff;
	[tilespmem:s18+$0x12000] =	vst v16  }
0x4d3: {  	v36 =	vor.u32 v43, v0;
	[tilespmem:s24+$0x12000] =	vst v39;
	v19 =	vld.idx.msk [tilespmem:v19+s19+$0x0], $0xffff  }
0x4d4: {  	s14 =	sld [smem:$0x7AF];
	v16 =	vor.u32 v43, v9;
	[tilespmem:s9+$0x40] =	vst v25;
	v7 =	vld.idx.msk [tilespmem:v7+s19+$0x0], $0xffff  }
0x4d5: {  	[smem:$0x7B6] =	sst s31;
	v17 =	vor.u32 v27, v59;
	[tilespmem:s0+$0x40] =	vst v20;
	v20 =	vld.idx.msk [tilespmem:v24+s19+$0x0], $0xffff  }
0x4d6: {  	[smem:$0x7CC] =	sst s13;
	v14 =	vor.u32 v44, v14;
	[tilespmem:s4+$0x40] =	vst v21;
	v18 =	vld.idx.msk [tilespmem:v18+s19+$0x0], $0xffff  }
0x4d7: {  	s31 =	sor.u32 $0x830, s25;
	s13 =	sor.u32 $0x850, s25;
	[smem:$0x7C9] =	sst s22;
	v15 =	vor.u32 v44, v15;
	v24 =	vld.idx.msk [tilespmem:v26+s19+$0x0], $0xffff;
	[tilespmem:s14+$0x12000] =	vst v23  }
0x4d8: {  	s21 =	sor.u32 $0x840, s25;
	[dreg:$0x18] =	wrdreg s5;
	s5 =	sor.u32 $0x860, s1;
	v21 =	vld.idx.msk [tilespmem:v36+s19+$0x0], $0xffff;
	[tilespmem:s7+$0x40] =	vst v4;
	v4 =	vor.u32 v42, v12  }
0x4d9: {  	s22 =	sor.u32 $0xC40, s25;
	s25 =	sor.u32 $0xC50, s25;
	v39 =	vor.u32 v42, v62;
	s18 =	rddreg [dreg:$0xe];
	v16 =	vld.idx.msk [tilespmem:v16+s19+$0x0], $0xffff;
	[tilespmem:s5+$0x12000] =	vst v19  }
0x4da: {  	[smem:$0x7CE] =	sst s12;
	s12 =	smov.u32 s25;
	s25 =	smov.u32 s23;
	v34 =	vadd.s32 v45, v56;
	v25 =	vor.u32 v42, v0;
	v17 =	vld.idx.msk [tilespmem:v17+s19+$0x0], $0xffff;
	[tilespmem:s18+$0x12000] =	vst v20  }
0x4db: {  	[dreg:$0x12] =	wrdreg s25;
	v19 =	vor.u32 v42, v9;
	[tilespmem:s0+$0x50] =	vst v18;
	v18 =	vld.idx.msk [tilespmem:v14+s19+$0x0], $0xffff;
	v14 =	vor.u32 v55, v34  }
0x4dc: {  	s25 =	rddreg [dreg:$0x10];
	s3 =	smov.u32 s31;
	[tilespmem:s9+$0x50] =	vst v24;
	v15 =	vld.idx.msk [tilespmem:v15+s19+$0x0], $0xffff;
	v14 =	vor.u32 v33, v14  }
0x4dd: {  	v13 =	vor.u32 v44, v13;
	[dreg:$0x14] =	wrdreg s3;
	[tilespmem:s4+$0x50] =	vst v21;
	v4 =	vld.idx.msk [tilespmem:v4+s19+$0x0], $0xffff  }
0x4de: {  	s3 =	sld [smem:$0x7B0];
	v20 =	vld.idx.msk [tilespmem:v39+s19+$0x0], $0xffff;
	[tilespmem:s7+$0x50] =	vst v16;
	v16 =	vor.u32 v41, v12  }
0x4df: {  	s24 =	sor.u32 $0x870, s1;
	v36 =	vor.u32 v53, v54;
	v39 =	vld.idx.msk [tilespmem:v25+s19+$0x0], $0xffff;
	[tilespmem:s25+$0x12000] =	vst v7  }
0x4e0: {  	v44 =	vor.u32 v41, v62;
	v19 =	vld.idx.msk [tilespmem:v19+s19+$0x0], $0xffff;
	[tilespmem:s24+$0x12000] =	vst v17  }
0x4e1: {  	[tilespmem:s3+$0x12000] =	vst v18;
	v7 =	vld.idx.msk [tilespmem:v14+s19+$0x0], $0xffff  }
0x4e2: {  	v17 =	vor.u32 v41, v9;
	[tilespmem:s0+$0x60] =	vst v4;
	v4 =	vld.idx.msk [tilespmem:v13+s19+$0x0], $0xffff  }
0x4e3: {  	v24 =	vor.u32 v41, v0;
	v14 =	vor.u32 $0xC00, v59;
	v59 =	vmov v12;
	[tilespmem:s9+$0x60] =	vst v20;
	v12 =	vld.idx.msk [tilespmem:v16+s19+$0x0], $0xffff  }
0x4e4: {  	v18 =	vor.u32 v53, v57;
	v16 =	vld.idx.msk [tilespmem:v36+s19+$0x0], $0xffff  }
0x4e5: {  	[tilespmem:s4+$0x60] =	vst v39;
	v13 =	vor.u32 v32, v14;
	v20 =	vld.idx.msk [tilespmem:v44+s19+$0x0], $0xffff  }
0x4e6: {  	s23 =	smov.u32 s6;
	s6 =	rddreg [dreg:$0xa];
	v34 =	vor.u32 v53, v58;
	v44 =	vld [tilespmem:$0x1FEA0];
	[tilespmem:s7+$0x60] =	vst v19  }
0x4e7: {  	s5 =	sor.u32 $0xC00, s1;
	v19 =	vor.u32 v40, v59;
	v17 =	vld.idx.msk [tilespmem:v17+s19+$0x0], $0xffff;
	[tilespmem:s6+$0x12000] =	vst v15  }
0x4e8: {  	s18 =	rddreg [dreg:$0xd];
	v22 =	vld.idx.msk [tilespmem:v24+s19+$0x0], $0xffff;
	v36 =	vor.u32 v40, v62;
	[tilespmem:s5+$0x12000] =	vst v7  }
0x4e9: {  	v24 =	vor.u32 v40, v9;
	v18 =	vld.idx.msk [tilespmem:v18+s19+$0x0], $0xffff;
	[tilespmem:s18+$0x12000] =	vst v4  }
0x4ea: {  	v15 =	vld.idx.msk [tilespmem:v13+s19+$0x0], $0xffff;
	v13 =	vor.u32 v40, v0;
	[tilespmem:s0+$0x70] =	vst v12  }
0x4eb: {  	v4 =	vor.u32 v44, v14;
	[tilespmem:s9+$0x70] =	vst v20;
	v20 =	vld.idx.msk [tilespmem:v34+s19+$0x0], $0xffff  }
0x4ec: {  	v39 =	vor.u32 v27, v54;
	v19 =	vld.idx.msk [tilespmem:v19+s19+$0x0], $0xffff  }
0x4ed: {  	s24 =	sld [smem:$0x7B1];
	v23 =	vld.idx.msk [tilespmem:v36+s19+$0x0], $0xffff;
	[tilespmem:s7+$0x70] =	vst v17  }
0x4ee: {  	[dreg:$0xe] =	wrdreg s23;
	s23 =	sor.u32 $0xC10, s1;
	[tilespmem:s4+$0x70] =	vst v22;
	v12 =	vor.u32 $0x400, v62;
	v34 =	vld.idx.msk [tilespmem:v24+s19+$0x0], $0xffff  }
0x4ef: {  	v26 =	vor.u32 v38, v12;
	v25 =	vld.idx.msk [tilespmem:v13+s19+$0x0], $0xffff;
	[tilespmem:s23+$0x12000] =	vst v15  }
0x4f0: {  	v7 =	vor.u32 $0x400, v59;
	[tilespmem:s24+$0x12000] =	vst v16;
	v4 =	vld.idx.msk [tilespmem:v4+s19+$0x0], $0xffff  }
0x4f1: {  	v17 =	vor.u32 v38, v7;
	[tilespmem:s0+$0x400] =	vst v19;
	v19 =	vld.idx.msk [tilespmem:v39+s19+$0x0], $0xffff  }
0x4f2: {  	v24 =	vor.u32 v27, v57;
	v39 =	vld [tilespmem:$0x1FEC0]  }
0x4f3: {  	v21 =	vor.u32 v27, v58;
	v57 =	vmov v9;
	v9 =	vor.u32 $0x400, v0;
	[tilespmem:s9+$0x400] =	vst v23  }
0x4f4: {  	s26 =	smov.u32 s21;
	s21 =	smov.u32 s13;
	s13 =	sld [smem:$0x7B3];
	v58 =	vmov v0;
	v36 =	vadd.s32 v45, v47;
	v16 =	vor.u32 v38, v9;
	v0 =	vld.idx.msk [tilespmem:v26+s19+$0x0], $0xffff  }
0x4f5: {  	s25 =	rddreg [dreg:$0x7];
	v23 =	vor.u32 v48, v36;
	v36 =	vld [tilespmem:$0x1FED0];
	[tilespmem:s4+$0x400] =	vst v25;
	v25 =	vor.u32 v37, v12  }
0x4f6: {  	[tilespmem:s25+$0x12000] =	vst v18;
	v17 =	vld.idx.msk [tilespmem:v17+s19+$0x0], $0xffff  }
0x4f7: {  	v24 =	vld.idx.msk [tilespmem:v24+s19+$0x0], $0xffff;
	[tilespmem:s7+$0x400] =	vst v34;
	v18 =	vor.u32 v39, v14  }
0x4f8: {  	v34 =	vor.u32 v37, v7;
	[tilespmem:s13+$0x12000] =	vst v19  }
0x4f9: {  	s5 =	sor.u32 $0xC20, s1;
	v13 =	vor.u32 $0x400, v57;
	v16 =	vld.idx.msk [tilespmem:v16+s19+$0x0], $0xffff;
	[tilespmem:s9+$0x410] =	vst v0  }
0x4fa: {  	s6 =	rddreg [dreg:$0x9];
	v15 =	vor.u32 v38, v13;
	[tilespmem:s5+$0x12000] =	vst v4;
	v22 =	vld.idx.msk [tilespmem:v25+s19+$0x0], $0xffff  }
0x4fb: {  	[tilespmem:s6+$0x12000] =	vst v20;
	v25 =	vld [tilespmem:$0x1FE40]  }
0x4fc: {  	v23 =	vor.u32 v33, v23;
	v20 =	vadd.s32 v36, v56;
	v18 =	vld.idx.msk [tilespmem:v18+s19+$0x0], $0xffff;
	[tilespmem:s0+$0x410] =	vst v17  }
0x4fd: {  	v56 =	vmovc v6;
	v6 =	vor.u32 v37, v9;
	v20 =	vor.u32 v55, v20;
	v55 =	vmov v11;
	v11 =	vld.idx.msk [tilespmem:v34+s19+$0x0], $0xffff  }
0x4fe: {  	v34 =	vld [tilespmem:$0x1FEF0]  }
0x4ff: {  	v15 =	vld.idx.msk [tilespmem:v15+s19+$0x0], $0xffff;
	v0 =	vadd.s32 v45, v50  }
0x500: {  	v4 =	vor.u32 v37, v13;
	v0 =	vor.u32 v49, v0;
	v17 =	vld.idx.msk [tilespmem:v21+s19+$0x0], $0xffff  }
0x501: {  	[dreg:$0xd] =	wrdreg s21;
	v0 =	vor.u32 v33, v0;
	v21 =	vld.idx.msk [tilespmem:v23+s19+$0x0], $0xffff;
	[tilespmem:s4+$0x410] =	vst v16  }
0x502: {  	s21 =	sld [smem:$0x7B6];
	v26 =	vadd.s32 v45, v52;
	v23 =	vld.idx.msk [tilespmem:v6+s19+$0x0], $0xffff;
	v6 =	vor.u32 v25, v12  }
0x503: {  	v19 =	vor.u32 v51, v26;
	v20 =	vor.u32 v34, v20  }
0x504: {  	[dreg:$0x10] =	wrdreg s26;
	v26 =	vld [tilespmem:$0x1FD30];
	v19 =	vor.u32 v33, v19;
	[tilespmem:s7+$0x410] =	vst v15  }
0x505: {  	s26 =	smov.u32 s15;
	s15 =	sld [smem:$0x7B4];
	s14 =	smov.u32 s11;
	v16 =	vld.idx.msk [tilespmem:v4+s19+$0x0], $0xffff;
	v15 =	vor.u32 v25, v7;
	[tilespmem:s21+$0x12000] =	vst v17  }
0x506: {  	[dreg:$0xa] =	wrdreg s14;
	s14 =	sor.u32 $0xC30, s1;
	[tilespmem:s9+$0x420] =	vst v22;
	v17 =	vld.idx.msk [tilespmem:v0+s19+$0x0], $0xffff  }
0x507: {  	v33 =	vmov v8;
	[tilespmem:s14+$0x12000] =	vst v18;
	v8 =	vld.idx.msk [tilespmem:v6+s19+$0x0], $0xffff  }
0x508: {  	[tilespmem:s15+$0x12000] =	vst v24;
	v24 =	vor.u32 v25, v9;
	v20 =	vld.idx.msk [tilespmem:v20+s19+$0x0], $0xffff  }
0x509: {  	s5 =	sld [smem:$0x7B8];
	v18 =	vor.u32 v25, v13;
	[tilespmem:s0+$0x420] =	vst v11;
	v11 =	vld.idx.msk [tilespmem:v19+s19+$0x0], $0xffff  }
0x50a: {  	v14 =	vor.u32 v35, v14;
	v4 =	vor.u32 $0xC00, v54;
	v15 =	vld.idx.msk [tilespmem:v15+s19+$0x0], $0xffff  }
0x50b: {  	v54 =	vmov v62;
	v0 =	vor.u32 v32, v4;
	[tilespmem:s4+$0x420] =	vst v23;
	v19 =	vld [tilespmem:$0x1FCB0]  }
0x50c: {  	v25 =	vor.u32 v26, v54;
	[tilespmem:s5+$0x12000] =	vst v21  }
0x50d: {  	s3 =	smov.u32 s10;
	s10 =	sld [smem:$0x7B2];
	s25 =	sor.u32 $0xC40, s1;
	v24 =	vld.idx.msk [tilespmem:v24+s19+$0x0], $0xffff;
	[tilespmem:s7+$0x420] =	vst v16  }
0x50e: {  	s6 =	sld [smem:$0x7B9];
	v18 =	vld.idx.msk [tilespmem:v18+s19+$0x0], $0xffff;
	[tilespmem:s25+$0x12000] =	vst v20  }
0x50f: {  	v16 =	vor.u32 v26, v59;
	v14 =	vld.idx.msk [tilespmem:v14+s19+$0x0], $0xffff;
	[tilespmem:s0+$0x430] =	vst v15  }
0x510: {  	s24 =	sadd.s32 $0x1, s29;
	v21 =	vor.u32 v26, v58;
	v19 =	vor.u32 v51, v19;
	v15 =	vld.idx.msk [tilespmem:v0+s19+$0x0], $0xffff;
	[tilespmem:s9+$0x430] =	vst v8  }
0x511: {  	s11 =	smov.u32 s10;
	[tilespmem:s6+$0x12000] =	vst v11;
	v6 =	vor.u32 $0xC00, v19;
	v19 =	vmov s24;
	v0 =	vor.u32 $0xC00, v10;
	v11 =	vld.idx.msk [tilespmem:v25+s19+$0x0], $0xffff  }
0x512: {  	[dreg:$0x9] =	wrdreg s11;
	v22 =	vor.u32 v32, v6;
	v62 =	vshll.u32 v19, $0x9;
	v19 =	vshll.u32 v19, $0x7;
	v25 =	vld [tilespmem:$0x1FE90]  }
0x513: {  	s11 =	sld [smem:$0x7BB];
	v8 =	vor.u32 v32, v0;
	v20 =	vand.u32 $0x7000, v62;
	v19 =	vand.u32 $0x280, v19  }
0x514: {  	[tilespmem:$0x1FCB0] =	vst v33;
	v33 =	vor.u32 v26, v57;
	v16 =	vld.idx.msk [tilespmem:v16+s19+$0x0], $0xffff;
	v62 =	vor.u32 v19, v20  }
0x515: {  	[tilespmem:s4+$0x430] =	vst v24;
	v24 =	vld [tilespmem:$0x1FEE0];
	v26 =	vor.u32 v46, v62  }
0x516: {  	v21 =	vld.idx.msk [tilespmem:v21+s19+$0x0], $0xffff;
	[tilespmem:s11+$0x12000] =	vst v17  }
0x517: {  	s1 =	sor.u32 $0xC50, s1;
	s14 =	sld [smem:$0x7BD];
	v10 =	vld.idx.msk [tilespmem:v22+s19+$0x0], $0xffff;
	[tilespmem:s7+$0x430] =	vst v18;
	v18 =	vor.u32 v25, v7  }
0x518: {  	[tilespmem:s1+$0x12000] =	vst v14;
	v12 =	vor.u32 v25, v12;
	v8 =	vld.idx.msk [tilespmem:v8+s19+$0x0], $0xffff  }
0x519: {  	v9 =	vor.u32 v25, v9;
	[tilespmem:s0+$0x440] =	vst v16;
	v22 =	vld.idx.msk [tilespmem:v33+s19+$0x0], $0xffff  }
0x51a: {  	v33 =	vor.u32 v44, v4;
	v7 =	vld.idx.msk [tilespmem:v26+s19+$0x0], $0xffff;
	[tilespmem:s14+$0x12000] =	vst v15  }
0x51b: {  	s23 =	sld [smem:$0x7B7];
	v13 =	vor.u32 v25, v13;
	v15 =	vor.u32 v44, v6;
	[tilespmem:s9+$0x440] =	vst v11;
	v11 =	vor.u32 v44, v0;
	v44 =	vld [tilespmem:$0x1FEB0]  }
0x51c: {  	v14 =	vld.idx.msk [tilespmem:v18+s19+$0x0], $0xffff  }
0x51d: {  	s15 =	sld [smem:$0x7BE];
	[tilespmem:s4+$0x440] =	vst v21;
	v12 =	vld.idx.msk [tilespmem:v12+s19+$0x0], $0xffff  }
0x51e: {  	s31 =	smov.u32 s23;
	s23 =	sld [smem:$0x7C0];
	v9 =	vld.idx.msk [tilespmem:v9+s19+$0x0], $0xffff  }
0x51f: {  	v16 =	vld.idx.msk [tilespmem:v33+s19+$0x0], $0xffff;
	[tilespmem:s7+$0x440] =	vst v22  }
0x520: {  	v13 =	vld.idx.msk [tilespmem:v13+s19+$0x0], $0xffff;
	[tilespmem:s15+$0x12000] =	vst v10;
	v17 =	vor.u32 v44, v59  }
0x521: {  	s5 =	sld [smem:$0x7C2];
	v18 =	vor.u32 v39, v4;
	[tilespmem:s23+$0x12000] =	vst v8;
	v8 =	vld.idx.msk [tilespmem:v15+s19+$0x0], $0xffff  }
0x522: {  	[dreg:$0x7] =	wrdreg s26;
	v33 =	vor.u32 v44, v54;
	v10 =	vor.u32 v44, v57;
	v15 =	vor.u32 v44, v58;
	v44 =	vld [tilespmem:$0x1FF00];
	[tilespmem:s0+$0x450] =	vst v14  }
0x523: {  	s10 =	sld [smem:$0x7BA];
	v11 =	vld.idx.msk [tilespmem:v11+s19+$0x0], $0xffff;
	[tilespmem:s4+$0x450] =	vst v9  }
0x524: {  	s18 =	sld [smem:$0x7B5];
	[tilespmem:s5+$0x12000] =	vst v16  }
0x525: {  	s6 =	sld [smem:$0x7C3];
	v14 =	vadd.s32 v36, v50;
	v50 =	vmov v5;
	[tilespmem:s9+$0x450] =	vst v12;
	v5 =	vld.idx.msk [tilespmem:v17+s19+$0x0], $0xffff  }
0x526: {  	s11 =	sld [smem:$0x7C5];
	v16 =	vor.u32 v39, v6;
	v12 =	vor.u32 v39, v0;
	[tilespmem:s7+$0x450] =	vst v13;
	v17 =	vld.idx.msk [tilespmem:v18+s19+$0x0], $0xffff  }
0x527: {  	s13 =	sld [smem:$0x7BC];
	v13 =	vor.u32 v24, v59;
	v22 =	vadd.s32 v44, v50;
	v18 =	vadd.s32 v36, v47;
	v9 =	vld.idx.msk [tilespmem:v10+s19+$0x0], $0xffff  }
0x528: {  	s5 =	sld [smem:$0x7C7];
	v47 =	vmov v60;
	v10 =	vor.u32 v49, v14;
	v49 =	vmov v1;
	v1 =	vld.idx.msk [tilespmem:v15+s19+$0x0], $0xffff;
	[tilespmem:s6+$0x12000] =	vst v8  }
0x529: {  	s26 =	smov.u32 s18;
	s18 =	sld [smem:$0x7BF];
	v21 =	vld.idx.msk [tilespmem:v33+s19+$0x0], $0xffff;
	v60 =	vmov v20;
	v20 =	vor.u32 v24, v57;
	[tilespmem:s11+$0x12000] =	vst v11;
	v18 =	vor.u32 v48, v18  }
0x52a: {  	s25 =	smov.u32 s13;
	s13 =	sld [smem:$0x7C6];
	v39 =	vld [tilespmem:$0x1FF10];
	v15 =	vor.u32 v24, v54;
	v8 =	vadd.s32 v36, v52;
	v14 =	vor.u32 v34, v18;
	[tilespmem:s0+$0x460] =	vst v5  }
0x52b: {  	s2 =	sld [smem:$0x7C1];
	v52 =	vmov v2;
	v2 =	vadd.s32 v44, v56;
	v48 =	vmov v61;
	v33 =	vld.idx.msk [tilespmem:v16+s19+$0x0], $0xffff;
	[tilespmem:s5+$0x12000] =	vst v17  }
0x52c: {  	s24 =	smov.u32 s10;
	s10 =	sld [smem:$0x7C4];
	s15 =	sadd.s32 $0x2, s29;
	v61 =	vmov v19;
	v19 =	vor.u32 v24, v58;
	v8 =	vor.u32 v51, v8;
	v24 =	vld.idx.msk [tilespmem:v12+s19+$0x0], $0xffff;
	[tilespmem:s7+$0x460] =	vst v9  }
0x52d: {  	s21 =	smov.u32 s18;
	s18 =	smov.u32 s13;
	s13 =	sld [smem:$0x7CA];
	v11 =	vmov s15;
	v2 =	vor.u32 v55, v2;
	v26 =	vor.u32 v34, v8;
	[tilespmem:s4+$0x460] =	vst v1;
	v25 =	vld.idx.msk [tilespmem:v13+s19+$0x0], $0xffff  }
0x52e: {  	p2 =	slt.u32 s29, $0x2C;
	s6 =	sld [smem:$0x7C8];
	v36 =	vor.u32 v34, v10;
	v18 =	vadd.s32 v44, v47;
	v8 =	vshll.u32 v11, $0x9;
	[tilespmem:s9+$0x460] =	vst v21;
	v1 =	vld.idx.msk [tilespmem:v20+s19+$0x0], $0xffff  }
.Ltmp4:
0x52f: {  	s14 =	smov.u32 s10;
	s10 =	sld [smem:$0x7C9];
	v12 =	vor.u32 v39, v2;
	v2 =	vand.u32 $0x7000, v8;
	v9 =	vadd.s32 v44, v52;
	v13 =	vld.idx.msk [tilespmem:v14+s19+$0x0], $0xffff;
	(pc) =	sbr.rel @p2 .LBB2_7-.Ltmp4, $4  }
0x530: {  	s15 =	sld [smem:$0x7CB];
	v51 =	vmovc v63;
	v16 =	vld.idx.msk [tilespmem:v15+s19+$0x0], $0xffff;
	v14 =	vshll.u32 v11, $0x7;
	v15 =	vor.u32 v48, v18;
	v11 =	vor.u32 v35, v4  }
0x531: {  	v10 =	vld.idx.msk [tilespmem:v19+s19+$0x0], $0xffff;
	v4 =	vor.u32 v51, v9;
	[tilespmem:s6+$0x12000] =	vst v33;
	v17 =	vor.u32 v39, v15;
	v63 =	vand.u32 $0x300, v14  }
0x532: {  	s1 =	sadd.s32 $0x3, s29;
	s23 =	smov.u32 s2;
	v5 =	vmov s29;
	v14 =	vor.u32 v49, v22;
	v15 =	vor.u32 v39, v4;
	[tilespmem:s13+$0x12000] =	vst v24;
	v18 =	vld.idx.msk [tilespmem:v26+s19+$0x0], $0xffff;
	v26 =	vmovc v35  }
0x533: {  	s11 =	smov.u32 s10;
	s29 =	sadd.s32 $0x4, s29;
	s13 =	smov.u32 s15;
	v4 =	vshll.u32 v5, $0x9;
	v9 =	vor.u32 v63, v2;
	v14 =	vor.u32 v39, v14;
	v19 =	vld.idx.msk [tilespmem:v36+s19+$0x0], $0xffff;
	[tilespmem:s0+$0x470] =	vst v25  }
0x534: {  	v20 =	vmov s1  }
0x535: {  	v21 =	vshll.u32 v20, $0x9;
	v20 =	vshll.u32 v20, $0x7  }
0x536: {  	v39 =	vand.u32 $0x7000, v21;
	v36 =	vand.u32 $0x380, v20  }
0x537: {  	s0 =	sld [smem:$0x7CF];
	[tilespmem:s7+$0x470] =	vst v1;
	v44 =	vor.u32 v36, v39  }
0x538: {  	[tilespmem:s9+$0x470] =	vst v16;
	v25 =	vor.u32 v46, v44  }
0x539: {  	v5 =	vshll.u32 v5, $0x7;
	s2 =	sadd.s32 $0x4, s8;
	v21 =	vor.u32 v46, v9;
	[tilespmem:s4+$0x470] =	vst v10  }
0x53a: {  	v34 =	vand.u32 $0x7000, v4;
	v23 =	vld.idx.msk [tilespmem:v12+s19+$0x0], $0xffff;
	v5 =	vand.u32 $0x200, v5;
	s29 =	sand.u32 $0x7, s2;
	[tilespmem:s0+$0x12000] =	vst v13  }
0x53b: {  	v13 =	vor.u32 v5, v34;
	s0 =	sshll.u32 s29, $0x7;
	s10 =	sld [smem:$0x7CC]  }
0x53c: {  	s1 =	sadd.s32 $0x800, s28;
	s30 =	sadd.s32 $0x200, s30;
	v16 =	vor.u32 v46, v13;
	s9 =	sadd.s32 s28, s0  }
0x53d: {  	s5 =	sand.u32 $0x7000, s1;
	s6 =	sadd.s32 $0xFFFFFF00, s30;
	s0 =	sadd.s32 $0x180, s9;
	v20 =	vld.idx.msk [tilespmem:v25+s19+$0x0], $0xffff  }
0x53e: {  	s7 =	sadd.s32 $0x12000, s5;
	s6 =	sand.u32 $0x280, s6;
	v24 =	vor.u32 v29, v44;
	s29 =	sor.u32 $0x800, s0;
	[tilespmem:s10+$0x12000] =	vst v18;
	v33 =	vld.idx.msk [tilespmem:v21+s19+$0x0], $0xffff  }
0x53f: {  	v35 =	vor.u32 v29, v62;
	s8 =	sor.u32 s6, s7;
	s28 =	rddreg [dreg:$0x1f];
	[tilespmem:s29+$0x12000] =	vst v23  }
0x540: {  	s15 =	sand.u32 $0x380, s30;
	v46 =	vor.u32 v29, v9;
	s10 =	sadd.s32 $0xFFFFFF80, s30;
	[tilespmem:s8+$0x0] =	vst v7;
	v25 =	vld.idx.msk [tilespmem:v11+s19+$0x0], $0xffff  }
0x541: {  	s5 =	sor.u32 s15, s7;
	s10 =	sand.u32 $0x300, s10;
	[tilespmem:s28+$0x12000] =	vst v19;
	v16 =	vld.idx.msk [tilespmem:v16+s19+$0x0], $0xffff  }
0x542: {  	v17 =	vld.idx.msk [tilespmem:v17+s19+$0x0], $0xffff;
	s6 =	sor.u32 s10, s7;
	[tilespmem:s5+$0x0] =	vst v20  }
0x543: {  	s4 =	sadd.s32 $0xFFFFFE80, s30;
	[tilespmem:s6+$0x0] =	vst v33;
	v12 =	vld.idx.msk [tilespmem:v24+s19+$0x0], $0xffff  }
0x544: {  	s4 =	sand.u32 $0x200, s4;
	v21 =	vor.u32 v29, v13;
	v24 =	vld.idx.msk [tilespmem:v35+s19+$0x0], $0xffff;
	s30 =	rddreg [dreg:$0x1e]  }
0x545: {  	v23 =	vor.u32 v28, v44;
	s7 =	sor.u32 s4, s7;
	s4 =	sadd.s32 $0x80, s9;
	[tilespmem:s30+$0x12000] =	vst v25;
	v25 =	vld.idx.msk [tilespmem:v46+s19+$0x0], $0xffff  }
0x546: {  	s9 =	sor.u32 $0x800, s4;
	[tilespmem:s7+$0x0] =	vst v16  }
0x547: {  	[tilespmem:s9+$0x12000] =	vst v17  }
0x548: {  	v22 =	vld.idx.msk [tilespmem:v15+s19+$0x0], $0xffff;
	v29 =	vor.u32 v28, v62;
	[tilespmem:s5+$0x10] =	vst v12  }
0x549: {  	v33 =	vor.u32 v28, v9;
	v1 =	vld.idx.msk [tilespmem:v21+s19+$0x0], $0xffff;
	[tilespmem:s8+$0x10] =	vst v24  }
0x54a: {  	v6 =	vor.u32 v26, v6;
	v15 =	vld.idx.msk [tilespmem:v23+s19+$0x0], $0xffff;
	[tilespmem:s6+$0x10] =	vst v25  }
0x54b: {  	v0 =	vor.u32 v26, v0;
	v25 =	vld [tilespmem:$0x1FD90]  }
0x54c: {  	v14 =	vld.idx.msk [tilespmem:v14+s19+$0x0], $0xffff;
	v35 =	vor.u32 v28, v13;
	s9 =	sld [smem:$0x7D0]  }
0x54d: {  	v19 =	vor.u32 v30, v44;
	v46 =	vld.idx.msk [tilespmem:v29+s19+$0x0], $0xffff  }
0x54e: {  	v28 =	vor.u32 v30, v62;
	v16 =	vld.idx.msk [tilespmem:v33+s19+$0x0], $0xffff;
	[tilespmem:s7+$0x10] =	vst v1  }
0x54f: {  	v11 =	vld.idx.msk [tilespmem:v6+s19+$0x0], $0xffff;
	v17 =	vor.u32 $0x800, v59;
	v29 =	vor.u32 v30, v9;
	[tilespmem:s9+$0x12000] =	vst v22  }
0x550: {  	v6 =	vor.u32 $0x800, v54;
	v0 =	vld.idx.msk [tilespmem:v0+s19+$0x0], $0xffff;
	[tilespmem:s5+$0x20] =	vst v15;
	v24 =	vor.u32 v25, v17  }
0x551: {  	v12 =	vld.idx.msk [tilespmem:v35+s19+$0x0], $0xffff;
	v33 =	vor.u32 v25, v6;
	s9 =	sld [smem:$0x7D1]  }
0x552: {  	v35 =	vor.u32 v30, v13;
	v19 =	vld.idx.msk [tilespmem:v19+s19+$0x0], $0xffff;
	[tilespmem:s8+$0x20] =	vst v46  }
0x553: {  	v18 =	vor.u32 v31, v44;
	[tilespmem:s6+$0x20] =	vst v16;
	v16 =	vld.idx.msk [tilespmem:v28+s19+$0x0], $0xffff  }
0x554: {  	v7 =	vor.u32 $0x800, v57;
	v1 =	vld.idx.msk [tilespmem:v29+s19+$0x0], $0xffff;
	[tilespmem:s9+$0x12000] =	vst v14  }
0x555: {  	v20 =	vor.u32 v25, v7;
	s9 =	sld [smem:$0x7CD];
	v10 =	vld.idx.msk [tilespmem:v24+s19+$0x0], $0xffff  }
0x556: {  	v46 =	vor.u32 v31, v62;
	[tilespmem:s7+$0x20] =	vst v12;
	v12 =	vld.idx.msk [tilespmem:v33+s19+$0x0], $0xffff  }
0x557: {  	v24 =	vor.u32 v31, v9;
	[tilespmem:s5+$0x30] =	vst v19;
	v14 =	vld.idx.msk [tilespmem:v35+s19+$0x0], $0xffff  }
0x558: {  	v18 =	vld.idx.msk [tilespmem:v18+s19+$0x0], $0xffff;
	[tilespmem:s9+$0x12000] =	vst v11  }
0x559: {  	v28 =	vld [tilespmem:$0x1FD40];
	s9 =	sld [smem:$0x7CE];
	[tilespmem:s8+$0x30] =	vst v16  }
0x55a: {  	s15 =	sor.u32 $0x810, s0;
	v16 =	vld.idx.msk [tilespmem:v20+s19+$0x0], $0xffff;
	[tilespmem:s6+$0x30] =	vst v1  }
0x55b: {  	v35 =	vor.u32 v31, v13;
	v29 =	vld.idx.msk [tilespmem:v46+s19+$0x0], $0xffff;
	[tilespmem:s15+$0x12000] =	vst v10  }
0x55c: {  	s28 =	sor.u32 $0x810, s4;
	v20 =	vor.u32 v43, v44;
	v31 =	vld.idx.msk [tilespmem:v24+s19+$0x0], $0xffff;
	[tilespmem:s7+$0x30] =	vst v14  }
0x55d: {  	[tilespmem:s28+$0x12000] =	vst v12  }
0x55e: {  	[tilespmem:s9+$0x12000] =	vst v0;
	v33 =	vor.u32 v28, v17  }
0x55f: {  	v3 =	vor.u32 v3, v49;
	v46 =	vor.u32 v43, v62;
	[tilespmem:s5+$0x40] =	vst v18  }
0x560: {  	v24 =	vor.u32 v43, v9;
	v0 =	vor.u32 $0x800, v3;
	v18 =	vld.idx.msk [tilespmem:v35+s19+$0x0], $0xffff;
	[tilespmem:s8+$0x40] =	vst v29  }
0x561: {  	v30 =	vor.u32 v25, v0;
	v20 =	vld.idx.msk [tilespmem:v20+s19+$0x0], $0xffff;
	[tilespmem:s6+$0x40] =	vst v31  }
0x562: {  	v35 =	vor.u32 v43, v13;
	v31 =	vld [tilespmem:$0x1FD50]  }
0x563: {  	v11 =	vor.u32 v42, v44;
	v14 =	vld.idx.msk [tilespmem:v33+s19+$0x0], $0xffff  }
0x564: {  	v43 =	vld.idx.msk [tilespmem:v46+s19+$0x0], $0xffff;
	v33 =	vor.u32 v28, v6  }
0x565: {  	v29 =	vor.u32 v42, v62;
	v24 =	vld.idx.msk [tilespmem:v24+s19+$0x0], $0xffff  }
0x566: {  	[tilespmem:s7+$0x40] =	vst v18;
	v1 =	vld.idx.msk [tilespmem:v30+s19+$0x0], $0xffff;
	v30 =	vor.u32 v42, v9  }
0x567: {  	s29 =	sor.u32 $0x820, s0;
	v12 =	vld.idx.msk [tilespmem:v35+s19+$0x0], $0xffff;
	[tilespmem:s5+$0x50] =	vst v20;
	v46 =	vor.u32 v31, v17  }
0x568: {  	v35 =	vor.u32 v42, v13;
	v11 =	vld.idx.msk [tilespmem:v11+s19+$0x0], $0xffff;
	[tilespmem:s29+$0x12000] =	vst v14  }
0x569: {  	v15 =	vor.u32 v41, v44;
	v18 =	vld.idx.msk [tilespmem:v33+s19+$0x0], $0xffff;
	s9 =	rddreg [dreg:$0x1a];
	[tilespmem:s8+$0x50] =	vst v43  }
0x56a: {  	[tilespmem:s6+$0x50] =	vst v24;
	v14 =	vld.idx.msk [tilespmem:v29+s19+$0x0], $0xffff  }
0x56b: {  	v33 =	vor.u32 v28, v7;
	[tilespmem:s9+$0x12000] =	vst v16;
	v30 =	vld.idx.msk [tilespmem:v30+s19+$0x0], $0xffff  }
0x56c: {  	v29 =	vor.u32 v28, v0;
	v42 =	vld.idx.msk [tilespmem:v46+s19+$0x0], $0xffff;
	s9 =	rddreg [dreg:$0x1c];
	[tilespmem:s7+$0x50] =	vst v12  }
0x56d: {  	v43 =	vor.u32 v41, v62;
	[tilespmem:s5+$0x60] =	vst v11;
	v24 =	vld.idx.msk [tilespmem:v35+s19+$0x0], $0xffff  }
0x56e: {  	s10 =	sor.u32 $0x820, s4;
	v46 =	vor.u32 v41, v9;
	[tilespmem:s9+$0x12000] =	vst v1;
	v15 =	vld.idx.msk [tilespmem:v15+s19+$0x0], $0xffff  }
0x56f: {  	v35 =	vld [tilespmem:$0x1FD60];
	[tilespmem:s10+$0x12000] =	vst v18  }
0x570: {  	v12 =	vld.idx.msk [tilespmem:v33+s19+$0x0], $0xffff;
	[tilespmem:s8+$0x60] =	vst v14  }
0x571: {  	s30 =	sor.u32 $0x830, s0;
	v19 =	vor.u32 v40, v44;
	v14 =	vld.idx.msk [tilespmem:v29+s19+$0x0], $0xffff;
	[tilespmem:s6+$0x60] =	vst v30  }
0x572: {  	v29 =	vor.u32 v31, v6;
	[tilespmem:s30+$0x12000] =	vst v42;
	v43 =	vld.idx.msk [tilespmem:v43+s19+$0x0], $0xffff  }
0x573: {  	v42 =	vor.u32 v41, v13;
	v30 =	vld.idx.msk [tilespmem:v46+s19+$0x0], $0xffff;
	[tilespmem:s7+$0x60] =	vst v24  }
0x574: {  	[tilespmem:s5+$0x70] =	vst v15  }
0x575: {  	v33 =	vor.u32 v35, v59;
	s9 =	rddreg [dreg:$0x16]  }
0x576: {  	v19 =	vld.idx.msk [tilespmem:v19+s19+$0x0], $0xffff;
	[tilespmem:s9+$0x12000] =	vst v12  }
0x577: {  	v1 =	vld.idx.msk [tilespmem:v29+s19+$0x0], $0xffff;
	[tilespmem:s8+$0x70] =	vst v43  }
0x578: {  	v46 =	vor.u32 v40, v62;
	v10 =	vld.idx.msk [tilespmem:v42+s19+$0x0], $0xffff;
	[tilespmem:s6+$0x70] =	vst v30  }
0x579: {  	v29 =	vld [tilespmem:$0x1FD70]  }
0x57a: {  	v24 =	vld.idx.msk [tilespmem:v33+s19+$0x0], $0xffff;
	v33 =	vor.u32 v40, v9  }
0x57b: {  	v22 =	vor.u32 $0x400, v44;
	v42 =	vor.u32 v40, v13  }
0x57c: {  	v43 =	vor.u32 v38, v22  }
0x57d: {  	v41 =	vor.u32 v31, v7;
	v46 =	vld.idx.msk [tilespmem:v46+s19+$0x0], $0xffff  }
0x57e: {  	v20 =	vor.u32 $0x400, v62;
	[tilespmem:s5+$0x400] =	vst v19;
	v17 =	vor.u32 v29, v17  }
0x57f: {  	v23 =	vor.u32 $0x400, v9;
	s15 =	sor.u32 $0x840, s0;
	[tilespmem:s7+$0x70] =	vst v10;
	v30 =	vld.idx.msk [tilespmem:v33+s19+$0x0], $0xffff;
	v33 =	vor.u32 v38, v20  }
0x580: {  	v40 =	vor.u32 v38, v23;
	v12 =	vld.idx.msk [tilespmem:v42+s19+$0x0], $0xffff;
	[tilespmem:s15+$0x12000] =	vst v24;
	v24 =	vor.u32 $0x400, v13  }
0x581: {  	v21 =	vld.idx.msk [tilespmem:v43+s19+$0x0], $0xffff;
	v42 =	vor.u32 v38, v24  }
0x582: {  	v10 =	vld.idx.msk [tilespmem:v41+s19+$0x0], $0xffff;
	v43 =	vor.u32 v37, v22;
	s9 =	rddreg [dreg:$0x18];
	[tilespmem:s8+$0x400] =	vst v46  }
0x583: {  	[tilespmem:s9+$0x12000] =	vst v14;
	v17 =	vld.idx.msk [tilespmem:v17+s19+$0x0], $0xffff  }
0x584: {  	v41 =	vor.u32 v31, v0;
	[tilespmem:s6+$0x400] =	vst v30;
	v46 =	vld.idx.msk [tilespmem:v33+s19+$0x0], $0xffff  }
0x585: {  	[tilespmem:s7+$0x400] =	vst v12;
	v33 =	vld.idx.msk [tilespmem:v40+s19+$0x0], $0xffff  }
0x586: {  	s28 =	sor.u32 $0x830, s4;
	v38 =	vor.u32 v37, v20;
	[tilespmem:s5+$0x410] =	vst v21;
	v14 =	vld.idx.msk [tilespmem:v42+s19+$0x0], $0xffff  }
0x587: {  	s29 =	sor.u32 $0x850, s0;
	[tilespmem:s28+$0x12000] =	vst v1;
	v18 =	vld.idx.msk [tilespmem:v43+s19+$0x0], $0xffff  }
0x588: {  	[tilespmem:s29+$0x12000] =	vst v17  }
0x589: {  	v12 =	vld.idx.msk [tilespmem:v41+s19+$0x0], $0xffff;
	[tilespmem:s8+$0x410] =	vst v46  }
0x58a: {  	v30 =	vor.u32 v35, v54;
	v43 =	vld [tilespmem:$0x1FE40];
	[tilespmem:s6+$0x410] =	vst v33  }
0x58b: {  	v40 =	vor.u32 v37, v23;
	v46 =	vld.idx.msk [tilespmem:v38+s19+$0x0], $0xffff;
	s9 =	rddreg [dreg:$0x12];
	[tilespmem:s7+$0x410] =	vst v14  }
0x58c: {  	[tilespmem:s5+$0x420] =	vst v18  }
0x58d: {  	v41 =	vor.u32 v53, v59;
	[tilespmem:s9+$0x12000] =	vst v10  }
0x58e: {  	v42 =	vor.u32 v37, v24;
	s9 =	rddreg [dreg:$0x14]  }
0x58f: {  	v11 =	vld.idx.msk [tilespmem:v30+s19+$0x0], $0xffff;
	v33 =	vor.u32 v35, v57;
	[tilespmem:s9+$0x12000] =	vst v12  }
0x590: {  	v37 =	vld.idx.msk [tilespmem:v40+s19+$0x0], $0xffff;
	v16 =	vor.u32 v43, v22;
	[tilespmem:s8+$0x420] =	vst v46  }
0x591: {  	v38 =	vor.u32 v43, v20;
	v46 =	vld [tilespmem:$0x1FD30]  }
0x592: {  	v40 =	vld.idx.msk [tilespmem:v41+s19+$0x0], $0xffff  }
0x593: {  	v17 =	vld.idx.msk [tilespmem:v42+s19+$0x0], $0xffff;
	v42 =	vor.u32 v35, v58  }
0x594: {  	v41 =	vor.u32 v43, v23;
	v1 =	vld.idx.msk [tilespmem:v33+s19+$0x0], $0xffff  }
0x595: {  	v43 =	vor.u32 v43, v24;
	v16 =	vld.idx.msk [tilespmem:v16+s19+$0x0], $0xffff  }
0x596: {  	s30 =	sor.u32 $0x860, s0;
	[tilespmem:s6+$0x420] =	vst v37;
	v37 =	vld.idx.msk [tilespmem:v38+s19+$0x0], $0xffff;
	v33 =	vor.u32 v46, v44  }
0x597: {  	[tilespmem:s30+$0x12000] =	vst v40  }
0x598: {  	s10 =	sor.u32 $0x840, s4;
	[tilespmem:s7+$0x420] =	vst v17;
	v17 =	vld.idx.msk [tilespmem:v42+s19+$0x0], $0xffff;
	v38 =	vor.u32 v27, v59  }
0x599: {  	[tilespmem:s10+$0x12000] =	vst v11;
	v40 =	vld.idx.msk [tilespmem:v41+s19+$0x0], $0xffff;
	v41 =	vor.u32 v46, v62  }
0x59a: {  	v12 =	vld.idx.msk [tilespmem:v43+s19+$0x0], $0xffff;
	[tilespmem:s5+$0x430] =	vst v16  }
0x59b: {  	v6 =	vor.u32 v29, v6;
	[tilespmem:s8+$0x430] =	vst v37;
	v15 =	vld.idx.msk [tilespmem:v33+s19+$0x0], $0xffff  }
0x59c: {  	v42 =	vor.u32 v46, v9;
	v11 =	vor.u32 v46, v13;
	v46 =	vld [tilespmem:$0x1FE90]  }
0x59d: {  	v43 =	vld.idx.msk [tilespmem:v38+s19+$0x0], $0xffff  }
0x59e: {  	[tilespmem:s6+$0x430] =	vst v40;
	v37 =	vld.idx.msk [tilespmem:v41+s19+$0x0], $0xffff  }
0x59f: {  	s9 =	rddreg [dreg:$0xe];
	[tilespmem:s7+$0x430] =	vst v12  }
0x5a0: {  	v41 =	vld.idx.msk [tilespmem:v6+s19+$0x0], $0xffff;
	[tilespmem:s9+$0x12000] =	vst v1  }
0x5a1: {  	s15 =	sor.u32 $0x870, s0;
	v18 =	vld.idx.msk [tilespmem:v42+s19+$0x0], $0xffff;
	v22 =	vor.u32 v46, v22;
	[tilespmem:s5+$0x440] =	vst v15  }
0x5a2: {  	v40 =	vor.u32 v46, v20;
	v33 =	vld [tilespmem:$0x1FE60];
	[tilespmem:s15+$0x12000] =	vst v43  }
0x5a3: {  	v11 =	vld.idx.msk [tilespmem:v11+s19+$0x0], $0xffff;
	[tilespmem:s8+$0x440] =	vst v37  }
0x5a4: {  	v42 =	vor.u32 v46, v23;
	v43 =	vor.u32 v46, v24;
	v46 =	vld [tilespmem:$0x1FEB0]  }
0x5a5: {  	v38 =	vadd.s32 v45, v56  }
0x5a6: {  	v1 =	vor.u32 v55, v38;
	v15 =	vld.idx.msk [tilespmem:v22+s19+$0x0], $0xffff  }
0x5a7: {  	[tilespmem:s6+$0x440] =	vst v18;
	v23 =	vld.idx.msk [tilespmem:v40+s19+$0x0], $0xffff;
	v1 =	vor.u32 v33, v1  }
0x5a8: {  	s28 =	sor.u32 $0x850, s4;
	s9 =	rddreg [dreg:$0x10];
	[tilespmem:s7+$0x440] =	vst v11  }
0x5a9: {  	[tilespmem:s28+$0x12000] =	vst v41;
	v22 =	vor.u32 v46, v44  }
0x5aa: {  	[tilespmem:s9+$0x12000] =	vst v17;
	v24 =	vld.idx.msk [tilespmem:v42+s19+$0x0], $0xffff;
	v30 =	vor.u32 v46, v62  }
0x5ab: {  	v7 =	vor.u32 v29, v7;
	v10 =	vld.idx.msk [tilespmem:v43+s19+$0x0], $0xffff;
	[tilespmem:s5+$0x450] =	vst v15  }
0x5ac: {  	[tilespmem:s8+$0x450] =	vst v23;
	v1 =	vld.idx.msk [tilespmem:v1+s19+$0x0], $0xffff  }
0x5ad: {  	v41 =	vld [tilespmem:$0x1FEE0]  }
0x5ae: {  	v37 =	vor.u32 v46, v9;
	v14 =	vld.idx.msk [tilespmem:v22+s19+$0x0], $0xffff  }
0x5af: {  	v18 =	vld.idx.msk [tilespmem:v30+s19+$0x0], $0xffff  }
0x5b0: {  	v0 =	vor.u32 v29, v0;
	v7 =	vld.idx.msk [tilespmem:v7+s19+$0x0], $0xffff;
	[tilespmem:s6+$0x450] =	vst v24  }
0x5b1: {  	s29 =	sor.u32 $0xC00, s0;
	v6 =	vor.u32 $0xC00, v59;
	[tilespmem:s7+$0x450] =	vst v10  }
0x5b2: {  	v38 =	vor.u32 v32, v6;
	[tilespmem:s29+$0x12000] =	vst v1  }
0x5b3: {  	v43 =	vld.idx.msk [tilespmem:v37+s19+$0x0], $0xffff;
	v42 =	vor.u32 v41, v44;
	[tilespmem:s5+$0x460] =	vst v14  }
0x5b4: {  	v20 =	vld [tilespmem:$0x1FF00];
	s9 =	rddreg [dreg:$0xa];
	[tilespmem:s8+$0x460] =	vst v18  }
0x5b5: {  	v0 =	vld.idx.msk [tilespmem:v0+s19+$0x0], $0xffff;
	v40 =	vor.u32 v46, v13;
	[tilespmem:s9+$0x12000] =	vst v7  }
0x5b6: {  	v46 =	vor.u32 v41, v62;
	v21 =	vld [tilespmem:$0x1FF10]  }
0x5b7: {  	v59 =	vor.u32 v41, v9;
	v15 =	vld.idx.msk [tilespmem:v38+s19+$0x0], $0xffff  }
0x5b8: {  	v24 =	vor.u32 v53, v54;
	v16 =	vld.idx.msk [tilespmem:v42+s19+$0x0], $0xffff  }
0x5b9: {  	[tilespmem:s6+$0x460] =	vst v43;
	v30 =	vadd.s32 v20, v39  }
0x5ba: {  	v12 =	vld.idx.msk [tilespmem:v40+s19+$0x0], $0xffff;
	v37 =	vor.u32 v53, v57;
	s9 =	rddreg [dreg:$0xd];
	v14 =	vor.u32 v36, v30  }
0x5bb: {  	s30 =	sor.u32 $0xC10, s0;
	v11 =	vld.idx.msk [tilespmem:v46+s19+$0x0], $0xffff;
	[tilespmem:s9+$0x12000] =	vst v0;
	v14 =	vor.u32 v21, v14  }
0x5bc: {  	v19 =	vor.u32 v41, v13;
	v41 =	vld.idx.msk [tilespmem:v59+s19+$0x0], $0xffff;
	[tilespmem:s30+$0x12000] =	vst v15  }
0x5bd: {  	v43 =	vld.idx.msk [tilespmem:v24+s19+$0x0], $0xffff;
	v38 =	vadd.s32 v20, v60;
	[tilespmem:s5+$0x470] =	vst v16  }
0x5be: {  	v40 =	vadd.s32 v20, v2;
	v18 =	vor.u32 v61, v38;
	v24 =	vld [tilespmem:$0x1FEA0]  }
0x5bf: {  	s2 =	sadd.s32 $0x4, s2;
	v7 =	vld.idx.msk [tilespmem:v37+s19+$0x0], $0xffff;
	v1 =	vor.u32 v63, v40;
	v42 =	vor.u32 v21, v18;
	[tilespmem:s7+$0x460] =	vst v12  }
0x5c0: {  	s2 =	sand.u32 $0x7, s2;
	v1 =	vor.u32 v21, v1;
	[tilespmem:s8+$0x470] =	vst v11;
	v30 =	vld.idx.msk [tilespmem:v14+s19+$0x0], $0xffff  }
0x5c1: {  	s2 =	sshll.u32 s2, $0x7;
	s9 =	sor.u32 $0x860, s4;
	[tilespmem:s6+$0x470] =	vst v41  }
0x5c2: {  	s10 =	sadd.s32 s1, s2;
	v59 =	vor.u32 v53, v58;
	[tilespmem:s9+$0x12000] =	vst v43  }
0x5c3: {  	s2 =	sadd.s32 $0x180, s10;
	v23 =	vadd.s32 v20, v34;
	v37 =	vld.idx.msk [tilespmem:v19+s19+$0x0], $0xffff;
	s6 =	rddreg [dreg:$0x7];
	v14 =	vor.u32 $0x800, v44;
	v46 =	vor.u32 v24, v6  }
0x5c4: {  	s15 =	sor.u32 $0x800, s2;
	v18 =	vor.u32 v5, v23;
	[tilespmem:s6+$0x12000] =	vst v7;
	v10 =	vld.idx.msk [tilespmem:v42+s19+$0x0], $0xffff;
	v38 =	vor.u32 v25, v14  }
0x5c5: {  	v20 =	vor.u32 $0x800, v62;
	v18 =	vor.u32 v21, v18;
	s8 =	sadd.s32 $0x2, s16;
	v1 =	vld.idx.msk [tilespmem:v1+s19+$0x0], $0xffff;
	[tilespmem:s15+$0x12000] =	vst v30  }
0x5c6: {  	v40 =	vor.u32 v25, v20;
	v21 =	vor.u32 $0x800, v9;
	s5 =	sand.u32 $0x3, s8;
	v30 =	vld [tilespmem:$0x1FEC0]  }
0x5c7: {  	v17 =	vld.idx.msk [tilespmem:v59+s19+$0x0], $0xffff;
	v41 =	vor.u32 v25, v21;
	s5 =	sshll.u32 s5, $0x8  }
0x5c8: {  	s6 =	sadd.s32 $0x80, s10;
	s5 =	sadd.s32 s1, s5;
	v16 =	vld.idx.msk [tilespmem:v46+s19+$0x0], $0xffff  }
0x5c9: {  	v42 =	vor.u32 v27, v54;
	s16 =	sor.u32 $0x800, s6;
	s5 =	sadd.s32 $0x100, s5;
	[tilespmem:s7+$0x470] =	vst v37;
	v46 =	vld.idx.msk [tilespmem:v38+s19+$0x0], $0xffff  }
0x5ca: {  	p0 =	por !p0, !p0;
	s8 =	simm.s32 $0x1;
	v23 =	vor.u32 v28, v14;
	s28 =	sor.u32 $0x800, s5;
	[tilespmem:s16+$0x12000] =	vst v10;
	v59 =	vld.idx.msk [tilespmem:v18+s19+$0x0], $0xffff  }
0x5cb: {  	v0 =	vor.u32 v4, v5;
	s8 =	simm.s32 @!p0 $0x0;
	[tilespmem:s28+$0x12000] =	vst v1;
	v15 =	vld.idx.msk [tilespmem:v40+s19+$0x0], $0xffff;
	v43 =	vor.u32 v30, v6  }
0x5cc: {  	s29 =	sor.u32 $0xC20, s0;
	v11 =	vor.u32 $0x800, v0;
	s30 =	sshll.u32 s8, $0x9;
	v7 =	vld.idx.msk [tilespmem:v41+s19+$0x0], $0xffff  }
0x5cd: {  	s9 =	sor.u32 $0x810, s2;
	s1 =	sadd.s32 s30, s1;
	v37 =	vor.u32 v25, v11;
	[tilespmem:s29+$0x12000] =	vst v16  }
0x5ce: {  	s10 =	sor.u32 $0x800, s1;
	v40 =	vld.idx.msk [tilespmem:v42+s19+$0x0], $0xffff;
	s8 =	rddreg [dreg:$0x9];
	[tilespmem:s9+$0x12000] =	vst v46  }
0x5cf: {  	s15 =	sor.u32 $0x810, s6;
	v38 =	vor.u32 v28, v20;
	[tilespmem:s10+$0x12000] =	vst v59;
	v18 =	vld.idx.msk [tilespmem:v23+s19+$0x0], $0xffff  }
0x5d0: {  	s16 =	sor.u32 $0x810, s5;
	v41 =	vor.u32 v28, v21;
	[tilespmem:s15+$0x12000] =	vst v15;
	v12 =	vld.idx.msk [tilespmem:v43+s19+$0x0], $0xffff  }
0x5d1: {  	[tilespmem:s16+$0x12000] =	vst v7  }
0x5d2: {  	s28 =	sor.u32 $0x870, s4;
	v42 =	vor.u32 v27, v57;
	[tilespmem:s8+$0x12000] =	vst v17;
	v1 =	vld.idx.msk [tilespmem:v37+s19+$0x0], $0xffff  }
0x5d3: {  	s30 =	sor.u32 $0x820, s2;
	v25 =	vld [tilespmem:$0x1FED0];
	[tilespmem:s28+$0x12000] =	vst v40  }
0x5d4: {  	s29 =	sor.u32 $0xC30, s0;
	v46 =	vor.u32 v31, v14;
	v16 =	vld.idx.msk [tilespmem:v38+s19+$0x0], $0xffff;
	[tilespmem:s30+$0x12000] =	vst v18  }
0x5d5: {  	v17 =	vld.idx.msk [tilespmem:v41+s19+$0x0], $0xffff;
	v43 =	vor.u32 v27, v58;
	[tilespmem:s29+$0x12000] =	vst v12  }
0x5d6: {  	v58 =	vor.u32 v28, v11;
	v23 =	vld [tilespmem:$0x1FEF0]  }
0x5d7: {  	v4 =	vld.idx.msk [tilespmem:v42+s19+$0x0], $0xffff;
	v59 =	vor.u32 v31, v20;
	v28 =	vadd.s32 v45, v47  }
0x5d8: {  	v37 =	vor.u32 v31, v21;
	s8 =	sor.u32 $0x810, s1;
	v38 =	vor.u32 v48, v28  }
0x5d9: {  	s9 =	sor.u32 $0x820, s6;
	v40 =	vor.u32 v33, v38;
	v57 =	vadd.s32 v25, v56;
	v15 =	vld.idx.msk [tilespmem:v46+s19+$0x0], $0xffff;
	[tilespmem:s8+$0x12000] =	vst v1  }
0x5da: {  	s10 =	sor.u32 $0x820, s5;
	v41 =	vor.u32 v35, v44;
	v7 =	vor.u32 v55, v57;
	v10 =	vld.idx.msk [tilespmem:v43+s19+$0x0], $0xffff;
	[tilespmem:s9+$0x12000] =	vst v16  }
0x5db: {  	v55 =	vadd.s32 v45, v52;
	[tilespmem:s10+$0x12000] =	vst v17;
	v42 =	vld.idx.msk [tilespmem:v58+s19+$0x0], $0xffff;
	v7 =	vor.u32 v23, v7  }
0x5dc: {  	v46 =	vor.u32 v31, v11;
	[tilespmem:s26+$0x12000] =	vst v4;
	v4 =	vor.u32 v51, v55;
	v43 =	vld.idx.msk [tilespmem:v59+s19+$0x0], $0xffff  }
0x5dd: {  	s15 =	sor.u32 $0x830, s2;
	v12 =	vld.idx.msk [tilespmem:v37+s19+$0x0], $0xffff;
	v4 =	vor.u32 v33, v4  }
0x5de: {  	v56 =	vor.u32 v35, v62;
	v1 =	vld.idx.msk [tilespmem:v40+s19+$0x0], $0xffff;
	[tilespmem:s15+$0x12000] =	vst v15  }
0x5df: {  	s16 =	sor.u32 $0x820, s1;
	v57 =	vor.u32 v35, v9;
	[tilespmem:s31+$0x12000] =	vst v10;
	v15 =	vld.idx.msk [tilespmem:v41+s19+$0x0], $0xffff  }
0x5e0: {  	v14 =	vor.u32 v29, v14;
	s26 =	sor.u32 $0x830, s6;
	[tilespmem:s16+$0x12000] =	vst v42;
	v7 =	vld.idx.msk [tilespmem:v7+s19+$0x0], $0xffff  }
0x5e1: {  	v6 =	vor.u32 v26, v6;
	s28 =	sor.u32 $0x830, s5;
	[tilespmem:s26+$0x12000] =	vst v43;
	v58 =	vld.idx.msk [tilespmem:v46+s19+$0x0], $0xffff  }
0x5e2: {  	v22 =	vor.u32 v35, v13;
	s30 =	sor.u32 $0xC00, s4;
	[tilespmem:s28+$0x12000] =	vst v12;
	v37 =	vld.idx.msk [tilespmem:v4+s19+$0x0], $0xffff  }
0x5e3: {  	s31 =	sor.u32 $0x840, s2;
	[tilespmem:s30+$0x12000] =	vst v1;
	v59 =	vld.idx.msk [tilespmem:v56+s19+$0x0], $0xffff  }
0x5e4: {  	s29 =	sor.u32 $0xC40, s0;
	v10 =	vld.idx.msk [tilespmem:v57+s19+$0x0], $0xffff;
	[tilespmem:s31+$0x12000] =	vst v15  }
0x5e5: {  	v31 =	vor.u32 v29, v20;
	s8 =	sor.u32 $0x830, s1;
	v14 =	vld.idx.msk [tilespmem:v14+s19+$0x0], $0xffff;
	[tilespmem:s29+$0x12000] =	vst v7  }
0x5e6: {  	v38 =	vor.u32 v29, v21;
	[tilespmem:s8+$0x12000] =	vst v58;
	v6 =	vld.idx.msk [tilespmem:v6+s19+$0x0], $0xffff  }
0x5e7: {  	s9 =	sor.u32 $0x840, s6;
	[tilespmem:s24+$0x12000] =	vst v37;
	v16 =	vld.idx.msk [tilespmem:v22+s19+$0x0], $0xffff  }
0x5e8: {  	v28 =	vadd.s32 v45, v50;
	s10 =	sor.u32 $0x840, s5;
	v42 =	vor.u32 v29, v11;
	[tilespmem:s9+$0x12000] =	vst v59  }
0x5e9: {  	v35 =	vor.u32 v49, v28;
	s15 =	sor.u32 $0x850, s2;
	v41 =	vor.u32 v53, v44;
	[tilespmem:s10+$0x12000] =	vst v10  }
0x5ea: {  	s0 =	sor.u32 $0xC50, s0;
	v1 =	vor.u32 v33, v35;
	v43 =	vld.idx.msk [tilespmem:v31+s19+$0x0], $0xffff;
	[tilespmem:s15+$0x12000] =	vst v14  }
0x5eb: {  	v4 =	vor.u32 $0xC00, v54;
	v54 =	vor.u32 v53, v62;
	s16 =	sor.u32 $0x840, s1;
	v46 =	vld.idx.msk [tilespmem:v38+s19+$0x0], $0xffff;
	[tilespmem:s0+$0x12000] =	vst v6  }
0x5ec: {  	v55 =	vor.u32 v53, v9;
	v6 =	vld [tilespmem:$0x1FCB0];
	[tilespmem:s16+$0x12000] =	vst v16  }
0x5ed: {  	v40 =	vor.u32 v32, v4;
	v10 =	vld.idx.msk [tilespmem:v42+s19+$0x0], $0xffff  }
0x5ee: {  	s24 =	sor.u32 $0x850, s6;
	v59 =	vor.u32 v53, v13;
	v12 =	vld.idx.msk [tilespmem:v41+s19+$0x0], $0xffff  }
0x5ef: {  	v3 =	vor.u32 $0xC00, v3;
	s26 =	sor.u32 $0x850, s5;
	v1 =	vld.idx.msk [tilespmem:v1+s19+$0x0], $0xffff;
	v22 =	vor.u32 v27, v44;
	[tilespmem:s24+$0x12000] =	vst v43  }
0x5f0: {  	v20 =	vor.u32 v32, v3;
	[tilespmem:s26+$0x12000] =	vst v46;
	v58 =	vld.idx.msk [tilespmem:v54+s19+$0x0], $0xffff  }
0x5f1: {  	v28 =	vor.u32 v27, v62;
	s30 =	sor.u32 $0x850, s1;
	v21 =	vld.idx.msk [tilespmem:v55+s19+$0x0], $0xffff;
	v6 =	vor.u32 v51, v6  }
0x5f2: {  	v29 =	vor.u32 v27, v9;
	v35 =	vadd.s32 v45, v39;
	v56 =	vld.idx.msk [tilespmem:v40+s19+$0x0], $0xffff;
	s29 =	sor.u32 $0x860, s2;
	v6 =	vor.u32 $0xC00, v6;
	[tilespmem:s30+$0x12000] =	vst v10  }
0x5f3: {  	v15 =	vor.u32 v36, v35;
	[tilespmem:s29+$0x12000] =	vst v12;
	v57 =	vor.u32 v32, v6;
	v10 =	vld.idx.msk [tilespmem:v59+s19+$0x0], $0xffff  }
0x5f4: {  	s31 =	sor.u32 $0x860, s6;
	v15 =	vor.u32 v33, v15;
	v13 =	vor.u32 v27, v13;
	[tilespmem:s25+$0x12000] =	vst v1;
	v14 =	vld.idx.msk [tilespmem:v22+s19+$0x0], $0xffff  }
0x5f5: {  	s7 =	sor.u32 $0x860, s5;
	v40 =	vadd.s32 v45, v2;
	v38 =	vadd.s32 v45, v60;
	v1 =	vld.idx.msk [tilespmem:v20+s19+$0x0], $0xffff;
	[tilespmem:s31+$0x12000] =	vst v58  }
0x5f6: {  	s28 =	sor.u32 $0xC10, s4;
	v31 =	vor.u32 v24, v4;
	v17 =	vor.u32 v61, v38;
	[tilespmem:s7+$0x12000] =	vst v21;
	v12 =	vld.idx.msk [tilespmem:v28+s19+$0x0], $0xffff  }
0x5f7: {  	s8 =	sor.u32 $0x860, s1;
	[tilespmem:s28+$0x12000] =	vst v56;
	v43 =	vadd.s32 v45, v34;
	v45 =	vor.u32 v24, v3;
	v9 =	vld.idx.msk [tilespmem:v29+s19+$0x0], $0xffff  }
0x5f8: {  	s9 =	sor.u32 $0x870, s2;
	v41 =	vor.u32 v33, v17;
	v42 =	vor.u32 v63, v40;
	v11 =	vld.idx.msk [tilespmem:v57+s19+$0x0], $0xffff;
	[tilespmem:s8+$0x12000] =	vst v10  }
0x5f9: {  	v17 =	vor.u32 v33, v42;
	[tilespmem:s9+$0x12000] =	vst v14;
	v10 =	vor.u32 v5, v43;
	v13 =	vld.idx.msk [tilespmem:v13+s19+$0x0], $0xffff  }
0x5fa: {  	s10 =	sor.u32 $0x870, s6;
	v16 =	vor.u32 $0xC00, v44;
	[tilespmem:s23+$0x12000] =	vst v1;
	v15 =	vld.idx.msk [tilespmem:v15+s19+$0x0], $0xffff;
	v10 =	vor.u32 v33, v10  }
0x5fb: {  	s15 =	sor.u32 $0x870, s5;
	v7 =	vld.idx.msk [tilespmem:v31+s19+$0x0], $0xffff;
	v54 =	vor.u32 v32, v16;
	[tilespmem:s10+$0x12000] =	vst v12  }
0x5fc: {  	v37 =	vor.u32 v24, v6;
	v1 =	vld.idx.msk [tilespmem:v45+s19+$0x0], $0xffff;
	[tilespmem:s15+$0x12000] =	vst v9  }
0x5fd: {  	v8 =	vor.u32 v63, v8;
	v18 =	vor.u32 $0xC00, v62;
	v53 =	vor.u32 v30, v4;
	[tilespmem:s21+$0x12000] =	vst v11;
	v11 =	vld.idx.msk [tilespmem:v41+s19+$0x0], $0xffff;
	s21 =	sor.u32 $0x870, s1  }
0x5fe: {  	v8 =	vor.u32 $0xC00, v8;
	v56 =	vor.u32 v32, v18;
	s23 =	sor.u32 $0xC00, s2;
	v55 =	vld.idx.msk [tilespmem:v17+s19+$0x0], $0xffff;
	[tilespmem:s21+$0x12000] =	vst v13  }
0x5ff: {  	v0 =	vor.u32 $0xC00, v0;
	s16 =	sor.u32 $0xC20, s4;
	v57 =	vor.u32 v32, v8;
	[tilespmem:s23+$0x12000] =	vst v15;
	v10 =	vld.idx.msk [tilespmem:v10+s19+$0x0], $0xffff  }
0x600: {  	[tilespmem:s16+$0x12000] =	vst v7;
	v59 =	vor.u32 v32, v0;
	v9 =	vld.idx.msk [tilespmem:v54+s19+$0x0], $0xffff  }
0x601: {  	s24 =	sor.u32 $0xC00, s6;
	v21 =	vor.u32 v24, v16;
	[tilespmem:s18+$0x12000] =	vst v1;
	v46 =	vld.idx.msk [tilespmem:v37+s19+$0x0], $0xffff  }
0x602: {  	s25 =	sor.u32 $0xC00, s5;
	v58 =	vor.u32 v30, v6;
	v12 =	vld.idx.msk [tilespmem:v53+s19+$0x0], $0xffff;
	[tilespmem:s24+$0x12000] =	vst v11  }
0x603: {  	v62 =	vor.u32 v30, v3;
	s26 =	sor.u32 $0xC00, s1;
	[tilespmem:s25+$0x12000] =	vst v55;
	v17 =	vld.idx.msk [tilespmem:v56+s19+$0x0], $0xffff  }
0x604: {  	v27 =	vor.u32 v24, v18;
	v4 =	vor.u32 v26, v4;
	s29 =	sor.u32 $0xC10, s2;
	v22 =	vld.idx.msk [tilespmem:v57+s19+$0x0], $0xffff;
	[tilespmem:s26+$0x12000] =	vst v10  }
0x605: {  	v38 =	vadd.s32 v25, v50;
	v29 =	vor.u32 v24, v8;
	[tilespmem:s29+$0x12000] =	vst v9;
	v31 =	vld.idx.msk [tilespmem:v59+s19+$0x0], $0xffff  }
0x606: {  	s28 =	sor.u32 $0xC30, s4;
	v28 =	vadd.s32 v25, v47;
	v33 =	vor.u32 v24, v0;
	v7 =	vld.idx.msk [tilespmem:v21+s19+$0x0], $0xffff;
	[tilespmem:s14+$0x12000] =	vst v46  }
0x607: {  	v40 =	vor.u32 v30, v16;
	s30 =	sor.u32 $0xC10, s6;
	[tilespmem:s28+$0x12000] =	vst v12;
	v14 =	vld.idx.msk [tilespmem:v58+s19+$0x0], $0xffff;
	v10 =	vor.u32 v48, v28  }
0x608: {  	v42 =	vor.u32 v49, v38;
	s31 =	sor.u32 $0xC10, s5;
	v11 =	vld.idx.msk [tilespmem:v62+s19+$0x0], $0xffff;
	v10 =	vor.u32 v23, v10;
	[tilespmem:s30+$0x12000] =	vst v17  }
0x609: {  	v50 =	vadd.s32 v25, v34;
	s7 =	sor.u32 $0xC10, s1;
	[tilespmem:s31+$0x12000] =	vst v22;
	v48 =	vor.u32 v23, v42;
	v37 =	vld.idx.msk [tilespmem:v27+s19+$0x0], $0xffff  }
0x60a: {  	v44 =	vadd.s32 v25, v39;
	v43 =	vor.u32 v30, v18;
	s8 =	sor.u32 $0xC20, s2;
	v41 =	vld.idx.msk [tilespmem:v29+s19+$0x0], $0xffff;
	[tilespmem:s7+$0x12000] =	vst v31  }
0x60b: {  	v45 =	vor.u32 v30, v8;
	v32 =	vadd.s32 v25, v52;
	[tilespmem:s8+$0x12000] =	vst v7;
	v15 =	vld.idx.msk [tilespmem:v33+s19+$0x0], $0xffff  }
0x60c: {  	v47 =	vor.u32 v30, v0;
	v9 =	vor.u32 v51, v32;
	[tilespmem:s11+$0x12000] =	vst v14;
	v14 =	vld.idx.msk [tilespmem:v40+s19+$0x0], $0xffff  }
0x60d: {  	v49 =	vadd.s32 v25, v60;
	s9 =	sor.u32 $0xC20, s6;
	v35 =	vor.u32 v23, v9;
	[tilespmem:s13+$0x12000] =	vst v11;
	v10 =	vld.idx.msk [tilespmem:v10+s19+$0x0], $0xffff  }
0x60e: {  	s10 =	sor.u32 $0xC20, s5;
	v12 =	vor.u32 v61, v49;
	v46 =	vor.u32 v36, v44;
	v55 =	vld.idx.msk [tilespmem:v48+s19+$0x0], $0xffff;
	[tilespmem:s9+$0x12000] =	vst v37  }
0x60f: {  	v51 =	vadd.s32 v25, v2;
	v7 =	vor.u32 v23, v46;
	s11 =	sor.u32 $0xC20, s1;
	[tilespmem:s10+$0x12000] =	vst v41;
	v13 =	vld.idx.msk [tilespmem:v43+s19+$0x0], $0xffff  }
0x610: {  	v12 =	vor.u32 v23, v12;
	v2 =	vor.u32 v63, v51;
	s14 =	sor.u32 $0xC30, s2;
	v52 =	vld.idx.msk [tilespmem:v45+s19+$0x0], $0xffff;
	[tilespmem:s11+$0x12000] =	vst v15  }
0x611: {  	v5 =	vor.u32 v5, v50;
	v2 =	vor.u32 v23, v2;
	s13 =	sor.u32 $0xC40, s4;
	[tilespmem:s14+$0x12000] =	vst v14;
	v53 =	vld.idx.msk [tilespmem:v47+s19+$0x0], $0xffff  }
0x612: {  	v54 =	vor.u32 v23, v5;
	v1 =	vld.idx.msk [tilespmem:v35+s19+$0x0], $0xffff;
	[tilespmem:s13+$0x12000] =	vst v10  }
0x613: {  	v6 =	vor.u32 v26, v6;
	s15 =	sor.u32 $0xC30, s6;
	[tilespmem:s22+$0x12000] =	vst v55;
	v4 =	vld.idx.msk [tilespmem:v4+s19+$0x0], $0xffff  }
0x614: {  	v3 =	vor.u32 v26, v3;
	s16 =	sor.u32 $0xC30, s5;
	v7 =	vld.idx.msk [tilespmem:v7+s19+$0x0], $0xffff;
	[tilespmem:s15+$0x12000] =	vst v13  }
0x615: {  	s18 =	sor.u32 $0xC30, s1;
	v56 =	vor.u32 v26, v16;
	[tilespmem:s16+$0x12000] =	vst v52;
	v57 =	vld.idx.msk [tilespmem:v12+s19+$0x0], $0xffff  }
0x616: {  	v58 =	vor.u32 v26, v18;
	v2 =	vld.idx.msk [tilespmem:v2+s19+$0x0], $0xffff;
	[tilespmem:s18+$0x12000] =	vst v53  }
0x617: {  	s21 =	sor.u32 $0xC50, s4;
	v59 =	vor.u32 v26, v8;
	[tilespmem:s3+$0x12000] =	vst v1;
	v1 =	vld.idx.msk [tilespmem:v54+s19+$0x0], $0xffff  }
0x618: {  	v0 =	vor.u32 v26, v0;
	s22 =	sor.u32 $0xC40, s2;
	v60 =	vld.idx.msk [tilespmem:v6+s19+$0x0], $0xffff;
	[tilespmem:s21+$0x12000] =	vst v4  }
0x619: {  	s24 =	sor.u32 $0xC40, s6;
	v3 =	vld.idx.msk [tilespmem:v3+s19+$0x0], $0xffff;
	s7 =	sld [smem:$0x7D2];
	[tilespmem:s22+$0x12000] =	vst v7  }
0x61a: {  	s25 =	sor.u32 $0xC40, s5;
	v61 =	vld.idx.msk [tilespmem:v56+s19+$0x0], $0xffff;
	[tilespmem:s24+$0x12000] =	vst v57  }
0x61b: {  	s26 =	sor.u32 $0xC40, s1;
	[tilespmem:s25+$0x12000] =	vst v2;
	v62 =	vld.idx.msk [tilespmem:v58+s19+$0x0], $0xffff  }
0x61c: {  	v63 =	vld.idx.msk [tilespmem:v59+s19+$0x0], $0xffff;
	s23 =	smulhi.u32 $0x66666667, s7;
	[tilespmem:s26+$0x12000] =	vst v1  }
0x61d: {  	[tilespmem:s17+$0x12000] =	vst v60;
	v0 =	vld.idx.msk [tilespmem:v0+s19+$0x0], $0xffff  }
0x61e: {  	s2 =	sor.u32 $0xC50, s2;
	[tilespmem:s12+$0x12000] =	vst v3;
	s4 =	sshrl.u32 s23, $0x2  }
0x61f: {  	s29 =	sor.u32 $0xC50, s6;
	s4 =	smul.u32 $0xA, s4;
	[tilespmem:s2+$0x12000] =	vst v61  }
0x620: {  	s30 =	sor.u32 $0xC50, s5;
	[tilespmem:s29+$0x12000] =	vst v62  }
0x621: {  	s1 =	sor.u32 $0xC50, s1;
	s28 =	ssub.s32 s7, s4;
	s2 =	sld [smem:$0x7D3];
	[tilespmem:s30+$0x12000] =	vst v63  }
0x622: {  	s0 =	smul.u32 $0x6000, s28;
	[tilespmem:s1+$0x12000] =	vst v0  }
.Ltmp5:
0x623: {  	s1 =	sld [smem:$0x7FA];
	(pc) =	sbr.rel @p1 .LBB2_10-.Ltmp5, $4  }
0x624: {  	s0 =	sadd.s32 s0, s2  }
0x625: {  	s0 =	sshrl.u32 s0, $0x3  }
0x626: {  	s31 =	simm.s32 $0x12000;
	s0 =	sadd.s32 s1, s0  }
0x627: {  	[hbm4b:s0+s20] =	stream.linear.scatter [tilespmem:s31], [sflag:$0x4], $0x6000, $0x38;
	[tilespmem:$0x18100] =	vst v63  }
0x628: {  	s0 =	sld [smem:$0x7F8];
	_ =	sdelay $0x2  }
0x629: {  	s0 =	sadd.s32 $0x3, s0  }
0x62a: {  	s8 =	sld [smem:$0x7FD];
	s1 =	smulhi.u32 $0x66666667, s0  }
0x62b: {  	_ = 	snop  }
0x62c: {  	s1 =	sshrl.u32 s1, $0x2  }
0x62d: {  	s2 =	smul.u32 $0xA, s1;
	s1 =	sadd.s32 s8, s1  }
0x62e: {  	s4 =	smulhi.u32 $0x55555556, s1;
	_ =	sdelay $0x1  }
0x62f: {  	s0 =	ssub.s32 s0, s2;
	s14 =	smul.u32 $0x3, s4  }
0x630: {  	s0 =	smul.u32 $0x30, s0  }
0x631: {  	s2 =	ssub.s32 s14, s1  }
0x632: {  	s1 =	sshll.u32 s1, $0x9;
	s0 =	sadd.s32 s0, s2  }
0x633: {  	s0 =	sadd.s32 s1, s0  }
0x634: {  	v22 =	vlaneseq.u32;
	v3 =	vld [tilespmem:$0x1FF80];
	s1 =	sadd.s32 $0x2, s0  }
0x635: {  	v0 =	vadd.s32 s1, v22  }
0x636: {  	v5 =	vld [tilespmem:$0x1FFE0];
	v1 =	vshll.u32 v0, $0x2  }
0x637: {  	v2 =	vand.u32 $0x7, v0;
	v1 =	vand.u32 $0xFFFFFFE0, v1  }
0x638: {  	v4 =	vld [tilespmem:$0x1FF90];
	v1 =	vor.u32 v2, v1  }
0x639: {  	v2 =	vperm.xlane v1, v3;
	_ =	sdelay $0x1  }
0x63a: {  	v2 =	vadd.s32 v5, v2  }
0x63b: {  	s15 =	sadd.s32 $0x12, s0  }
0x63c: {  	s0 =	sadd.s32 $0x22, s0;
	v59 =	vadd.s32 s15, v22;
	[tilespmem:$0x18080] =	vst v0;
	v1 =	vperm.xlane v1, v4  }
0x63d: {  	s16 =	rddreg [dreg:$0x0];
	v60 =	vadd.s32 s0, v22;
	[tilespmem:$0x18090] =	vst v59  }
0x63e: {  	s17 =	sld [smem:$0x7FB];
	[tilespmem:$0x180A0] =	vst v60;
	v61 =	vadd.s32 v5, v1  }
0x63f: {  	[tilespmem:s19], [sflag:$0x2] =	stream.indirect_vreg.gather [hbm4b:s16+s20], $0x80, v2, vm0, $0xb8;
	[tilespmem:$0x18100] =	vst v63  }
0x640: {  	s18 =	simm.s32 $0x6800  }
0x641: {  	[tilespmem:s18], [sflag:$0x2] =	stream.indirect_vreg.gather [hbm4b:s17+s20], $0x80, v2, vm0, $0xb8;
	[tilespmem:$0x18100] =	vst v63  }
0x642: {  	s21 =	simm.s32 $0x7000  }
0x643: {  	[tilespmem:s21], [sflag:$0x2] =	stream.indirect_vreg.gather [hbm4b:s16+s20], $0x80, v61, vm0, $0xb8;
	[tilespmem:$0x18100] =	vst v63  }
0x644: {  	s22 =	simm.s32 $0x7800  }
0x645: {  	[tilespmem:s22], [sflag:$0x2] =	stream.indirect_vreg.gather [hbm4b:s17+s20], $0x80, v61, vm0, $0xb8;
	[tilespmem:$0x18100] =	vst v63  }
0x646: {  	v0 =	vld [tilespmem:$0x18090];
	_ =	sdelay $0x4  }
0x647: {  	v62 =	vshll.u32 v0, $0x2  }
0x648: {  	v0 =	vand.u32 $0x7, v0;
	v1 =	vand.u32 $0xFFFFFFE0, v62  }
0x649: {  	v0 =	vor.u32 v0, v1  }
0x64a: {  	v1 =	vperm.xlane v0, v3;
	_ =	sdelay $0x1  }
0x64b: {  	v1 =	vadd.s32 v5, v1;
	_ =	sdelay $0x1  }
0x64c: {  	v0 =	vperm.xlane v0, v4;
	_ =	sdelay $0x1  }
0x64d: {  	s23 =	simm.s32 $0x8000;
	v0 =	vadd.s32 v5, v0  }
0x64e: {  	[tilespmem:s23], [sflag:$0x2] =	stream.indirect_vreg.gather [hbm4b:s16+s20], $0x80, v1, vm0, $0xb8;
	[tilespmem:$0x18100] =	vst v63  }
0x64f: {  	s24 =	simm.s32 $0x8800  }
0x650: {  	[tilespmem:s24], [sflag:$0x2] =	stream.indirect_vreg.gather [hbm4b:s17+s20], $0x80, v1, vm0, $0xb8;
	[tilespmem:$0x18100] =	vst v63  }
0x651: {  	s25 =	simm.s32 $0x9000  }
0x652: {  	[tilespmem:s25], [sflag:$0x2] =	stream.indirect_vreg.gather [hbm4b:s16+s20], $0x80, v0, vm0, $0xb8;
	[tilespmem:$0x18100] =	vst v63  }
0x653: {  	s26 =	simm.s32 $0x9800  }
0x654: {  	[tilespmem:s26], [sflag:$0x2] =	stream.indirect_vreg.gather [hbm4b:s17+s20], $0x80, v0, vm0, $0xb8;
	[tilespmem:$0x18100] =	vst v63  }
0x655: {  	v0 =	vld [tilespmem:$0x180A0];
	_ =	sdelay $0x4  }
0x656: {  	v63 =	vshll.u32 v0, $0x2  }
0x657: {  	v0 =	vand.u32 $0x7, v0;
	v1 =	vand.u32 $0xFFFFFFE0, v63  }
0x658: {  	v0 =	vor.u32 v0, v1  }
0x659: {  	v1 =	vperm.xlane v0, v3;
	_ =	sdelay $0x1  }
0x65a: {  	v1 =	vadd.s32 v5, v1;
	_ =	sdelay $0x2  }
0x65b: {  	v0 =	vperm.xlane v0, v4  }
0x65c: {  	s28 =	simm.s32 $0xA000  }
0x65d: {  	v0 =	vadd.s32 v5, v0;
	[tilespmem:s28], [sflag:$0x2] =	stream.indirect_vreg.gather [hbm4b:s16+s20], $0x80, v1, vm0, $0xb8;
	[tilespmem:$0x18100] =	vst v63  }
0x65e: {  	s29 =	simm.s32 $0xA800  }
0x65f: {  	[tilespmem:s29], [sflag:$0x2] =	stream.indirect_vreg.gather [hbm4b:s17+s20], $0x80, v1, vm0, $0xb8;
	[tilespmem:$0x18100] =	vst v63  }
.Ltmp6:
0x660: {  	s14 =	sld [smem:$0x7F7];
	(pc) =	sbr.rel .LBB2_2-.Ltmp6, $4  }
0x661: {  	s30 =	simm.s32 $0xB000  }
0x662: {  	[tilespmem:s30], [sflag:$0x2] =	stream.indirect_vreg.gather [hbm4b:s16+s20], $0x80, v0, vm0, $0xb8;
	[tilespmem:$0x18100] =	vst v63  }
0x663: {  	s31 =	simm.s32 $0xB800;
	s14 =	sadd.s32 $0x1, s14  }
0x664: {  	[tilespmem:s31], [sflag:$0x2] =	stream.indirect_vreg.gather [hbm4b:s17+s20], $0x80, v0, vm0, $0xb8;
	[tilespmem:$0x18100] =	vst v63  }
.LBB2_11:
0x665: {  	_ =	sfence.sel $0x180000  }
0x666: {  	[bflag:$0x0] =	sbarrier.arrive $0xFFFF  }
0x667: {  	_ =	strace $0x90000047  }
0x668: {  	s0 =	stileid.u32;
	[bflag:$0x2] =	sbarrier.arrive $0xFFFF  }
0x669: {  	p0 =	sne.s32 s0, $0x0;
	s0 =	rddreg [dreg:$0x2]  }
0x66a: {  	s0 =	sadd.s32 @!p0 $0x100000, s0  }
0x66b: {  	[sflag:s0] =	ssyncadd.tile.s32 @!p0 $0x1;
	_ =	shalt  }
.Lfunc_end2:
_tile_overlayer_lowered:
.L_overlay_start_2:
0x66c: {  	(tag) =	ssettag $0x2  }
0x66d: {  	s0 =	rddreg [dreg:$0x0];
	s2 =	stileid.u32  }
0x66e: {  	s1 =	rddreg [dreg:$0x1];
	p0 =	sne.s32 s2, $0x0  }
0x66f: {  	s3 =	rddreg [dreg:$0x2];
	[bflag:$0x3] =	sbarrier.arrive $0xFFFF;
	s2 =	simm.s32 @!p0 $0x1C05  }
0x670: {  	[timem:s3], [sflag:s2] =	dma.local @!p0 [hbm:s0], s1  }
0x671: {  	s0 =	simm.s32 @!p0 $0x5  }
0x672: {  	_ =	swait.ge @!p0 [sflag:s0], s1  }
0x673: {  	s1 =	ssub.s32 @!p0 $0x0, s1;
	[sflag:s0] =	ssyncset.done @!p0 $0x0  }
0x674: {  	[sflag:s0] =	ssyncadd.s32 @!p0 s1  }
0x675: {  	[bflag:$0x3] =	sbarrier.arrive $0xFFFF  }
0x676: {  	_ =	shalt  }

</sc_bundles>
